<compile_context>
chip_gen: v7x
topology: tpu7x:2x2x1
jax: 0.10.2.dev20260603
libtpu: 0.0.44.dev20260713+nightly
codegen_flags: <defaults>
</compile_context>

<pallas_src>
import functools

import jax
import jax.numpy as jnp
from jax import lax
from jax.experimental import pallas as pl
from jax.experimental.pallas import tpu as pltpu
from jax.experimental.pallas import tpu_sc as plsc

B = 4096
L = 50
WDIM = 128
HDIM = 128
NCANDS = 20
NROWS = B * NCANDS

_NC = 2
_NS = 16
_NW = _NC * _NS
_ROWS_PER_W = NROWS // _NW
_GCHUNK = 128
_NCHUNK = _ROWS_PER_W // _GCHUNK

_CB = 128
_NBUF = 3
_NSTEPS = B // _CB
_DOT_BB = 256
_NSUB = 4
_SUB = _CB // _NSUB


def _encoder_body(l_hbm, r_hbm, ll_ref, rl_ref, wl_ref, wr_ref, b_ref,
                  out_ref, lbuf, rbuf, *sems):
    lsems, rsems = sems[:_NSUB], sems[_NSUB:]

    def start(g, slot):
        for s in range(_NSUB):
            pltpu.make_async_copy(
                l_hbm.at[:, pl.ds(g * _CB + s * _SUB, _SUB), :],
                lbuf.at[slot, :, pl.ds(s * _SUB, _SUB), :],
                lsems[s].at[slot]).start()
            pltpu.make_async_copy(
                r_hbm.at[:, pl.ds(g * _CB + s * _SUB, _SUB), :],
                rbuf.at[slot, :, pl.ds(s * _SUB, _SUB), :],
                rsems[s].at[slot]).start()

    def wait(slot):
        for s in range(_NSUB):
            pltpu.make_async_copy(
                l_hbm.at[:, pl.ds(s * _SUB, _SUB), :],
                lbuf.at[slot, :, pl.ds(s * _SUB, _SUB), :],
                lsems[s].at[slot]).wait()
            pltpu.make_async_copy(
                r_hbm.at[:, pl.ds(s * _SUB, _SUB), :],
                rbuf.at[slot, :, pl.ds(s * _SUB, _SUB), :],
                rsems[s].at[slot]).wait()

    for j in range(_NBUF):
        start(j, j)

    def step(g, k):
        wait(k)
        ll = ll_ref[pl.ds(g * _CB, _CB), :]
        rl = rl_ref[pl.ds(g * _CB, _CB), :]
        pos = lax.broadcasted_iota(jnp.int32, (L, 1, 1), 0)
        lmask = (pos < ll[None, :, :]).astype(jnp.float32)
        rmask = (pos < rl[None, :, :]).astype(jnp.float32)
        lsum = jnp.sum(lbuf[k] * lmask, axis=0)
        rsum = jnp.sum(rbuf[k] * rmask, axis=0)
        lvec = lsum / jnp.maximum(ll, 1).astype(jnp.float32)
        rvec = rsum / jnp.maximum(rl, 1).astype(jnp.float32)
        acc = (jnp.dot(lvec, wl_ref[...], preferred_element_type=jnp.float32)
               + jnp.dot(rvec, wr_ref[...], preferred_element_type=jnp.float32)
               + b_ref[...])
        out_ref[pl.ds(g * _CB, _CB), :] = jnp.tanh(acc)

        @pl.when(g + _NBUF < _NSTEPS)
        def _():
            start(g + _NBUF, k)

    def outer(i, carry):
        for k in range(_NBUF):
            step(i * _NBUF + k, k)
        return carry

    lax.fori_loop(0, _NSTEPS // _NBUF, outer, 0)
    for k in range(_NSTEPS - _NSTEPS // _NBUF * _NBUF):
        step(_NSTEPS // _NBUF * _NBUF + k, k)


_DOT_NBUF = 4
_DOT_NSUB = 4
_DOT_SUB = _DOT_BB // _DOT_NSUB
_DOT_NSTEPS = B // _DOT_BB


def _dot_body(cxt_ref, emb_hbm, out_ref, ebuf, *sems):
    def start(g, slot):
        for s in range(_DOT_NSUB):
            pltpu.make_async_copy(
                emb_hbm.at[:, pl.ds(g * _DOT_BB + s * _DOT_SUB, _DOT_SUB), :],
                ebuf.at[slot, :, pl.ds(s * _DOT_SUB, _DOT_SUB), :],
                sems[s].at[slot]).start()

    def wait(slot):
        for s in range(_DOT_NSUB):
            pltpu.make_async_copy(
                emb_hbm.at[:, pl.ds(s * _DOT_SUB, _DOT_SUB), :],
                ebuf.at[slot, :, pl.ds(s * _DOT_SUB, _DOT_SUB), :],
                sems[s].at[slot]).wait()

    for j in range(_DOT_NBUF):
        start(j, j)

    def step(g, k):
        wait(k)
        cxt = cxt_ref[pl.ds(g * _DOT_BB, _DOT_BB), :]
        out_ref[:, pl.ds(g * _DOT_BB, _DOT_BB)] = jnp.sum(
            ebuf[k] * cxt[None, :, :], axis=2)

        @pl.when(g + _DOT_NBUF < _DOT_NSTEPS)
        def _():
            start(g + _DOT_NBUF, k)

    def outer(i, carry):
        for k in range(_DOT_NBUF):
            step(i * _DOT_NBUF + k, k)
        return carry

    lax.fori_loop(0, _DOT_NSTEPS // _DOT_NBUF, outer, 0)
    for k in range(_DOT_NSTEPS - _DOT_NSTEPS // _DOT_NBUF * _DOT_NBUF):
        step(_DOT_NSTEPS // _DOT_NBUF * _DOT_NBUF + k, k)


def _sc_gather_body(table_hbm, idx_hbm, out_hbm, idx_v, rows_v, sem0, sem1):
    wid = lax.axis_index("s") * _NC + lax.axis_index("c")
    base = wid * _ROWS_PER_W
    pltpu.sync_copy(idx_hbm.at[wid], idx_v)
    sems = [sem0, sem1]
    prev = pltpu.async_copy(table_hbm.at[idx_v.at[0]], rows_v.at[0], sems[0])
    for j in range(1, _NCHUNK):
        cur = pltpu.async_copy(table_hbm.at[idx_v.at[j]], rows_v.at[j % 2],
                               sems[j % 2])
        prev.wait()
        pltpu.sync_copy(rows_v.at[(j - 1) % 2],
                        out_hbm.at[pl.ds(base + (j - 1) * _GCHUNK, _GCHUNK)])
        prev = cur
    prev.wait()
    pltpu.sync_copy(rows_v.at[(_NCHUNK - 1) % 2],
                    out_hbm.at[pl.ds(base + (_NCHUNK - 1) * _GCHUNK, _GCHUNK)])


@functools.cache
def _sc_gather():
    return pl.kernel(
        _sc_gather_body,
        out_type=jax.ShapeDtypeStruct((NROWS, HDIM), jnp.float32),
        mesh=plsc.VectorSubcoreMesh(core_axis_name="c", subcore_axis_name="s",
                                    num_cores=_NC, num_subcores=_NS),
        scratch_types=[
            pltpu.VMEM((_NCHUNK, _GCHUNK), jnp.int32),
            pltpu.VMEM((2, _GCHUNK, HDIM), jnp.float32),
            pltpu.SemaphoreType.DMA,
            pltpu.SemaphoreType.DMA,
        ],
    )


def kernel(l_batch, l_lengths, r_batch, r_lengths, wids_batch, entity_table,
           W_l, W_r, b):
    ll = l_lengths.reshape(B, 1).astype(jnp.int32)
    rl = r_lengths.reshape(B, 1).astype(jnp.int32)

    cxt = pl.pallas_call(
        _encoder_body,
        grid=(),
        in_specs=[
            pl.BlockSpec(memory_space=pl.ANY),
            pl.BlockSpec(memory_space=pl.ANY),
            pl.BlockSpec((B, 1), lambda: (0, 0)),
            pl.BlockSpec((B, 1), lambda: (0, 0)),
            pl.BlockSpec((WDIM, HDIM), lambda: (0, 0)),
            pl.BlockSpec((WDIM, HDIM), lambda: (0, 0)),
            pl.BlockSpec((1, HDIM), lambda: (0, 0)),
        ],
        out_specs=pl.BlockSpec((B, HDIM), lambda: (0, 0)),
        out_shape=jax.ShapeDtypeStruct((B, HDIM), jnp.float32),
        scratch_shapes=[
            pltpu.VMEM((_NBUF, L, _CB, WDIM), jnp.float32),
            pltpu.VMEM((_NBUF, L, _CB, WDIM), jnp.float32),
        ] + [pltpu.SemaphoreType.DMA((_NBUF,)) for _ in range(2 * _NSUB)],
    )(jnp.transpose(l_batch, (1, 0, 2)), jnp.transpose(r_batch, (1, 0, 2)),
      ll, rl, W_l, W_r, b.reshape(1, HDIM))

    widx = (wids_batch.astype(jnp.int32).T
            .reshape(_NW, _NCHUNK, _GCHUNK))
    emb_flat = _sc_gather()(entity_table, widx)
    emb_t = emb_flat.reshape(NCANDS, B, HDIM)

    out_t = pl.pallas_call(
        _dot_body,
        grid=(),
        in_specs=[
            pl.BlockSpec((B, HDIM), lambda: (0, 0)),
            pl.BlockSpec(memory_space=pl.ANY),
        ],
        out_specs=pl.BlockSpec((NCANDS, B), lambda: (0, 0)),
        out_shape=jax.ShapeDtypeStruct((NCANDS, B), jnp.float32),
        scratch_shapes=[
            pltpu.VMEM((_DOT_NBUF, NCANDS, _DOT_BB, HDIM), jnp.float32),
        ] + [pltpu.SemaphoreType.DMA((_DOT_NBUF,)) for _ in range(_DOT_NSUB)],
    )(cxt, emb_t)
    return out_t.T

# --- scband reference (transcript-rebuilt; emitter-appended) ---
"""Pipeline reference for scband-my-model-68272800137553 (READ-ONLY COPY).

The authoritative reference and input builder live on the scoring server;
editing this copy changes nothing except your own understanding.
"""

import jax, jax.numpy as jnp
import numpy as np

B = 4096
L = 50
WDIM = 128
HDIM = 128
NCANDS = 20
NENT = 1000000


def _xavier(key, shape):
    fan_in, fan_out = shape[0], shape[1]
    std = (2.0 / (fan_in + fan_out)) ** 0.5
    return jax.random.normal(key, shape, dtype=jnp.float32) * std


def setup_inputs(seed: int = 0) -> dict:
    key = jax.random.key(seed)
    ks = jax.random.split(key, 9)
    l_batch = jax.random.normal(ks[0], (B, L, WDIM), dtype=jnp.float32)
    r_batch = jax.random.normal(ks[1], (B, L, WDIM), dtype=jnp.float32)
    l_lengths = jax.random.randint(ks[2], (B,), 1, L + 1)
    r_lengths = jax.random.randint(ks[3], (B,), 1, L + 1)
    wids_batch = jax.random.randint(ks[4], (B, NCANDS), 0, NENT)
    entity_table = _xavier(ks[5], (NENT, HDIM))
    W_l = _xavier(ks[6], (WDIM, HDIM))
    W_r = _xavier(ks[7], (WDIM, HDIM))
    b = jnp.zeros((HDIM,), dtype=jnp.float32)
    return {
        'l_batch': l_batch, 'l_lengths': l_lengths,
        'r_batch': r_batch, 'r_lengths': r_lengths,
        'wids_batch': wids_batch,
        'entity_table': entity_table, 'W_l': W_l, 'W_r': W_r, 'b': b,
    }


def _masked_mean(x, lengths):
    Lx = x.shape[1]
    mask = (jnp.arange(Lx)[None, :] < lengths[:, None]).astype(x.dtype)
    s = (x * mask[:, :, None]).sum(axis=1)
    denom = jnp.maximum(lengths, 1).astype(x.dtype)[:, None]
    return s / denom


def reference(l_batch, l_lengths, r_batch, r_lengths, wids_batch, entity_table, W_l, W_r, b):
    # Context encoder: masked mean over left/right windows + linear + tanh
    l_vec = _masked_mean(l_batch, l_lengths)
    r_vec = _masked_mean(r_batch, r_lengths)
    cxt_vec = jnp.tanh(l_vec @ W_l + r_vec @ W_r + b)  # [B, HDIM]
    # Entity embedding lookup (the core SparseCore gather)
    all_entemb = jnp.take(entity_table, wids_batch, axis=0)  # [B, NCANDS, HDIM]
    # cxt_logits = <cxt_vec, entemb> per candidate
    cxt_logits = (cxt_vec[:, None, :] * all_entemb).sum(axis=2)  # [B, NCANDS]
    return cxt_logits

if __name__ == "__main__":
    import jax
    _d = setup_inputs()
    print(jax.jit(kernel)(*tuple(_d.values())))

</pallas_src>

<mosaic_0001>
#map = affine_map<(d0, d1) -> (0, 0)>
#map1 = affine_map<(d0, d1) -> (0, 0, 0)>
module attributes {stable_mosaic.version = 14 : i64} {
  func.func @_sc_gather_body(%arg0: i32, %arg1: i32, %arg2: memref<1000000x128xf32, #tpu.memory_space<hbm>>, %arg3: memref<32x20x128xi32, #tpu.memory_space<hbm>>, %arg4: memref<81920x128xf32, #tpu.memory_space<hbm>>, %arg5: memref<20x128xi32, #tpu.memory_space<vmem>>, %arg6: memref<2x128x128xf32, #tpu.memory_space<vmem>>, %arg7: memref<!tpu.dma_semaphore, #tpu.memory_space<semaphore_mem>>, %arg8: memref<!tpu.dma_semaphore, #tpu.memory_space<semaphore_mem>>) attributes {dimension_semantics = [#tpu.dimension_semantics<core_parallel>, #tpu.dimension_semantics<subcore_parallel>], iteration_bounds = array<i64: 2, 16>, scalar_prefetch = 0 : i64, scratch_operands = 4 : i64, tpu.core_type = #tpu.core_type<sc_vector_subcore>, window_params = [{transform_indices = #map}, {transform_indices = #map1}, {transform_indices = #map}]} {
    %mul3A = arith.constant 2 : i32
    %mul3A_0 = arith.muli %arg1, %mul3A : i32
    %add3A = arith.addi %mul3A_0, %arg0 : i32
    %mul3A_1 = arith.constant 2560 : i32
    %mul3A_2 = arith.muli %add3A, %mul3A_1 : i32
    "tpu.region"() ({
      %run_scoped3A_540 = tpu.sem_alloc : memref<!tpu.dma_semaphore, #tpu.memory_space<semaphore_mem>>
      %dma_start3A_541 = arith.constant 0 : i32
      %dma_start3A_542 = arith.constant 0 : i32
      %dma_start3A_543 = tpu.memref_slice %arg3[%add3A, %dma_start3A_541, %dma_start3A_542] : memref<32x20x128xi32, #tpu.memory_space<hbm>> -> memref<1x20x128xi32, #tpu.memory_space<hbm>>
      %dma_start3A_544 = tpu.memref_squeeze %dma_start3A_543 : memref<1x20x128xi32, #tpu.memory_space<hbm>> -> memref<20x128xi32, #tpu.memory_space<hbm>>
      %dma_start3A_545 = arith.constant 0 : i32
      %dma_start3A_546 = arith.constant 0 : i32
      %dma_start3A_547 = tpu.memref_slice %arg3[%add3A, %dma_start3A_545, %dma_start3A_546] : memref<32x20x128xi32, #tpu.memory_space<hbm>> -> memref<1x20x128xi32, #tpu.memory_space<hbm>>
      %dma_start3A_548 = tpu.memref_squeeze %dma_start3A_547 : memref<1x20x128xi32, #tpu.memory_space<hbm>> -> memref<20x128xi32, #tpu.memory_space<hbm>>
      tpu.enqueue_dma source(%dma_start3A_548 : memref<20x128xi32, #tpu.memory_space<hbm>>) target(%arg5 : memref<20x128xi32, #tpu.memory_space<vmem>>) target_semaphore(%run_scoped3A_540 : memref<!tpu.dma_semaphore, #tpu.memory_space<semaphore_mem>>)
      %dma_wait3A_549 = arith.constant 0 : i32
      %dma_wait3A_550 = arith.constant 0 : i32
      %dma_wait3A_551 = tpu.memref_slice %arg3[%add3A, %dma_wait3A_549, %dma_wait3A_550] : memref<32x20x128xi32, #tpu.memory_space<hbm>> -> memref<1x20x128xi32, #tpu.memory_space<hbm>>
      %dma_wait3A_552 = tpu.memref_squeeze %dma_wait3A_551 : memref<1x20x128xi32, #tpu.memory_space<hbm>> -> memref<20x128xi32, #tpu.memory_space<hbm>>
      %dma_wait3A_553 = arith.constant 0 : i32
      %dma_wait3A_554 = arith.constant 0 : i32
      %dma_wait3A_555 = tpu.memref_slice %arg3[%add3A, %dma_wait3A_553, %dma_wait3A_554] : memref<32x20x128xi32, #tpu.memory_space<hbm>> -> memref<1x20x128xi32, #tpu.memory_space<hbm>>
      %dma_wait3A_556 = tpu.memref_squeeze %dma_wait3A_555 : memref<1x20x128xi32, #tpu.memory_space<hbm>> -> memref<20x128xi32, #tpu.memory_space<hbm>>
      tpu.wait_dma2 semaphore(%run_scoped3A_540 : memref<!tpu.dma_semaphore, #tpu.memory_space<semaphore_mem>>) src(%dma_wait3A_556 : memref<20x128xi32, #tpu.memory_space<hbm>>) dst(%arg5 : memref<20x128xi32, #tpu.memory_space<vmem>>)
      tpu.yield
    }) : () -> ()
    %dma_start3A = arith.constant 0 : i32
    %dma_start3A_3 = arith.constant 0 : i32
    %dma_start3A_4 = arith.constant 0 : i32
    %dma_start3A_5 = arith.constant 0 : i32
    %dma_start3A_6 = tpu.memref_slice %arg6[%dma_start3A_3, %dma_start3A_4, %dma_start3A_5] : memref<2x128x128xf32, #tpu.memory_space<vmem>> -> memref<1x128x128xf32, #tpu.memory_space<vmem>>
    %dma_start3A_7 = tpu.memref_squeeze %dma_start3A_6 : memref<1x128x128xf32, #tpu.memory_space<vmem>> -> memref<128x128xf32, #tpu.memory_space<vmem>>
    %dma_start3A_8 = arith.constant 0 : i32
    %dma_start3A_9 = tpu.memref_slice %arg5[%dma_start3A, %dma_start3A_8] : memref<20x128xi32, #tpu.memory_space<vmem>> -> memref<1x128xi32, #tpu.memory_space<vmem>>
    %dma_start3A_10 = tpu.memref_squeeze %dma_start3A_9 : memref<1x128xi32, #tpu.memory_space<vmem>> -> memref<128xi32, #tpu.memory_space<vmem>>
    %dma_start3A_11 = arith.constant 0 : i32
    %dma_start3A_12 = arith.constant 0 : i32
    %dma_start3A_13 = tpu.memref_slice %arg2[%dma_start3A_11, %dma_start3A_12] : memref<1000000x128xf32, #tpu.memory_space<hbm>> -> memref<1000000x128xf32, #tpu.memory_space<hbm>>
    tpu.enqueue_indirect_dma source(%dma_start3A_13 : memref<1000000x128xf32, #tpu.memory_space<hbm>>) target(%dma_start3A_7 : memref<128x128xf32, #tpu.memory_space<vmem>>) offsets(%dma_start3A_10 : memref<128xi32, #tpu.memory_space<vmem>>) semaphore(%arg7 : memref<!tpu.dma_semaphore, #tpu.memory_space<semaphore_mem>>)
    %dma_start3A_14 = arith.constant 1 : i32
    %dma_start3A_15 = arith.constant 1 : i32
    %dma_start3A_16 = arith.constant 0 : i32
    %dma_start3A_17 = arith.constant 0 : i32
    %dma_start3A_18 = tpu.memref_slice %arg6[%dma_start3A_15, %dma_start3A_16, %dma_start3A_17] : memref<2x128x128xf32, #tpu.memory_space<vmem>> -> memref<1x128x128xf32, #tpu.memory_space<vmem>>
    %dma_start3A_19 = tpu.memref_squeeze %dma_start3A_18 : memref<1x128x128xf32, #tpu.memory_space<vmem>> -> memref<128x128xf32, #tpu.memory_space<vmem>>
    %dma_start3A_20 = arith.constant 0 : i32
    %dma_start3A_21 = tpu.memref_slice %arg5[%dma_start3A_14, %dma_start3A_20] : memref<20x128xi32, #tpu.memory_space<vmem>> -> memref<1x128xi32, #tpu.memory_space<vmem>>
    %dma_start3A_22 = tpu.memref_squeeze %dma_start3A_21 : memref<1x128xi32, #tpu.memory_space<vmem>> -> memref<128xi32, #tpu.memory_space<vmem>>
    %dma_start3A_23 = arith.constant 0 : i32
    %dma_start3A_24 = arith.constant 0 : i32
    %dma_start3A_25 = tpu.memref_slice %arg2[%dma_start3A_23, %dma_start3A_24] : memref<1000000x128xf32, #tpu.memory_space<hbm>> -> memref<1000000x128xf32, #tpu.memory_space<hbm>>
    tpu.enqueue_indirect_dma source(%dma_start3A_25 : memref<1000000x128xf32, #tpu.memory_space<hbm>>) target(%dma_start3A_19 : memref<128x128xf32, #tpu.memory_space<vmem>>) offsets(%dma_start3A_22 : memref<128xi32, #tpu.memory_space<vmem>>) semaphore(%arg8 : memref<!tpu.dma_semaphore, #tpu.memory_space<semaphore_mem>>)
    %dma_wait3A = arith.constant 0 : i32
    %dma_wait3A_26 = arith.constant 0 : i32
    %dma_wait3A_27 = arith.constant 0 : i32
    %dma_wait3A_28 = arith.constant 0 : i32
    %dma_wait3A_29 = tpu.memref_slice %arg6[%dma_wait3A_26, %dma_wait3A_27, %dma_wait3A_28] : memref<2x128x128xf32, #tpu.memory_space<vmem>> -> memref<1x128x128xf32, #tpu.memory_space<vmem>>
    %dma_wait3A_30 = tpu.memref_squeeze %dma_wait3A_29 : memref<1x128x128xf32, #tpu.memory_space<vmem>> -> memref<128x128xf32, #tpu.memory_space<vmem>>
    %dma_wait3A_31 = arith.constant 0 : i32
    %dma_wait3A_32 = tpu.memref_slice %arg5[%dma_wait3A, %dma_wait3A_31] : memref<20x128xi32, #tpu.memory_space<vmem>> -> memref<1x128xi32, #tpu.memory_space<vmem>>
    %dma_wait3A_33 = tpu.memref_squeeze %dma_wait3A_32 : memref<1x128xi32, #tpu.memory_space<vmem>> -> memref<128xi32, #tpu.memory_space<vmem>>
    %dma_wait3A_34 = arith.constant 0 : i32
    %dma_wait3A_35 = arith.constant 0 : i32
    %dma_wait3A_36 = tpu.memref_slice %arg2[%dma_wait3A_34, %dma_wait3A_35] : memref<1000000x128xf32, #tpu.memory_space<hbm>> -> memref<1000000x128xf32, #tpu.memory_space<hbm>>
    tpu.wait_indirect_dma semaphore(%arg7 : memref<!tpu.dma_semaphore, #tpu.memory_space<semaphore_mem>>) src(%dma_wait3A_36 : memref<1000000x128xf32, #tpu.memory_space<hbm>>) dst(%dma_wait3A_30 : memref<128x128xf32, #tpu.memory_space<vmem>>)
    %add3A_37 = arith.constant 0 : i32
    %add3A_38 = arith.addi %mul3A_2, %add3A_37 : i32
    %run_scoped3A = arith.constant 0 : i32
    "tpu.region"() ({
      %run_scoped3A_540 = tpu.sem_alloc : memref<!tpu.dma_semaphore, #tpu.memory_space<semaphore_mem>>
      %dma_start3A_541 = arith.constant 0 : i32
      %dma_start3A_542 = arith.constant 0 : i32
      %dma_start3A_543 = tpu.memref_slice %arg6[%run_scoped3A, %dma_start3A_541, %dma_start3A_542] : memref<2x128x128xf32, #tpu.memory_space<vmem>> -> memref<1x128x128xf32, #tpu.memory_space<vmem>>
      %dma_start3A_544 = tpu.memref_squeeze %dma_start3A_543 : memref<1x128x128xf32, #tpu.memory_space<vmem>> -> memref<128x128xf32, #tpu.memory_space<vmem>>
      %dma_start3A_545 = arith.constant 0 : i32
      %dma_start3A_546 = tpu.memref_slice %arg4[%add3A_38, %dma_start3A_545] : memref<81920x128xf32, #tpu.memory_space<hbm>> -> memref<128x128xf32, #tpu.memory_space<hbm>>
      %dma_start3A_547 = arith.constant 0 : i32
      %dma_start3A_548 = tpu.memref_slice %arg4[%add3A_38, %dma_start3A_547] : memref<81920x128xf32, #tpu.memory_space<hbm>> -> memref<128x128xf32, #tpu.memory_space<hbm>>
      %dma_start3A_549 = arith.constant 0 : i32
      %dma_start3A_550 = arith.constant 0 : i32
      %dma_start3A_551 = tpu.memref_slice %arg6[%run_scoped3A, %dma_start3A_549, %dma_start3A_550] : memref<2x128x128xf32, #tpu.memory_space<vmem>> -> memref<1x128x128xf32, #tpu.memory_space<vmem>>
      %dma_start3A_552 = tpu.memref_squeeze %dma_start3A_551 : memref<1x128x128xf32, #tpu.memory_space<vmem>> -> memref<128x128xf32, #tpu.memory_space<vmem>>
      tpu.enqueue_dma source(%dma_start3A_552 : memref<128x128xf32, #tpu.memory_space<vmem>>) target(%dma_start3A_548 : memref<128x128xf32, #tpu.memory_space<hbm>>) target_semaphore(%run_scoped3A_540 : memref<!tpu.dma_semaphore, #tpu.memory_space<semaphore_mem>>)
      %dma_wait3A_553 = arith.constant 0 : i32
      %dma_wait3A_554 = arith.constant 0 : i32
      %dma_wait3A_555 = tpu.memref_slice %arg6[%run_scoped3A, %dma_wait3A_553, %dma_wait3A_554] : memref<2x128x128xf32, #tpu.memory_space<vmem>> -> memref<1x128x128xf32, #tpu.memory_space<vmem>>
      %dma_wait3A_556 = tpu.memref_squeeze %dma_wait3A_555 : memref<1x128x128xf32, #tpu.memory_space<vmem>> -> memref<128x128xf32, #tpu.memory_space<vmem>>
      %dma_wait3A_557 = arith.constant 0 : i32
      %dma_wait3A_558 = tpu.memref_slice %arg4[%add3A_38, %dma_wait3A_557] : memref<81920x128xf32, #tpu.memory_space<hbm>> -> memref<128x128xf32, #tpu.memory_space<hbm>>
      %dma_wait3A_559 = arith.constant 0 : i32
      %dma_wait3A_560 = tpu.memref_slice %arg4[%add3A_38, %dma_wait3A_559] : memref<81920x128xf32, #tpu.memory_space<hbm>> -> memref<128x128xf32, #tpu.memory_space<hbm>>
      %dma_wait3A_561 = arith.constant 0 : i32
      %dma_wait3A_562 = arith.constant 0 : i32
      %dma_wait3A_563 = tpu.memref_slice %arg6[%run_scoped3A, %dma_wait3A_561, %dma_wait3A_562] : memref<2x128x128xf32, #tpu.memory_space<vmem>> -> memref<1x128x128xf32, #tpu.memory_space<vmem>>
      %dma_wait3A_564 = tpu.memref_squeeze %dma_wait3A_563 : memref<1x128x128xf32, #tpu.memory_space<vmem>> -> memref<128x128xf32, #tpu.memory_space<vmem>>
      tpu.wait_dma2 semaphore(%run_scoped3A_540 : memref<!tpu.dma_semaphore, #tpu.memory_space<semaphore_mem>>) src(%dma_wait3A_564 : memref<128x128xf32, #tpu.memory_space<vmem>>) dst(%dma_wait3A_560 : memref<128x128xf32, #tpu.memory_space<hbm>>)
      tpu.yield
    }) : () -> ()
    %dma_start3A_39 = arith.constant 2 : i32
    %dma_start3A_40 = arith.constant 0 : i32
    %dma_start3A_41 = arith.constant 0 : i32
    %dma_start3A_42 = arith.constant 0 : i32
    %dma_start3A_43 = tpu.memref_slice %arg6[%dma_start3A_40, %dma_start3A_41, %dma_start3A_42] : memref<2x128x128xf32, #tpu.memory_space<vmem>> -> memref<1x128x128xf32, #tpu.memory_space<vmem>>
    %dma_start3A_44 = tpu.memref_squeeze %dma_start3A_43 : memref<1x128x128xf32, #tpu.memory_space<vmem>> -> memref<128x128xf32, #tpu.memory_space<vmem>>
    %dma_start3A_45 = arith.constant 0 : i32
    %dma_start3A_46 = tpu.memref_slice %arg5[%dma_start3A_39, %dma_start3A_45] : memref<20x128xi32, #tpu.memory_space<vmem>> -> memref<1x128xi32, #tpu.memory_space<vmem>>
    %dma_start3A_47 = tpu.memref_squeeze %dma_start3A_46 : memref<1x128xi32, #tpu.memory_space<vmem>> -> memref<128xi32, #tpu.memory_space<vmem>>
    %dma_start3A_48 = arith.constant 0 : i32
    %dma_start3A_49 = arith.constant 0 : i32
    %dma_start3A_50 = tpu.memref_slice %arg2[%dma_start3A_48, %dma_start3A_49] : memref<1000000x128xf32, #tpu.memory_space<hbm>> -> memref<1000000x128xf32, #tpu.memory_space<hbm>>
    tpu.enqueue_indirect_dma source(%dma_start3A_50 : memref<1000000x128xf32, #tpu.memory_space<hbm>>) target(%dma_start3A_44 : memref<128x128xf32, #tpu.memory_space<vmem>>) offsets(%dma_start3A_47 : memref<128xi32, #tpu.memory_space<vmem>>) semaphore(%arg7 : memref<!tpu.dma_semaphore, #tpu.memory_space<semaphore_mem>>)
    %dma_wait3A_51 = arith.constant 1 : i32
    %dma_wait3A_52 = arith.constant 1 : i32
    %dma_wait3A_53 = arith.constant 0 : i32
    %dma_wait3A_54 = arith.constant 0 : i32
    %dma_wait3A_55 = tpu.memref_slice %arg6[%dma_wait3A_52, %dma_wait3A_53, %dma_wait3A_54] : memref<2x128x128xf32, #tpu.memory_space<vmem>> -> memref<1x128x128xf32, #tpu.memory_space<vmem>>
    %dma_wait3A_56 = tpu.memref_squeeze %dma_wait3A_55 : memref<1x128x128xf32, #tpu.memory_space<vmem>> -> memref<128x128xf32, #tpu.memory_space<vmem>>
    %dma_wait3A_57 = arith.constant 0 : i32
    %dma_wait3A_58 = tpu.memref_slice %arg5[%dma_wait3A_51, %dma_wait3A_57] : memref<20x128xi32, #tpu.memory_space<vmem>> -> memref<1x128xi32, #tpu.memory_space<vmem>>
    %dma_wait3A_59 = tpu.memref_squeeze %dma_wait3A_58 : memref<1x128xi32, #tpu.memory_space<vmem>> -> memref<128xi32, #tpu.memory_space<vmem>>
    %dma_wait3A_60 = arith.constant 0 : i32
    %dma_wait3A_61 = arith.constant 0 : i32
    %dma_wait3A_62 = tpu.memref_slice %arg2[%dma_wait3A_60, %dma_wait3A_61] : memref<1000000x128xf32, #tpu.memory_space<hbm>> -> memref<1000000x128xf32, #tpu.memory_space<hbm>>
    tpu.wait_indirect_dma semaphore(%arg8 : memref<!tpu.dma_semaphore, #tpu.memory_space<semaphore_mem>>) src(%dma_wait3A_62 : memref<1000000x128xf32, #tpu.memory_space<hbm>>) dst(%dma_wait3A_56 : memref<128x128xf32, #tpu.memory_space<vmem>>)
    %add3A_63 = arith.constant 128 : i32
    %add3A_64 = arith.addi %mul3A_2, %add3A_63 : i32
    %run_scoped3A_65 = arith.constant 1 : i32
    "tpu.region"() ({
      %run_scoped3A_540 = tpu.sem_alloc : memref<!tpu.dma_semaphore, #tpu.memory_space<semaphore_mem>>
      %dma_start3A_541 = arith.constant 0 : i32
      %dma_start3A_542 = arith.constant 0 : i32
      %dma_start3A_543 = tpu.memref_slice %arg6[%run_scoped3A_65, %dma_start3A_541, %dma_start3A_542] : memref<2x128x128xf32, #tpu.memory_space<vmem>> -> memref<1x128x128xf32, #tpu.memory_space<vmem>>
      %dma_start3A_544 = tpu.memref_squeeze %dma_start3A_543 : memref<1x128x128xf32, #tpu.memory_space<vmem>> -> memref<128x128xf32, #tpu.memory_space<vmem>>
      %dma_start3A_545 = arith.constant 0 : i32
      %dma_start3A_546 = tpu.memref_slice %arg4[%add3A_64, %dma_start3A_545] : memref<81920x128xf32, #tpu.memory_space<hbm>> -> memref<128x128xf32, #tpu.memory_space<hbm>>
      %dma_start3A_547 = arith.constant 0 : i32
      %dma_start3A_548 = tpu.memref_slice %arg4[%add3A_64, %dma_start3A_547] : memref<81920x128xf32, #tpu.memory_space<hbm>> -> memref<128x128xf32, #tpu.memory_space<hbm>>
      %dma_start3A_549 = arith.constant 0 : i32
      %dma_start3A_550 = arith.constant 0 : i32
      %dma_start3A_551 = tpu.memref_slice %arg6[%run_scoped3A_65, %dma_start3A_549, %dma_start3A_550] : memref<2x128x128xf32, #tpu.memory_space<vmem>> -> memref<1x128x128xf32, #tpu.memory_space<vmem>>
      %dma_start3A_552 = tpu.memref_squeeze %dma_start3A_551 : memref<1x128x128xf32, #tpu.memory_space<vmem>> -> memref<128x128xf32, #tpu.memory_space<vmem>>
      tpu.enqueue_dma source(%dma_start3A_552 : memref<128x128xf32, #tpu.memory_space<vmem>>) target(%dma_start3A_548 : memref<128x128xf32, #tpu.memory_space<hbm>>) target_semaphore(%run_scoped3A_540 : memref<!tpu.dma_semaphore, #tpu.memory_space<semaphore_mem>>)
      %dma_wait3A_553 = arith.constant 0 : i32
      %dma_wait3A_554 = arith.constant 0 : i32
      %dma_wait3A_555 = tpu.memref_slice %arg6[%run_scoped3A_65, %dma_wait3A_553, %dma_wait3A_554] : memref<2x128x128xf32, #tpu.memory_space<vmem>> -> memref<1x128x128xf32, #tpu.memory_space<vmem>>
      %dma_wait3A_556 = tpu.memref_squeeze %dma_wait3A_555 : memref<1x128x128xf32, #tpu.memory_space<vmem>> -> memref<128x128xf32, #tpu.memory_space<vmem>>
      %dma_wait3A_557 = arith.constant 0 : i32
      %dma_wait3A_558 = tpu.memref_slice %arg4[%add3A_64, %dma_wait3A_557] : memref<81920x128xf32, #tpu.memory_space<hbm>> -> memref<128x128xf32, #tpu.memory_space<hbm>>
      %dma_wait3A_559 = arith.constant 0 : i32
      %dma_wait3A_560 = tpu.memref_slice %arg4[%add3A_64, %dma_wait3A_559] : memref<81920x128xf32, #tpu.memory_space<hbm>> -> memref<128x128xf32, #tpu.memory_space<hbm>>
      %dma_wait3A_561 = arith.constant 0 : i32
      %dma_wait3A_562 = arith.constant 0 : i32
      %dma_wait3A_563 = tpu.memref_slice %arg6[%run_scoped3A_65, %dma_wait3A_561, %dma_wait3A_562] : memref<2x128x128xf32, #tpu.memory_space<vmem>> -> memref<1x128x128xf32, #tpu.memory_space<vmem>>
      %dma_wait3A_564 = tpu.memref_squeeze %dma_wait3A_563 : memref<1x128x128xf32, #tpu.memory_space<vmem>> -> memref<128x128xf32, #tpu.memory_space<vmem>>
      tpu.wait_dma2 semaphore(%run_scoped3A_540 : memref<!tpu.dma_semaphore, #tpu.memory_space<semaphore_mem>>) src(%dma_wait3A_564 : memref<128x128xf32, #tpu.memory_space<vmem>>) dst(%dma_wait3A_560 : memref<128x128xf32, #tpu.memory_space<hbm>>)
      tpu.yield
    }) : () -> ()
    %dma_start3A_66 = arith.constant 3 : i32
    %dma_start3A_67 = arith.constant 1 : i32
    %dma_start3A_68 = arith.constant 0 : i32
    %dma_start3A_69 = arith.constant 0 : i32
    %dma_start3A_70 = tpu.memref_slice %arg6[%dma_start3A_67, %dma_start3A_68, %dma_start3A_69] : memref<2x128x128xf32, #tpu.memory_space<vmem>> -> memref<1x128x128xf32, #tpu.memory_space<vmem>>
    %dma_start3A_71 = tpu.memref_squeeze %dma_start3A_70 : memref<1x128x128xf32, #tpu.memory_space<vmem>> -> memref<128x128xf32, #tpu.memory_space<vmem>>
    %dma_start3A_72 = arith.constant 0 : i32
    %dma_start3A_73 = tpu.memref_slice %arg5[%dma_start3A_66, %dma_start3A_72] : memref<20x128xi32, #tpu.memory_space<vmem>> -> memref<1x128xi32, #tpu.memory_space<vmem>>
    %dma_start3A_74 = tpu.memref_squeeze %dma_start3A_73 : memref<1x128xi32, #tpu.memory_space<vmem>> -> memref<128xi32, #tpu.memory_space<vmem>>
    %dma_start3A_75 = arith.constant 0 : i32
    %dma_start3A_76 = arith.constant 0 : i32
    %dma_start3A_77 = tpu.memref_slice %arg2[%dma_start3A_75, %dma_start3A_76] : memref<1000000x128xf32, #tpu.memory_space<hbm>> -> memref<1000000x128xf32, #tpu.memory_space<hbm>>
    tpu.enqueue_indirect_dma source(%dma_start3A_77 : memref<1000000x128xf32, #tpu.memory_space<hbm>>) target(%dma_start3A_71 : memref<128x128xf32, #tpu.memory_space<vmem>>) offsets(%dma_start3A_74 : memref<128xi32, #tpu.memory_space<vmem>>) semaphore(%arg8 : memref<!tpu.dma_semaphore, #tpu.memory_space<semaphore_mem>>)
    %dma_wait3A_78 = arith.constant 2 : i32
    %dma_wait3A_79 = arith.constant 0 : i32
    %dma_wait3A_80 = arith.constant 0 : i32
    %dma_wait3A_81 = arith.constant 0 : i32
    %dma_wait3A_82 = tpu.memref_slice %arg6[%dma_wait3A_79, %dma_wait3A_80, %dma_wait3A_81] : memref<2x128x128xf32, #tpu.memory_space<vmem>> -> memref<1x128x128xf32, #tpu.memory_space<vmem>>
    %dma_wait3A_83 = tpu.memref_squeeze %dma_wait3A_82 : memref<1x128x128xf32, #tpu.memory_space<vmem>> -> memref<128x128xf32, #tpu.memory_space<vmem>>
    %dma_wait3A_84 = arith.constant 0 : i32
    %dma_wait3A_85 = tpu.memref_slice %arg5[%dma_wait3A_78, %dma_wait3A_84] : memref<20x128xi32, #tpu.memory_space<vmem>> -> memref<1x128xi32, #tpu.memory_space<vmem>>
    %dma_wait3A_86 = tpu.memref_squeeze %dma_wait3A_85 : memref<1x128xi32, #tpu.memory_space<vmem>> -> memref<128xi32, #tpu.memory_space<vmem>>
    %dma_wait3A_87 = arith.constant 0 : i32
    %dma_wait3A_88 = arith.constant 0 : i32
    %dma_wait3A_89 = tpu.memref_slice %arg2[%dma_wait3A_87, %dma_wait3A_88] : memref<1000000x128xf32, #tpu.memory_space<hbm>> -> memref<1000000x128xf32, #tpu.memory_space<hbm>>
    tpu.wait_indirect_dma semaphore(%arg7 : memref<!tpu.dma_semaphore, #tpu.memory_space<semaphore_mem>>) src(%dma_wait3A_89 : memref<1000000x128xf32, #tpu.memory_space<hbm>>) dst(%dma_wait3A_83 : memref<128x128xf32, #tpu.memory_space<vmem>>)
    %add3A_90 = arith.constant 256 : i32
    %add3A_91 = arith.addi %mul3A_2, %add3A_90 : i32
    %run_scoped3A_92 = arith.constant 0 : i32
    "tpu.region"() ({
      %run_scoped3A_540 = tpu.sem_alloc : memref<!tpu.dma_semaphore, #tpu.memory_space<semaphore_mem>>
      %dma_start3A_541 = arith.constant 0 : i32
      %dma_start3A_542 = arith.constant 0 : i32
      %dma_start3A_543 = tpu.memref_slice %arg6[%run_scoped3A_92, %dma_start3A_541, %dma_start3A_542] : memref<2x128x128xf32, #tpu.memory_space<vmem>> -> memref<1x128x128xf32, #tpu.memory_space<vmem>>
      %dma_start3A_544 = tpu.memref_squeeze %dma_start3A_543 : memref<1x128x128xf32, #tpu.memory_space<vmem>> -> memref<128x128xf32, #tpu.memory_space<vmem>>
      %dma_start3A_545 = arith.constant 0 : i32
      %dma_start3A_546 = tpu.memref_slice %arg4[%add3A_91, %dma_start3A_545] : memref<81920x128xf32, #tpu.memory_space<hbm>> -> memref<128x128xf32, #tpu.memory_space<hbm>>
      %dma_start3A_547 = arith.constant 0 : i32
      %dma_start3A_548 = tpu.memref_slice %arg4[%add3A_91, %dma_start3A_547] : memref<81920x128xf32, #tpu.memory_space<hbm>> -> memref<128x128xf32, #tpu.memory_space<hbm>>
      %dma_start3A_549 = arith.constant 0 : i32
      %dma_start3A_550 = arith.constant 0 : i32
      %dma_start3A_551 = tpu.memref_slice %arg6[%run_scoped3A_92, %dma_start3A_549, %dma_start3A_550] : memref<2x128x128xf32, #tpu.memory_space<vmem>> -> memref<1x128x128xf32, #tpu.memory_space<vmem>>
      %dma_start3A_552 = tpu.memref_squeeze %dma_start3A_551 : memref<1x128x128xf32, #tpu.memory_space<vmem>> -> memref<128x128xf32, #tpu.memory_space<vmem>>
      tpu.enqueue_dma source(%dma_start3A_552 : memref<128x128xf32, #tpu.memory_space<vmem>>) target(%dma_start3A_548 : memref<128x128xf32, #tpu.memory_space<hbm>>) target_semaphore(%run_scoped3A_540 : memref<!tpu.dma_semaphore, #tpu.memory_space<semaphore_mem>>)
      %dma_wait3A_553 = arith.constant 0 : i32
      %dma_wait3A_554 = arith.constant 0 : i32
      %dma_wait3A_555 = tpu.memref_slice %arg6[%run_scoped3A_92, %dma_wait3A_553, %dma_wait3A_554] : memref<2x128x128xf32, #tpu.memory_space<vmem>> -> memref<1x128x128xf32, #tpu.memory_space<vmem>>
      %dma_wait3A_556 = tpu.memref_squeeze %dma_wait3A_555 : memref<1x128x128xf32, #tpu.memory_space<vmem>> -> memref<128x128xf32, #tpu.memory_space<vmem>>
      %dma_wait3A_557 = arith.constant 0 : i32
      %dma_wait3A_558 = tpu.memref_slice %arg4[%add3A_91, %dma_wait3A_557] : memref<81920x128xf32, #tpu.memory_space<hbm>> -> memref<128x128xf32, #tpu.memory_space<hbm>>
      %dma_wait3A_559 = arith.constant 0 : i32
      %dma_wait3A_560 = tpu.memref_slice %arg4[%add3A_91, %dma_wait3A_559] : memref<81920x128xf32, #tpu.memory_space<hbm>> -> memref<128x128xf32, #tpu.memory_space<hbm>>
      %dma_wait3A_561 = arith.constant 0 : i32
      %dma_wait3A_562 = arith.constant 0 : i32
      %dma_wait3A_563 = tpu.memref_slice %arg6[%run_scoped3A_92, %dma_wait3A_561, %dma_wait3A_562] : memref<2x128x128xf32, #tpu.memory_space<vmem>> -> memref<1x128x128xf32, #tpu.memory_space<vmem>>
      %dma_wait3A_564 = tpu.memref_squeeze %dma_wait3A_563 : memref<1x128x128xf32, #tpu.memory_space<vmem>> -> memref<128x128xf32, #tpu.memory_space<vmem>>
      tpu.wait_dma2 semaphore(%run_scoped3A_540 : memref<!tpu.dma_semaphore, #tpu.memory_space<semaphore_mem>>) src(%dma_wait3A_564 : memref<128x128xf32, #tpu.memory_space<vmem>>) dst(%dma_wait3A_560 : memref<128x128xf32, #tpu.memory_space<hbm>>)
      tpu.yield
    }) : () -> ()
    %dma_start3A_93 = arith.constant 4 : i32
    %dma_start3A_94 = arith.constant 0 : i32
    %dma_start3A_95 = arith.constant 0 : i32
    %dma_start3A_96 = arith.constant 0 : i32
    %dma_start3A_97 = tpu.memref_slice %arg6[%dma_start3A_94, %dma_start3A_95, %dma_start3A_96] : memref<2x128x128xf32, #tpu.memory_space<vmem>> -> memref<1x128x128xf32, #tpu.memory_space<vmem>>
    %dma_start3A_98 = tpu.memref_squeeze %dma_start3A_97 : memref<1x128x128xf32, #tpu.memory_space<vmem>> -> memref<128x128xf32, #tpu.memory_space<vmem>>
    %dma_start3A_99 = arith.constant 0 : i32
    %dma_start3A_100 = tpu.memref_slice %arg5[%dma_start3A_93, %dma_start3A_99] : memref<20x128xi32, #tpu.memory_space<vmem>> -> memref<1x128xi32, #tpu.memory_space<vmem>>
    %dma_start3A_101 = tpu.memref_squeeze %dma_start3A_100 : memref<1x128xi32, #tpu.memory_space<vmem>> -> memref<128xi32, #tpu.memory_space<vmem>>
    %dma_start3A_102 = arith.constant 0 : i32
    %dma_start3A_103 = arith.constant 0 : i32
    %dma_start3A_104 = tpu.memref_slice %arg2[%dma_start3A_102, %dma_start3A_103] : memref<1000000x128xf32, #tpu.memory_space<hbm>> -> memref<1000000x128xf32, #tpu.memory_space<hbm>>
    tpu.enqueue_indirect_dma source(%dma_start3A_104 : memref<1000000x128xf32, #tpu.memory_space<hbm>>) target(%dma_start3A_98 : memref<128x128xf32, #tpu.memory_space<vmem>>) offsets(%dma_start3A_101 : memref<128xi32, #tpu.memory_space<vmem>>) semaphore(%arg7 : memref<!tpu.dma_semaphore, #tpu.memory_space<semaphore_mem>>)
    %dma_wait3A_105 = arith.constant 3 : i32
    %dma_wait3A_106 = arith.constant 1 : i32
    %dma_wait3A_107 = arith.constant 0 : i32
    %dma_wait3A_108 = arith.constant 0 : i32
    %dma_wait3A_109 = tpu.memref_slice %arg6[%dma_wait3A_106, %dma_wait3A_107, %dma_wait3A_108] : memref<2x128x128xf32, #tpu.memory_space<vmem>> -> memref<1x128x128xf32, #tpu.memory_space<vmem>>
    %dma_wait3A_110 = tpu.memref_squeeze %dma_wait3A_109 : memref<1x128x128xf32, #tpu.memory_space<vmem>> -> memref<128x128xf32, #tpu.memory_space<vmem>>
    %dma_wait3A_111 = arith.constant 0 : i32
    %dma_wait3A_112 = tpu.memref_slice %arg5[%dma_wait3A_105, %dma_wait3A_111] : memref<20x128xi32, #tpu.memory_space<vmem>> -> memref<1x128xi32, #tpu.memory_space<vmem>>
    %dma_wait3A_113 = tpu.memref_squeeze %dma_wait3A_112 : memref<1x128xi32, #tpu.memory_space<vmem>> -> memref<128xi32, #tpu.memory_space<vmem>>
    %dma_wait3A_114 = arith.constant 0 : i32
    %dma_wait3A_115 = arith.constant 0 : i32
    %dma_wait3A_116 = tpu.memref_slice %arg2[%dma_wait3A_114, %dma_wait3A_115] : memref<1000000x128xf32, #tpu.memory_space<hbm>> -> memref<1000000x128xf32, #tpu.memory_space<hbm>>
    tpu.wait_indirect_dma semaphore(%arg8 : memref<!tpu.dma_semaphore, #tpu.memory_space<semaphore_mem>>) src(%dma_wait3A_116 : memref<1000000x128xf32, #tpu.memory_space<hbm>>) dst(%dma_wait3A_110 : memref<128x128xf32, #tpu.memory_space<vmem>>)
    %add3A_117 = arith.constant 384 : i32
    %add3A_118 = arith.addi %mul3A_2, %add3A_117 : i32
    %run_scoped3A_119 = arith.constant 1 : i32
    "tpu.region"() ({
      %run_scoped3A_540 = tpu.sem_alloc : memref<!tpu.dma_semaphore, #tpu.memory_space<semaphore_mem>>
      %dma_start3A_541 = arith.constant 0 : i32
      %dma_start3A_542 = arith.constant 0 : i32
      %dma_start3A_543 = tpu.memref_slice %arg6[%run_scoped3A_119, %dma_start3A_541, %dma_start3A_542] : memref<2x128x128xf32, #tpu.memory_space<vmem>> -> memref<1x128x128xf32, #tpu.memory_space<vmem>>
      %dma_start3A_544 = tpu.memref_squeeze %dma_start3A_543 : memref<1x128x128xf32, #tpu.memory_space<vmem>> -> memref<128x128xf32, #tpu.memory_space<vmem>>
      %dma_start3A_545 = arith.constant 0 : i32
      %dma_start3A_546 = tpu.memref_slice %arg4[%add3A_118, %dma_start3A_545] : memref<81920x128xf32, #tpu.memory_space<hbm>> -> memref<128x128xf32, #tpu.memory_space<hbm>>
      %dma_start3A_547 = arith.constant 0 : i32
      %dma_start3A_548 = tpu.memref_slice %arg4[%add3A_118, %dma_start3A_547] : memref<81920x128xf32, #tpu.memory_space<hbm>> -> memref<128x128xf32, #tpu.memory_space<hbm>>
      %dma_start3A_549 = arith.constant 0 : i32
      %dma_start3A_550 = arith.constant 0 : i32
      %dma_start3A_551 = tpu.memref_slice %arg6[%run_scoped3A_119, %dma_start3A_549, %dma_start3A_550] : memref<2x128x128xf32, #tpu.memory_space<vmem>> -> memref<1x128x128xf32, #tpu.memory_space<vmem>>
      %dma_start3A_552 = tpu.memref_squeeze %dma_start3A_551 : memref<1x128x128xf32, #tpu.memory_space<vmem>> -> memref<128x128xf32, #tpu.memory_space<vmem>>
      tpu.enqueue_dma source(%dma_start3A_552 : memref<128x128xf32, #tpu.memory_space<vmem>>) target(%dma_start3A_548 : memref<128x128xf32, #tpu.memory_space<hbm>>) target_semaphore(%run_scoped3A_540 : memref<!tpu.dma_semaphore, #tpu.memory_space<semaphore_mem>>)
      %dma_wait3A_553 = arith.constant 0 : i32
      %dma_wait3A_554 = arith.constant 0 : i32
      %dma_wait3A_555 = tpu.memref_slice %arg6[%run_scoped3A_119, %dma_wait3A_553, %dma_wait3A_554] : memref<2x128x128xf32, #tpu.memory_space<vmem>> -> memref<1x128x128xf32, #tpu.memory_space<vmem>>
      %dma_wait3A_556 = tpu.memref_squeeze %dma_wait3A_555 : memref<1x128x128xf32, #tpu.memory_space<vmem>> -> memref<128x128xf32, #tpu.memory_space<vmem>>
      %dma_wait3A_557 = arith.constant 0 : i32
      %dma_wait3A_558 = tpu.memref_slice %arg4[%add3A_118, %dma_wait3A_557] : memref<81920x128xf32, #tpu.memory_space<hbm>> -> memref<128x128xf32, #tpu.memory_space<hbm>>
      %dma_wait3A_559 = arith.constant 0 : i32
      %dma_wait3A_560 = tpu.memref_slice %arg4[%add3A_118, %dma_wait3A_559] : memref<81920x128xf32, #tpu.memory_space<hbm>> -> memref<128x128xf32, #tpu.memory_space<hbm>>
      %dma_wait3A_561 = arith.constant 0 : i32
      %dma_wait3A_562 = arith.constant 0 : i32
      %dma_wait3A_563 = tpu.memref_slice %arg6[%run_scoped3A_119, %dma_wait3A_561, %dma_wait3A_562] : memref<2x128x128xf32, #tpu.memory_space<vmem>> -> memref<1x128x128xf32, #tpu.memory_space<vmem>>
      %dma_wait3A_564 = tpu.memref_squeeze %dma_wait3A_563 : memref<1x128x128xf32, #tpu.memory_space<vmem>> -> memref<128x128xf32, #tpu.memory_space<vmem>>
      tpu.wait_dma2 semaphore(%run_scoped3A_540 : memref<!tpu.dma_semaphore, #tpu.memory_space<semaphore_mem>>) src(%dma_wait3A_564 : memref<128x128xf32, #tpu.memory_space<vmem>>) dst(%dma_wait3A_560 : memref<128x128xf32, #tpu.memory_space<hbm>>)
      tpu.yield
    }) : () -> ()
    %dma_start3A_120 = arith.constant 5 : i32
    %dma_start3A_121 = arith.constant 1 : i32
    %dma_start3A_122 = arith.constant 0 : i32
    %dma_start3A_123 = arith.constant 0 : i32
    %dma_start3A_124 = tpu.memref_slice %arg6[%dma_start3A_121, %dma_start3A_122, %dma_start3A_123] : memref<2x128x128xf32, #tpu.memory_space<vmem>> -> memref<1x128x128xf32, #tpu.memory_space<vmem>>
    %dma_start3A_125 = tpu.memref_squeeze %dma_start3A_124 : memref<1x128x128xf32, #tpu.memory_space<vmem>> -> memref<128x128xf32, #tpu.memory_space<vmem>>
    %dma_start3A_126 = arith.constant 0 : i32
    %dma_start3A_127 = tpu.memref_slice %arg5[%dma_start3A_120, %dma_start3A_126] : memref<20x128xi32, #tpu.memory_space<vmem>> -> memref<1x128xi32, #tpu.memory_space<vmem>>
    %dma_start3A_128 = tpu.memref_squeeze %dma_start3A_127 : memref<1x128xi32, #tpu.memory_space<vmem>> -> memref<128xi32, #tpu.memory_space<vmem>>
    %dma_start3A_129 = arith.constant 0 : i32
    %dma_start3A_130 = arith.constant 0 : i32
    %dma_start3A_131 = tpu.memref_slice %arg2[%dma_start3A_129, %dma_start3A_130] : memref<1000000x128xf32, #tpu.memory_space<hbm>> -> memref<1000000x128xf32, #tpu.memory_space<hbm>>
    tpu.enqueue_indirect_dma source(%dma_start3A_131 : memref<1000000x128xf32, #tpu.memory_space<hbm>>) target(%dma_start3A_125 : memref<128x128xf32, #tpu.memory_space<vmem>>) offsets(%dma_start3A_128 : memref<128xi32, #tpu.memory_space<vmem>>) semaphore(%arg8 : memref<!tpu.dma_semaphore, #tpu.memory_space<semaphore_mem>>)
    %dma_wait3A_132 = arith.constant 4 : i32
    %dma_wait3A_133 = arith.constant 0 : i32
    %dma_wait3A_134 = arith.constant 0 : i32
    %dma_wait3A_135 = arith.constant 0 : i32
    %dma_wait3A_136 = tpu.memref_slice %arg6[%dma_wait3A_133, %dma_wait3A_134, %dma_wait3A_135] : memref<2x128x128xf32, #tpu.memory_space<vmem>> -> memref<1x128x128xf32, #tpu.memory_space<vmem>>
    %dma_wait3A_137 = tpu.memref_squeeze %dma_wait3A_136 : memref<1x128x128xf32, #tpu.memory_space<vmem>> -> memref<128x128xf32, #tpu.memory_space<vmem>>
    %dma_wait3A_138 = arith.constant 0 : i32
    %dma_wait3A_139 = tpu.memref_slice %arg5[%dma_wait3A_132, %dma_wait3A_138] : memref<20x128xi32, #tpu.memory_space<vmem>> -> memref<1x128xi32, #tpu.memory_space<vmem>>
    %dma_wait3A_140 = tpu.memref_squeeze %dma_wait3A_139 : memref<1x128xi32, #tpu.memory_space<vmem>> -> memref<128xi32, #tpu.memory_space<vmem>>
    %dma_wait3A_141 = arith.constant 0 : i32
    %dma_wait3A_142 = arith.constant 0 : i32
    %dma_wait3A_143 = tpu.memref_slice %arg2[%dma_wait3A_141, %dma_wait3A_142] : memref<1000000x128xf32, #tpu.memory_space<hbm>> -> memref<1000000x128xf32, #tpu.memory_space<hbm>>
    tpu.wait_indirect_dma semaphore(%arg7 : memref<!tpu.dma_semaphore, #tpu.memory_space<semaphore_mem>>) src(%dma_wait3A_143 : memref<1000000x128xf32, #tpu.memory_space<hbm>>) dst(%dma_wait3A_137 : memref<128x128xf32, #tpu.memory_space<vmem>>)
    %add3A_144 = arith.constant 512 : i32
    %add3A_145 = arith.addi %mul3A_2, %add3A_144 : i32
    %run_scoped3A_146 = arith.constant 0 : i32
    "tpu.region"() ({
      %run_scoped3A_540 = tpu.sem_alloc : memref<!tpu.dma_semaphore, #tpu.memory_space<semaphore_mem>>
      %dma_start3A_541 = arith.constant 0 : i32
      %dma_start3A_542 = arith.constant 0 : i32
      %dma_start3A_543 = tpu.memref_slice %arg6[%run_scoped3A_146, %dma_start3A_541, %dma_start3A_542] : memref<2x128x128xf32, #tpu.memory_space<vmem>> -> memref<1x128x128xf32, #tpu.memory_space<vmem>>
      %dma_start3A_544 = tpu.memref_squeeze %dma_start3A_543 : memref<1x128x128xf32, #tpu.memory_space<vmem>> -> memref<128x128xf32, #tpu.memory_space<vmem>>
      %dma_start3A_545 = arith.constant 0 : i32
      %dma_start3A_546 = tpu.memref_slice %arg4[%add3A_145, %dma_start3A_545] : memref<81920x128xf32, #tpu.memory_space<hbm>> -> memref<128x128xf32, #tpu.memory_space<hbm>>
      %dma_start3A_547 = arith.constant 0 : i32
      %dma_start3A_548 = tpu.memref_slice %arg4[%add3A_145, %dma_start3A_547] : memref<81920x128xf32, #tpu.memory_space<hbm>> -> memref<128x128xf32, #tpu.memory_space<hbm>>
      %dma_start3A_549 = arith.constant 0 : i32
      %dma_start3A_550 = arith.constant 0 : i32
      %dma_start3A_551 = tpu.memref_slice %arg6[%run_scoped3A_146, %dma_start3A_549, %dma_start3A_550] : memref<2x128x128xf32, #tpu.memory_space<vmem>> -> memref<1x128x128xf32, #tpu.memory_space<vmem>>
      %dma_start3A_552 = tpu.memref_squeeze %dma_start3A_551 : memref<1x128x128xf32, #tpu.memory_space<vmem>> -> memref<128x128xf32, #tpu.memory_space<vmem>>
      tpu.enqueue_dma source(%dma_start3A_552 : memref<128x128xf32, #tpu.memory_space<vmem>>) target(%dma_start3A_548 : memref<128x128xf32, #tpu.memory_space<hbm>>) target_semaphore(%run_scoped3A_540 : memref<!tpu.dma_semaphore, #tpu.memory_space<semaphore_mem>>)
      %dma_wait3A_553 = arith.constant 0 : i32
      %dma_wait3A_554 = arith.constant 0 : i32
      %dma_wait3A_555 = tpu.memref_slice %arg6[%run_scoped3A_146, %dma_wait3A_553, %dma_wait3A_554] : memref<2x128x128xf32, #tpu.memory_space<vmem>> -> memref<1x128x128xf32, #tpu.memory_space<vmem>>
      %dma_wait3A_556 = tpu.memref_squeeze %dma_wait3A_555 : memref<1x128x128xf32, #tpu.memory_space<vmem>> -> memref<128x128xf32, #tpu.memory_space<vmem>>
      %dma_wait3A_557 = arith.constant 0 : i32
      %dma_wait3A_558 = tpu.memref_slice %arg4[%add3A_145, %dma_wait3A_557] : memref<81920x128xf32, #tpu.memory_space<hbm>> -> memref<128x128xf32, #tpu.memory_space<hbm>>
      %dma_wait3A_559 = arith.constant 0 : i32
      %dma_wait3A_560 = tpu.memref_slice %arg4[%add3A_145, %dma_wait3A_559] : memref<81920x128xf32, #tpu.memory_space<hbm>> -> memref<128x128xf32, #tpu.memory_space<hbm>>
      %dma_wait3A_561 = arith.constant 0 : i32
      %dma_wait3A_562 = arith.constant 0 : i32
      %dma_wait3A_563 = tpu.memref_slice %arg6[%run_scoped3A_146, %dma_wait3A_561, %dma_wait3A_562] : memref<2x128x128xf32, #tpu.memory_space<vmem>> -> memref<1x128x128xf32, #tpu.memory_space<vmem>>
      %dma_wait3A_564 = tpu.memref_squeeze %dma_wait3A_563 : memref<1x128x128xf32, #tpu.memory_space<vmem>> -> memref<128x128xf32, #tpu.memory_space<vmem>>
      tpu.wait_dma2 semaphore(%run_scoped3A_540 : memref<!tpu.dma_semaphore, #tpu.memory_space<semaphore_mem>>) src(%dma_wait3A_564 : memref<128x128xf32, #tpu.memory_space<vmem>>) dst(%dma_wait3A_560 : memref<128x128xf32, #tpu.memory_space<hbm>>)
      tpu.yield
    }) : () -> ()
    %dma_start3A_147 = arith.constant 6 : i32
    %dma_start3A_148 = arith.constant 0 : i32
    %dma_start3A_149 = arith.constant 0 : i32
    %dma_start3A_150 = arith.constant 0 : i32
    %dma_start3A_151 = tpu.memref_slice %arg6[%dma_start3A_148, %dma_start3A_149, %dma_start3A_150] : memref<2x128x128xf32, #tpu.memory_space<vmem>> -> memref<1x128x128xf32, #tpu.memory_space<vmem>>
    %dma_start3A_152 = tpu.memref_squeeze %dma_start3A_151 : memref<1x128x128xf32, #tpu.memory_space<vmem>> -> memref<128x128xf32, #tpu.memory_space<vmem>>
    %dma_start3A_153 = arith.constant 0 : i32
    %dma_start3A_154 = tpu.memref_slice %arg5[%dma_start3A_147, %dma_start3A_153] : memref<20x128xi32, #tpu.memory_space<vmem>> -> memref<1x128xi32, #tpu.memory_space<vmem>>
    %dma_start3A_155 = tpu.memref_squeeze %dma_start3A_154 : memref<1x128xi32, #tpu.memory_space<vmem>> -> memref<128xi32, #tpu.memory_space<vmem>>
    %dma_start3A_156 = arith.constant 0 : i32
    %dma_start3A_157 = arith.constant 0 : i32
    %dma_start3A_158 = tpu.memref_slice %arg2[%dma_start3A_156, %dma_start3A_157] : memref<1000000x128xf32, #tpu.memory_space<hbm>> -> memref<1000000x128xf32, #tpu.memory_space<hbm>>
    tpu.enqueue_indirect_dma source(%dma_start3A_158 : memref<1000000x128xf32, #tpu.memory_space<hbm>>) target(%dma_start3A_152 : memref<128x128xf32, #tpu.memory_space<vmem>>) offsets(%dma_start3A_155 : memref<128xi32, #tpu.memory_space<vmem>>) semaphore(%arg7 : memref<!tpu.dma_semaphore, #tpu.memory_space<semaphore_mem>>)
    %dma_wait3A_159 = arith.constant 5 : i32
    %dma_wait3A_160 = arith.constant 1 : i32
    %dma_wait3A_161 = arith.constant 0 : i32
    %dma_wait3A_162 = arith.constant 0 : i32
    %dma_wait3A_163 = tpu.memref_slice %arg6[%dma_wait3A_160, %dma_wait3A_161, %dma_wait3A_162] : memref<2x128x128xf32, #tpu.memory_space<vmem>> -> memref<1x128x128xf32, #tpu.memory_space<vmem>>
    %dma_wait3A_164 = tpu.memref_squeeze %dma_wait3A_163 : memref<1x128x128xf32, #tpu.memory_space<vmem>> -> memref<128x128xf32, #tpu.memory_space<vmem>>
    %dma_wait3A_165 = arith.constant 0 : i32
    %dma_wait3A_166 = tpu.memref_slice %arg5[%dma_wait3A_159, %dma_wait3A_165] : memref<20x128xi32, #tpu.memory_space<vmem>> -> memref<1x128xi32, #tpu.memory_space<vmem>>
    %dma_wait3A_167 = tpu.memref_squeeze %dma_wait3A_166 : memref<1x128xi32, #tpu.memory_space<vmem>> -> memref<128xi32, #tpu.memory_space<vmem>>
    %dma_wait3A_168 = arith.constant 0 : i32
    %dma_wait3A_169 = arith.constant 0 : i32
    %dma_wait3A_170 = tpu.memref_slice %arg2[%dma_wait3A_168, %dma_wait3A_169] : memref<1000000x128xf32, #tpu.memory_space<hbm>> -> memref<1000000x128xf32, #tpu.memory_space<hbm>>
    tpu.wait_indirect_dma semaphore(%arg8 : memref<!tpu.dma_semaphore, #tpu.memory_space<semaphore_mem>>) src(%dma_wait3A_170 : memref<1000000x128xf32, #tpu.memory_space<hbm>>) dst(%dma_wait3A_164 : memref<128x128xf32, #tpu.memory_space<vmem>>)
    %add3A_171 = arith.constant 640 : i32
    %add3A_172 = arith.addi %mul3A_2, %add3A_171 : i32
    %run_scoped3A_173 = arith.constant 1 : i32
    "tpu.region"() ({
      %run_scoped3A_540 = tpu.sem_alloc : memref<!tpu.dma_semaphore, #tpu.memory_space<semaphore_mem>>
      %dma_start3A_541 = arith.constant 0 : i32
      %dma_start3A_542 = arith.constant 0 : i32
      %dma_start3A_543 = tpu.memref_slice %arg6[%run_scoped3A_173, %dma_start3A_541, %dma_start3A_542] : memref<2x128x128xf32, #tpu.memory_space<vmem>> -> memref<1x128x128xf32, #tpu.memory_space<vmem>>
      %dma_start3A_544 = tpu.memref_squeeze %dma_start3A_543 : memref<1x128x128xf32, #tpu.memory_space<vmem>> -> memref<128x128xf32, #tpu.memory_space<vmem>>
      %dma_start3A_545 = arith.constant 0 : i32
      %dma_start3A_546 = tpu.memref_slice %arg4[%add3A_172, %dma_start3A_545] : memref<81920x128xf32, #tpu.memory_space<hbm>> -> memref<128x128xf32, #tpu.memory_space<hbm>>
      %dma_start3A_547 = arith.constant 0 : i32
      %dma_start3A_548 = tpu.memref_slice %arg4[%add3A_172, %dma_start3A_547] : memref<81920x128xf32, #tpu.memory_space<hbm>> -> memref<128x128xf32, #tpu.memory_space<hbm>>
      %dma_start3A_549 = arith.constant 0 : i32
      %dma_start3A_550 = arith.constant 0 : i32
      %dma_start3A_551 = tpu.memref_slice %arg6[%run_scoped3A_173, %dma_start3A_549, %dma_start3A_550] : memref<2x128x128xf32, #tpu.memory_space<vmem>> -> memref<1x128x128xf32, #tpu.memory_space<vmem>>
      %dma_start3A_552 = tpu.memref_squeeze %dma_start3A_551 : memref<1x128x128xf32, #tpu.memory_space<vmem>> -> memref<128x128xf32, #tpu.memory_space<vmem>>
      tpu.enqueue_dma source(%dma_start3A_552 : memref<128x128xf32, #tpu.memory_space<vmem>>) target(%dma_start3A_548 : memref<128x128xf32, #tpu.memory_space<hbm>>) target_semaphore(%run_scoped3A_540 : memref<!tpu.dma_semaphore, #tpu.memory_space<semaphore_mem>>)
      %dma_wait3A_553 = arith.constant 0 : i32
      %dma_wait3A_554 = arith.constant 0 : i32
      %dma_wait3A_555 = tpu.memref_slice %arg6[%run_scoped3A_173, %dma_wait3A_553, %dma_wait3A_554] : memref<2x128x128xf32, #tpu.memory_space<vmem>> -> memref<1x128x128xf32, #tpu.memory_space<vmem>>
      %dma_wait3A_556 = tpu.memref_squeeze %dma_wait3A_555 : memref<1x128x128xf32, #tpu.memory_space<vmem>> -> memref<128x128xf32, #tpu.memory_space<vmem>>
      %dma_wait3A_557 = arith.constant 0 : i32
      %dma_wait3A_558 = tpu.memref_slice %arg4[%add3A_172, %dma_wait3A_557] : memref<81920x128xf32, #tpu.memory_space<hbm>> -> memref<128x128xf32, #tpu.memory_space<hbm>>
      %dma_wait3A_559 = arith.constant 0 : i32
      %dma_wait3A_560 = tpu.memref_slice %arg4[%add3A_172, %dma_wait3A_559] : memref<81920x128xf32, #tpu.memory_space<hbm>> -> memref<128x128xf32, #tpu.memory_space<hbm>>
      %dma_wait3A_561 = arith.constant 0 : i32
      %dma_wait3A_562 = arith.constant 0 : i32
      %dma_wait3A_563 = tpu.memref_slice %arg6[%run_scoped3A_173, %dma_wait3A_561, %dma_wait3A_562] : memref<2x128x128xf32, #tpu.memory_space<vmem>> -> memref<1x128x128xf32, #tpu.memory_space<vmem>>
      %dma_wait3A_564 = tpu.memref_squeeze %dma_wait3A_563 : memref<1x128x128xf32, #tpu.memory_space<vmem>> -> memref<128x128xf32, #tpu.memory_space<vmem>>
      tpu.wait_dma2 semaphore(%run_scoped3A_540 : memref<!tpu.dma_semaphore, #tpu.memory_space<semaphore_mem>>) src(%dma_wait3A_564 : memref<128x128xf32, #tpu.memory_space<vmem>>) dst(%dma_wait3A_560 : memref<128x128xf32, #tpu.memory_space<hbm>>)
      tpu.yield
    }) : () -> ()
    %dma_start3A_174 = arith.constant 7 : i32
    %dma_start3A_175 = arith.constant 1 : i32
    %dma_start3A_176 = arith.constant 0 : i32
    %dma_start3A_177 = arith.constant 0 : i32
    %dma_start3A_178 = tpu.memref_slice %arg6[%dma_start3A_175, %dma_start3A_176, %dma_start3A_177] : memref<2x128x128xf32, #tpu.memory_space<vmem>> -> memref<1x128x128xf32, #tpu.memory_space<vmem>>
    %dma_start3A_179 = tpu.memref_squeeze %dma_start3A_178 : memref<1x128x128xf32, #tpu.memory_space<vmem>> -> memref<128x128xf32, #tpu.memory_space<vmem>>
    %dma_start3A_180 = arith.constant 0 : i32
    %dma_start3A_181 = tpu.memref_slice %arg5[%dma_start3A_174, %dma_start3A_180] : memref<20x128xi32, #tpu.memory_space<vmem>> -> memref<1x128xi32, #tpu.memory_space<vmem>>
    %dma_start3A_182 = tpu.memref_squeeze %dma_start3A_181 : memref<1x128xi32, #tpu.memory_space<vmem>> -> memref<128xi32, #tpu.memory_space<vmem>>
    %dma_start3A_183 = arith.constant 0 : i32
    %dma_start3A_184 = arith.constant 0 : i32
    %dma_start3A_185 = tpu.memref_slice %arg2[%dma_start3A_183, %dma_start3A_184] : memref<1000000x128xf32, #tpu.memory_space<hbm>> -> memref<1000000x128xf32, #tpu.memory_space<hbm>>
    tpu.enqueue_indirect_dma source(%dma_start3A_185 : memref<1000000x128xf32, #tpu.memory_space<hbm>>) target(%dma_start3A_179 : memref<128x128xf32, #tpu.memory_space<vmem>>) offsets(%dma_start3A_182 : memref<128xi32, #tpu.memory_space<vmem>>) semaphore(%arg8 : memref<!tpu.dma_semaphore, #tpu.memory_space<semaphore_mem>>)
    %dma_wait3A_186 = arith.constant 6 : i32
    %dma_wait3A_187 = arith.constant 0 : i32
    %dma_wait3A_188 = arith.constant 0 : i32
    %dma_wait3A_189 = arith.constant 0 : i32
    %dma_wait3A_190 = tpu.memref_slice %arg6[%dma_wait3A_187, %dma_wait3A_188, %dma_wait3A_189] : memref<2x128x128xf32, #tpu.memory_space<vmem>> -> memref<1x128x128xf32, #tpu.memory_space<vmem>>
    %dma_wait3A_191 = tpu.memref_squeeze %dma_wait3A_190 : memref<1x128x128xf32, #tpu.memory_space<vmem>> -> memref<128x128xf32, #tpu.memory_space<vmem>>
    %dma_wait3A_192 = arith.constant 0 : i32
    %dma_wait3A_193 = tpu.memref_slice %arg5[%dma_wait3A_186, %dma_wait3A_192] : memref<20x128xi32, #tpu.memory_space<vmem>> -> memref<1x128xi32, #tpu.memory_space<vmem>>
    %dma_wait3A_194 = tpu.memref_squeeze %dma_wait3A_193 : memref<1x128xi32, #tpu.memory_space<vmem>> -> memref<128xi32, #tpu.memory_space<vmem>>
    %dma_wait3A_195 = arith.constant 0 : i32
    %dma_wait3A_196 = arith.constant 0 : i32
    %dma_wait3A_197 = tpu.memref_slice %arg2[%dma_wait3A_195, %dma_wait3A_196] : memref<1000000x128xf32, #tpu.memory_space<hbm>> -> memref<1000000x128xf32, #tpu.memory_space<hbm>>
    tpu.wait_indirect_dma semaphore(%arg7 : memref<!tpu.dma_semaphore, #tpu.memory_space<semaphore_mem>>) src(%dma_wait3A_197 : memref<1000000x128xf32, #tpu.memory_space<hbm>>) dst(%dma_wait3A_191 : memref<128x128xf32, #tpu.memory_space<vmem>>)
    %add3A_198 = arith.constant 768 : i32
    %add3A_199 = arith.addi %mul3A_2, %add3A_198 : i32
    %run_scoped3A_200 = arith.constant 0 : i32
    "tpu.region"() ({
      %run_scoped3A_540 = tpu.sem_alloc : memref<!tpu.dma_semaphore, #tpu.memory_space<semaphore_mem>>
      %dma_start3A_541 = arith.constant 0 : i32
      %dma_start3A_542 = arith.constant 0 : i32
      %dma_start3A_543 = tpu.memref_slice %arg6[%run_scoped3A_200, %dma_start3A_541, %dma_start3A_542] : memref<2x128x128xf32, #tpu.memory_space<vmem>> -> memref<1x128x128xf32, #tpu.memory_space<vmem>>
      %dma_start3A_544 = tpu.memref_squeeze %dma_start3A_543 : memref<1x128x128xf32, #tpu.memory_space<vmem>> -> memref<128x128xf32, #tpu.memory_space<vmem>>
      %dma_start3A_545 = arith.constant 0 : i32
      %dma_start3A_546 = tpu.memref_slice %arg4[%add3A_199, %dma_start3A_545] : memref<81920x128xf32, #tpu.memory_space<hbm>> -> memref<128x128xf32, #tpu.memory_space<hbm>>
      %dma_start3A_547 = arith.constant 0 : i32
      %dma_start3A_548 = tpu.memref_slice %arg4[%add3A_199, %dma_start3A_547] : memref<81920x128xf32, #tpu.memory_space<hbm>> -> memref<128x128xf32, #tpu.memory_space<hbm>>
      %dma_start3A_549 = arith.constant 0 : i32
      %dma_start3A_550 = arith.constant 0 : i32
      %dma_start3A_551 = tpu.memref_slice %arg6[%run_scoped3A_200, %dma_start3A_549, %dma_start3A_550] : memref<2x128x128xf32, #tpu.memory_space<vmem>> -> memref<1x128x128xf32, #tpu.memory_space<vmem>>
      %dma_start3A_552 = tpu.memref_squeeze %dma_start3A_551 : memref<1x128x128xf32, #tpu.memory_space<vmem>> -> memref<128x128xf32, #tpu.memory_space<vmem>>
      tpu.enqueue_dma source(%dma_start3A_552 : memref<128x128xf32, #tpu.memory_space<vmem>>) target(%dma_start3A_548 : memref<128x128xf32, #tpu.memory_space<hbm>>) target_semaphore(%run_scoped3A_540 : memref<!tpu.dma_semaphore, #tpu.memory_space<semaphore_mem>>)
      %dma_wait3A_553 = arith.constant 0 : i32
      %dma_wait3A_554 = arith.constant 0 : i32
      %dma_wait3A_555 = tpu.memref_slice %arg6[%run_scoped3A_200, %dma_wait3A_553, %dma_wait3A_554] : memref<2x128x128xf32, #tpu.memory_space<vmem>> -> memref<1x128x128xf32, #tpu.memory_space<vmem>>
      %dma_wait3A_556 = tpu.memref_squeeze %dma_wait3A_555 : memref<1x128x128xf32, #tpu.memory_space<vmem>> -> memref<128x128xf32, #tpu.memory_space<vmem>>
      %dma_wait3A_557 = arith.constant 0 : i32
      %dma_wait3A_558 = tpu.memref_slice %arg4[%add3A_199, %dma_wait3A_557] : memref<81920x128xf32, #tpu.memory_space<hbm>> -> memref<128x128xf32, #tpu.memory_space<hbm>>
      %dma_wait3A_559 = arith.constant 0 : i32
      %dma_wait3A_560 = tpu.memref_slice %arg4[%add3A_199, %dma_wait3A_559] : memref<81920x128xf32, #tpu.memory_space<hbm>> -> memref<128x128xf32, #tpu.memory_space<hbm>>
      %dma_wait3A_561 = arith.constant 0 : i32
      %dma_wait3A_562 = arith.constant 0 : i32
      %dma_wait3A_563 = tpu.memref_slice %arg6[%run_scoped3A_200, %dma_wait3A_561, %dma_wait3A_562] : memref<2x128x128xf32, #tpu.memory_space<vmem>> -> memref<1x128x128xf32, #tpu.memory_space<vmem>>
      %dma_wait3A_564 = tpu.memref_squeeze %dma_wait3A_563 : memref<1x128x128xf32, #tpu.memory_space<vmem>> -> memref<128x128xf32, #tpu.memory_space<vmem>>
      tpu.wait_dma2 semaphore(%run_scoped3A_540 : memref<!tpu.dma_semaphore, #tpu.memory_space<semaphore_mem>>) src(%dma_wait3A_564 : memref<128x128xf32, #tpu.memory_space<vmem>>) dst(%dma_wait3A_560 : memref<128x128xf32, #tpu.memory_space<hbm>>)
      tpu.yield
    }) : () -> ()
    %dma_start3A_201 = arith.constant 8 : i32
    %dma_start3A_202 = arith.constant 0 : i32
    %dma_start3A_203 = arith.constant 0 : i32
    %dma_start3A_204 = arith.constant 0 : i32
    %dma_start3A_205 = tpu.memref_slice %arg6[%dma_start3A_202, %dma_start3A_203, %dma_start3A_204] : memref<2x128x128xf32, #tpu.memory_space<vmem>> -> memref<1x128x128xf32, #tpu.memory_space<vmem>>
    %dma_start3A_206 = tpu.memref_squeeze %dma_start3A_205 : memref<1x128x128xf32, #tpu.memory_space<vmem>> -> memref<128x128xf32, #tpu.memory_space<vmem>>
    %dma_start3A_207 = arith.constant 0 : i32
    %dma_start3A_208 = tpu.memref_slice %arg5[%dma_start3A_201, %dma_start3A_207] : memref<20x128xi32, #tpu.memory_space<vmem>> -> memref<1x128xi32, #tpu.memory_space<vmem>>
    %dma_start3A_209 = tpu.memref_squeeze %dma_start3A_208 : memref<1x128xi32, #tpu.memory_space<vmem>> -> memref<128xi32, #tpu.memory_space<vmem>>
    %dma_start3A_210 = arith.constant 0 : i32
    %dma_start3A_211 = arith.constant 0 : i32
    %dma_start3A_212 = tpu.memref_slice %arg2[%dma_start3A_210, %dma_start3A_211] : memref<1000000x128xf32, #tpu.memory_space<hbm>> -> memref<1000000x128xf32, #tpu.memory_space<hbm>>
    tpu.enqueue_indirect_dma source(%dma_start3A_212 : memref<1000000x128xf32, #tpu.memory_space<hbm>>) target(%dma_start3A_206 : memref<128x128xf32, #tpu.memory_space<vmem>>) offsets(%dma_start3A_209 : memref<128xi32, #tpu.memory_space<vmem>>) semaphore(%arg7 : memref<!tpu.dma_semaphore, #tpu.memory_space<semaphore_mem>>)
    %dma_wait3A_213 = arith.constant 7 : i32
    %dma_wait3A_214 = arith.constant 1 : i32
    %dma_wait3A_215 = arith.constant 0 : i32
    %dma_wait3A_216 = arith.constant 0 : i32
    %dma_wait3A_217 = tpu.memref_slice %arg6[%dma_wait3A_214, %dma_wait3A_215, %dma_wait3A_216] : memref<2x128x128xf32, #tpu.memory_space<vmem>> -> memref<1x128x128xf32, #tpu.memory_space<vmem>>
    %dma_wait3A_218 = tpu.memref_squeeze %dma_wait3A_217 : memref<1x128x128xf32, #tpu.memory_space<vmem>> -> memref<128x128xf32, #tpu.memory_space<vmem>>
    %dma_wait3A_219 = arith.constant 0 : i32
    %dma_wait3A_220 = tpu.memref_slice %arg5[%dma_wait3A_213, %dma_wait3A_219] : memref<20x128xi32, #tpu.memory_space<vmem>> -> memref<1x128xi32, #tpu.memory_space<vmem>>
    %dma_wait3A_221 = tpu.memref_squeeze %dma_wait3A_220 : memref<1x128xi32, #tpu.memory_space<vmem>> -> memref<128xi32, #tpu.memory_space<vmem>>
    %dma_wait3A_222 = arith.constant 0 : i32
    %dma_wait3A_223 = arith.constant 0 : i32
    %dma_wait3A_224 = tpu.memref_slice %arg2[%dma_wait3A_222, %dma_wait3A_223] : memref<1000000x128xf32, #tpu.memory_space<hbm>> -> memref<1000000x128xf32, #tpu.memory_space<hbm>>
    tpu.wait_indirect_dma semaphore(%arg8 : memref<!tpu.dma_semaphore, #tpu.memory_space<semaphore_mem>>) src(%dma_wait3A_224 : memref<1000000x128xf32, #tpu.memory_space<hbm>>) dst(%dma_wait3A_218 : memref<128x128xf32, #tpu.memory_space<vmem>>)
    %add3A_225 = arith.constant 896 : i32
    %add3A_226 = arith.addi %mul3A_2, %add3A_225 : i32
    %run_scoped3A_227 = arith.constant 1 : i32
    "tpu.region"() ({
      %run_scoped3A_540 = tpu.sem_alloc : memref<!tpu.dma_semaphore, #tpu.memory_space<semaphore_mem>>
      %dma_start3A_541 = arith.constant 0 : i32
      %dma_start3A_542 = arith.constant 0 : i32
      %dma_start3A_543 = tpu.memref_slice %arg6[%run_scoped3A_227, %dma_start3A_541, %dma_start3A_542] : memref<2x128x128xf32, #tpu.memory_space<vmem>> -> memref<1x128x128xf32, #tpu.memory_space<vmem>>
      %dma_start3A_544 = tpu.memref_squeeze %dma_start3A_543 : memref<1x128x128xf32, #tpu.memory_space<vmem>> -> memref<128x128xf32, #tpu.memory_space<vmem>>
      %dma_start3A_545 = arith.constant 0 : i32
      %dma_start3A_546 = tpu.memref_slice %arg4[%add3A_226, %dma_start3A_545] : memref<81920x128xf32, #tpu.memory_space<hbm>> -> memref<128x128xf32, #tpu.memory_space<hbm>>
      %dma_start3A_547 = arith.constant 0 : i32
      %dma_start3A_548 = tpu.memref_slice %arg4[%add3A_226, %dma_start3A_547] : memref<81920x128xf32, #tpu.memory_space<hbm>> -> memref<128x128xf32, #tpu.memory_space<hbm>>
      %dma_start3A_549 = arith.constant 0 : i32
      %dma_start3A_550 = arith.constant 0 : i32
      %dma_start3A_551 = tpu.memref_slice %arg6[%run_scoped3A_227, %dma_start3A_549, %dma_start3A_550] : memref<2x128x128xf32, #tpu.memory_space<vmem>> -> memref<1x128x128xf32, #tpu.memory_space<vmem>>
      %dma_start3A_552 = tpu.memref_squeeze %dma_start3A_551 : memref<1x128x128xf32, #tpu.memory_space<vmem>> -> memref<128x128xf32, #tpu.memory_space<vmem>>
      tpu.enqueue_dma source(%dma_start3A_552 : memref<128x128xf32, #tpu.memory_space<vmem>>) target(%dma_start3A_548 : memref<128x128xf32, #tpu.memory_space<hbm>>) target_semaphore(%run_scoped3A_540 : memref<!tpu.dma_semaphore, #tpu.memory_space<semaphore_mem>>)
      %dma_wait3A_553 = arith.constant 0 : i32
      %dma_wait3A_554 = arith.constant 0 : i32
      %dma_wait3A_555 = tpu.memref_slice %arg6[%run_scoped3A_227, %dma_wait3A_553, %dma_wait3A_554] : memref<2x128x128xf32, #tpu.memory_space<vmem>> -> memref<1x128x128xf32, #tpu.memory_space<vmem>>
      %dma_wait3A_556 = tpu.memref_squeeze %dma_wait3A_555 : memref<1x128x128xf32, #tpu.memory_space<vmem>> -> memref<128x128xf32, #tpu.memory_space<vmem>>
      %dma_wait3A_557 = arith.constant 0 : i32
      %dma_wait3A_558 = tpu.memref_slice %arg4[%add3A_226, %dma_wait3A_557] : memref<81920x128xf32, #tpu.memory_space<hbm>> -> memref<128x128xf32, #tpu.memory_space<hbm>>
      %dma_wait3A_559 = arith.constant 0 : i32
      %dma_wait3A_560 = tpu.memref_slice %arg4[%add3A_226, %dma_wait3A_559] : memref<81920x128xf32, #tpu.memory_space<hbm>> -> memref<128x128xf32, #tpu.memory_space<hbm>>
      %dma_wait3A_561 = arith.constant 0 : i32
      %dma_wait3A_562 = arith.constant 0 : i32
      %dma_wait3A_563 = tpu.memref_slice %arg6[%run_scoped3A_227, %dma_wait3A_561, %dma_wait3A_562] : memref<2x128x128xf32, #tpu.memory_space<vmem>> -> memref<1x128x128xf32, #tpu.memory_space<vmem>>
      %dma_wait3A_564 = tpu.memref_squeeze %dma_wait3A_563 : memref<1x128x128xf32, #tpu.memory_space<vmem>> -> memref<128x128xf32, #tpu.memory_space<vmem>>
      tpu.wait_dma2 semaphore(%run_scoped3A_540 : memref<!tpu.dma_semaphore, #tpu.memory_space<semaphore_mem>>) src(%dma_wait3A_564 : memref<128x128xf32, #tpu.memory_space<vmem>>) dst(%dma_wait3A_560 : memref<128x128xf32, #tpu.memory_space<hbm>>)
      tpu.yield
    }) : () -> ()
    %dma_start3A_228 = arith.constant 9 : i32
    %dma_start3A_229 = arith.constant 1 : i32
    %dma_start3A_230 = arith.constant 0 : i32
    %dma_start3A_231 = arith.constant 0 : i32
    %dma_start3A_232 = tpu.memref_slice %arg6[%dma_start3A_229, %dma_start3A_230, %dma_start3A_231] : memref<2x128x128xf32, #tpu.memory_space<vmem>> -> memref<1x128x128xf32, #tpu.memory_space<vmem>>
    %dma_start3A_233 = tpu.memref_squeeze %dma_start3A_232 : memref<1x128x128xf32, #tpu.memory_space<vmem>> -> memref<128x128xf32, #tpu.memory_space<vmem>>
    %dma_start3A_234 = arith.constant 0 : i32
    %dma_start3A_235 = tpu.memref_slice %arg5[%dma_start3A_228, %dma_start3A_234] : memref<20x128xi32, #tpu.memory_space<vmem>> -> memref<1x128xi32, #tpu.memory_space<vmem>>
    %dma_start3A_236 = tpu.memref_squeeze %dma_start3A_235 : memref<1x128xi32, #tpu.memory_space<vmem>> -> memref<128xi32, #tpu.memory_space<vmem>>
    %dma_start3A_237 = arith.constant 0 : i32
    %dma_start3A_238 = arith.constant 0 : i32
    %dma_start3A_239 = tpu.memref_slice %arg2[%dma_start3A_237, %dma_start3A_238] : memref<1000000x128xf32, #tpu.memory_space<hbm>> -> memref<1000000x128xf32, #tpu.memory_space<hbm>>
    tpu.enqueue_indirect_dma source(%dma_start3A_239 : memref<1000000x128xf32, #tpu.memory_space<hbm>>) target(%dma_start3A_233 : memref<128x128xf32, #tpu.memory_space<vmem>>) offsets(%dma_start3A_236 : memref<128xi32, #tpu.memory_space<vmem>>) semaphore(%arg8 : memref<!tpu.dma_semaphore, #tpu.memory_space<semaphore_mem>>)
    %dma_wait3A_240 = arith.constant 8 : i32
    %dma_wait3A_241 = arith.constant 0 : i32
    %dma_wait3A_242 = arith.constant 0 : i32
    %dma_wait3A_243 = arith.constant 0 : i32
    %dma_wait3A_244 = tpu.memref_slice %arg6[%dma_wait3A_241, %dma_wait3A_242, %dma_wait3A_243] : memref<2x128x128xf32, #tpu.memory_space<vmem>> -> memref<1x128x128xf32, #tpu.memory_space<vmem>>
    %dma_wait3A_245 = tpu.memref_squeeze %dma_wait3A_244 : memref<1x128x128xf32, #tpu.memory_space<vmem>> -> memref<128x128xf32, #tpu.memory_space<vmem>>
    %dma_wait3A_246 = arith.constant 0 : i32
    %dma_wait3A_247 = tpu.memref_slice %arg5[%dma_wait3A_240, %dma_wait3A_246] : memref<20x128xi32, #tpu.memory_space<vmem>> -> memref<1x128xi32, #tpu.memory_space<vmem>>
    %dma_wait3A_248 = tpu.memref_squeeze %dma_wait3A_247 : memref<1x128xi32, #tpu.memory_space<vmem>> -> memref<128xi32, #tpu.memory_space<vmem>>
    %dma_wait3A_249 = arith.constant 0 : i32
    %dma_wait3A_250 = arith.constant 0 : i32
    %dma_wait3A_251 = tpu.memref_slice %arg2[%dma_wait3A_249, %dma_wait3A_250] : memref<1000000x128xf32, #tpu.memory_space<hbm>> -> memref<1000000x128xf32, #tpu.memory_space<hbm>>
    tpu.wait_indirect_dma semaphore(%arg7 : memref<!tpu.dma_semaphore, #tpu.memory_space<semaphore_mem>>) src(%dma_wait3A_251 : memref<1000000x128xf32, #tpu.memory_space<hbm>>) dst(%dma_wait3A_245 : memref<128x128xf32, #tpu.memory_space<vmem>>)
    %add3A_252 = arith.constant 1024 : i32
    %add3A_253 = arith.addi %mul3A_2, %add3A_252 : i32
    %run_scoped3A_254 = arith.constant 0 : i32
    "tpu.region"() ({
      %run_scoped3A_540 = tpu.sem_alloc : memref<!tpu.dma_semaphore, #tpu.memory_space<semaphore_mem>>
      %dma_start3A_541 = arith.constant 0 : i32
      %dma_start3A_542 = arith.constant 0 : i32
      %dma_start3A_543 = tpu.memref_slice %arg6[%run_scoped3A_254, %dma_start3A_541, %dma_start3A_542] : memref<2x128x128xf32, #tpu.memory_space<vmem>> -> memref<1x128x128xf32, #tpu.memory_space<vmem>>
      %dma_start3A_544 = tpu.memref_squeeze %dma_start3A_543 : memref<1x128x128xf32, #tpu.memory_space<vmem>> -> memref<128x128xf32, #tpu.memory_space<vmem>>
      %dma_start3A_545 = arith.constant 0 : i32
      %dma_start3A_546 = tpu.memref_slice %arg4[%add3A_253, %dma_start3A_545] : memref<81920x128xf32, #tpu.memory_space<hbm>> -> memref<128x128xf32, #tpu.memory_space<hbm>>
      %dma_start3A_547 = arith.constant 0 : i32
      %dma_start3A_548 = tpu.memref_slice %arg4[%add3A_253, %dma_start3A_547] : memref<81920x128xf32, #tpu.memory_space<hbm>> -> memref<128x128xf32, #tpu.memory_space<hbm>>
      %dma_start3A_549 = arith.constant 0 : i32
      %dma_start3A_550 = arith.constant 0 : i32
      %dma_start3A_551 = tpu.memref_slice %arg6[%run_scoped3A_254, %dma_start3A_549, %dma_start3A_550] : memref<2x128x128xf32, #tpu.memory_space<vmem>> -> memref<1x128x128xf32, #tpu.memory_space<vmem>>
      %dma_start3A_552 = tpu.memref_squeeze %dma_start3A_551 : memref<1x128x128xf32, #tpu.memory_space<vmem>> -> memref<128x128xf32, #tpu.memory_space<vmem>>
      tpu.enqueue_dma source(%dma_start3A_552 : memref<128x128xf32, #tpu.memory_space<vmem>>) target(%dma_start3A_548 : memref<128x128xf32, #tpu.memory_space<hbm>>) target_semaphore(%run_scoped3A_540 : memref<!tpu.dma_semaphore, #tpu.memory_space<semaphore_mem>>)
      %dma_wait3A_553 = arith.constant 0 : i32
      %dma_wait3A_554 = arith.constant 0 : i32
      %dma_wait3A_555 = tpu.memref_slice %arg6[%run_scoped3A_254, %dma_wait3A_553, %dma_wait3A_554] : memref<2x128x128xf32, #tpu.memory_space<vmem>> -> memref<1x128x128xf32, #tpu.memory_space<vmem>>
      %dma_wait3A_556 = tpu.memref_squeeze %dma_wait3A_555 : memref<1x128x128xf32, #tpu.memory_space<vmem>> -> memref<128x128xf32, #tpu.memory_space<vmem>>
      %dma_wait3A_557 = arith.constant 0 : i32
      %dma_wait3A_558 = tpu.memref_slice %arg4[%add3A_253, %dma_wait3A_557] : memref<81920x128xf32, #tpu.memory_space<hbm>> -> memref<128x128xf32, #tpu.memory_space<hbm>>
      %dma_wait3A_559 = arith.constant 0 : i32
      %dma_wait3A_560 = tpu.memref_slice %arg4[%add3A_253, %dma_wait3A_559] : memref<81920x128xf32, #tpu.memory_space<hbm>> -> memref<128x128xf32, #tpu.memory_space<hbm>>
      %dma_wait3A_561 = arith.constant 0 : i32
      %dma_wait3A_562 = arith.constant 0 : i32
      %dma_wait3A_563 = tpu.memref_slice %arg6[%run_scoped3A_254, %dma_wait3A_561, %dma_wait3A_562] : memref<2x128x128xf32, #tpu.memory_space<vmem>> -> memref<1x128x128xf32, #tpu.memory_space<vmem>>
      %dma_wait3A_564 = tpu.memref_squeeze %dma_wait3A_563 : memref<1x128x128xf32, #tpu.memory_space<vmem>> -> memref<128x128xf32, #tpu.memory_space<vmem>>
      tpu.wait_dma2 semaphore(%run_scoped3A_540 : memref<!tpu.dma_semaphore, #tpu.memory_space<semaphore_mem>>) src(%dma_wait3A_564 : memref<128x128xf32, #tpu.memory_space<vmem>>) dst(%dma_wait3A_560 : memref<128x128xf32, #tpu.memory_space<hbm>>)
      tpu.yield
    }) : () -> ()
    %dma_start3A_255 = arith.constant 10 : i32
    %dma_start3A_256 = arith.constant 0 : i32
    %dma_start3A_257 = arith.constant 0 : i32
    %dma_start3A_258 = arith.constant 0 : i32
    %dma_start3A_259 = tpu.memref_slice %arg6[%dma_start3A_256, %dma_start3A_257, %dma_start3A_258] : memref<2x128x128xf32, #tpu.memory_space<vmem>> -> memref<1x128x128xf32, #tpu.memory_space<vmem>>
    %dma_start3A_260 = tpu.memref_squeeze %dma_start3A_259 : memref<1x128x128xf32, #tpu.memory_space<vmem>> -> memref<128x128xf32, #tpu.memory_space<vmem>>
    %dma_start3A_261 = arith.constant 0 : i32
    %dma_start3A_262 = tpu.memref_slice %arg5[%dma_start3A_255, %dma_start3A_261] : memref<20x128xi32, #tpu.memory_space<vmem>> -> memref<1x128xi32, #tpu.memory_space<vmem>>
    %dma_start3A_263 = tpu.memref_squeeze %dma_start3A_262 : memref<1x128xi32, #tpu.memory_space<vmem>> -> memref<128xi32, #tpu.memory_space<vmem>>
    %dma_start3A_264 = arith.constant 0 : i32
    %dma_start3A_265 = arith.constant 0 : i32
    %dma_start3A_266 = tpu.memref_slice %arg2[%dma_start3A_264, %dma_start3A_265] : memref<1000000x128xf32, #tpu.memory_space<hbm>> -> memref<1000000x128xf32, #tpu.memory_space<hbm>>
    tpu.enqueue_indirect_dma source(%dma_start3A_266 : memref<1000000x128xf32, #tpu.memory_space<hbm>>) target(%dma_start3A_260 : memref<128x128xf32, #tpu.memory_space<vmem>>) offsets(%dma_start3A_263 : memref<128xi32, #tpu.memory_space<vmem>>) semaphore(%arg7 : memref<!tpu.dma_semaphore, #tpu.memory_space<semaphore_mem>>)
    %dma_wait3A_267 = arith.constant 9 : i32
    %dma_wait3A_268 = arith.constant 1 : i32
    %dma_wait3A_269 = arith.constant 0 : i32
    %dma_wait3A_270 = arith.constant 0 : i32
    %dma_wait3A_271 = tpu.memref_slice %arg6[%dma_wait3A_268, %dma_wait3A_269, %dma_wait3A_270] : memref<2x128x128xf32, #tpu.memory_space<vmem>> -> memref<1x128x128xf32, #tpu.memory_space<vmem>>
    %dma_wait3A_272 = tpu.memref_squeeze %dma_wait3A_271 : memref<1x128x128xf32, #tpu.memory_space<vmem>> -> memref<128x128xf32, #tpu.memory_space<vmem>>
    %dma_wait3A_273 = arith.constant 0 : i32
    %dma_wait3A_274 = tpu.memref_slice %arg5[%dma_wait3A_267, %dma_wait3A_273] : memref<20x128xi32, #tpu.memory_space<vmem>> -> memref<1x128xi32, #tpu.memory_space<vmem>>
    %dma_wait3A_275 = tpu.memref_squeeze %dma_wait3A_274 : memref<1x128xi32, #tpu.memory_space<vmem>> -> memref<128xi32, #tpu.memory_space<vmem>>
    %dma_wait3A_276 = arith.constant 0 : i32
    %dma_wait3A_277 = arith.constant 0 : i32
    %dma_wait3A_278 = tpu.memref_slice %arg2[%dma_wait3A_276, %dma_wait3A_277] : memref<1000000x128xf32, #tpu.memory_space<hbm>> -> memref<1000000x128xf32, #tpu.memory_space<hbm>>
    tpu.wait_indirect_dma semaphore(%arg8 : memref<!tpu.dma_semaphore, #tpu.memory_space<semaphore_mem>>) src(%dma_wait3A_278 : memref<1000000x128xf32, #tpu.memory_space<hbm>>) dst(%dma_wait3A_272 : memref<128x128xf32, #tpu.memory_space<vmem>>)
    %add3A_279 = arith.constant 1152 : i32
    %add3A_280 = arith.addi %mul3A_2, %add3A_279 : i32
    %run_scoped3A_281 = arith.constant 1 : i32
    "tpu.region"() ({
      %run_scoped3A_540 = tpu.sem_alloc : memref<!tpu.dma_semaphore, #tpu.memory_space<semaphore_mem>>
      %dma_start3A_541 = arith.constant 0 : i32
      %dma_start3A_542 = arith.constant 0 : i32
      %dma_start3A_543 = tpu.memref_slice %arg6[%run_scoped3A_281, %dma_start3A_541, %dma_start3A_542] : memref<2x128x128xf32, #tpu.memory_space<vmem>> -> memref<1x128x128xf32, #tpu.memory_space<vmem>>
      %dma_start3A_544 = tpu.memref_squeeze %dma_start3A_543 : memref<1x128x128xf32, #tpu.memory_space<vmem>> -> memref<128x128xf32, #tpu.memory_space<vmem>>
      %dma_start3A_545 = arith.constant 0 : i32
      %dma_start3A_546 = tpu.memref_slice %arg4[%add3A_280, %dma_start3A_545] : memref<81920x128xf32, #tpu.memory_space<hbm>> -> memref<128x128xf32, #tpu.memory_space<hbm>>
      %dma_start3A_547 = arith.constant 0 : i32
      %dma_start3A_548 = tpu.memref_slice %arg4[%add3A_280, %dma_start3A_547] : memref<81920x128xf32, #tpu.memory_space<hbm>> -> memref<128x128xf32, #tpu.memory_space<hbm>>
      %dma_start3A_549 = arith.constant 0 : i32
      %dma_start3A_550 = arith.constant 0 : i32
      %dma_start3A_551 = tpu.memref_slice %arg6[%run_scoped3A_281, %dma_start3A_549, %dma_start3A_550] : memref<2x128x128xf32, #tpu.memory_space<vmem>> -> memref<1x128x128xf32, #tpu.memory_space<vmem>>
      %dma_start3A_552 = tpu.memref_squeeze %dma_start3A_551 : memref<1x128x128xf32, #tpu.memory_space<vmem>> -> memref<128x128xf32, #tpu.memory_space<vmem>>
      tpu.enqueue_dma source(%dma_start3A_552 : memref<128x128xf32, #tpu.memory_space<vmem>>) target(%dma_start3A_548 : memref<128x128xf32, #tpu.memory_space<hbm>>) target_semaphore(%run_scoped3A_540 : memref<!tpu.dma_semaphore, #tpu.memory_space<semaphore_mem>>)
      %dma_wait3A_553 = arith.constant 0 : i32
      %dma_wait3A_554 = arith.constant 0 : i32
      %dma_wait3A_555 = tpu.memref_slice %arg6[%run_scoped3A_281, %dma_wait3A_553, %dma_wait3A_554] : memref<2x128x128xf32, #tpu.memory_space<vmem>> -> memref<1x128x128xf32, #tpu.memory_space<vmem>>
      %dma_wait3A_556 = tpu.memref_squeeze %dma_wait3A_555 : memref<1x128x128xf32, #tpu.memory_space<vmem>> -> memref<128x128xf32, #tpu.memory_space<vmem>>
      %dma_wait3A_557 = arith.constant 0 : i32
      %dma_wait3A_558 = tpu.memref_slice %arg4[%add3A_280, %dma_wait3A_557] : memref<81920x128xf32, #tpu.memory_space<hbm>> -> memref<128x128xf32, #tpu.memory_space<hbm>>
      %dma_wait3A_559 = arith.constant 0 : i32
      %dma_wait3A_560 = tpu.memref_slice %arg4[%add3A_280, %dma_wait3A_559] : memref<81920x128xf32, #tpu.memory_space<hbm>> -> memref<128x128xf32, #tpu.memory_space<hbm>>
      %dma_wait3A_561 = arith.constant 0 : i32
      %dma_wait3A_562 = arith.constant 0 : i32
      %dma_wait3A_563 = tpu.memref_slice %arg6[%run_scoped3A_281, %dma_wait3A_561, %dma_wait3A_562] : memref<2x128x128xf32, #tpu.memory_space<vmem>> -> memref<1x128x128xf32, #tpu.memory_space<vmem>>
      %dma_wait3A_564 = tpu.memref_squeeze %dma_wait3A_563 : memref<1x128x128xf32, #tpu.memory_space<vmem>> -> memref<128x128xf32, #tpu.memory_space<vmem>>
      tpu.wait_dma2 semaphore(%run_scoped3A_540 : memref<!tpu.dma_semaphore, #tpu.memory_space<semaphore_mem>>) src(%dma_wait3A_564 : memref<128x128xf32, #tpu.memory_space<vmem>>) dst(%dma_wait3A_560 : memref<128x128xf32, #tpu.memory_space<hbm>>)
      tpu.yield
    }) : () -> ()
    %dma_start3A_282 = arith.constant 11 : i32
    %dma_start3A_283 = arith.constant 1 : i32
    %dma_start3A_284 = arith.constant 0 : i32
    %dma_start3A_285 = arith.constant 0 : i32
    %dma_start3A_286 = tpu.memref_slice %arg6[%dma_start3A_283, %dma_start3A_284, %dma_start3A_285] : memref<2x128x128xf32, #tpu.memory_space<vmem>> -> memref<1x128x128xf32, #tpu.memory_space<vmem>>
    %dma_start3A_287 = tpu.memref_squeeze %dma_start3A_286 : memref<1x128x128xf32, #tpu.memory_space<vmem>> -> memref<128x128xf32, #tpu.memory_space<vmem>>
    %dma_start3A_288 = arith.constant 0 : i32
    %dma_start3A_289 = tpu.memref_slice %arg5[%dma_start3A_282, %dma_start3A_288] : memref<20x128xi32, #tpu.memory_space<vmem>> -> memref<1x128xi32, #tpu.memory_space<vmem>>
    %dma_start3A_290 = tpu.memref_squeeze %dma_start3A_289 : memref<1x128xi32, #tpu.memory_space<vmem>> -> memref<128xi32, #tpu.memory_space<vmem>>
    %dma_start3A_291 = arith.constant 0 : i32
    %dma_start3A_292 = arith.constant 0 : i32
    %dma_start3A_293 = tpu.memref_slice %arg2[%dma_start3A_291, %dma_start3A_292] : memref<1000000x128xf32, #tpu.memory_space<hbm>> -> memref<1000000x128xf32, #tpu.memory_space<hbm>>
    tpu.enqueue_indirect_dma source(%dma_start3A_293 : memref<1000000x128xf32, #tpu.memory_space<hbm>>) target(%dma_start3A_287 : memref<128x128xf32, #tpu.memory_space<vmem>>) offsets(%dma_start3A_290 : memref<128xi32, #tpu.memory_space<vmem>>) semaphore(%arg8 : memref<!tpu.dma_semaphore, #tpu.memory_space<semaphore_mem>>)
    %dma_wait3A_294 = arith.constant 10 : i32
    %dma_wait3A_295 = arith.constant 0 : i32
    %dma_wait3A_296 = arith.constant 0 : i32
    %dma_wait3A_297 = arith.constant 0 : i32
    %dma_wait3A_298 = tpu.memref_slice %arg6[%dma_wait3A_295, %dma_wait3A_296, %dma_wait3A_297] : memref<2x128x128xf32, #tpu.memory_space<vmem>> -> memref<1x128x128xf32, #tpu.memory_space<vmem>>
    %dma_wait3A_299 = tpu.memref_squeeze %dma_wait3A_298 : memref<1x128x128xf32, #tpu.memory_space<vmem>> -> memref<128x128xf32, #tpu.memory_space<vmem>>
    %dma_wait3A_300 = arith.constant 0 : i32
    %dma_wait3A_301 = tpu.memref_slice %arg5[%dma_wait3A_294, %dma_wait3A_300] : memref<20x128xi32, #tpu.memory_space<vmem>> -> memref<1x128xi32, #tpu.memory_space<vmem>>
    %dma_wait3A_302 = tpu.memref_squeeze %dma_wait3A_301 : memref<1x128xi32, #tpu.memory_space<vmem>> -> memref<128xi32, #tpu.memory_space<vmem>>
    %dma_wait3A_303 = arith.constant 0 : i32
    %dma_wait3A_304 = arith.constant 0 : i32
    %dma_wait3A_305 = tpu.memref_slice %arg2[%dma_wait3A_303, %dma_wait3A_304] : memref<1000000x128xf32, #tpu.memory_space<hbm>> -> memref<1000000x128xf32, #tpu.memory_space<hbm>>
    tpu.wait_indirect_dma semaphore(%arg7 : memref<!tpu.dma_semaphore, #tpu.memory_space<semaphore_mem>>) src(%dma_wait3A_305 : memref<1000000x128xf32, #tpu.memory_space<hbm>>) dst(%dma_wait3A_299 : memref<128x128xf32, #tpu.memory_space<vmem>>)
    %add3A_306 = arith.constant 1280 : i32
    %add3A_307 = arith.addi %mul3A_2, %add3A_306 : i32
    %run_scoped3A_308 = arith.constant 0 : i32
    "tpu.region"() ({
      %run_scoped3A_540 = tpu.sem_alloc : memref<!tpu.dma_semaphore, #tpu.memory_space<semaphore_mem>>
      %dma_start3A_541 = arith.constant 0 : i32
      %dma_start3A_542 = arith.constant 0 : i32
      %dma_start3A_543 = tpu.memref_slice %arg6[%run_scoped3A_308, %dma_start3A_541, %dma_start3A_542] : memref<2x128x128xf32, #tpu.memory_space<vmem>> -> memref<1x128x128xf32, #tpu.memory_space<vmem>>
      %dma_start3A_544 = tpu.memref_squeeze %dma_start3A_543 : memref<1x128x128xf32, #tpu.memory_space<vmem>> -> memref<128x128xf32, #tpu.memory_space<vmem>>
      %dma_start3A_545 = arith.constant 0 : i32
      %dma_start3A_546 = tpu.memref_slice %arg4[%add3A_307, %dma_start3A_545] : memref<81920x128xf32, #tpu.memory_space<hbm>> -> memref<128x128xf32, #tpu.memory_space<hbm>>
      %dma_start3A_547 = arith.constant 0 : i32
      %dma_start3A_548 = tpu.memref_slice %arg4[%add3A_307, %dma_start3A_547] : memref<81920x128xf32, #tpu.memory_space<hbm>> -> memref<128x128xf32, #tpu.memory_space<hbm>>
      %dma_start3A_549 = arith.constant 0 : i32
      %dma_start3A_550 = arith.constant 0 : i32
      %dma_start3A_551 = tpu.memref_slice %arg6[%run_scoped3A_308, %dma_start3A_549, %dma_start3A_550] : memref<2x128x128xf32, #tpu.memory_space<vmem>> -> memref<1x128x128xf32, #tpu.memory_space<vmem>>
      %dma_start3A_552 = tpu.memref_squeeze %dma_start3A_551 : memref<1x128x128xf32, #tpu.memory_space<vmem>> -> memref<128x128xf32, #tpu.memory_space<vmem>>
      tpu.enqueue_dma source(%dma_start3A_552 : memref<128x128xf32, #tpu.memory_space<vmem>>) target(%dma_start3A_548 : memref<128x128xf32, #tpu.memory_space<hbm>>) target_semaphore(%run_scoped3A_540 : memref<!tpu.dma_semaphore, #tpu.memory_space<semaphore_mem>>)
      %dma_wait3A_553 = arith.constant 0 : i32
      %dma_wait3A_554 = arith.constant 0 : i32
      %dma_wait3A_555 = tpu.memref_slice %arg6[%run_scoped3A_308, %dma_wait3A_553, %dma_wait3A_554] : memref<2x128x128xf32, #tpu.memory_space<vmem>> -> memref<1x128x128xf32, #tpu.memory_space<vmem>>
      %dma_wait3A_556 = tpu.memref_squeeze %dma_wait3A_555 : memref<1x128x128xf32, #tpu.memory_space<vmem>> -> memref<128x128xf32, #tpu.memory_space<vmem>>
      %dma_wait3A_557 = arith.constant 0 : i32
      %dma_wait3A_558 = tpu.memref_slice %arg4[%add3A_307, %dma_wait3A_557] : memref<81920x128xf32, #tpu.memory_space<hbm>> -> memref<128x128xf32, #tpu.memory_space<hbm>>
      %dma_wait3A_559 = arith.constant 0 : i32
      %dma_wait3A_560 = tpu.memref_slice %arg4[%add3A_307, %dma_wait3A_559] : memref<81920x128xf32, #tpu.memory_space<hbm>> -> memref<128x128xf32, #tpu.memory_space<hbm>>
      %dma_wait3A_561 = arith.constant 0 : i32
      %dma_wait3A_562 = arith.constant 0 : i32
      %dma_wait3A_563 = tpu.memref_slice %arg6[%run_scoped3A_308, %dma_wait3A_561, %dma_wait3A_562] : memref<2x128x128xf32, #tpu.memory_space<vmem>> -> memref<1x128x128xf32, #tpu.memory_space<vmem>>
      %dma_wait3A_564 = tpu.memref_squeeze %dma_wait3A_563 : memref<1x128x128xf32, #tpu.memory_space<vmem>> -> memref<128x128xf32, #tpu.memory_space<vmem>>
      tpu.wait_dma2 semaphore(%run_scoped3A_540 : memref<!tpu.dma_semaphore, #tpu.memory_space<semaphore_mem>>) src(%dma_wait3A_564 : memref<128x128xf32, #tpu.memory_space<vmem>>) dst(%dma_wait3A_560 : memref<128x128xf32, #tpu.memory_space<hbm>>)
      tpu.yield
    }) : () -> ()
    %dma_start3A_309 = arith.constant 12 : i32
    %dma_start3A_310 = arith.constant 0 : i32
    %dma_start3A_311 = arith.constant 0 : i32
    %dma_start3A_312 = arith.constant 0 : i32
    %dma_start3A_313 = tpu.memref_slice %arg6[%dma_start3A_310, %dma_start3A_311, %dma_start3A_312] : memref<2x128x128xf32, #tpu.memory_space<vmem>> -> memref<1x128x128xf32, #tpu.memory_space<vmem>>
    %dma_start3A_314 = tpu.memref_squeeze %dma_start3A_313 : memref<1x128x128xf32, #tpu.memory_space<vmem>> -> memref<128x128xf32, #tpu.memory_space<vmem>>
    %dma_start3A_315 = arith.constant 0 : i32
    %dma_start3A_316 = tpu.memref_slice %arg5[%dma_start3A_309, %dma_start3A_315] : memref<20x128xi32, #tpu.memory_space<vmem>> -> memref<1x128xi32, #tpu.memory_space<vmem>>
    %dma_start3A_317 = tpu.memref_squeeze %dma_start3A_316 : memref<1x128xi32, #tpu.memory_space<vmem>> -> memref<128xi32, #tpu.memory_space<vmem>>
    %dma_start3A_318 = arith.constant 0 : i32
    %dma_start3A_319 = arith.constant 0 : i32
    %dma_start3A_320 = tpu.memref_slice %arg2[%dma_start3A_318, %dma_start3A_319] : memref<1000000x128xf32, #tpu.memory_space<hbm>> -> memref<1000000x128xf32, #tpu.memory_space<hbm>>
    tpu.enqueue_indirect_dma source(%dma_start3A_320 : memref<1000000x128xf32, #tpu.memory_space<hbm>>) target(%dma_start3A_314 : memref<128x128xf32, #tpu.memory_space<vmem>>) offsets(%dma_start3A_317 : memref<128xi32, #tpu.memory_space<vmem>>) semaphore(%arg7 : memref<!tpu.dma_semaphore, #tpu.memory_space<semaphore_mem>>)
    %dma_wait3A_321 = arith.constant 11 : i32
    %dma_wait3A_322 = arith.constant 1 : i32
    %dma_wait3A_323 = arith.constant 0 : i32
    %dma_wait3A_324 = arith.constant 0 : i32
    %dma_wait3A_325 = tpu.memref_slice %arg6[%dma_wait3A_322, %dma_wait3A_323, %dma_wait3A_324] : memref<2x128x128xf32, #tpu.memory_space<vmem>> -> memref<1x128x128xf32, #tpu.memory_space<vmem>>
    %dma_wait3A_326 = tpu.memref_squeeze %dma_wait3A_325 : memref<1x128x128xf32, #tpu.memory_space<vmem>> -> memref<128x128xf32, #tpu.memory_space<vmem>>
    %dma_wait3A_327 = arith.constant 0 : i32
    %dma_wait3A_328 = tpu.memref_slice %arg5[%dma_wait3A_321, %dma_wait3A_327] : memref<20x128xi32, #tpu.memory_space<vmem>> -> memref<1x128xi32, #tpu.memory_space<vmem>>
    %dma_wait3A_329 = tpu.memref_squeeze %dma_wait3A_328 : memref<1x128xi32, #tpu.memory_space<vmem>> -> memref<128xi32, #tpu.memory_space<vmem>>
    %dma_wait3A_330 = arith.constant 0 : i32
    %dma_wait3A_331 = arith.constant 0 : i32
    %dma_wait3A_332 = tpu.memref_slice %arg2[%dma_wait3A_330, %dma_wait3A_331] : memref<1000000x128xf32, #tpu.memory_space<hbm>> -> memref<1000000x128xf32, #tpu.memory_space<hbm>>
    tpu.wait_indirect_dma semaphore(%arg8 : memref<!tpu.dma_semaphore, #tpu.memory_space<semaphore_mem>>) src(%dma_wait3A_332 : memref<1000000x128xf32, #tpu.memory_space<hbm>>) dst(%dma_wait3A_326 : memref<128x128xf32, #tpu.memory_space<vmem>>)
    %add3A_333 = arith.constant 1408 : i32
    %add3A_334 = arith.addi %mul3A_2, %add3A_333 : i32
    %run_scoped3A_335 = arith.constant 1 : i32
    "tpu.region"() ({
      %run_scoped3A_540 = tpu.sem_alloc : memref<!tpu.dma_semaphore, #tpu.memory_space<semaphore_mem>>
      %dma_start3A_541 = arith.constant 0 : i32
      %dma_start3A_542 = arith.constant 0 : i32
      %dma_start3A_543 = tpu.memref_slice %arg6[%run_scoped3A_335, %dma_start3A_541, %dma_start3A_542] : memref<2x128x128xf32, #tpu.memory_space<vmem>> -> memref<1x128x128xf32, #tpu.memory_space<vmem>>
      %dma_start3A_544 = tpu.memref_squeeze %dma_start3A_543 : memref<1x128x128xf32, #tpu.memory_space<vmem>> -> memref<128x128xf32, #tpu.memory_space<vmem>>
      %dma_start3A_545 = arith.constant 0 : i32
      %dma_start3A_546 = tpu.memref_slice %arg4[%add3A_334, %dma_start3A_545] : memref<81920x128xf32, #tpu.memory_space<hbm>> -> memref<128x128xf32, #tpu.memory_space<hbm>>
      %dma_start3A_547 = arith.constant 0 : i32
      %dma_start3A_548 = tpu.memref_slice %arg4[%add3A_334, %dma_start3A_547] : memref<81920x128xf32, #tpu.memory_space<hbm>> -> memref<128x128xf32, #tpu.memory_space<hbm>>
      %dma_start3A_549 = arith.constant 0 : i32
      %dma_start3A_550 = arith.constant 0 : i32
      %dma_start3A_551 = tpu.memref_slice %arg6[%run_scoped3A_335, %dma_start3A_549, %dma_start3A_550] : memref<2x128x128xf32, #tpu.memory_space<vmem>> -> memref<1x128x128xf32, #tpu.memory_space<vmem>>
      %dma_start3A_552 = tpu.memref_squeeze %dma_start3A_551 : memref<1x128x128xf32, #tpu.memory_space<vmem>> -> memref<128x128xf32, #tpu.memory_space<vmem>>
      tpu.enqueue_dma source(%dma_start3A_552 : memref<128x128xf32, #tpu.memory_space<vmem>>) target(%dma_start3A_548 : memref<128x128xf32, #tpu.memory_space<hbm>>) target_semaphore(%run_scoped3A_540 : memref<!tpu.dma_semaphore, #tpu.memory_space<semaphore_mem>>)
      %dma_wait3A_553 = arith.constant 0 : i32
      %dma_wait3A_554 = arith.constant 0 : i32
      %dma_wait3A_555 = tpu.memref_slice %arg6[%run_scoped3A_335, %dma_wait3A_553, %dma_wait3A_554] : memref<2x128x128xf32, #tpu.memory_space<vmem>> -> memref<1x128x128xf32, #tpu.memory_space<vmem>>
      %dma_wait3A_556 = tpu.memref_squeeze %dma_wait3A_555 : memref<1x128x128xf32, #tpu.memory_space<vmem>> -> memref<128x128xf32, #tpu.memory_space<vmem>>
      %dma_wait3A_557 = arith.constant 0 : i32
      %dma_wait3A_558 = tpu.memref_slice %arg4[%add3A_334, %dma_wait3A_557] : memref<81920x128xf32, #tpu.memory_space<hbm>> -> memref<128x128xf32, #tpu.memory_space<hbm>>
      %dma_wait3A_559 = arith.constant 0 : i32
      %dma_wait3A_560 = tpu.memref_slice %arg4[%add3A_334, %dma_wait3A_559] : memref<81920x128xf32, #tpu.memory_space<hbm>> -> memref<128x128xf32, #tpu.memory_space<hbm>>
      %dma_wait3A_561 = arith.constant 0 : i32
      %dma_wait3A_562 = arith.constant 0 : i32
      %dma_wait3A_563 = tpu.memref_slice %arg6[%run_scoped3A_335, %dma_wait3A_561, %dma_wait3A_562] : memref<2x128x128xf32, #tpu.memory_space<vmem>> -> memref<1x128x128xf32, #tpu.memory_space<vmem>>
      %dma_wait3A_564 = tpu.memref_squeeze %dma_wait3A_563 : memref<1x128x128xf32, #tpu.memory_space<vmem>> -> memref<128x128xf32, #tpu.memory_space<vmem>>
      tpu.wait_dma2 semaphore(%run_scoped3A_540 : memref<!tpu.dma_semaphore, #tpu.memory_space<semaphore_mem>>) src(%dma_wait3A_564 : memref<128x128xf32, #tpu.memory_space<vmem>>) dst(%dma_wait3A_560 : memref<128x128xf32, #tpu.memory_space<hbm>>)
      tpu.yield
    }) : () -> ()
    %dma_start3A_336 = arith.constant 13 : i32
    %dma_start3A_337 = arith.constant 1 : i32
    %dma_start3A_338 = arith.constant 0 : i32
    %dma_start3A_339 = arith.constant 0 : i32
    %dma_start3A_340 = tpu.memref_slice %arg6[%dma_start3A_337, %dma_start3A_338, %dma_start3A_339] : memref<2x128x128xf32, #tpu.memory_space<vmem>> -> memref<1x128x128xf32, #tpu.memory_space<vmem>>
    %dma_start3A_341 = tpu.memref_squeeze %dma_start3A_340 : memref<1x128x128xf32, #tpu.memory_space<vmem>> -> memref<128x128xf32, #tpu.memory_space<vmem>>
    %dma_start3A_342 = arith.constant 0 : i32
    %dma_start3A_343 = tpu.memref_slice %arg5[%dma_start3A_336, %dma_start3A_342] : memref<20x128xi32, #tpu.memory_space<vmem>> -> memref<1x128xi32, #tpu.memory_space<vmem>>
    %dma_start3A_344 = tpu.memref_squeeze %dma_start3A_343 : memref<1x128xi32, #tpu.memory_space<vmem>> -> memref<128xi32, #tpu.memory_space<vmem>>
    %dma_start3A_345 = arith.constant 0 : i32
    %dma_start3A_346 = arith.constant 0 : i32
    %dma_start3A_347 = tpu.memref_slice %arg2[%dma_start3A_345, %dma_start3A_346] : memref<1000000x128xf32, #tpu.memory_space<hbm>> -> memref<1000000x128xf32, #tpu.memory_space<hbm>>
    tpu.enqueue_indirect_dma source(%dma_start3A_347 : memref<1000000x128xf32, #tpu.memory_space<hbm>>) target(%dma_start3A_341 : memref<128x128xf32, #tpu.memory_space<vmem>>) offsets(%dma_start3A_344 : memref<128xi32, #tpu.memory_space<vmem>>) semaphore(%arg8 : memref<!tpu.dma_semaphore, #tpu.memory_space<semaphore_mem>>)
    %dma_wait3A_348 = arith.constant 12 : i32
    %dma_wait3A_349 = arith.constant 0 : i32
    %dma_wait3A_350 = arith.constant 0 : i32
    %dma_wait3A_351 = arith.constant 0 : i32
    %dma_wait3A_352 = tpu.memref_slice %arg6[%dma_wait3A_349, %dma_wait3A_350, %dma_wait3A_351] : memref<2x128x128xf32, #tpu.memory_space<vmem>> -> memref<1x128x128xf32, #tpu.memory_space<vmem>>
    %dma_wait3A_353 = tpu.memref_squeeze %dma_wait3A_352 : memref<1x128x128xf32, #tpu.memory_space<vmem>> -> memref<128x128xf32, #tpu.memory_space<vmem>>
    %dma_wait3A_354 = arith.constant 0 : i32
    %dma_wait3A_355 = tpu.memref_slice %arg5[%dma_wait3A_348, %dma_wait3A_354] : memref<20x128xi32, #tpu.memory_space<vmem>> -> memref<1x128xi32, #tpu.memory_space<vmem>>
    %dma_wait3A_356 = tpu.memref_squeeze %dma_wait3A_355 : memref<1x128xi32, #tpu.memory_space<vmem>> -> memref<128xi32, #tpu.memory_space<vmem>>
    %dma_wait3A_357 = arith.constant 0 : i32
    %dma_wait3A_358 = arith.constant 0 : i32
    %dma_wait3A_359 = tpu.memref_slice %arg2[%dma_wait3A_357, %dma_wait3A_358] : memref<1000000x128xf32, #tpu.memory_space<hbm>> -> memref<1000000x128xf32, #tpu.memory_space<hbm>>
    tpu.wait_indirect_dma semaphore(%arg7 : memref<!tpu.dma_semaphore, #tpu.memory_space<semaphore_mem>>) src(%dma_wait3A_359 : memref<1000000x128xf32, #tpu.memory_space<hbm>>) dst(%dma_wait3A_353 : memref<128x128xf32, #tpu.memory_space<vmem>>)
    %add3A_360 = arith.constant 1536 : i32
    %add3A_361 = arith.addi %mul3A_2, %add3A_360 : i32
    %run_scoped3A_362 = arith.constant 0 : i32
    "tpu.region"() ({
      %run_scoped3A_540 = tpu.sem_alloc : memref<!tpu.dma_semaphore, #tpu.memory_space<semaphore_mem>>
      %dma_start3A_541 = arith.constant 0 : i32
      %dma_start3A_542 = arith.constant 0 : i32
      %dma_start3A_543 = tpu.memref_slice %arg6[%run_scoped3A_362, %dma_start3A_541, %dma_start3A_542] : memref<2x128x128xf32, #tpu.memory_space<vmem>> -> memref<1x128x128xf32, #tpu.memory_space<vmem>>
      %dma_start3A_544 = tpu.memref_squeeze %dma_start3A_543 : memref<1x128x128xf32, #tpu.memory_space<vmem>> -> memref<128x128xf32, #tpu.memory_space<vmem>>
      %dma_start3A_545 = arith.constant 0 : i32
      %dma_start3A_546 = tpu.memref_slice %arg4[%add3A_361, %dma_start3A_545] : memref<81920x128xf32, #tpu.memory_space<hbm>> -> memref<128x128xf32, #tpu.memory_space<hbm>>
      %dma_start3A_547 = arith.constant 0 : i32
      %dma_start3A_548 = tpu.memref_slice %arg4[%add3A_361, %dma_start3A_547] : memref<81920x128xf32, #tpu.memory_space<hbm>> -> memref<128x128xf32, #tpu.memory_space<hbm>>
      %dma_start3A_549 = arith.constant 0 : i32
      %dma_start3A_550 = arith.constant 0 : i32
      %dma_start3A_551 = tpu.memref_slice %arg6[%run_scoped3A_362, %dma_start3A_549, %dma_start3A_550] : memref<2x128x128xf32, #tpu.memory_space<vmem>> -> memref<1x128x128xf32, #tpu.memory_space<vmem>>
      %dma_start3A_552 = tpu.memref_squeeze %dma_start3A_551 : memref<1x128x128xf32, #tpu.memory_space<vmem>> -> memref<128x128xf32, #tpu.memory_space<vmem>>
      tpu.enqueue_dma source(%dma_start3A_552 : memref<128x128xf32, #tpu.memory_space<vmem>>) target(%dma_start3A_548 : memref<128x128xf32, #tpu.memory_space<hbm>>) target_semaphore(%run_scoped3A_540 : memref<!tpu.dma_semaphore, #tpu.memory_space<semaphore_mem>>)
      %dma_wait3A_553 = arith.constant 0 : i32
      %dma_wait3A_554 = arith.constant 0 : i32
      %dma_wait3A_555 = tpu.memref_slice %arg6[%run_scoped3A_362, %dma_wait3A_553, %dma_wait3A_554] : memref<2x128x128xf32, #tpu.memory_space<vmem>> -> memref<1x128x128xf32, #tpu.memory_space<vmem>>
      %dma_wait3A_556 = tpu.memref_squeeze %dma_wait3A_555 : memref<1x128x128xf32, #tpu.memory_space<vmem>> -> memref<128x128xf32, #tpu.memory_space<vmem>>
      %dma_wait3A_557 = arith.constant 0 : i32
      %dma_wait3A_558 = tpu.memref_slice %arg4[%add3A_361, %dma_wait3A_557] : memref<81920x128xf32, #tpu.memory_space<hbm>> -> memref<128x128xf32, #tpu.memory_space<hbm>>
      %dma_wait3A_559 = arith.constant 0 : i32
      %dma_wait3A_560 = tpu.memref_slice %arg4[%add3A_361, %dma_wait3A_559] : memref<81920x128xf32, #tpu.memory_space<hbm>> -> memref<128x128xf32, #tpu.memory_space<hbm>>
      %dma_wait3A_561 = arith.constant 0 : i32
      %dma_wait3A_562 = arith.constant 0 : i32
      %dma_wait3A_563 = tpu.memref_slice %arg6[%run_scoped3A_362, %dma_wait3A_561, %dma_wait3A_562] : memref<2x128x128xf32, #tpu.memory_space<vmem>> -> memref<1x128x128xf32, #tpu.memory_space<vmem>>
      %dma_wait3A_564 = tpu.memref_squeeze %dma_wait3A_563 : memref<1x128x128xf32, #tpu.memory_space<vmem>> -> memref<128x128xf32, #tpu.memory_space<vmem>>
      tpu.wait_dma2 semaphore(%run_scoped3A_540 : memref<!tpu.dma_semaphore, #tpu.memory_space<semaphore_mem>>) src(%dma_wait3A_564 : memref<128x128xf32, #tpu.memory_space<vmem>>) dst(%dma_wait3A_560 : memref<128x128xf32, #tpu.memory_space<hbm>>)
      tpu.yield
    }) : () -> ()
    %dma_start3A_363 = arith.constant 14 : i32
    %dma_start3A_364 = arith.constant 0 : i32
    %dma_start3A_365 = arith.constant 0 : i32
    %dma_start3A_366 = arith.constant 0 : i32
    %dma_start3A_367 = tpu.memref_slice %arg6[%dma_start3A_364, %dma_start3A_365, %dma_start3A_366] : memref<2x128x128xf32, #tpu.memory_space<vmem>> -> memref<1x128x128xf32, #tpu.memory_space<vmem>>
    %dma_start3A_368 = tpu.memref_squeeze %dma_start3A_367 : memref<1x128x128xf32, #tpu.memory_space<vmem>> -> memref<128x128xf32, #tpu.memory_space<vmem>>
    %dma_start3A_369 = arith.constant 0 : i32
    %dma_start3A_370 = tpu.memref_slice %arg5[%dma_start3A_363, %dma_start3A_369] : memref<20x128xi32, #tpu.memory_space<vmem>> -> memref<1x128xi32, #tpu.memory_space<vmem>>
    %dma_start3A_371 = tpu.memref_squeeze %dma_start3A_370 : memref<1x128xi32, #tpu.memory_space<vmem>> -> memref<128xi32, #tpu.memory_space<vmem>>
    %dma_start3A_372 = arith.constant 0 : i32
    %dma_start3A_373 = arith.constant 0 : i32
    %dma_start3A_374 = tpu.memref_slice %arg2[%dma_start3A_372, %dma_start3A_373] : memref<1000000x128xf32, #tpu.memory_space<hbm>> -> memref<1000000x128xf32, #tpu.memory_space<hbm>>
    tpu.enqueue_indirect_dma source(%dma_start3A_374 : memref<1000000x128xf32, #tpu.memory_space<hbm>>) target(%dma_start3A_368 : memref<128x128xf32, #tpu.memory_space<vmem>>) offsets(%dma_start3A_371 : memref<128xi32, #tpu.memory_space<vmem>>) semaphore(%arg7 : memref<!tpu.dma_semaphore, #tpu.memory_space<semaphore_mem>>)
    %dma_wait3A_375 = arith.constant 13 : i32
    %dma_wait3A_376 = arith.constant 1 : i32
    %dma_wait3A_377 = arith.constant 0 : i32
    %dma_wait3A_378 = arith.constant 0 : i32
    %dma_wait3A_379 = tpu.memref_slice %arg6[%dma_wait3A_376, %dma_wait3A_377, %dma_wait3A_378] : memref<2x128x128xf32, #tpu.memory_space<vmem>> -> memref<1x128x128xf32, #tpu.memory_space<vmem>>
    %dma_wait3A_380 = tpu.memref_squeeze %dma_wait3A_379 : memref<1x128x128xf32, #tpu.memory_space<vmem>> -> memref<128x128xf32, #tpu.memory_space<vmem>>
    %dma_wait3A_381 = arith.constant 0 : i32
    %dma_wait3A_382 = tpu.memref_slice %arg5[%dma_wait3A_375, %dma_wait3A_381] : memref<20x128xi32, #tpu.memory_space<vmem>> -> memref<1x128xi32, #tpu.memory_space<vmem>>
    %dma_wait3A_383 = tpu.memref_squeeze %dma_wait3A_382 : memref<1x128xi32, #tpu.memory_space<vmem>> -> memref<128xi32, #tpu.memory_space<vmem>>
    %dma_wait3A_384 = arith.constant 0 : i32
    %dma_wait3A_385 = arith.constant 0 : i32
    %dma_wait3A_386 = tpu.memref_slice %arg2[%dma_wait3A_384, %dma_wait3A_385] : memref<1000000x128xf32, #tpu.memory_space<hbm>> -> memref<1000000x128xf32, #tpu.memory_space<hbm>>
    tpu.wait_indirect_dma semaphore(%arg8 : memref<!tpu.dma_semaphore, #tpu.memory_space<semaphore_mem>>) src(%dma_wait3A_386 : memref<1000000x128xf32, #tpu.memory_space<hbm>>) dst(%dma_wait3A_380 : memref<128x128xf32, #tpu.memory_space<vmem>>)
    %add3A_387 = arith.constant 1664 : i32
    %add3A_388 = arith.addi %mul3A_2, %add3A_387 : i32
    %run_scoped3A_389 = arith.constant 1 : i32
    "tpu.region"() ({
      %run_scoped3A_540 = tpu.sem_alloc : memref<!tpu.dma_semaphore, #tpu.memory_space<semaphore_mem>>
      %dma_start3A_541 = arith.constant 0 : i32
      %dma_start3A_542 = arith.constant 0 : i32
      %dma_start3A_543 = tpu.memref_slice %arg6[%run_scoped3A_389, %dma_start3A_541, %dma_start3A_542] : memref<2x128x128xf32, #tpu.memory_space<vmem>> -> memref<1x128x128xf32, #tpu.memory_space<vmem>>
      %dma_start3A_544 = tpu.memref_squeeze %dma_start3A_543 : memref<1x128x128xf32, #tpu.memory_space<vmem>> -> memref<128x128xf32, #tpu.memory_space<vmem>>
      %dma_start3A_545 = arith.constant 0 : i32
      %dma_start3A_546 = tpu.memref_slice %arg4[%add3A_388, %dma_start3A_545] : memref<81920x128xf32, #tpu.memory_space<hbm>> -> memref<128x128xf32, #tpu.memory_space<hbm>>
      %dma_start3A_547 = arith.constant 0 : i32
      %dma_start3A_548 = tpu.memref_slice %arg4[%add3A_388, %dma_start3A_547] : memref<81920x128xf32, #tpu.memory_space<hbm>> -> memref<128x128xf32, #tpu.memory_space<hbm>>
      %dma_start3A_549 = arith.constant 0 : i32
      %dma_start3A_550 = arith.constant 0 : i32
      %dma_start3A_551 = tpu.memref_slice %arg6[%run_scoped3A_389, %dma_start3A_549, %dma_start3A_550] : memref<2x128x128xf32, #tpu.memory_space<vmem>> -> memref<1x128x128xf32, #tpu.memory_space<vmem>>
      %dma_start3A_552 = tpu.memref_squeeze %dma_start3A_551 : memref<1x128x128xf32, #tpu.memory_space<vmem>> -> memref<128x128xf32, #tpu.memory_space<vmem>>
      tpu.enqueue_dma source(%dma_start3A_552 : memref<128x128xf32, #tpu.memory_space<vmem>>) target(%dma_start3A_548 : memref<128x128xf32, #tpu.memory_space<hbm>>) target_semaphore(%run_scoped3A_540 : memref<!tpu.dma_semaphore, #tpu.memory_space<semaphore_mem>>)
      %dma_wait3A_553 = arith.constant 0 : i32
      %dma_wait3A_554 = arith.constant 0 : i32
      %dma_wait3A_555 = tpu.memref_slice %arg6[%run_scoped3A_389, %dma_wait3A_553, %dma_wait3A_554] : memref<2x128x128xf32, #tpu.memory_space<vmem>> -> memref<1x128x128xf32, #tpu.memory_space<vmem>>
      %dma_wait3A_556 = tpu.memref_squeeze %dma_wait3A_555 : memref<1x128x128xf32, #tpu.memory_space<vmem>> -> memref<128x128xf32, #tpu.memory_space<vmem>>
      %dma_wait3A_557 = arith.constant 0 : i32
      %dma_wait3A_558 = tpu.memref_slice %arg4[%add3A_388, %dma_wait3A_557] : memref<81920x128xf32, #tpu.memory_space<hbm>> -> memref<128x128xf32, #tpu.memory_space<hbm>>
      %dma_wait3A_559 = arith.constant 0 : i32
      %dma_wait3A_560 = tpu.memref_slice %arg4[%add3A_388, %dma_wait3A_559] : memref<81920x128xf32, #tpu.memory_space<hbm>> -> memref<128x128xf32, #tpu.memory_space<hbm>>
      %dma_wait3A_561 = arith.constant 0 : i32
      %dma_wait3A_562 = arith.constant 0 : i32
      %dma_wait3A_563 = tpu.memref_slice %arg6[%run_scoped3A_389, %dma_wait3A_561, %dma_wait3A_562] : memref<2x128x128xf32, #tpu.memory_space<vmem>> -> memref<1x128x128xf32, #tpu.memory_space<vmem>>
      %dma_wait3A_564 = tpu.memref_squeeze %dma_wait3A_563 : memref<1x128x128xf32, #tpu.memory_space<vmem>> -> memref<128x128xf32, #tpu.memory_space<vmem>>
      tpu.wait_dma2 semaphore(%run_scoped3A_540 : memref<!tpu.dma_semaphore, #tpu.memory_space<semaphore_mem>>) src(%dma_wait3A_564 : memref<128x128xf32, #tpu.memory_space<vmem>>) dst(%dma_wait3A_560 : memref<128x128xf32, #tpu.memory_space<hbm>>)
      tpu.yield
    }) : () -> ()
    %dma_start3A_390 = arith.constant 15 : i32
    %dma_start3A_391 = arith.constant 1 : i32
    %dma_start3A_392 = arith.constant 0 : i32
    %dma_start3A_393 = arith.constant 0 : i32
    %dma_start3A_394 = tpu.memref_slice %arg6[%dma_start3A_391, %dma_start3A_392, %dma_start3A_393] : memref<2x128x128xf32, #tpu.memory_space<vmem>> -> memref<1x128x128xf32, #tpu.memory_space<vmem>>
    %dma_start3A_395 = tpu.memref_squeeze %dma_start3A_394 : memref<1x128x128xf32, #tpu.memory_space<vmem>> -> memref<128x128xf32, #tpu.memory_space<vmem>>
    %dma_start3A_396 = arith.constant 0 : i32
    %dma_start3A_397 = tpu.memref_slice %arg5[%dma_start3A_390, %dma_start3A_396] : memref<20x128xi32, #tpu.memory_space<vmem>> -> memref<1x128xi32, #tpu.memory_space<vmem>>
    %dma_start3A_398 = tpu.memref_squeeze %dma_start3A_397 : memref<1x128xi32, #tpu.memory_space<vmem>> -> memref<128xi32, #tpu.memory_space<vmem>>
    %dma_start3A_399 = arith.constant 0 : i32
    %dma_start3A_400 = arith.constant 0 : i32
    %dma_start3A_401 = tpu.memref_slice %arg2[%dma_start3A_399, %dma_start3A_400] : memref<1000000x128xf32, #tpu.memory_space<hbm>> -> memref<1000000x128xf32, #tpu.memory_space<hbm>>
    tpu.enqueue_indirect_dma source(%dma_start3A_401 : memref<1000000x128xf32, #tpu.memory_space<hbm>>) target(%dma_start3A_395 : memref<128x128xf32, #tpu.memory_space<vmem>>) offsets(%dma_start3A_398 : memref<128xi32, #tpu.memory_space<vmem>>) semaphore(%arg8 : memref<!tpu.dma_semaphore, #tpu.memory_space<semaphore_mem>>)
    %dma_wait3A_402 = arith.constant 14 : i32
    %dma_wait3A_403 = arith.constant 0 : i32
    %dma_wait3A_404 = arith.constant 0 : i32
    %dma_wait3A_405 = arith.constant 0 : i32
    %dma_wait3A_406 = tpu.memref_slice %arg6[%dma_wait3A_403, %dma_wait3A_404, %dma_wait3A_405] : memref<2x128x128xf32, #tpu.memory_space<vmem>> -> memref<1x128x128xf32, #tpu.memory_space<vmem>>
    %dma_wait3A_407 = tpu.memref_squeeze %dma_wait3A_406 : memref<1x128x128xf32, #tpu.memory_space<vmem>> -> memref<128x128xf32, #tpu.memory_space<vmem>>
    %dma_wait3A_408 = arith.constant 0 : i32
    %dma_wait3A_409 = tpu.memref_slice %arg5[%dma_wait3A_402, %dma_wait3A_408] : memref<20x128xi32, #tpu.memory_space<vmem>> -> memref<1x128xi32, #tpu.memory_space<vmem>>
    %dma_wait3A_410 = tpu.memref_squeeze %dma_wait3A_409 : memref<1x128xi32, #tpu.memory_space<vmem>> -> memref<128xi32, #tpu.memory_space<vmem>>
    %dma_wait3A_411 = arith.constant 0 : i32
    %dma_wait3A_412 = arith.constant 0 : i32
    %dma_wait3A_413 = tpu.memref_slice %arg2[%dma_wait3A_411, %dma_wait3A_412] : memref<1000000x128xf32, #tpu.memory_space<hbm>> -> memref<1000000x128xf32, #tpu.memory_space<hbm>>
    tpu.wait_indirect_dma semaphore(%arg7 : memref<!tpu.dma_semaphore, #tpu.memory_space<semaphore_mem>>) src(%dma_wait3A_413 : memref<1000000x128xf32, #tpu.memory_space<hbm>>) dst(%dma_wait3A_407 : memref<128x128xf32, #tpu.memory_space<vmem>>)
    %add3A_414 = arith.constant 1792 : i32
    %add3A_415 = arith.addi %mul3A_2, %add3A_414 : i32
    %run_scoped3A_416 = arith.constant 0 : i32
    "tpu.region"() ({
      %run_scoped3A_540 = tpu.sem_alloc : memref<!tpu.dma_semaphore, #tpu.memory_space<semaphore_mem>>
      %dma_start3A_541 = arith.constant 0 : i32
      %dma_start3A_542 = arith.constant 0 : i32
      %dma_start3A_543 = tpu.memref_slice %arg6[%run_scoped3A_416, %dma_start3A_541, %dma_start3A_542] : memref<2x128x128xf32, #tpu.memory_space<vmem>> -> memref<1x128x128xf32, #tpu.memory_space<vmem>>
      %dma_start3A_544 = tpu.memref_squeeze %dma_start3A_543 : memref<1x128x128xf32, #tpu.memory_space<vmem>> -> memref<128x128xf32, #tpu.memory_space<vmem>>
      %dma_start3A_545 = arith.constant 0 : i32
      %dma_start3A_546 = tpu.memref_slice %arg4[%add3A_415, %dma_start3A_545] : memref<81920x128xf32, #tpu.memory_space<hbm>> -> memref<128x128xf32, #tpu.memory_space<hbm>>
      %dma_start3A_547 = arith.constant 0 : i32
      %dma_start3A_548 = tpu.memref_slice %arg4[%add3A_415, %dma_start3A_547] : memref<81920x128xf32, #tpu.memory_space<hbm>> -> memref<128x128xf32, #tpu.memory_space<hbm>>
      %dma_start3A_549 = arith.constant 0 : i32
      %dma_start3A_550 = arith.constant 0 : i32
      %dma_start3A_551 = tpu.memref_slice %arg6[%run_scoped3A_416, %dma_start3A_549, %dma_start3A_550] : memref<2x128x128xf32, #tpu.memory_space<vmem>> -> memref<1x128x128xf32, #tpu.memory_space<vmem>>
      %dma_start3A_552 = tpu.memref_squeeze %dma_start3A_551 : memref<1x128x128xf32, #tpu.memory_space<vmem>> -> memref<128x128xf32, #tpu.memory_space<vmem>>
      tpu.enqueue_dma source(%dma_start3A_552 : memref<128x128xf32, #tpu.memory_space<vmem>>) target(%dma_start3A_548 : memref<128x128xf32, #tpu.memory_space<hbm>>) target_semaphore(%run_scoped3A_540 : memref<!tpu.dma_semaphore, #tpu.memory_space<semaphore_mem>>)
      %dma_wait3A_553 = arith.constant 0 : i32
      %dma_wait3A_554 = arith.constant 0 : i32
      %dma_wait3A_555 = tpu.memref_slice %arg6[%run_scoped3A_416, %dma_wait3A_553, %dma_wait3A_554] : memref<2x128x128xf32, #tpu.memory_space<vmem>> -> memref<1x128x128xf32, #tpu.memory_space<vmem>>
      %dma_wait3A_556 = tpu.memref_squeeze %dma_wait3A_555 : memref<1x128x128xf32, #tpu.memory_space<vmem>> -> memref<128x128xf32, #tpu.memory_space<vmem>>
      %dma_wait3A_557 = arith.constant 0 : i32
      %dma_wait3A_558 = tpu.memref_slice %arg4[%add3A_415, %dma_wait3A_557] : memref<81920x128xf32, #tpu.memory_space<hbm>> -> memref<128x128xf32, #tpu.memory_space<hbm>>
      %dma_wait3A_559 = arith.constant 0 : i32
      %dma_wait3A_560 = tpu.memref_slice %arg4[%add3A_415, %dma_wait3A_559] : memref<81920x128xf32, #tpu.memory_space<hbm>> -> memref<128x128xf32, #tpu.memory_space<hbm>>
      %dma_wait3A_561 = arith.constant 0 : i32
      %dma_wait3A_562 = arith.constant 0 : i32
      %dma_wait3A_563 = tpu.memref_slice %arg6[%run_scoped3A_416, %dma_wait3A_561, %dma_wait3A_562] : memref<2x128x128xf32, #tpu.memory_space<vmem>> -> memref<1x128x128xf32, #tpu.memory_space<vmem>>
      %dma_wait3A_564 = tpu.memref_squeeze %dma_wait3A_563 : memref<1x128x128xf32, #tpu.memory_space<vmem>> -> memref<128x128xf32, #tpu.memory_space<vmem>>
      tpu.wait_dma2 semaphore(%run_scoped3A_540 : memref<!tpu.dma_semaphore, #tpu.memory_space<semaphore_mem>>) src(%dma_wait3A_564 : memref<128x128xf32, #tpu.memory_space<vmem>>) dst(%dma_wait3A_560 : memref<128x128xf32, #tpu.memory_space<hbm>>)
      tpu.yield
    }) : () -> ()
    %dma_start3A_417 = arith.constant 16 : i32
    %dma_start3A_418 = arith.constant 0 : i32
    %dma_start3A_419 = arith.constant 0 : i32
    %dma_start3A_420 = arith.constant 0 : i32
    %dma_start3A_421 = tpu.memref_slice %arg6[%dma_start3A_418, %dma_start3A_419, %dma_start3A_420] : memref<2x128x128xf32, #tpu.memory_space<vmem>> -> memref<1x128x128xf32, #tpu.memory_space<vmem>>
    %dma_start3A_422 = tpu.memref_squeeze %dma_start3A_421 : memref<1x128x128xf32, #tpu.memory_space<vmem>> -> memref<128x128xf32, #tpu.memory_space<vmem>>
    %dma_start3A_423 = arith.constant 0 : i32
    %dma_start3A_424 = tpu.memref_slice %arg5[%dma_start3A_417, %dma_start3A_423] : memref<20x128xi32, #tpu.memory_space<vmem>> -> memref<1x128xi32, #tpu.memory_space<vmem>>
    %dma_start3A_425 = tpu.memref_squeeze %dma_start3A_424 : memref<1x128xi32, #tpu.memory_space<vmem>> -> memref<128xi32, #tpu.memory_space<vmem>>
    %dma_start3A_426 = arith.constant 0 : i32
    %dma_start3A_427 = arith.constant 0 : i32
    %dma_start3A_428 = tpu.memref_slice %arg2[%dma_start3A_426, %dma_start3A_427] : memref<1000000x128xf32, #tpu.memory_space<hbm>> -> memref<1000000x128xf32, #tpu.memory_space<hbm>>
    tpu.enqueue_indirect_dma source(%dma_start3A_428 : memref<1000000x128xf32, #tpu.memory_space<hbm>>) target(%dma_start3A_422 : memref<128x128xf32, #tpu.memory_space<vmem>>) offsets(%dma_start3A_425 : memref<128xi32, #tpu.memory_space<vmem>>) semaphore(%arg7 : memref<!tpu.dma_semaphore, #tpu.memory_space<semaphore_mem>>)
    %dma_wait3A_429 = arith.constant 15 : i32
    %dma_wait3A_430 = arith.constant 1 : i32
    %dma_wait3A_431 = arith.constant 0 : i32
    %dma_wait3A_432 = arith.constant 0 : i32
    %dma_wait3A_433 = tpu.memref_slice %arg6[%dma_wait3A_430, %dma_wait3A_431, %dma_wait3A_432] : memref<2x128x128xf32, #tpu.memory_space<vmem>> -> memref<1x128x128xf32, #tpu.memory_space<vmem>>
    %dma_wait3A_434 = tpu.memref_squeeze %dma_wait3A_433 : memref<1x128x128xf32, #tpu.memory_space<vmem>> -> memref<128x128xf32, #tpu.memory_space<vmem>>
    %dma_wait3A_435 = arith.constant 0 : i32
    %dma_wait3A_436 = tpu.memref_slice %arg5[%dma_wait3A_429, %dma_wait3A_435] : memref<20x128xi32, #tpu.memory_space<vmem>> -> memref<1x128xi32, #tpu.memory_space<vmem>>
    %dma_wait3A_437 = tpu.memref_squeeze %dma_wait3A_436 : memref<1x128xi32, #tpu.memory_space<vmem>> -> memref<128xi32, #tpu.memory_space<vmem>>
    %dma_wait3A_438 = arith.constant 0 : i32
    %dma_wait3A_439 = arith.constant 0 : i32
    %dma_wait3A_440 = tpu.memref_slice %arg2[%dma_wait3A_438, %dma_wait3A_439] : memref<1000000x128xf32, #tpu.memory_space<hbm>> -> memref<1000000x128xf32, #tpu.memory_space<hbm>>
    tpu.wait_indirect_dma semaphore(%arg8 : memref<!tpu.dma_semaphore, #tpu.memory_space<semaphore_mem>>) src(%dma_wait3A_440 : memref<1000000x128xf32, #tpu.memory_space<hbm>>) dst(%dma_wait3A_434 : memref<128x128xf32, #tpu.memory_space<vmem>>)
    %add3A_441 = arith.constant 1920 : i32
    %add3A_442 = arith.addi %mul3A_2, %add3A_441 : i32
    %run_scoped3A_443 = arith.constant 1 : i32
    "tpu.region"() ({
      %run_scoped3A_540 = tpu.sem_alloc : memref<!tpu.dma_semaphore, #tpu.memory_space<semaphore_mem>>
      %dma_start3A_541 = arith.constant 0 : i32
      %dma_start3A_542 = arith.constant 0 : i32
      %dma_start3A_543 = tpu.memref_slice %arg6[%run_scoped3A_443, %dma_start3A_541, %dma_start3A_542] : memref<2x128x128xf32, #tpu.memory_space<vmem>> -> memref<1x128x128xf32, #tpu.memory_space<vmem>>
      %dma_start3A_544 = tpu.memref_squeeze %dma_start3A_543 : memref<1x128x128xf32, #tpu.memory_space<vmem>> -> memref<128x128xf32, #tpu.memory_space<vmem>>
      %dma_start3A_545 = arith.constant 0 : i32
      %dma_start3A_546 = tpu.memref_slice %arg4[%add3A_442, %dma_start3A_545] : memref<81920x128xf32, #tpu.memory_space<hbm>> -> memref<128x128xf32, #tpu.memory_space<hbm>>
      %dma_start3A_547 = arith.constant 0 : i32
      %dma_start3A_548 = tpu.memref_slice %arg4[%add3A_442, %dma_start3A_547] : memref<81920x128xf32, #tpu.memory_space<hbm>> -> memref<128x128xf32, #tpu.memory_space<hbm>>
      %dma_start3A_549 = arith.constant 0 : i32
      %dma_start3A_550 = arith.constant 0 : i32
      %dma_start3A_551 = tpu.memref_slice %arg6[%run_scoped3A_443, %dma_start3A_549, %dma_start3A_550] : memref<2x128x128xf32, #tpu.memory_space<vmem>> -> memref<1x128x128xf32, #tpu.memory_space<vmem>>
      %dma_start3A_552 = tpu.memref_squeeze %dma_start3A_551 : memref<1x128x128xf32, #tpu.memory_space<vmem>> -> memref<128x128xf32, #tpu.memory_space<vmem>>
      tpu.enqueue_dma source(%dma_start3A_552 : memref<128x128xf32, #tpu.memory_space<vmem>>) target(%dma_start3A_548 : memref<128x128xf32, #tpu.memory_space<hbm>>) target_semaphore(%run_scoped3A_540 : memref<!tpu.dma_semaphore, #tpu.memory_space<semaphore_mem>>)
      %dma_wait3A_553 = arith.constant 0 : i32
      %dma_wait3A_554 = arith.constant 0 : i32
      %dma_wait3A_555 = tpu.memref_slice %arg6[%run_scoped3A_443, %dma_wait3A_553, %dma_wait3A_554] : memref<2x128x128xf32, #tpu.memory_space<vmem>> -> memref<1x128x128xf32, #tpu.memory_space<vmem>>
      %dma_wait3A_556 = tpu.memref_squeeze %dma_wait3A_555 : memref<1x128x128xf32, #tpu.memory_space<vmem>> -> memref<128x128xf32, #tpu.memory_space<vmem>>
      %dma_wait3A_557 = arith.constant 0 : i32
      %dma_wait3A_558 = tpu.memref_slice %arg4[%add3A_442, %dma_wait3A_557] : memref<81920x128xf32, #tpu.memory_space<hbm>> -> memref<128x128xf32, #tpu.memory_space<hbm>>
      %dma_wait3A_559 = arith.constant 0 : i32
      %dma_wait3A_560 = tpu.memref_slice %arg4[%add3A_442, %dma_wait3A_559] : memref<81920x128xf32, #tpu.memory_space<hbm>> -> memref<128x128xf32, #tpu.memory_space<hbm>>
      %dma_wait3A_561 = arith.constant 0 : i32
      %dma_wait3A_562 = arith.constant 0 : i32
      %dma_wait3A_563 = tpu.memref_slice %arg6[%run_scoped3A_443, %dma_wait3A_561, %dma_wait3A_562] : memref<2x128x128xf32, #tpu.memory_space<vmem>> -> memref<1x128x128xf32, #tpu.memory_space<vmem>>
      %dma_wait3A_564 = tpu.memref_squeeze %dma_wait3A_563 : memref<1x128x128xf32, #tpu.memory_space<vmem>> -> memref<128x128xf32, #tpu.memory_space<vmem>>
      tpu.wait_dma2 semaphore(%run_scoped3A_540 : memref<!tpu.dma_semaphore, #tpu.memory_space<semaphore_mem>>) src(%dma_wait3A_564 : memref<128x128xf32, #tpu.memory_space<vmem>>) dst(%dma_wait3A_560 : memref<128x128xf32, #tpu.memory_space<hbm>>)
      tpu.yield
    }) : () -> ()
    %dma_start3A_444 = arith.constant 17 : i32
    %dma_start3A_445 = arith.constant 1 : i32
    %dma_start3A_446 = arith.constant 0 : i32
    %dma_start3A_447 = arith.constant 0 : i32
    %dma_start3A_448 = tpu.memref_slice %arg6[%dma_start3A_445, %dma_start3A_446, %dma_start3A_447] : memref<2x128x128xf32, #tpu.memory_space<vmem>> -> memref<1x128x128xf32, #tpu.memory_space<vmem>>
    %dma_start3A_449 = tpu.memref_squeeze %dma_start3A_448 : memref<1x128x128xf32, #tpu.memory_space<vmem>> -> memref<128x128xf32, #tpu.memory_space<vmem>>
    %dma_start3A_450 = arith.constant 0 : i32
    %dma_start3A_451 = tpu.memref_slice %arg5[%dma_start3A_444, %dma_start3A_450] : memref<20x128xi32, #tpu.memory_space<vmem>> -> memref<1x128xi32, #tpu.memory_space<vmem>>
    %dma_start3A_452 = tpu.memref_squeeze %dma_start3A_451 : memref<1x128xi32, #tpu.memory_space<vmem>> -> memref<128xi32, #tpu.memory_space<vmem>>
    %dma_start3A_453 = arith.constant 0 : i32
    %dma_start3A_454 = arith.constant 0 : i32
    %dma_start3A_455 = tpu.memref_slice %arg2[%dma_start3A_453, %dma_start3A_454] : memref<1000000x128xf32, #tpu.memory_space<hbm>> -> memref<1000000x128xf32, #tpu.memory_space<hbm>>
    tpu.enqueue_indirect_dma source(%dma_start3A_455 : memref<1000000x128xf32, #tpu.memory_space<hbm>>) target(%dma_start3A_449 : memref<128x128xf32, #tpu.memory_space<vmem>>) offsets(%dma_start3A_452 : memref<128xi32, #tpu.memory_space<vmem>>) semaphore(%arg8 : memref<!tpu.dma_semaphore, #tpu.memory_space<semaphore_mem>>)
    %dma_wait3A_456 = arith.constant 16 : i32
    %dma_wait3A_457 = arith.constant 0 : i32
    %dma_wait3A_458 = arith.constant 0 : i32
    %dma_wait3A_459 = arith.constant 0 : i32
    %dma_wait3A_460 = tpu.memref_slice %arg6[%dma_wait3A_457, %dma_wait3A_458, %dma_wait3A_459] : memref<2x128x128xf32, #tpu.memory_space<vmem>> -> memref<1x128x128xf32, #tpu.memory_space<vmem>>
    %dma_wait3A_461 = tpu.memref_squeeze %dma_wait3A_460 : memref<1x128x128xf32, #tpu.memory_space<vmem>> -> memref<128x128xf32, #tpu.memory_space<vmem>>
    %dma_wait3A_462 = arith.constant 0 : i32
    %dma_wait3A_463 = tpu.memref_slice %arg5[%dma_wait3A_456, %dma_wait3A_462] : memref<20x128xi32, #tpu.memory_space<vmem>> -> memref<1x128xi32, #tpu.memory_space<vmem>>
    %dma_wait3A_464 = tpu.memref_squeeze %dma_wait3A_463 : memref<1x128xi32, #tpu.memory_space<vmem>> -> memref<128xi32, #tpu.memory_space<vmem>>
    %dma_wait3A_465 = arith.constant 0 : i32
    %dma_wait3A_466 = arith.constant 0 : i32
    %dma_wait3A_467 = tpu.memref_slice %arg2[%dma_wait3A_465, %dma_wait3A_466] : memref<1000000x128xf32, #tpu.memory_space<hbm>> -> memref<1000000x128xf32, #tpu.memory_space<hbm>>
    tpu.wait_indirect_dma semaphore(%arg7 : memref<!tpu.dma_semaphore, #tpu.memory_space<semaphore_mem>>) src(%dma_wait3A_467 : memref<1000000x128xf32, #tpu.memory_space<hbm>>) dst(%dma_wait3A_461 : memref<128x128xf32, #tpu.memory_space<vmem>>)
    %add3A_468 = arith.constant 2048 : i32
    %add3A_469 = arith.addi %mul3A_2, %add3A_468 : i32
    %run_scoped3A_470 = arith.constant 0 : i32
    "tpu.region"() ({
      %run_scoped3A_540 = tpu.sem_alloc : memref<!tpu.dma_semaphore, #tpu.memory_space<semaphore_mem>>
      %dma_start3A_541 = arith.constant 0 : i32
      %dma_start3A_542 = arith.constant 0 : i32
      %dma_start3A_543 = tpu.memref_slice %arg6[%run_scoped3A_470, %dma_start3A_541, %dma_start3A_542] : memref<2x128x128xf32, #tpu.memory_space<vmem>> -> memref<1x128x128xf32, #tpu.memory_space<vmem>>
      %dma_start3A_544 = tpu.memref_squeeze %dma_start3A_543 : memref<1x128x128xf32, #tpu.memory_space<vmem>> -> memref<128x128xf32, #tpu.memory_space<vmem>>
      %dma_start3A_545 = arith.constant 0 : i32
      %dma_start3A_546 = tpu.memref_slice %arg4[%add3A_469, %dma_start3A_545] : memref<81920x128xf32, #tpu.memory_space<hbm>> -> memref<128x128xf32, #tpu.memory_space<hbm>>
      %dma_start3A_547 = arith.constant 0 : i32
      %dma_start3A_548 = tpu.memref_slice %arg4[%add3A_469, %dma_start3A_547] : memref<81920x128xf32, #tpu.memory_space<hbm>> -> memref<128x128xf32, #tpu.memory_space<hbm>>
      %dma_start3A_549 = arith.constant 0 : i32
      %dma_start3A_550 = arith.constant 0 : i32
      %dma_start3A_551 = tpu.memref_slice %arg6[%run_scoped3A_470, %dma_start3A_549, %dma_start3A_550] : memref<2x128x128xf32, #tpu.memory_space<vmem>> -> memref<1x128x128xf32, #tpu.memory_space<vmem>>
      %dma_start3A_552 = tpu.memref_squeeze %dma_start3A_551 : memref<1x128x128xf32, #tpu.memory_space<vmem>> -> memref<128x128xf32, #tpu.memory_space<vmem>>
      tpu.enqueue_dma source(%dma_start3A_552 : memref<128x128xf32, #tpu.memory_space<vmem>>) target(%dma_start3A_548 : memref<128x128xf32, #tpu.memory_space<hbm>>) target_semaphore(%run_scoped3A_540 : memref<!tpu.dma_semaphore, #tpu.memory_space<semaphore_mem>>)
      %dma_wait3A_553 = arith.constant 0 : i32
      %dma_wait3A_554 = arith.constant 0 : i32
      %dma_wait3A_555 = tpu.memref_slice %arg6[%run_scoped3A_470, %dma_wait3A_553, %dma_wait3A_554] : memref<2x128x128xf32, #tpu.memory_space<vmem>> -> memref<1x128x128xf32, #tpu.memory_space<vmem>>
      %dma_wait3A_556 = tpu.memref_squeeze %dma_wait3A_555 : memref<1x128x128xf32, #tpu.memory_space<vmem>> -> memref<128x128xf32, #tpu.memory_space<vmem>>
      %dma_wait3A_557 = arith.constant 0 : i32
      %dma_wait3A_558 = tpu.memref_slice %arg4[%add3A_469, %dma_wait3A_557] : memref<81920x128xf32, #tpu.memory_space<hbm>> -> memref<128x128xf32, #tpu.memory_space<hbm>>
      %dma_wait3A_559 = arith.constant 0 : i32
      %dma_wait3A_560 = tpu.memref_slice %arg4[%add3A_469, %dma_wait3A_559] : memref<81920x128xf32, #tpu.memory_space<hbm>> -> memref<128x128xf32, #tpu.memory_space<hbm>>
      %dma_wait3A_561 = arith.constant 0 : i32
      %dma_wait3A_562 = arith.constant 0 : i32
      %dma_wait3A_563 = tpu.memref_slice %arg6[%run_scoped3A_470, %dma_wait3A_561, %dma_wait3A_562] : memref<2x128x128xf32, #tpu.memory_space<vmem>> -> memref<1x128x128xf32, #tpu.memory_space<vmem>>
      %dma_wait3A_564 = tpu.memref_squeeze %dma_wait3A_563 : memref<1x128x128xf32, #tpu.memory_space<vmem>> -> memref<128x128xf32, #tpu.memory_space<vmem>>
      tpu.wait_dma2 semaphore(%run_scoped3A_540 : memref<!tpu.dma_semaphore, #tpu.memory_space<semaphore_mem>>) src(%dma_wait3A_564 : memref<128x128xf32, #tpu.memory_space<vmem>>) dst(%dma_wait3A_560 : memref<128x128xf32, #tpu.memory_space<hbm>>)
      tpu.yield
    }) : () -> ()
    %dma_start3A_471 = arith.constant 18 : i32
    %dma_start3A_472 = arith.constant 0 : i32
    %dma_start3A_473 = arith.constant 0 : i32
    %dma_start3A_474 = arith.constant 0 : i32
    %dma_start3A_475 = tpu.memref_slice %arg6[%dma_start3A_472, %dma_start3A_473, %dma_start3A_474] : memref<2x128x128xf32, #tpu.memory_space<vmem>> -> memref<1x128x128xf32, #tpu.memory_space<vmem>>
    %dma_start3A_476 = tpu.memref_squeeze %dma_start3A_475 : memref<1x128x128xf32, #tpu.memory_space<vmem>> -> memref<128x128xf32, #tpu.memory_space<vmem>>
    %dma_start3A_477 = arith.constant 0 : i32
    %dma_start3A_478 = tpu.memref_slice %arg5[%dma_start3A_471, %dma_start3A_477] : memref<20x128xi32, #tpu.memory_space<vmem>> -> memref<1x128xi32, #tpu.memory_space<vmem>>
    %dma_start3A_479 = tpu.memref_squeeze %dma_start3A_478 : memref<1x128xi32, #tpu.memory_space<vmem>> -> memref<128xi32, #tpu.memory_space<vmem>>
    %dma_start3A_480 = arith.constant 0 : i32
    %dma_start3A_481 = arith.constant 0 : i32
    %dma_start3A_482 = tpu.memref_slice %arg2[%dma_start3A_480, %dma_start3A_481] : memref<1000000x128xf32, #tpu.memory_space<hbm>> -> memref<1000000x128xf32, #tpu.memory_space<hbm>>
    tpu.enqueue_indirect_dma source(%dma_start3A_482 : memref<1000000x128xf32, #tpu.memory_space<hbm>>) target(%dma_start3A_476 : memref<128x128xf32, #tpu.memory_space<vmem>>) offsets(%dma_start3A_479 : memref<128xi32, #tpu.memory_space<vmem>>) semaphore(%arg7 : memref<!tpu.dma_semaphore, #tpu.memory_space<semaphore_mem>>)
    %dma_wait3A_483 = arith.constant 17 : i32
    %dma_wait3A_484 = arith.constant 1 : i32
    %dma_wait3A_485 = arith.constant 0 : i32
    %dma_wait3A_486 = arith.constant 0 : i32
    %dma_wait3A_487 = tpu.memref_slice %arg6[%dma_wait3A_484, %dma_wait3A_485, %dma_wait3A_486] : memref<2x128x128xf32, #tpu.memory_space<vmem>> -> memref<1x128x128xf32, #tpu.memory_space<vmem>>
    %dma_wait3A_488 = tpu.memref_squeeze %dma_wait3A_487 : memref<1x128x128xf32, #tpu.memory_space<vmem>> -> memref<128x128xf32, #tpu.memory_space<vmem>>
    %dma_wait3A_489 = arith.constant 0 : i32
    %dma_wait3A_490 = tpu.memref_slice %arg5[%dma_wait3A_483, %dma_wait3A_489] : memref<20x128xi32, #tpu.memory_space<vmem>> -> memref<1x128xi32, #tpu.memory_space<vmem>>
    %dma_wait3A_491 = tpu.memref_squeeze %dma_wait3A_490 : memref<1x128xi32, #tpu.memory_space<vmem>> -> memref<128xi32, #tpu.memory_space<vmem>>
    %dma_wait3A_492 = arith.constant 0 : i32
    %dma_wait3A_493 = arith.constant 0 : i32
    %dma_wait3A_494 = tpu.memref_slice %arg2[%dma_wait3A_492, %dma_wait3A_493] : memref<1000000x128xf32, #tpu.memory_space<hbm>> -> memref<1000000x128xf32, #tpu.memory_space<hbm>>
    tpu.wait_indirect_dma semaphore(%arg8 : memref<!tpu.dma_semaphore, #tpu.memory_space<semaphore_mem>>) src(%dma_wait3A_494 : memref<1000000x128xf32, #tpu.memory_space<hbm>>) dst(%dma_wait3A_488 : memref<128x128xf32, #tpu.memory_space<vmem>>)
    %add3A_495 = arith.constant 2176 : i32
    %add3A_496 = arith.addi %mul3A_2, %add3A_495 : i32
    %run_scoped3A_497 = arith.constant 1 : i32
    "tpu.region"() ({
      %run_scoped3A_540 = tpu.sem_alloc : memref<!tpu.dma_semaphore, #tpu.memory_space<semaphore_mem>>
      %dma_start3A_541 = arith.constant 0 : i32
      %dma_start3A_542 = arith.constant 0 : i32
      %dma_start3A_543 = tpu.memref_slice %arg6[%run_scoped3A_497, %dma_start3A_541, %dma_start3A_542] : memref<2x128x128xf32, #tpu.memory_space<vmem>> -> memref<1x128x128xf32, #tpu.memory_space<vmem>>
      %dma_start3A_544 = tpu.memref_squeeze %dma_start3A_543 : memref<1x128x128xf32, #tpu.memory_space<vmem>> -> memref<128x128xf32, #tpu.memory_space<vmem>>
      %dma_start3A_545 = arith.constant 0 : i32
      %dma_start3A_546 = tpu.memref_slice %arg4[%add3A_496, %dma_start3A_545] : memref<81920x128xf32, #tpu.memory_space<hbm>> -> memref<128x128xf32, #tpu.memory_space<hbm>>
      %dma_start3A_547 = arith.constant 0 : i32
      %dma_start3A_548 = tpu.memref_slice %arg4[%add3A_496, %dma_start3A_547] : memref<81920x128xf32, #tpu.memory_space<hbm>> -> memref<128x128xf32, #tpu.memory_space<hbm>>
      %dma_start3A_549 = arith.constant 0 : i32
      %dma_start3A_550 = arith.constant 0 : i32
      %dma_start3A_551 = tpu.memref_slice %arg6[%run_scoped3A_497, %dma_start3A_549, %dma_start3A_550] : memref<2x128x128xf32, #tpu.memory_space<vmem>> -> memref<1x128x128xf32, #tpu.memory_space<vmem>>
      %dma_start3A_552 = tpu.memref_squeeze %dma_start3A_551 : memref<1x128x128xf32, #tpu.memory_space<vmem>> -> memref<128x128xf32, #tpu.memory_space<vmem>>
      tpu.enqueue_dma source(%dma_start3A_552 : memref<128x128xf32, #tpu.memory_space<vmem>>) target(%dma_start3A_548 : memref<128x128xf32, #tpu.memory_space<hbm>>) target_semaphore(%run_scoped3A_540 : memref<!tpu.dma_semaphore, #tpu.memory_space<semaphore_mem>>)
      %dma_wait3A_553 = arith.constant 0 : i32
      %dma_wait3A_554 = arith.constant 0 : i32
      %dma_wait3A_555 = tpu.memref_slice %arg6[%run_scoped3A_497, %dma_wait3A_553, %dma_wait3A_554] : memref<2x128x128xf32, #tpu.memory_space<vmem>> -> memref<1x128x128xf32, #tpu.memory_space<vmem>>
      %dma_wait3A_556 = tpu.memref_squeeze %dma_wait3A_555 : memref<1x128x128xf32, #tpu.memory_space<vmem>> -> memref<128x128xf32, #tpu.memory_space<vmem>>
      %dma_wait3A_557 = arith.constant 0 : i32
      %dma_wait3A_558 = tpu.memref_slice %arg4[%add3A_496, %dma_wait3A_557] : memref<81920x128xf32, #tpu.memory_space<hbm>> -> memref<128x128xf32, #tpu.memory_space<hbm>>
      %dma_wait3A_559 = arith.constant 0 : i32
      %dma_wait3A_560 = tpu.memref_slice %arg4[%add3A_496, %dma_wait3A_559] : memref<81920x128xf32, #tpu.memory_space<hbm>> -> memref<128x128xf32, #tpu.memory_space<hbm>>
      %dma_wait3A_561 = arith.constant 0 : i32
      %dma_wait3A_562 = arith.constant 0 : i32
      %dma_wait3A_563 = tpu.memref_slice %arg6[%run_scoped3A_497, %dma_wait3A_561, %dma_wait3A_562] : memref<2x128x128xf32, #tpu.memory_space<vmem>> -> memref<1x128x128xf32, #tpu.memory_space<vmem>>
      %dma_wait3A_564 = tpu.memref_squeeze %dma_wait3A_563 : memref<1x128x128xf32, #tpu.memory_space<vmem>> -> memref<128x128xf32, #tpu.memory_space<vmem>>
      tpu.wait_dma2 semaphore(%run_scoped3A_540 : memref<!tpu.dma_semaphore, #tpu.memory_space<semaphore_mem>>) src(%dma_wait3A_564 : memref<128x128xf32, #tpu.memory_space<vmem>>) dst(%dma_wait3A_560 : memref<128x128xf32, #tpu.memory_space<hbm>>)
      tpu.yield
    }) : () -> ()
    %dma_start3A_498 = arith.constant 19 : i32
    %dma_start3A_499 = arith.constant 1 : i32
    %dma_start3A_500 = arith.constant 0 : i32
    %dma_start3A_501 = arith.constant 0 : i32
    %dma_start3A_502 = tpu.memref_slice %arg6[%dma_start3A_499, %dma_start3A_500, %dma_start3A_501] : memref<2x128x128xf32, #tpu.memory_space<vmem>> -> memref<1x128x128xf32, #tpu.memory_space<vmem>>
    %dma_start3A_503 = tpu.memref_squeeze %dma_start3A_502 : memref<1x128x128xf32, #tpu.memory_space<vmem>> -> memref<128x128xf32, #tpu.memory_space<vmem>>
    %dma_start3A_504 = arith.constant 0 : i32
    %dma_start3A_505 = tpu.memref_slice %arg5[%dma_start3A_498, %dma_start3A_504] : memref<20x128xi32, #tpu.memory_space<vmem>> -> memref<1x128xi32, #tpu.memory_space<vmem>>
    %dma_start3A_506 = tpu.memref_squeeze %dma_start3A_505 : memref<1x128xi32, #tpu.memory_space<vmem>> -> memref<128xi32, #tpu.memory_space<vmem>>
    %dma_start3A_507 = arith.constant 0 : i32
    %dma_start3A_508 = arith.constant 0 : i32
    %dma_start3A_509 = tpu.memref_slice %arg2[%dma_start3A_507, %dma_start3A_508] : memref<1000000x128xf32, #tpu.memory_space<hbm>> -> memref<1000000x128xf32, #tpu.memory_space<hbm>>
    tpu.enqueue_indirect_dma source(%dma_start3A_509 : memref<1000000x128xf32, #tpu.memory_space<hbm>>) target(%dma_start3A_503 : memref<128x128xf32, #tpu.memory_space<vmem>>) offsets(%dma_start3A_506 : memref<128xi32, #tpu.memory_space<vmem>>) semaphore(%arg8 : memref<!tpu.dma_semaphore, #tpu.memory_space<semaphore_mem>>)
    %dma_wait3A_510 = arith.constant 18 : i32
    %dma_wait3A_511 = arith.constant 0 : i32
    %dma_wait3A_512 = arith.constant 0 : i32
    %dma_wait3A_513 = arith.constant 0 : i32
    %dma_wait3A_514 = tpu.memref_slice %arg6[%dma_wait3A_511, %dma_wait3A_512, %dma_wait3A_513] : memref<2x128x128xf32, #tpu.memory_space<vmem>> -> memref<1x128x128xf32, #tpu.memory_space<vmem>>
    %dma_wait3A_515 = tpu.memref_squeeze %dma_wait3A_514 : memref<1x128x128xf32, #tpu.memory_space<vmem>> -> memref<128x128xf32, #tpu.memory_space<vmem>>
    %dma_wait3A_516 = arith.constant 0 : i32
    %dma_wait3A_517 = tpu.memref_slice %arg5[%dma_wait3A_510, %dma_wait3A_516] : memref<20x128xi32, #tpu.memory_space<vmem>> -> memref<1x128xi32, #tpu.memory_space<vmem>>
    %dma_wait3A_518 = tpu.memref_squeeze %dma_wait3A_517 : memref<1x128xi32, #tpu.memory_space<vmem>> -> memref<128xi32, #tpu.memory_space<vmem>>
    %dma_wait3A_519 = arith.constant 0 : i32
    %dma_wait3A_520 = arith.constant 0 : i32
    %dma_wait3A_521 = tpu.memref_slice %arg2[%dma_wait3A_519, %dma_wait3A_520] : memref<1000000x128xf32, #tpu.memory_space<hbm>> -> memref<1000000x128xf32, #tpu.memory_space<hbm>>
    tpu.wait_indirect_dma semaphore(%arg7 : memref<!tpu.dma_semaphore, #tpu.memory_space<semaphore_mem>>) src(%dma_wait3A_521 : memref<1000000x128xf32, #tpu.memory_space<hbm>>) dst(%dma_wait3A_515 : memref<128x128xf32, #tpu.memory_space<vmem>>)
    %add3A_522 = arith.constant 2304 : i32
    %add3A_523 = arith.addi %mul3A_2, %add3A_522 : i32
    %run_scoped3A_524 = arith.constant 0 : i32
    "tpu.region"() ({
      %run_scoped3A_540 = tpu.sem_alloc : memref<!tpu.dma_semaphore, #tpu.memory_space<semaphore_mem>>
      %dma_start3A_541 = arith.constant 0 : i32
      %dma_start3A_542 = arith.constant 0 : i32
      %dma_start3A_543 = tpu.memref_slice %arg6[%run_scoped3A_524, %dma_start3A_541, %dma_start3A_542] : memref<2x128x128xf32, #tpu.memory_space<vmem>> -> memref<1x128x128xf32, #tpu.memory_space<vmem>>
      %dma_start3A_544 = tpu.memref_squeeze %dma_start3A_543 : memref<1x128x128xf32, #tpu.memory_space<vmem>> -> memref<128x128xf32, #tpu.memory_space<vmem>>
      %dma_start3A_545 = arith.constant 0 : i32
      %dma_start3A_546 = tpu.memref_slice %arg4[%add3A_523, %dma_start3A_545] : memref<81920x128xf32, #tpu.memory_space<hbm>> -> memref<128x128xf32, #tpu.memory_space<hbm>>
      %dma_start3A_547 = arith.constant 0 : i32
      %dma_start3A_548 = tpu.memref_slice %arg4[%add3A_523, %dma_start3A_547] : memref<81920x128xf32, #tpu.memory_space<hbm>> -> memref<128x128xf32, #tpu.memory_space<hbm>>
      %dma_start3A_549 = arith.constant 0 : i32
      %dma_start3A_550 = arith.constant 0 : i32
      %dma_start3A_551 = tpu.memref_slice %arg6[%run_scoped3A_524, %dma_start3A_549, %dma_start3A_550] : memref<2x128x128xf32, #tpu.memory_space<vmem>> -> memref<1x128x128xf32, #tpu.memory_space<vmem>>
      %dma_start3A_552 = tpu.memref_squeeze %dma_start3A_551 : memref<1x128x128xf32, #tpu.memory_space<vmem>> -> memref<128x128xf32, #tpu.memory_space<vmem>>
      tpu.enqueue_dma source(%dma_start3A_552 : memref<128x128xf32, #tpu.memory_space<vmem>>) target(%dma_start3A_548 : memref<128x128xf32, #tpu.memory_space<hbm>>) target_semaphore(%run_scoped3A_540 : memref<!tpu.dma_semaphore, #tpu.memory_space<semaphore_mem>>)
      %dma_wait3A_553 = arith.constant 0 : i32
      %dma_wait3A_554 = arith.constant 0 : i32
      %dma_wait3A_555 = tpu.memref_slice %arg6[%run_scoped3A_524, %dma_wait3A_553, %dma_wait3A_554] : memref<2x128x128xf32, #tpu.memory_space<vmem>> -> memref<1x128x128xf32, #tpu.memory_space<vmem>>
      %dma_wait3A_556 = tpu.memref_squeeze %dma_wait3A_555 : memref<1x128x128xf32, #tpu.memory_space<vmem>> -> memref<128x128xf32, #tpu.memory_space<vmem>>
      %dma_wait3A_557 = arith.constant 0 : i32
      %dma_wait3A_558 = tpu.memref_slice %arg4[%add3A_523, %dma_wait3A_557] : memref<81920x128xf32, #tpu.memory_space<hbm>> -> memref<128x128xf32, #tpu.memory_space<hbm>>
      %dma_wait3A_559 = arith.constant 0 : i32
      %dma_wait3A_560 = tpu.memref_slice %arg4[%add3A_523, %dma_wait3A_559] : memref<81920x128xf32, #tpu.memory_space<hbm>> -> memref<128x128xf32, #tpu.memory_space<hbm>>
      %dma_wait3A_561 = arith.constant 0 : i32
      %dma_wait3A_562 = arith.constant 0 : i32
      %dma_wait3A_563 = tpu.memref_slice %arg6[%run_scoped3A_524, %dma_wait3A_561, %dma_wait3A_562] : memref<2x128x128xf32, #tpu.memory_space<vmem>> -> memref<1x128x128xf32, #tpu.memory_space<vmem>>
      %dma_wait3A_564 = tpu.memref_squeeze %dma_wait3A_563 : memref<1x128x128xf32, #tpu.memory_space<vmem>> -> memref<128x128xf32, #tpu.memory_space<vmem>>
      tpu.wait_dma2 semaphore(%run_scoped3A_540 : memref<!tpu.dma_semaphore, #tpu.memory_space<semaphore_mem>>) src(%dma_wait3A_564 : memref<128x128xf32, #tpu.memory_space<vmem>>) dst(%dma_wait3A_560 : memref<128x128xf32, #tpu.memory_space<hbm>>)
      tpu.yield
    }) : () -> ()
    %dma_wait3A_525 = arith.constant 19 : i32
    %dma_wait3A_526 = arith.constant 1 : i32
    %dma_wait3A_527 = arith.constant 0 : i32
    %dma_wait3A_528 = arith.constant 0 : i32
    %dma_wait3A_529 = tpu.memref_slice %arg6[%dma_wait3A_526, %dma_wait3A_527, %dma_wait3A_528] : memref<2x128x128xf32, #tpu.memory_space<vmem>> -> memref<1x128x128xf32, #tpu.memory_space<vmem>>
    %dma_wait3A_530 = tpu.memref_squeeze %dma_wait3A_529 : memref<1x128x128xf32, #tpu.memory_space<vmem>> -> memref<128x128xf32, #tpu.memory_space<vmem>>
    %dma_wait3A_531 = arith.constant 0 : i32
    %dma_wait3A_532 = tpu.memref_slice %arg5[%dma_wait3A_525, %dma_wait3A_531] : memref<20x128xi32, #tpu.memory_space<vmem>> -> memref<1x128xi32, #tpu.memory_space<vmem>>
    %dma_wait3A_533 = tpu.memref_squeeze %dma_wait3A_532 : memref<1x128xi32, #tpu.memory_space<vmem>> -> memref<128xi32, #tpu.memory_space<vmem>>
    %dma_wait3A_534 = arith.constant 0 : i32
    %dma_wait3A_535 = arith.constant 0 : i32
    %dma_wait3A_536 = tpu.memref_slice %arg2[%dma_wait3A_534, %dma_wait3A_535] : memref<1000000x128xf32, #tpu.memory_space<hbm>> -> memref<1000000x128xf32, #tpu.memory_space<hbm>>
    tpu.wait_indirect_dma semaphore(%arg8 : memref<!tpu.dma_semaphore, #tpu.memory_space<semaphore_mem>>) src(%dma_wait3A_536 : memref<1000000x128xf32, #tpu.memory_space<hbm>>) dst(%dma_wait3A_530 : memref<128x128xf32, #tpu.memory_space<vmem>>)
    %add3A_537 = arith.constant 2432 : i32
    %add3A_538 = arith.addi %mul3A_2, %add3A_537 : i32
    %run_scoped3A_539 = arith.constant 1 : i32
    "tpu.region"() ({
      %run_scoped3A_540 = tpu.sem_alloc : memref<!tpu.dma_semaphore, #tpu.memory_space<semaphore_mem>>
      %dma_start3A_541 = arith.constant 0 : i32
      %dma_start3A_542 = arith.constant 0 : i32
      %dma_start3A_543 = tpu.memref_slice %arg6[%run_scoped3A_539, %dma_start3A_541, %dma_start3A_542] : memref<2x128x128xf32, #tpu.memory_space<vmem>> -> memref<1x128x128xf32, #tpu.memory_space<vmem>>
      %dma_start3A_544 = tpu.memref_squeeze %dma_start3A_543 : memref<1x128x128xf32, #tpu.memory_space<vmem>> -> memref<128x128xf32, #tpu.memory_space<vmem>>
      %dma_start3A_545 = arith.constant 0 : i32
      %dma_start3A_546 = tpu.memref_slice %arg4[%add3A_538, %dma_start3A_545] : memref<81920x128xf32, #tpu.memory_space<hbm>> -> memref<128x128xf32, #tpu.memory_space<hbm>>
      %dma_start3A_547 = arith.constant 0 : i32
      %dma_start3A_548 = tpu.memref_slice %arg4[%add3A_538, %dma_start3A_547] : memref<81920x128xf32, #tpu.memory_space<hbm>> -> memref<128x128xf32, #tpu.memory_space<hbm>>
      %dma_start3A_549 = arith.constant 0 : i32
      %dma_start3A_550 = arith.constant 0 : i32
      %dma_start3A_551 = tpu.memref_slice %arg6[%run_scoped3A_539, %dma_start3A_549, %dma_start3A_550] : memref<2x128x128xf32, #tpu.memory_space<vmem>> -> memref<1x128x128xf32, #tpu.memory_space<vmem>>
      %dma_start3A_552 = tpu.memref_squeeze %dma_start3A_551 : memref<1x128x128xf32, #tpu.memory_space<vmem>> -> memref<128x128xf32, #tpu.memory_space<vmem>>
      tpu.enqueue_dma source(%dma_start3A_552 : memref<128x128xf32, #tpu.memory_space<vmem>>) target(%dma_start3A_548 : memref<128x128xf32, #tpu.memory_space<hbm>>) target_semaphore(%run_scoped3A_540 : memref<!tpu.dma_semaphore, #tpu.memory_space<semaphore_mem>>)
      %dma_wait3A_553 = arith.constant 0 : i32
      %dma_wait3A_554 = arith.constant 0 : i32
      %dma_wait3A_555 = tpu.memref_slice %arg6[%run_scoped3A_539, %dma_wait3A_553, %dma_wait3A_554] : memref<2x128x128xf32, #tpu.memory_space<vmem>> -> memref<1x128x128xf32, #tpu.memory_space<vmem>>
      %dma_wait3A_556 = tpu.memref_squeeze %dma_wait3A_555 : memref<1x128x128xf32, #tpu.memory_space<vmem>> -> memref<128x128xf32, #tpu.memory_space<vmem>>
      %dma_wait3A_557 = arith.constant 0 : i32
      %dma_wait3A_558 = tpu.memref_slice %arg4[%add3A_538, %dma_wait3A_557] : memref<81920x128xf32, #tpu.memory_space<hbm>> -> memref<128x128xf32, #tpu.memory_space<hbm>>
      %dma_wait3A_559 = arith.constant 0 : i32
      %dma_wait3A_560 = tpu.memref_slice %arg4[%add3A_538, %dma_wait3A_559] : memref<81920x128xf32, #tpu.memory_space<hbm>> -> memref<128x128xf32, #tpu.memory_space<hbm>>
      %dma_wait3A_561 = arith.constant 0 : i32
      %dma_wait3A_562 = arith.constant 0 : i32
      %dma_wait3A_563 = tpu.memref_slice %arg6[%run_scoped3A_539, %dma_wait3A_561, %dma_wait3A_562] : memref<2x128x128xf32, #tpu.memory_space<vmem>> -> memref<1x128x128xf32, #tpu.memory_space<vmem>>
      %dma_wait3A_564 = tpu.memref_squeeze %dma_wait3A_563 : memref<1x128x128xf32, #tpu.memory_space<vmem>> -> memref<128x128xf32, #tpu.memory_space<vmem>>
      tpu.wait_dma2 semaphore(%run_scoped3A_540 : memref<!tpu.dma_semaphore, #tpu.memory_space<semaphore_mem>>) src(%dma_wait3A_564 : memref<128x128xf32, #tpu.memory_space<vmem>>) dst(%dma_wait3A_560 : memref<128x128xf32, #tpu.memory_space<hbm>>)
      tpu.yield
    }) : () -> ()
    return
  }
}

module attributes {stable_mosaic.version = 14 : i64} {
  func.func @_dot_body(%arg0: memref<4096x128xf32, #tpu.memory_space<vmem>>, %arg1: memref<20x4096x128xf32, #tpu.memory_space<any>>, %arg2: memref<20x4096xf32, #tpu.memory_space<vmem>>, %arg3: memref<4x20x256x128xf32, #tpu.memory_space<vmem>>, %arg4: memref<4x!tpu.dma_semaphore, #tpu.memory_space<semaphore_mem>>, %arg5: memref<4x!tpu.dma_semaphore, #tpu.memory_space<semaphore_mem>>, %arg6: memref<4x!tpu.dma_semaphore, #tpu.memory_space<semaphore_mem>>, %arg7: memref<4x!tpu.dma_semaphore, #tpu.memory_space<semaphore_mem>>) attributes {dimension_semantics = [], scalar_prefetch = 0 : i64, scratch_operands = 5 : i64, tpu.core_type = #tpu.core_type<tc>} {
    %dma_start3A = arith.constant 0 : i32
    %dma_start3A_0 = arith.constant 0 : i32
    %dma_start3A_1 = tpu.memref_slice %arg4[%dma_start3A_0] : memref<4x!tpu.dma_semaphore, #tpu.memory_space<semaphore_mem>> -> memref<1x!tpu.dma_semaphore, #tpu.memory_space<semaphore_mem>>
    %dma_start3A_2 = tpu.memref_squeeze %dma_start3A_1 : memref<1x!tpu.dma_semaphore, #tpu.memory_space<semaphore_mem>> -> memref<!tpu.dma_semaphore, #tpu.memory_space<semaphore_mem>>
    %dma_start3A_3 = arith.constant 0 : i32
    %dma_start3A_4 = arith.constant 0 : i32
    %dma_start3A_5 = arith.constant 0 : i32
    %dma_start3A_6 = tpu.memref_slice %arg3[%dma_start3A, %dma_start3A_3, %dma_start3A_4, %dma_start3A_5] : memref<4x20x256x128xf32, #tpu.memory_space<vmem>> -> memref<1x20x64x128xf32, #tpu.memory_space<vmem>>
    %dma_start3A_7 = tpu.memref_squeeze %dma_start3A_6 : memref<1x20x64x128xf32, #tpu.memory_space<vmem>> -> memref<20x64x128xf32, #tpu.memory_space<vmem>>
    %dma_start3A_8 = arith.constant 0 : i32
    %dma_start3A_9 = arith.constant 0 : i32
    %dma_start3A_10 = arith.constant 0 : i32
    %dma_start3A_11 = tpu.memref_slice %arg1[%dma_start3A_8, %dma_start3A_9, %dma_start3A_10] : memref<20x4096x128xf32, #tpu.memory_space<any>> -> memref<20x64x128xf32, #tpu.memory_space<any>>
    tpu.enqueue_dma source(%dma_start3A_11 : memref<20x64x128xf32, #tpu.memory_space<any>>) target(%dma_start3A_7 : memref<20x64x128xf32, #tpu.memory_space<vmem>>) target_semaphore(%dma_start3A_2 : memref<!tpu.dma_semaphore, #tpu.memory_space<semaphore_mem>>)
    %dma_start3A_12 = arith.constant 0 : i32
    %dma_start3A_13 = arith.constant 0 : i32
    %dma_start3A_14 = tpu.memref_slice %arg5[%dma_start3A_13] : memref<4x!tpu.dma_semaphore, #tpu.memory_space<semaphore_mem>> -> memref<1x!tpu.dma_semaphore, #tpu.memory_space<semaphore_mem>>
    %dma_start3A_15 = tpu.memref_squeeze %dma_start3A_14 : memref<1x!tpu.dma_semaphore, #tpu.memory_space<semaphore_mem>> -> memref<!tpu.dma_semaphore, #tpu.memory_space<semaphore_mem>>
    %dma_start3A_16 = arith.constant 0 : i32
    %dma_start3A_17 = arith.constant 64 : i32
    %dma_start3A_18 = arith.constant 0 : i32
    %dma_start3A_19 = tpu.memref_slice %arg3[%dma_start3A_12, %dma_start3A_16, %dma_start3A_17, %dma_start3A_18] : memref<4x20x256x128xf32, #tpu.memory_space<vmem>> -> memref<1x20x64x128xf32, #tpu.memory_space<vmem>>
    %dma_start3A_20 = tpu.memref_squeeze %dma_start3A_19 : memref<1x20x64x128xf32, #tpu.memory_space<vmem>> -> memref<20x64x128xf32, #tpu.memory_space<vmem>>
    %dma_start3A_21 = arith.constant 0 : i32
    %dma_start3A_22 = arith.constant 64 : i32
    %dma_start3A_23 = arith.constant 0 : i32
    %dma_start3A_24 = tpu.memref_slice %arg1[%dma_start3A_21, %dma_start3A_22, %dma_start3A_23] : memref<20x4096x128xf32, #tpu.memory_space<any>> -> memref<20x64x128xf32, #tpu.memory_space<any>>
    tpu.enqueue_dma source(%dma_start3A_24 : memref<20x64x128xf32, #tpu.memory_space<any>>) target(%dma_start3A_20 : memref<20x64x128xf32, #tpu.memory_space<vmem>>) target_semaphore(%dma_start3A_15 : memref<!tpu.dma_semaphore, #tpu.memory_space<semaphore_mem>>)
    %dma_start3A_25 = arith.constant 0 : i32
    %dma_start3A_26 = arith.constant 0 : i32
    %dma_start3A_27 = tpu.memref_slice %arg6[%dma_start3A_26] : memref<4x!tpu.dma_semaphore, #tpu.memory_space<semaphore_mem>> -> memref<1x!tpu.dma_semaphore, #tpu.memory_space<semaphore_mem>>
    %dma_start3A_28 = tpu.memref_squeeze %dma_start3A_27 : memref<1x!tpu.dma_semaphore, #tpu.memory_space<semaphore_mem>> -> memref<!tpu.dma_semaphore, #tpu.memory_space<semaphore_mem>>
    %dma_start3A_29 = arith.constant 0 : i32
    %dma_start3A_30 = arith.constant 128 : i32
    %dma_start3A_31 = arith.constant 0 : i32
    %dma_start3A_32 = tpu.memref_slice %arg3[%dma_start3A_25, %dma_start3A_29, %dma_start3A_30, %dma_start3A_31] : memref<4x20x256x128xf32, #tpu.memory_space<vmem>> -> memref<1x20x64x128xf32, #tpu.memory_space<vmem>>
    %dma_start3A_33 = tpu.memref_squeeze %dma_start3A_32 : memref<1x20x64x128xf32, #tpu.memory_space<vmem>> -> memref<20x64x128xf32, #tpu.memory_space<vmem>>
    %dma_start3A_34 = arith.constant 0 : i32
    %dma_start3A_35 = arith.constant 128 : i32
    %dma_start3A_36 = arith.constant 0 : i32
    %dma_start3A_37 = tpu.memref_slice %arg1[%dma_start3A_34, %dma_start3A_35, %dma_start3A_36] : memref<20x4096x128xf32, #tpu.memory_space<any>> -> memref<20x64x128xf32, #tpu.memory_space<any>>
    tpu.enqueue_dma source(%dma_start3A_37 : memref<20x64x128xf32, #tpu.memory_space<any>>) target(%dma_start3A_33 : memref<20x64x128xf32, #tpu.memory_space<vmem>>) target_semaphore(%dma_start3A_28 : memref<!tpu.dma_semaphore, #tpu.memory_space<semaphore_mem>>)
    %dma_start3A_38 = arith.constant 0 : i32
    %dma_start3A_39 = arith.constant 0 : i32
    %dma_start3A_40 = tpu.memref_slice %arg7[%dma_start3A_39] : memref<4x!tpu.dma_semaphore, #tpu.memory_space<semaphore_mem>> -> memref<1x!tpu.dma_semaphore, #tpu.memory_space<semaphore_mem>>
    %dma_start3A_41 = tpu.memref_squeeze %dma_start3A_40 : memref<1x!tpu.dma_semaphore, #tpu.memory_space<semaphore_mem>> -> memref<!tpu.dma_semaphore, #tpu.memory_space<semaphore_mem>>
    %dma_start3A_42 = arith.constant 0 : i32
    %dma_start3A_43 = arith.constant 192 : i32
    %dma_start3A_44 = arith.constant 0 : i32
    %dma_start3A_45 = tpu.memref_slice %arg3[%dma_start3A_38, %dma_start3A_42, %dma_start3A_43, %dma_start3A_44] : memref<4x20x256x128xf32, #tpu.memory_space<vmem>> -> memref<1x20x64x128xf32, #tpu.memory_space<vmem>>
    %dma_start3A_46 = tpu.memref_squeeze %dma_start3A_45 : memref<1x20x64x128xf32, #tpu.memory_space<vmem>> -> memref<20x64x128xf32, #tpu.memory_space<vmem>>
    %dma_start3A_47 = arith.constant 0 : i32
    %dma_start3A_48 = arith.constant 192 : i32
    %dma_start3A_49 = arith.constant 0 : i32
    %dma_start3A_50 = tpu.memref_slice %arg1[%dma_start3A_47, %dma_start3A_48, %dma_start3A_49] : memref<20x4096x128xf32, #tpu.memory_space<any>> -> memref<20x64x128xf32, #tpu.memory_space<any>>
    tpu.enqueue_dma source(%dma_start3A_50 : memref<20x64x128xf32, #tpu.memory_space<any>>) target(%dma_start3A_46 : memref<20x64x128xf32, #tpu.memory_space<vmem>>) target_semaphore(%dma_start3A_41 : memref<!tpu.dma_semaphore, #tpu.memory_space<semaphore_mem>>)
    %dma_start3A_51 = arith.constant 1 : i32
    %dma_start3A_52 = arith.constant 1 : i32
    %dma_start3A_53 = tpu.memref_slice %arg4[%dma_start3A_52] : memref<4x!tpu.dma_semaphore, #tpu.memory_space<semaphore_mem>> -> memref<1x!tpu.dma_semaphore, #tpu.memory_space<semaphore_mem>>
    %dma_start3A_54 = tpu.memref_squeeze %dma_start3A_53 : memref<1x!tpu.dma_semaphore, #tpu.memory_space<semaphore_mem>> -> memref<!tpu.dma_semaphore, #tpu.memory_space<semaphore_mem>>
    %dma_start3A_55 = arith.constant 0 : i32
    %dma_start3A_56 = arith.constant 0 : i32
    %dma_start3A_57 = arith.constant 0 : i32
    %dma_start3A_58 = tpu.memref_slice %arg3[%dma_start3A_51, %dma_start3A_55, %dma_start3A_56, %dma_start3A_57] : memref<4x20x256x128xf32, #tpu.memory_space<vmem>> -> memref<1x20x64x128xf32, #tpu.memory_space<vmem>>
    %dma_start3A_59 = tpu.memref_squeeze %dma_start3A_58 : memref<1x20x64x128xf32, #tpu.memory_space<vmem>> -> memref<20x64x128xf32, #tpu.memory_space<vmem>>
    %dma_start3A_60 = arith.constant 0 : i32
    %dma_start3A_61 = arith.constant 256 : i32
    %dma_start3A_62 = arith.constant 0 : i32
    %dma_start3A_63 = tpu.memref_slice %arg1[%dma_start3A_60, %dma_start3A_61, %dma_start3A_62] : memref<20x4096x128xf32, #tpu.memory_space<any>> -> memref<20x64x128xf32, #tpu.memory_space<any>>
    tpu.enqueue_dma source(%dma_start3A_63 : memref<20x64x128xf32, #tpu.memory_space<any>>) target(%dma_start3A_59 : memref<20x64x128xf32, #tpu.memory_space<vmem>>) target_semaphore(%dma_start3A_54 : memref<!tpu.dma_semaphore, #tpu.memory_space<semaphore_mem>>)
    %dma_start3A_64 = arith.constant 1 : i32
    %dma_start3A_65 = arith.constant 1 : i32
    %dma_start3A_66 = tpu.memref_slice %arg5[%dma_start3A_65] : memref<4x!tpu.dma_semaphore, #tpu.memory_space<semaphore_mem>> -> memref<1x!tpu.dma_semaphore, #tpu.memory_space<semaphore_mem>>
    %dma_start3A_67 = tpu.memref_squeeze %dma_start3A_66 : memref<1x!tpu.dma_semaphore, #tpu.memory_space<semaphore_mem>> -> memref<!tpu.dma_semaphore, #tpu.memory_space<semaphore_mem>>
    %dma_start3A_68 = arith.constant 0 : i32
    %dma_start3A_69 = arith.constant 64 : i32
    %dma_start3A_70 = arith.constant 0 : i32
    %dma_start3A_71 = tpu.memref_slice %arg3[%dma_start3A_64, %dma_start3A_68, %dma_start3A_69, %dma_start3A_70] : memref<4x20x256x128xf32, #tpu.memory_space<vmem>> -> memref<1x20x64x128xf32, #tpu.memory_space<vmem>>
    %dma_start3A_72 = tpu.memref_squeeze %dma_start3A_71 : memref<1x20x64x128xf32, #tpu.memory_space<vmem>> -> memref<20x64x128xf32, #tpu.memory_space<vmem>>
    %dma_start3A_73 = arith.constant 0 : i32
    %dma_start3A_74 = arith.constant 320 : i32
    %dma_start3A_75 = arith.constant 0 : i32
    %dma_start3A_76 = tpu.memref_slice %arg1[%dma_start3A_73, %dma_start3A_74, %dma_start3A_75] : memref<20x4096x128xf32, #tpu.memory_space<any>> -> memref<20x64x128xf32, #tpu.memory_space<any>>
    tpu.enqueue_dma source(%dma_start3A_76 : memref<20x64x128xf32, #tpu.memory_space<any>>) target(%dma_start3A_72 : memref<20x64x128xf32, #tpu.memory_space<vmem>>) target_semaphore(%dma_start3A_67 : memref<!tpu.dma_semaphore, #tpu.memory_space<semaphore_mem>>)
    %dma_start3A_77 = arith.constant 1 : i32
    %dma_start3A_78 = arith.constant 1 : i32
    %dma_start3A_79 = tpu.memref_slice %arg6[%dma_start3A_78] : memref<4x!tpu.dma_semaphore, #tpu.memory_space<semaphore_mem>> -> memref<1x!tpu.dma_semaphore, #tpu.memory_space<semaphore_mem>>
    %dma_start3A_80 = tpu.memref_squeeze %dma_start3A_79 : memref<1x!tpu.dma_semaphore, #tpu.memory_space<semaphore_mem>> -> memref<!tpu.dma_semaphore, #tpu.memory_space<semaphore_mem>>
    %dma_start3A_81 = arith.constant 0 : i32
    %dma_start3A_82 = arith.constant 128 : i32
    %dma_start3A_83 = arith.constant 0 : i32
    %dma_start3A_84 = tpu.memref_slice %arg3[%dma_start3A_77, %dma_start3A_81, %dma_start3A_82, %dma_start3A_83] : memref<4x20x256x128xf32, #tpu.memory_space<vmem>> -> memref<1x20x64x128xf32, #tpu.memory_space<vmem>>
    %dma_start3A_85 = tpu.memref_squeeze %dma_start3A_84 : memref<1x20x64x128xf32, #tpu.memory_space<vmem>> -> memref<20x64x128xf32, #tpu.memory_space<vmem>>
    %dma_start3A_86 = arith.constant 0 : i32
    %dma_start3A_87 = arith.constant 384 : i32
    %dma_start3A_88 = arith.constant 0 : i32
    %dma_start3A_89 = tpu.memref_slice %arg1[%dma_start3A_86, %dma_start3A_87, %dma_start3A_88] : memref<20x4096x128xf32, #tpu.memory_space<any>> -> memref<20x64x128xf32, #tpu.memory_space<any>>
    tpu.enqueue_dma source(%dma_start3A_89 : memref<20x64x128xf32, #tpu.memory_space<any>>) target(%dma_start3A_85 : memref<20x64x128xf32, #tpu.memory_space<vmem>>) target_semaphore(%dma_start3A_80 : memref<!tpu.dma_semaphore, #tpu.memory_space<semaphore_mem>>)
    %dma_start3A_90 = arith.constant 1 : i32
    %dma_start3A_91 = arith.constant 1 : i32
    %dma_start3A_92 = tpu.memref_slice %arg7[%dma_start3A_91] : memref<4x!tpu.dma_semaphore, #tpu.memory_space<semaphore_mem>> -> memref<1x!tpu.dma_semaphore, #tpu.memory_space<semaphore_mem>>
    %dma_start3A_93 = tpu.memref_squeeze %dma_start3A_92 : memref<1x!tpu.dma_semaphore, #tpu.memory_space<semaphore_mem>> -> memref<!tpu.dma_semaphore, #tpu.memory_space<semaphore_mem>>
    %dma_start3A_94 = arith.constant 0 : i32
    %dma_start3A_95 = arith.constant 192 : i32
    %dma_start3A_96 = arith.constant 0 : i32
    %dma_start3A_97 = tpu.memref_slice %arg3[%dma_start3A_90, %dma_start3A_94, %dma_start3A_95, %dma_start3A_96] : memref<4x20x256x128xf32, #tpu.memory_space<vmem>> -> memref<1x20x64x128xf32, #tpu.memory_space<vmem>>
    %dma_start3A_98 = tpu.memref_squeeze %dma_start3A_97 : memref<1x20x64x128xf32, #tpu.memory_space<vmem>> -> memref<20x64x128xf32, #tpu.memory_space<vmem>>
    %dma_start3A_99 = arith.constant 0 : i32
    %dma_start3A_100 = arith.constant 448 : i32
    %dma_start3A_101 = arith.constant 0 : i32
    %dma_start3A_102 = tpu.memref_slice %arg1[%dma_start3A_99, %dma_start3A_100, %dma_start3A_101] : memref<20x4096x128xf32, #tpu.memory_space<any>> -> memref<20x64x128xf32, #tpu.memory_space<any>>
    tpu.enqueue_dma source(%dma_start3A_102 : memref<20x64x128xf32, #tpu.memory_space<any>>) target(%dma_start3A_98 : memref<20x64x128xf32, #tpu.memory_space<vmem>>) target_semaphore(%dma_start3A_93 : memref<!tpu.dma_semaphore, #tpu.memory_space<semaphore_mem>>)
    %dma_start3A_103 = arith.constant 2 : i32
    %dma_start3A_104 = arith.constant 2 : i32
    %dma_start3A_105 = tpu.memref_slice %arg4[%dma_start3A_104] : memref<4x!tpu.dma_semaphore, #tpu.memory_space<semaphore_mem>> -> memref<1x!tpu.dma_semaphore, #tpu.memory_space<semaphore_mem>>
    %dma_start3A_106 = tpu.memref_squeeze %dma_start3A_105 : memref<1x!tpu.dma_semaphore, #tpu.memory_space<semaphore_mem>> -> memref<!tpu.dma_semaphore, #tpu.memory_space<semaphore_mem>>
    %dma_start3A_107 = arith.constant 0 : i32
    %dma_start3A_108 = arith.constant 0 : i32
    %dma_start3A_109 = arith.constant 0 : i32
    %dma_start3A_110 = tpu.memref_slice %arg3[%dma_start3A_103, %dma_start3A_107, %dma_start3A_108, %dma_start3A_109] : memref<4x20x256x128xf32, #tpu.memory_space<vmem>> -> memref<1x20x64x128xf32, #tpu.memory_space<vmem>>
    %dma_start3A_111 = tpu.memref_squeeze %dma_start3A_110 : memref<1x20x64x128xf32, #tpu.memory_space<vmem>> -> memref<20x64x128xf32, #tpu.memory_space<vmem>>
    %dma_start3A_112 = arith.constant 0 : i32
    %dma_start3A_113 = arith.constant 512 : i32
    %dma_start3A_114 = arith.constant 0 : i32
    %dma_start3A_115 = tpu.memref_slice %arg1[%dma_start3A_112, %dma_start3A_113, %dma_start3A_114] : memref<20x4096x128xf32, #tpu.memory_space<any>> -> memref<20x64x128xf32, #tpu.memory_space<any>>
    tpu.enqueue_dma source(%dma_start3A_115 : memref<20x64x128xf32, #tpu.memory_space<any>>) target(%dma_start3A_111 : memref<20x64x128xf32, #tpu.memory_space<vmem>>) target_semaphore(%dma_start3A_106 : memref<!tpu.dma_semaphore, #tpu.memory_space<semaphore_mem>>)
    %dma_start3A_116 = arith.constant 2 : i32
    %dma_start3A_117 = arith.constant 2 : i32
    %dma_start3A_118 = tpu.memref_slice %arg5[%dma_start3A_117] : memref<4x!tpu.dma_semaphore, #tpu.memory_space<semaphore_mem>> -> memref<1x!tpu.dma_semaphore, #tpu.memory_space<semaphore_mem>>
    %dma_start3A_119 = tpu.memref_squeeze %dma_start3A_118 : memref<1x!tpu.dma_semaphore, #tpu.memory_space<semaphore_mem>> -> memref<!tpu.dma_semaphore, #tpu.memory_space<semaphore_mem>>
    %dma_start3A_120 = arith.constant 0 : i32
    %dma_start3A_121 = arith.constant 64 : i32
    %dma_start3A_122 = arith.constant 0 : i32
    %dma_start3A_123 = tpu.memref_slice %arg3[%dma_start3A_116, %dma_start3A_120, %dma_start3A_121, %dma_start3A_122] : memref<4x20x256x128xf32, #tpu.memory_space<vmem>> -> memref<1x20x64x128xf32, #tpu.memory_space<vmem>>
    %dma_start3A_124 = tpu.memref_squeeze %dma_start3A_123 : memref<1x20x64x128xf32, #tpu.memory_space<vmem>> -> memref<20x64x128xf32, #tpu.memory_space<vmem>>
    %dma_start3A_125 = arith.constant 0 : i32
    %dma_start3A_126 = arith.constant 576 : i32
    %dma_start3A_127 = arith.constant 0 : i32
    %dma_start3A_128 = tpu.memref_slice %arg1[%dma_start3A_125, %dma_start3A_126, %dma_start3A_127] : memref<20x4096x128xf32, #tpu.memory_space<any>> -> memref<20x64x128xf32, #tpu.memory_space<any>>
    tpu.enqueue_dma source(%dma_start3A_128 : memref<20x64x128xf32, #tpu.memory_space<any>>) target(%dma_start3A_124 : memref<20x64x128xf32, #tpu.memory_space<vmem>>) target_semaphore(%dma_start3A_119 : memref<!tpu.dma_semaphore, #tpu.memory_space<semaphore_mem>>)
    %dma_start3A_129 = arith.constant 2 : i32
    %dma_start3A_130 = arith.constant 2 : i32
    %dma_start3A_131 = tpu.memref_slice %arg6[%dma_start3A_130] : memref<4x!tpu.dma_semaphore, #tpu.memory_space<semaphore_mem>> -> memref<1x!tpu.dma_semaphore, #tpu.memory_space<semaphore_mem>>
    %dma_start3A_132 = tpu.memref_squeeze %dma_start3A_131 : memref<1x!tpu.dma_semaphore, #tpu.memory_space<semaphore_mem>> -> memref<!tpu.dma_semaphore, #tpu.memory_space<semaphore_mem>>
    %dma_start3A_133 = arith.constant 0 : i32
    %dma_start3A_134 = arith.constant 128 : i32
    %dma_start3A_135 = arith.constant 0 : i32
    %dma_start3A_136 = tpu.memref_slice %arg3[%dma_start3A_129, %dma_start3A_133, %dma_start3A_134, %dma_start3A_135] : memref<4x20x256x128xf32, #tpu.memory_space<vmem>> -> memref<1x20x64x128xf32, #tpu.memory_space<vmem>>
    %dma_start3A_137 = tpu.memref_squeeze %dma_start3A_136 : memref<1x20x64x128xf32, #tpu.memory_space<vmem>> -> memref<20x64x128xf32, #tpu.memory_space<vmem>>
    %dma_start3A_138 = arith.constant 0 : i32
    %dma_start3A_139 = arith.constant 640 : i32
    %dma_start3A_140 = arith.constant 0 : i32
    %dma_start3A_141 = tpu.memref_slice %arg1[%dma_start3A_138, %dma_start3A_139, %dma_start3A_140] : memref<20x4096x128xf32, #tpu.memory_space<any>> -> memref<20x64x128xf32, #tpu.memory_space<any>>
    tpu.enqueue_dma source(%dma_start3A_141 : memref<20x64x128xf32, #tpu.memory_space<any>>) target(%dma_start3A_137 : memref<20x64x128xf32, #tpu.memory_space<vmem>>) target_semaphore(%dma_start3A_132 : memref<!tpu.dma_semaphore, #tpu.memory_space<semaphore_mem>>)
    %dma_start3A_142 = arith.constant 2 : i32
    %dma_start3A_143 = arith.constant 2 : i32
    %dma_start3A_144 = tpu.memref_slice %arg7[%dma_start3A_143] : memref<4x!tpu.dma_semaphore, #tpu.memory_space<semaphore_mem>> -> memref<1x!tpu.dma_semaphore, #tpu.memory_space<semaphore_mem>>
    %dma_start3A_145 = tpu.memref_squeeze %dma_start3A_144 : memref<1x!tpu.dma_semaphore, #tpu.memory_space<semaphore_mem>> -> memref<!tpu.dma_semaphore, #tpu.memory_space<semaphore_mem>>
    %dma_start3A_146 = arith.constant 0 : i32
    %dma_start3A_147 = arith.constant 192 : i32
    %dma_start3A_148 = arith.constant 0 : i32
    %dma_start3A_149 = tpu.memref_slice %arg3[%dma_start3A_142, %dma_start3A_146, %dma_start3A_147, %dma_start3A_148] : memref<4x20x256x128xf32, #tpu.memory_space<vmem>> -> memref<1x20x64x128xf32, #tpu.memory_space<vmem>>
    %dma_start3A_150 = tpu.memref_squeeze %dma_start3A_149 : memref<1x20x64x128xf32, #tpu.memory_space<vmem>> -> memref<20x64x128xf32, #tpu.memory_space<vmem>>
    %dma_start3A_151 = arith.constant 0 : i32
    %dma_start3A_152 = arith.constant 704 : i32
    %dma_start3A_153 = arith.constant 0 : i32
    %dma_start3A_154 = tpu.memref_slice %arg1[%dma_start3A_151, %dma_start3A_152, %dma_start3A_153] : memref<20x4096x128xf32, #tpu.memory_space<any>> -> memref<20x64x128xf32, #tpu.memory_space<any>>
    tpu.enqueue_dma source(%dma_start3A_154 : memref<20x64x128xf32, #tpu.memory_space<any>>) target(%dma_start3A_150 : memref<20x64x128xf32, #tpu.memory_space<vmem>>) target_semaphore(%dma_start3A_145 : memref<!tpu.dma_semaphore, #tpu.memory_space<semaphore_mem>>)
    %dma_start3A_155 = arith.constant 3 : i32
    %dma_start3A_156 = arith.constant 3 : i32
    %dma_start3A_157 = tpu.memref_slice %arg4[%dma_start3A_156] : memref<4x!tpu.dma_semaphore, #tpu.memory_space<semaphore_mem>> -> memref<1x!tpu.dma_semaphore, #tpu.memory_space<semaphore_mem>>
    %dma_start3A_158 = tpu.memref_squeeze %dma_start3A_157 : memref<1x!tpu.dma_semaphore, #tpu.memory_space<semaphore_mem>> -> memref<!tpu.dma_semaphore, #tpu.memory_space<semaphore_mem>>
    %dma_start3A_159 = arith.constant 0 : i32
    %dma_start3A_160 = arith.constant 0 : i32
    %dma_start3A_161 = arith.constant 0 : i32
    %dma_start3A_162 = tpu.memref_slice %arg3[%dma_start3A_155, %dma_start3A_159, %dma_start3A_160, %dma_start3A_161] : memref<4x20x256x128xf32, #tpu.memory_space<vmem>> -> memref<1x20x64x128xf32, #tpu.memory_space<vmem>>
    %dma_start3A_163 = tpu.memref_squeeze %dma_start3A_162 : memref<1x20x64x128xf32, #tpu.memory_space<vmem>> -> memref<20x64x128xf32, #tpu.memory_space<vmem>>
    %dma_start3A_164 = arith.constant 0 : i32
    %dma_start3A_165 = arith.constant 768 : i32
    %dma_start3A_166 = arith.constant 0 : i32
    %dma_start3A_167 = tpu.memref_slice %arg1[%dma_start3A_164, %dma_start3A_165, %dma_start3A_166] : memref<20x4096x128xf32, #tpu.memory_space<any>> -> memref<20x64x128xf32, #tpu.memory_space<any>>
    tpu.enqueue_dma source(%dma_start3A_167 : memref<20x64x128xf32, #tpu.memory_space<any>>) target(%dma_start3A_163 : memref<20x64x128xf32, #tpu.memory_space<vmem>>) target_semaphore(%dma_start3A_158 : memref<!tpu.dma_semaphore, #tpu.memory_space<semaphore_mem>>)
    %dma_start3A_168 = arith.constant 3 : i32
    %dma_start3A_169 = arith.constant 3 : i32
    %dma_start3A_170 = tpu.memref_slice %arg5[%dma_start3A_169] : memref<4x!tpu.dma_semaphore, #tpu.memory_space<semaphore_mem>> -> memref<1x!tpu.dma_semaphore, #tpu.memory_space<semaphore_mem>>
    %dma_start3A_171 = tpu.memref_squeeze %dma_start3A_170 : memref<1x!tpu.dma_semaphore, #tpu.memory_space<semaphore_mem>> -> memref<!tpu.dma_semaphore, #tpu.memory_space<semaphore_mem>>
    %dma_start3A_172 = arith.constant 0 : i32
    %dma_start3A_173 = arith.constant 64 : i32
    %dma_start3A_174 = arith.constant 0 : i32
    %dma_start3A_175 = tpu.memref_slice %arg3[%dma_start3A_168, %dma_start3A_172, %dma_start3A_173, %dma_start3A_174] : memref<4x20x256x128xf32, #tpu.memory_space<vmem>> -> memref<1x20x64x128xf32, #tpu.memory_space<vmem>>
    %dma_start3A_176 = tpu.memref_squeeze %dma_start3A_175 : memref<1x20x64x128xf32, #tpu.memory_space<vmem>> -> memref<20x64x128xf32, #tpu.memory_space<vmem>>
    %dma_start3A_177 = arith.constant 0 : i32
    %dma_start3A_178 = arith.constant 832 : i32
    %dma_start3A_179 = arith.constant 0 : i32
    %dma_start3A_180 = tpu.memref_slice %arg1[%dma_start3A_177, %dma_start3A_178, %dma_start3A_179] : memref<20x4096x128xf32, #tpu.memory_space<any>> -> memref<20x64x128xf32, #tpu.memory_space<any>>
    tpu.enqueue_dma source(%dma_start3A_180 : memref<20x64x128xf32, #tpu.memory_space<any>>) target(%dma_start3A_176 : memref<20x64x128xf32, #tpu.memory_space<vmem>>) target_semaphore(%dma_start3A_171 : memref<!tpu.dma_semaphore, #tpu.memory_space<semaphore_mem>>)
    %dma_start3A_181 = arith.constant 3 : i32
    %dma_start3A_182 = arith.constant 3 : i32
    %dma_start3A_183 = tpu.memref_slice %arg6[%dma_start3A_182] : memref<4x!tpu.dma_semaphore, #tpu.memory_space<semaphore_mem>> -> memref<1x!tpu.dma_semaphore, #tpu.memory_space<semaphore_mem>>
    %dma_start3A_184 = tpu.memref_squeeze %dma_start3A_183 : memref<1x!tpu.dma_semaphore, #tpu.memory_space<semaphore_mem>> -> memref<!tpu.dma_semaphore, #tpu.memory_space<semaphore_mem>>
    %dma_start3A_185 = arith.constant 0 : i32
    %dma_start3A_186 = arith.constant 128 : i32
    %dma_start3A_187 = arith.constant 0 : i32
    %dma_start3A_188 = tpu.memref_slice %arg3[%dma_start3A_181, %dma_start3A_185, %dma_start3A_186, %dma_start3A_187] : memref<4x20x256x128xf32, #tpu.memory_space<vmem>> -> memref<1x20x64x128xf32, #tpu.memory_space<vmem>>
    %dma_start3A_189 = tpu.memref_squeeze %dma_start3A_188 : memref<1x20x64x128xf32, #tpu.memory_space<vmem>> -> memref<20x64x128xf32, #tpu.memory_space<vmem>>
    %dma_start3A_190 = arith.constant 0 : i32
    %dma_start3A_191 = arith.constant 896 : i32
    %dma_start3A_192 = arith.constant 0 : i32
    %dma_start3A_193 = tpu.memref_slice %arg1[%dma_start3A_190, %dma_start3A_191, %dma_start3A_192] : memref<20x4096x128xf32, #tpu.memory_space<any>> -> memref<20x64x128xf32, #tpu.memory_space<any>>
    tpu.enqueue_dma source(%dma_start3A_193 : memref<20x64x128xf32, #tpu.memory_space<any>>) target(%dma_start3A_189 : memref<20x64x128xf32, #tpu.memory_space<vmem>>) target_semaphore(%dma_start3A_184 : memref<!tpu.dma_semaphore, #tpu.memory_space<semaphore_mem>>)
    %dma_start3A_194 = arith.constant 3 : i32
    %dma_start3A_195 = arith.constant 3 : i32
    %dma_start3A_196 = tpu.memref_slice %arg7[%dma_start3A_195] : memref<4x!tpu.dma_semaphore, #tpu.memory_space<semaphore_mem>> -> memref<1x!tpu.dma_semaphore, #tpu.memory_space<semaphore_mem>>
    %dma_start3A_197 = tpu.memref_squeeze %dma_start3A_196 : memref<1x!tpu.dma_semaphore, #tpu.memory_space<semaphore_mem>> -> memref<!tpu.dma_semaphore, #tpu.memory_space<semaphore_mem>>
    %dma_start3A_198 = arith.constant 0 : i32
    %dma_start3A_199 = arith.constant 192 : i32
    %dma_start3A_200 = arith.constant 0 : i32
    %dma_start3A_201 = tpu.memref_slice %arg3[%dma_start3A_194, %dma_start3A_198, %dma_start3A_199, %dma_start3A_200] : memref<4x20x256x128xf32, #tpu.memory_space<vmem>> -> memref<1x20x64x128xf32, #tpu.memory_space<vmem>>
    %dma_start3A_202 = tpu.memref_squeeze %dma_start3A_201 : memref<1x20x64x128xf32, #tpu.memory_space<vmem>> -> memref<20x64x128xf32, #tpu.memory_space<vmem>>
    %dma_start3A_203 = arith.constant 0 : i32
    %dma_start3A_204 = arith.constant 960 : i32
    %dma_start3A_205 = arith.constant 0 : i32
    %dma_start3A_206 = tpu.memref_slice %arg1[%dma_start3A_203, %dma_start3A_204, %dma_start3A_205] : memref<20x4096x128xf32, #tpu.memory_space<any>> -> memref<20x64x128xf32, #tpu.memory_space<any>>
    tpu.enqueue_dma source(%dma_start3A_206 : memref<20x64x128xf32, #tpu.memory_space<any>>) target(%dma_start3A_202 : memref<20x64x128xf32, #tpu.memory_space<vmem>>) target_semaphore(%dma_start3A_197 : memref<!tpu.dma_semaphore, #tpu.memory_space<semaphore_mem>>)
    %scan3A = arith.constant 0 : i32
    %scan3A_207 = arith.constant 4 : i32
    %scan3A_208 = arith.addi %scan3A, %scan3A_207 : i32
    %scan3A_209 = arith.constant 1 : i32
    scf.for %scan3A_211 = %scan3A to %scan3A_208 step %scan3A_209  : i32 {
      %mul3A = arith.constant 4 : i32
      %mul3A_212 = arith.muli %scan3A_211, %mul3A : i32
      %add3A = arith.constant 0 : i32
      %add3A_213 = arith.addi %mul3A_212, %add3A : i32
      %dma_wait3A = arith.constant 0 : i32
      %dma_wait3A_214 = arith.constant 0 : i32
      %dma_wait3A_215 = tpu.memref_slice %arg4[%dma_wait3A_214] : memref<4x!tpu.dma_semaphore, #tpu.memory_space<semaphore_mem>> -> memref<1x!tpu.dma_semaphore, #tpu.memory_space<semaphore_mem>>
      %dma_wait3A_216 = tpu.memref_squeeze %dma_wait3A_215 : memref<1x!tpu.dma_semaphore, #tpu.memory_space<semaphore_mem>> -> memref<!tpu.dma_semaphore, #tpu.memory_space<semaphore_mem>>
      %dma_wait3A_217 = arith.constant 0 : i32
      %dma_wait3A_218 = arith.constant 0 : i32
      %dma_wait3A_219 = arith.constant 0 : i32
      %dma_wait3A_220 = tpu.memref_slice %arg3[%dma_wait3A, %dma_wait3A_217, %dma_wait3A_218, %dma_wait3A_219] : memref<4x20x256x128xf32, #tpu.memory_space<vmem>> -> memref<1x20x64x128xf32, #tpu.memory_space<vmem>>
      %dma_wait3A_221 = tpu.memref_squeeze %dma_wait3A_220 : memref<1x20x64x128xf32, #tpu.memory_space<vmem>> -> memref<20x64x128xf32, #tpu.memory_space<vmem>>
      %dma_wait3A_222 = arith.constant 0 : i32
      %dma_wait3A_223 = arith.constant 0 : i32
      %dma_wait3A_224 = arith.constant 0 : i32
      %dma_wait3A_225 = tpu.memref_slice %arg1[%dma_wait3A_222, %dma_wait3A_223, %dma_wait3A_224] : memref<20x4096x128xf32, #tpu.memory_space<any>> -> memref<20x64x128xf32, #tpu.memory_space<any>>
      tpu.wait_dma2 semaphore(%dma_wait3A_216 : memref<!tpu.dma_semaphore, #tpu.memory_space<semaphore_mem>>) src(%dma_wait3A_225 : memref<20x64x128xf32, #tpu.memory_space<any>>) dst(%dma_wait3A_221 : memref<20x64x128xf32, #tpu.memory_space<vmem>>)
      %dma_wait3A_226 = arith.constant 0 : i32
      %dma_wait3A_227 = arith.constant 0 : i32
      %dma_wait3A_228 = tpu.memref_slice %arg5[%dma_wait3A_227] : memref<4x!tpu.dma_semaphore, #tpu.memory_space<semaphore_mem>> -> memref<1x!tpu.dma_semaphore, #tpu.memory_space<semaphore_mem>>
      %dma_wait3A_229 = tpu.memref_squeeze %dma_wait3A_228 : memref<1x!tpu.dma_semaphore, #tpu.memory_space<semaphore_mem>> -> memref<!tpu.dma_semaphore, #tpu.memory_space<semaphore_mem>>
      %dma_wait3A_230 = arith.constant 0 : i32
      %dma_wait3A_231 = arith.constant 64 : i32
      %dma_wait3A_232 = arith.constant 0 : i32
      %dma_wait3A_233 = tpu.memref_slice %arg3[%dma_wait3A_226, %dma_wait3A_230, %dma_wait3A_231, %dma_wait3A_232] : memref<4x20x256x128xf32, #tpu.memory_space<vmem>> -> memref<1x20x64x128xf32, #tpu.memory_space<vmem>>
      %dma_wait3A_234 = tpu.memref_squeeze %dma_wait3A_233 : memref<1x20x64x128xf32, #tpu.memory_space<vmem>> -> memref<20x64x128xf32, #tpu.memory_space<vmem>>
      %dma_wait3A_235 = arith.constant 0 : i32
      %dma_wait3A_236 = arith.constant 64 : i32
      %dma_wait3A_237 = arith.constant 0 : i32
      %dma_wait3A_238 = tpu.memref_slice %arg1[%dma_wait3A_235, %dma_wait3A_236, %dma_wait3A_237] : memref<20x4096x128xf32, #tpu.memory_space<any>> -> memref<20x64x128xf32, #tpu.memory_space<any>>
      tpu.wait_dma2 semaphore(%dma_wait3A_229 : memref<!tpu.dma_semaphore, #tpu.memory_space<semaphore_mem>>) src(%dma_wait3A_238 : memref<20x64x128xf32, #tpu.memory_space<any>>) dst(%dma_wait3A_234 : memref<20x64x128xf32, #tpu.memory_space<vmem>>)
      %dma_wait3A_239 = arith.constant 0 : i32
      %dma_wait3A_240 = arith.constant 0 : i32
      %dma_wait3A_241 = tpu.memref_slice %arg6[%dma_wait3A_240] : memref<4x!tpu.dma_semaphore, #tpu.memory_space<semaphore_mem>> -> memref<1x!tpu.dma_semaphore, #tpu.memory_space<semaphore_mem>>
      %dma_wait3A_242 = tpu.memref_squeeze %dma_wait3A_241 : memref<1x!tpu.dma_semaphore, #tpu.memory_space<semaphore_mem>> -> memref<!tpu.dma_semaphore, #tpu.memory_space<semaphore_mem>>
      %dma_wait3A_243 = arith.constant 0 : i32
      %dma_wait3A_244 = arith.constant 128 : i32
      %dma_wait3A_245 = arith.constant 0 : i32
      %dma_wait3A_246 = tpu.memref_slice %arg3[%dma_wait3A_239, %dma_wait3A_243, %dma_wait3A_244, %dma_wait3A_245] : memref<4x20x256x128xf32, #tpu.memory_space<vmem>> -> memref<1x20x64x128xf32, #tpu.memory_space<vmem>>
      %dma_wait3A_247 = tpu.memref_squeeze %dma_wait3A_246 : memref<1x20x64x128xf32, #tpu.memory_space<vmem>> -> memref<20x64x128xf32, #tpu.memory_space<vmem>>
      %dma_wait3A_248 = arith.constant 0 : i32
      %dma_wait3A_249 = arith.constant 128 : i32
      %dma_wait3A_250 = arith.constant 0 : i32
      %dma_wait3A_251 = tpu.memref_slice %arg1[%dma_wait3A_248, %dma_wait3A_249, %dma_wait3A_250] : memref<20x4096x128xf32, #tpu.memory_space<any>> -> memref<20x64x128xf32, #tpu.memory_space<any>>
      tpu.wait_dma2 semaphore(%dma_wait3A_242 : memref<!tpu.dma_semaphore, #tpu.memory_space<semaphore_mem>>) src(%dma_wait3A_251 : memref<20x64x128xf32, #tpu.memory_space<any>>) dst(%dma_wait3A_247 : memref<20x64x128xf32, #tpu.memory_space<vmem>>)
      %dma_wait3A_252 = arith.constant 0 : i32
      %dma_wait3A_253 = arith.constant 0 : i32
      %dma_wait3A_254 = tpu.memref_slice %arg7[%dma_wait3A_253] : memref<4x!tpu.dma_semaphore, #tpu.memory_space<semaphore_mem>> -> memref<1x!tpu.dma_semaphore, #tpu.memory_space<semaphore_mem>>
      %dma_wait3A_255 = tpu.memref_squeeze %dma_wait3A_254 : memref<1x!tpu.dma_semaphore, #tpu.memory_space<semaphore_mem>> -> memref<!tpu.dma_semaphore, #tpu.memory_space<semaphore_mem>>
      %dma_wait3A_256 = arith.constant 0 : i32
      %dma_wait3A_257 = arith.constant 192 : i32
      %dma_wait3A_258 = arith.constant 0 : i32
      %dma_wait3A_259 = tpu.memref_slice %arg3[%dma_wait3A_252, %dma_wait3A_256, %dma_wait3A_257, %dma_wait3A_258] : memref<4x20x256x128xf32, #tpu.memory_space<vmem>> -> memref<1x20x64x128xf32, #tpu.memory_space<vmem>>
      %dma_wait3A_260 = tpu.memref_squeeze %dma_wait3A_259 : memref<1x20x64x128xf32, #tpu.memory_space<vmem>> -> memref<20x64x128xf32, #tpu.memory_space<vmem>>
      %dma_wait3A_261 = arith.constant 0 : i32
      %dma_wait3A_262 = arith.constant 192 : i32
      %dma_wait3A_263 = arith.constant 0 : i32
      %dma_wait3A_264 = tpu.memref_slice %arg1[%dma_wait3A_261, %dma_wait3A_262, %dma_wait3A_263] : memref<20x4096x128xf32, #tpu.memory_space<any>> -> memref<20x64x128xf32, #tpu.memory_space<any>>
      tpu.wait_dma2 semaphore(%dma_wait3A_255 : memref<!tpu.dma_semaphore, #tpu.memory_space<semaphore_mem>>) src(%dma_wait3A_264 : memref<20x64x128xf32, #tpu.memory_space<any>>) dst(%dma_wait3A_260 : memref<20x64x128xf32, #tpu.memory_space<vmem>>)
      %mul3A_265 = arith.constant 256 : i32
      %mul3A_266 = arith.muli %add3A_213, %mul3A_265 : i32
      %get3A = arith.index_cast %mul3A_266 : i32 to index
      %get3A_267 = arith.constant 0 : index
      %get3A_268 = vector.load %arg0[%get3A, %get3A_267] : memref<4096x128xf32, #tpu.memory_space<vmem>>, vector<256x128xf32>
      %get3A_269 = arith.constant 0 : index
      %get3A_270 = arith.constant 0 : index
      %get3A_271 = arith.constant 0 : index
      %get3A_272 = arith.constant 0 : index
      %get3A_273 = vector.load %arg3[%get3A_269, %get3A_270, %get3A_271, %get3A_272] : memref<4x20x256x128xf32, #tpu.memory_space<vmem>>, vector<1x20x256x128xf32>
      %get3A_274 = vector.shape_cast %get3A_273 : vector<1x20x256x128xf32> to vector<20x256x128xf32>
      %broadcast_in_dim3A = vector.shape_cast %get3A_268 : vector<256x128xf32> to vector<1x256x128xf32>
      %mul3A_275 = vector.broadcast %broadcast_in_dim3A : vector<1x256x128xf32> to vector<20x256x128xf32>
      %mul3A_276 = arith.mulf %get3A_274, %mul3A_275 : vector<20x256x128xf32>
      %reduce_sum3A = arith.constant dense<0.000000e+00> : vector<20x256xf32>
      %reduce_sum3A_277 = vector.multi_reduction <add>, %mul3A_276, %reduce_sum3A [2] : vector<20x256x128xf32> to vector<20x256xf32>
      %mul3A_278 = arith.constant 256 : i32
      %mul3A_279 = arith.muli %add3A_213, %mul3A_278 : i32
      %swap3A = arith.constant 0 : index
      %swap3A_280 = arith.index_cast %mul3A_279 : i32 to index
      %swap3A_281 = vector.load %arg2[%swap3A, %swap3A_280] : memref<20x4096xf32, #tpu.memory_space<vmem>>, vector<20x256xf32>
      tpu.vector_store %arg2[%swap3A, %swap3A_280], %reduce_sum3A_277 {strides = array<i32>} : memref<20x4096xf32, #tpu.memory_space<vmem>>, vector<20x256xf32>,
      %add3A_282 = arith.constant 4 : i32
      %add3A_283 = arith.addi %add3A_213, %add3A_282 : i32
      %lt3A = arith.constant 16 : i32
      %lt3A_284 = arith.cmpi slt, %add3A_283, %lt3A : i32
      %convert_element_type3A = arith.extui %lt3A_284 : i1 to i32
      %cond3A = arith.constant 0 : i32
      %cond3A_285 = arith.cmpi ne, %convert_element_type3A, %cond3A : i32
      scf.if %cond3A_285 {
        %add3A_538 = arith.constant 4 : i32
        %add3A_539 = arith.addi %add3A_213, %add3A_538 : i32
        %mul3A_540 = arith.constant 256 : i32
        %mul3A_541 = arith.muli %add3A_539, %mul3A_540 : i32
        %add3A_542 = arith.constant 0 : i32
        %add3A_543 = arith.addi %mul3A_541, %add3A_542 : i32
        %dma_start3A_544 = arith.constant 0 : i32
        %dma_start3A_545 = arith.constant 0 : i32
        %dma_start3A_546 = tpu.memref_slice %arg4[%dma_start3A_545] : memref<4x!tpu.dma_semaphore, #tpu.memory_space<semaphore_mem>> -> memref<1x!tpu.dma_semaphore, #tpu.memory_space<semaphore_mem>>
        %dma_start3A_547 = tpu.memref_squeeze %dma_start3A_546 : memref<1x!tpu.dma_semaphore, #tpu.memory_space<semaphore_mem>> -> memref<!tpu.dma_semaphore, #tpu.memory_space<semaphore_mem>>
        %dma_start3A_548 = arith.constant 0 : i32
        %dma_start3A_549 = arith.constant 0 : i32
        %dma_start3A_550 = arith.constant 0 : i32
        %dma_start3A_551 = tpu.memref_slice %arg3[%dma_start3A_544, %dma_start3A_548, %dma_start3A_549, %dma_start3A_550] : memref<4x20x256x128xf32, #tpu.memory_space<vmem>> -> memref<1x20x64x128xf32, #tpu.memory_space<vmem>>
        %dma_start3A_552 = tpu.memref_squeeze %dma_start3A_551 : memref<1x20x64x128xf32, #tpu.memory_space<vmem>> -> memref<20x64x128xf32, #tpu.memory_space<vmem>>
        %dma_start3A_553 = arith.constant 0 : i32
        %dma_start3A_554 = arith.constant 0 : i32
        %dma_start3A_555 = tpu.memref_slice %arg1[%dma_start3A_553, %add3A_543, %dma_start3A_554] : memref<20x4096x128xf32, #tpu.memory_space<any>> -> memref<20x64x128xf32, #tpu.memory_space<any>>
        tpu.enqueue_dma source(%dma_start3A_555 : memref<20x64x128xf32, #tpu.memory_space<any>>) target(%dma_start3A_552 : memref<20x64x128xf32, #tpu.memory_space<vmem>>) target_semaphore(%dma_start3A_547 : memref<!tpu.dma_semaphore, #tpu.memory_space<semaphore_mem>>)
        %mul3A_556 = arith.constant 256 : i32
        %mul3A_557 = arith.muli %add3A_539, %mul3A_556 : i32
        %add3A_558 = arith.constant 64 : i32
        %add3A_559 = arith.addi %mul3A_557, %add3A_558 : i32
        %dma_start3A_560 = arith.constant 0 : i32
        %dma_start3A_561 = arith.constant 0 : i32
        %dma_start3A_562 = tpu.memref_slice %arg5[%dma_start3A_561] : memref<4x!tpu.dma_semaphore, #tpu.memory_space<semaphore_mem>> -> memref<1x!tpu.dma_semaphore, #tpu.memory_space<semaphore_mem>>
        %dma_start3A_563 = tpu.memref_squeeze %dma_start3A_562 : memref<1x!tpu.dma_semaphore, #tpu.memory_space<semaphore_mem>> -> memref<!tpu.dma_semaphore, #tpu.memory_space<semaphore_mem>>
        %dma_start3A_564 = arith.constant 0 : i32
        %dma_start3A_565 = arith.constant 64 : i32
        %dma_start3A_566 = arith.constant 0 : i32
        %dma_start3A_567 = tpu.memref_slice %arg3[%dma_start3A_560, %dma_start3A_564, %dma_start3A_565, %dma_start3A_566] : memref<4x20x256x128xf32, #tpu.memory_space<vmem>> -> memref<1x20x64x128xf32, #tpu.memory_space<vmem>>
        %dma_start3A_568 = tpu.memref_squeeze %dma_start3A_567 : memref<1x20x64x128xf32, #tpu.memory_space<vmem>> -> memref<20x64x128xf32, #tpu.memory_space<vmem>>
        %dma_start3A_569 = arith.constant 0 : i32
        %dma_start3A_570 = arith.constant 0 : i32
        %dma_start3A_571 = tpu.memref_slice %arg1[%dma_start3A_569, %add3A_559, %dma_start3A_570] : memref<20x4096x128xf32, #tpu.memory_space<any>> -> memref<20x64x128xf32, #tpu.memory_space<any>>
        tpu.enqueue_dma source(%dma_start3A_571 : memref<20x64x128xf32, #tpu.memory_space<any>>) target(%dma_start3A_568 : memref<20x64x128xf32, #tpu.memory_space<vmem>>) target_semaphore(%dma_start3A_563 : memref<!tpu.dma_semaphore, #tpu.memory_space<semaphore_mem>>)
        %mul3A_572 = arith.constant 256 : i32
        %mul3A_573 = arith.muli %add3A_539, %mul3A_572 : i32
        %add3A_574 = arith.constant 128 : i32
        %add3A_575 = arith.addi %mul3A_573, %add3A_574 : i32
        %dma_start3A_576 = arith.constant 0 : i32
        %dma_start3A_577 = arith.constant 0 : i32
        %dma_start3A_578 = tpu.memref_slice %arg6[%dma_start3A_577] : memref<4x!tpu.dma_semaphore, #tpu.memory_space<semaphore_mem>> -> memref<1x!tpu.dma_semaphore, #tpu.memory_space<semaphore_mem>>
        %dma_start3A_579 = tpu.memref_squeeze %dma_start3A_578 : memref<1x!tpu.dma_semaphore, #tpu.memory_space<semaphore_mem>> -> memref<!tpu.dma_semaphore, #tpu.memory_space<semaphore_mem>>
        %dma_start3A_580 = arith.constant 0 : i32
        %dma_start3A_581 = arith.constant 128 : i32
        %dma_start3A_582 = arith.constant 0 : i32
        %dma_start3A_583 = tpu.memref_slice %arg3[%dma_start3A_576, %dma_start3A_580, %dma_start3A_581, %dma_start3A_582] : memref<4x20x256x128xf32, #tpu.memory_space<vmem>> -> memref<1x20x64x128xf32, #tpu.memory_space<vmem>>
        %dma_start3A_584 = tpu.memref_squeeze %dma_start3A_583 : memref<1x20x64x128xf32, #tpu.memory_space<vmem>> -> memref<20x64x128xf32, #tpu.memory_space<vmem>>
        %dma_start3A_585 = arith.constant 0 : i32
        %dma_start3A_586 = arith.constant 0 : i32
        %dma_start3A_587 = tpu.memref_slice %arg1[%dma_start3A_585, %add3A_575, %dma_start3A_586] : memref<20x4096x128xf32, #tpu.memory_space<any>> -> memref<20x64x128xf32, #tpu.memory_space<any>>
        tpu.enqueue_dma source(%dma_start3A_587 : memref<20x64x128xf32, #tpu.memory_space<any>>) target(%dma_start3A_584 : memref<20x64x128xf32, #tpu.memory_space<vmem>>) target_semaphore(%dma_start3A_579 : memref<!tpu.dma_semaphore, #tpu.memory_space<semaphore_mem>>)
        %mul3A_588 = arith.constant 256 : i32
        %mul3A_589 = arith.muli %add3A_539, %mul3A_588 : i32
        %add3A_590 = arith.constant 192 : i32
        %add3A_591 = arith.addi %mul3A_589, %add3A_590 : i32
        %dma_start3A_592 = arith.constant 0 : i32
        %dma_start3A_593 = arith.constant 0 : i32
        %dma_start3A_594 = tpu.memref_slice %arg7[%dma_start3A_593] : memref<4x!tpu.dma_semaphore, #tpu.memory_space<semaphore_mem>> -> memref<1x!tpu.dma_semaphore, #tpu.memory_space<semaphore_mem>>
        %dma_start3A_595 = tpu.memref_squeeze %dma_start3A_594 : memref<1x!tpu.dma_semaphore, #tpu.memory_space<semaphore_mem>> -> memref<!tpu.dma_semaphore, #tpu.memory_space<semaphore_mem>>
        %dma_start3A_596 = arith.constant 0 : i32
        %dma_start3A_597 = arith.constant 192 : i32
        %dma_start3A_598 = arith.constant 0 : i32
        %dma_start3A_599 = tpu.memref_slice %arg3[%dma_start3A_592, %dma_start3A_596, %dma_start3A_597, %dma_start3A_598] : memref<4x20x256x128xf32, #tpu.memory_space<vmem>> -> memref<1x20x64x128xf32, #tpu.memory_space<vmem>>
        %dma_start3A_600 = tpu.memref_squeeze %dma_start3A_599 : memref<1x20x64x128xf32, #tpu.memory_space<vmem>> -> memref<20x64x128xf32, #tpu.memory_space<vmem>>
        %dma_start3A_601 = arith.constant 0 : i32
        %dma_start3A_602 = arith.constant 0 : i32
        %dma_start3A_603 = tpu.memref_slice %arg1[%dma_start3A_601, %add3A_591, %dma_start3A_602] : memref<20x4096x128xf32, #tpu.memory_space<any>> -> memref<20x64x128xf32, #tpu.memory_space<any>>
        tpu.enqueue_dma source(%dma_start3A_603 : memref<20x64x128xf32, #tpu.memory_space<any>>) target(%dma_start3A_600 : memref<20x64x128xf32, #tpu.memory_space<vmem>>) target_semaphore(%dma_start3A_595 : memref<!tpu.dma_semaphore, #tpu.memory_space<semaphore_mem>>)
      } else {
      }
      %mul3A_286 = arith.constant 4 : i32
      %mul3A_287 = arith.muli %scan3A_211, %mul3A_286 : i32
      %add3A_288 = arith.constant 1 : i32
      %add3A_289 = arith.addi %mul3A_287, %add3A_288 : i32
      %dma_wait3A_290 = arith.constant 1 : i32
      %dma_wait3A_291 = arith.constant 1 : i32
      %dma_wait3A_292 = tpu.memref_slice %arg4[%dma_wait3A_291] : memref<4x!tpu.dma_semaphore, #tpu.memory_space<semaphore_mem>> -> memref<1x!tpu.dma_semaphore, #tpu.memory_space<semaphore_mem>>
      %dma_wait3A_293 = tpu.memref_squeeze %dma_wait3A_292 : memref<1x!tpu.dma_semaphore, #tpu.memory_space<semaphore_mem>> -> memref<!tpu.dma_semaphore, #tpu.memory_space<semaphore_mem>>
      %dma_wait3A_294 = arith.constant 0 : i32
      %dma_wait3A_295 = arith.constant 0 : i32
      %dma_wait3A_296 = arith.constant 0 : i32
      %dma_wait3A_297 = tpu.memref_slice %arg3[%dma_wait3A_290, %dma_wait3A_294, %dma_wait3A_295, %dma_wait3A_296] : memref<4x20x256x128xf32, #tpu.memory_space<vmem>> -> memref<1x20x64x128xf32, #tpu.memory_space<vmem>>
      %dma_wait3A_298 = tpu.memref_squeeze %dma_wait3A_297 : memref<1x20x64x128xf32, #tpu.memory_space<vmem>> -> memref<20x64x128xf32, #tpu.memory_space<vmem>>
      %dma_wait3A_299 = arith.constant 0 : i32
      %dma_wait3A_300 = arith.constant 0 : i32
      %dma_wait3A_301 = arith.constant 0 : i32
      %dma_wait3A_302 = tpu.memref_slice %arg1[%dma_wait3A_299, %dma_wait3A_300, %dma_wait3A_301] : memref<20x4096x128xf32, #tpu.memory_space<any>> -> memref<20x64x128xf32, #tpu.memory_space<any>>
      tpu.wait_dma2 semaphore(%dma_wait3A_293 : memref<!tpu.dma_semaphore, #tpu.memory_space<semaphore_mem>>) src(%dma_wait3A_302 : memref<20x64x128xf32, #tpu.memory_space<any>>) dst(%dma_wait3A_298 : memref<20x64x128xf32, #tpu.memory_space<vmem>>)
      %dma_wait3A_303 = arith.constant 1 : i32
      %dma_wait3A_304 = arith.constant 1 : i32
      %dma_wait3A_305 = tpu.memref_slice %arg5[%dma_wait3A_304] : memref<4x!tpu.dma_semaphore, #tpu.memory_space<semaphore_mem>> -> memref<1x!tpu.dma_semaphore, #tpu.memory_space<semaphore_mem>>
      %dma_wait3A_306 = tpu.memref_squeeze %dma_wait3A_305 : memref<1x!tpu.dma_semaphore, #tpu.memory_space<semaphore_mem>> -> memref<!tpu.dma_semaphore, #tpu.memory_space<semaphore_mem>>
      %dma_wait3A_307 = arith.constant 0 : i32
      %dma_wait3A_308 = arith.constant 64 : i32
      %dma_wait3A_309 = arith.constant 0 : i32
      %dma_wait3A_310 = tpu.memref_slice %arg3[%dma_wait3A_303, %dma_wait3A_307, %dma_wait3A_308, %dma_wait3A_309] : memref<4x20x256x128xf32, #tpu.memory_space<vmem>> -> memref<1x20x64x128xf32, #tpu.memory_space<vmem>>
      %dma_wait3A_311 = tpu.memref_squeeze %dma_wait3A_310 : memref<1x20x64x128xf32, #tpu.memory_space<vmem>> -> memref<20x64x128xf32, #tpu.memory_space<vmem>>
      %dma_wait3A_312 = arith.constant 0 : i32
      %dma_wait3A_313 = arith.constant 64 : i32
      %dma_wait3A_314 = arith.constant 0 : i32
      %dma_wait3A_315 = tpu.memref_slice %arg1[%dma_wait3A_312, %dma_wait3A_313, %dma_wait3A_314] : memref<20x4096x128xf32, #tpu.memory_space<any>> -> memref<20x64x128xf32, #tpu.memory_space<any>>
      tpu.wait_dma2 semaphore(%dma_wait3A_306 : memref<!tpu.dma_semaphore, #tpu.memory_space<semaphore_mem>>) src(%dma_wait3A_315 : memref<20x64x128xf32, #tpu.memory_space<any>>) dst(%dma_wait3A_311 : memref<20x64x128xf32, #tpu.memory_space<vmem>>)
      %dma_wait3A_316 = arith.constant 1 : i32
      %dma_wait3A_317 = arith.constant 1 : i32
      %dma_wait3A_318 = tpu.memref_slice %arg6[%dma_wait3A_317] : memref<4x!tpu.dma_semaphore, #tpu.memory_space<semaphore_mem>> -> memref<1x!tpu.dma_semaphore, #tpu.memory_space<semaphore_mem>>
      %dma_wait3A_319 = tpu.memref_squeeze %dma_wait3A_318 : memref<1x!tpu.dma_semaphore, #tpu.memory_space<semaphore_mem>> -> memref<!tpu.dma_semaphore, #tpu.memory_space<semaphore_mem>>
      %dma_wait3A_320 = arith.constant 0 : i32
      %dma_wait3A_321 = arith.constant 128 : i32
      %dma_wait3A_322 = arith.constant 0 : i32
      %dma_wait3A_323 = tpu.memref_slice %arg3[%dma_wait3A_316, %dma_wait3A_320, %dma_wait3A_321, %dma_wait3A_322] : memref<4x20x256x128xf32, #tpu.memory_space<vmem>> -> memref<1x20x64x128xf32, #tpu.memory_space<vmem>>
      %dma_wait3A_324 = tpu.memref_squeeze %dma_wait3A_323 : memref<1x20x64x128xf32, #tpu.memory_space<vmem>> -> memref<20x64x128xf32, #tpu.memory_space<vmem>>
      %dma_wait3A_325 = arith.constant 0 : i32
      %dma_wait3A_326 = arith.constant 128 : i32
      %dma_wait3A_327 = arith.constant 0 : i32
      %dma_wait3A_328 = tpu.memref_slice %arg1[%dma_wait3A_325, %dma_wait3A_326, %dma_wait3A_327] : memref<20x4096x128xf32, #tpu.memory_space<any>> -> memref<20x64x128xf32, #tpu.memory_space<any>>
      tpu.wait_dma2 semaphore(%dma_wait3A_319 : memref<!tpu.dma_semaphore, #tpu.memory_space<semaphore_mem>>) src(%dma_wait3A_328 : memref<20x64x128xf32, #tpu.memory_space<any>>) dst(%dma_wait3A_324 : memref<20x64x128xf32, #tpu.memory_space<vmem>>)
      %dma_wait3A_329 = arith.constant 1 : i32
      %dma_wait3A_330 = arith.constant 1 : i32
      %dma_wait3A_331 = tpu.memref_slice %arg7[%dma_wait3A_330] : memref<4x!tpu.dma_semaphore, #tpu.memory_space<semaphore_mem>> -> memref<1x!tpu.dma_semaphore, #tpu.memory_space<semaphore_mem>>
      %dma_wait3A_332 = tpu.memref_squeeze %dma_wait3A_331 : memref<1x!tpu.dma_semaphore, #tpu.memory_space<semaphore_mem>> -> memref<!tpu.dma_semaphore, #tpu.memory_space<semaphore_mem>>
      %dma_wait3A_333 = arith.constant 0 : i32
      %dma_wait3A_334 = arith.constant 192 : i32
      %dma_wait3A_335 = arith.constant 0 : i32
      %dma_wait3A_336 = tpu.memref_slice %arg3[%dma_wait3A_329, %dma_wait3A_333, %dma_wait3A_334, %dma_wait3A_335] : memref<4x20x256x128xf32, #tpu.memory_space<vmem>> -> memref<1x20x64x128xf32, #tpu.memory_space<vmem>>
      %dma_wait3A_337 = tpu.memref_squeeze %dma_wait3A_336 : memref<1x20x64x128xf32, #tpu.memory_space<vmem>> -> memref<20x64x128xf32, #tpu.memory_space<vmem>>
      %dma_wait3A_338 = arith.constant 0 : i32
      %dma_wait3A_339 = arith.constant 192 : i32
      %dma_wait3A_340 = arith.constant 0 : i32
      %dma_wait3A_341 = tpu.memref_slice %arg1[%dma_wait3A_338, %dma_wait3A_339, %dma_wait3A_340] : memref<20x4096x128xf32, #tpu.memory_space<any>> -> memref<20x64x128xf32, #tpu.memory_space<any>>
      tpu.wait_dma2 semaphore(%dma_wait3A_332 : memref<!tpu.dma_semaphore, #tpu.memory_space<semaphore_mem>>) src(%dma_wait3A_341 : memref<20x64x128xf32, #tpu.memory_space<any>>) dst(%dma_wait3A_337 : memref<20x64x128xf32, #tpu.memory_space<vmem>>)
      %mul3A_342 = arith.constant 256 : i32
      %mul3A_343 = arith.muli %add3A_289, %mul3A_342 : i32
      %get3A_344 = arith.index_cast %mul3A_343 : i32 to index
      %get3A_345 = arith.constant 0 : index
      %get3A_346 = vector.load %arg0[%get3A_344, %get3A_345] : memref<4096x128xf32, #tpu.memory_space<vmem>>, vector<256x128xf32>
      %get3A_347 = arith.constant 1 : index
      %get3A_348 = arith.constant 0 : index
      %get3A_349 = arith.constant 0 : index
      %get3A_350 = arith.constant 0 : index
      %get3A_351 = vector.load %arg3[%get3A_347, %get3A_348, %get3A_349, %get3A_350] : memref<4x20x256x128xf32, #tpu.memory_space<vmem>>, vector<1x20x256x128xf32>
      %get3A_352 = vector.shape_cast %get3A_351 : vector<1x20x256x128xf32> to vector<20x256x128xf32>
      %broadcast_in_dim3A_353 = vector.shape_cast %get3A_346 : vector<256x128xf32> to vector<1x256x128xf32>
      %mul3A_354 = vector.broadcast %broadcast_in_dim3A_353 : vector<1x256x128xf32> to vector<20x256x128xf32>
      %mul3A_355 = arith.mulf %get3A_352, %mul3A_354 : vector<20x256x128xf32>
      %reduce_sum3A_356 = arith.constant dense<0.000000e+00> : vector<20x256xf32>
      %reduce_sum3A_357 = vector.multi_reduction <add>, %mul3A_355, %reduce_sum3A_356 [2] : vector<20x256x128xf32> to vector<20x256xf32>
      %mul3A_358 = arith.constant 256 : i32
      %mul3A_359 = arith.muli %add3A_289, %mul3A_358 : i32
      %swap3A_360 = arith.constant 0 : index
      %swap3A_361 = arith.index_cast %mul3A_359 : i32 to index
      %swap3A_362 = vector.load %arg2[%swap3A_360, %swap3A_361] : memref<20x4096xf32, #tpu.memory_space<vmem>>, vector<20x256xf32>
      tpu.vector_store %arg2[%swap3A_360, %swap3A_361], %reduce_sum3A_357 {strides = array<i32>} : memref<20x4096xf32, #tpu.memory_space<vmem>>, vector<20x256xf32>,
      %add3A_363 = arith.constant 4 : i32
      %add3A_364 = arith.addi %add3A_289, %add3A_363 : i32
      %lt3A_365 = arith.constant 16 : i32
      %lt3A_366 = arith.cmpi slt, %add3A_364, %lt3A_365 : i32
      %convert_element_type3A_367 = arith.extui %lt3A_366 : i1 to i32
      %cond3A_368 = arith.constant 0 : i32
      %cond3A_369 = arith.cmpi ne, %convert_element_type3A_367, %cond3A_368 : i32
      scf.if %cond3A_369 {
        %add3A_538 = arith.constant 4 : i32
        %add3A_539 = arith.addi %add3A_289, %add3A_538 : i32
        %mul3A_540 = arith.constant 256 : i32
        %mul3A_541 = arith.muli %add3A_539, %mul3A_540 : i32
        %add3A_542 = arith.constant 0 : i32
        %add3A_543 = arith.addi %mul3A_541, %add3A_542 : i32
        %dma_start3A_544 = arith.constant 1 : i32
        %dma_start3A_545 = arith.constant 1 : i32
        %dma_start3A_546 = tpu.memref_slice %arg4[%dma_start3A_545] : memref<4x!tpu.dma_semaphore, #tpu.memory_space<semaphore_mem>> -> memref<1x!tpu.dma_semaphore, #tpu.memory_space<semaphore_mem>>
        %dma_start3A_547 = tpu.memref_squeeze %dma_start3A_546 : memref<1x!tpu.dma_semaphore, #tpu.memory_space<semaphore_mem>> -> memref<!tpu.dma_semaphore, #tpu.memory_space<semaphore_mem>>
        %dma_start3A_548 = arith.constant 0 : i32
        %dma_start3A_549 = arith.constant 0 : i32
        %dma_start3A_550 = arith.constant 0 : i32
        %dma_start3A_551 = tpu.memref_slice %arg3[%dma_start3A_544, %dma_start3A_548, %dma_start3A_549, %dma_start3A_550] : memref<4x20x256x128xf32, #tpu.memory_space<vmem>> -> memref<1x20x64x128xf32, #tpu.memory_space<vmem>>
        %dma_start3A_552 = tpu.memref_squeeze %dma_start3A_551 : memref<1x20x64x128xf32, #tpu.memory_space<vmem>> -> memref<20x64x128xf32, #tpu.memory_space<vmem>>
        %dma_start3A_553 = arith.constant 0 : i32
        %dma_start3A_554 = arith.constant 0 : i32
        %dma_start3A_555 = tpu.memref_slice %arg1[%dma_start3A_553, %add3A_543, %dma_start3A_554] : memref<20x4096x128xf32, #tpu.memory_space<any>> -> memref<20x64x128xf32, #tpu.memory_space<any>>
        tpu.enqueue_dma source(%dma_start3A_555 : memref<20x64x128xf32, #tpu.memory_space<any>>) target(%dma_start3A_552 : memref<20x64x128xf32, #tpu.memory_space<vmem>>) target_semaphore(%dma_start3A_547 : memref<!tpu.dma_semaphore, #tpu.memory_space<semaphore_mem>>)
        %mul3A_556 = arith.constant 256 : i32
        %mul3A_557 = arith.muli %add3A_539, %mul3A_556 : i32
        %add3A_558 = arith.constant 64 : i32
        %add3A_559 = arith.addi %mul3A_557, %add3A_558 : i32
        %dma_start3A_560 = arith.constant 1 : i32
        %dma_start3A_561 = arith.constant 1 : i32
        %dma_start3A_562 = tpu.memref_slice %arg5[%dma_start3A_561] : memref<4x!tpu.dma_semaphore, #tpu.memory_space<semaphore_mem>> -> memref<1x!tpu.dma_semaphore, #tpu.memory_space<semaphore_mem>>
        %dma_start3A_563 = tpu.memref_squeeze %dma_start3A_562 : memref<1x!tpu.dma_semaphore, #tpu.memory_space<semaphore_mem>> -> memref<!tpu.dma_semaphore, #tpu.memory_space<semaphore_mem>>
        %dma_start3A_564 = arith.constant 0 : i32
        %dma_start3A_565 = arith.constant 64 : i32
        %dma_start3A_566 = arith.constant 0 : i32
        %dma_start3A_567 = tpu.memref_slice %arg3[%dma_start3A_560, %dma_start3A_564, %dma_start3A_565, %dma_start3A_566] : memref<4x20x256x128xf32, #tpu.memory_space<vmem>> -> memref<1x20x64x128xf32, #tpu.memory_space<vmem>>
        %dma_start3A_568 = tpu.memref_squeeze %dma_start3A_567 : memref<1x20x64x128xf32, #tpu.memory_space<vmem>> -> memref<20x64x128xf32, #tpu.memory_space<vmem>>
        %dma_start3A_569 = arith.constant 0 : i32
        %dma_start3A_570 = arith.constant 0 : i32
        %dma_start3A_571 = tpu.memref_slice %arg1[%dma_start3A_569, %add3A_559, %dma_start3A_570] : memref<20x4096x128xf32, #tpu.memory_space<any>> -> memref<20x64x128xf32, #tpu.memory_space<any>>
        tpu.enqueue_dma source(%dma_start3A_571 : memref<20x64x128xf32, #tpu.memory_space<any>>) target(%dma_start3A_568 : memref<20x64x128xf32, #tpu.memory_space<vmem>>) target_semaphore(%dma_start3A_563 : memref<!tpu.dma_semaphore, #tpu.memory_space<semaphore_mem>>)
        %mul3A_572 = arith.constant 256 : i32
        %mul3A_573 = arith.muli %add3A_539, %mul3A_572 : i32
        %add3A_574 = arith.constant 128 : i32
        %add3A_575 = arith.addi %mul3A_573, %add3A_574 : i32
        %dma_start3A_576 = arith.constant 1 : i32
        %dma_start3A_577 = arith.constant 1 : i32
        %dma_start3A_578 = tpu.memref_slice %arg6[%dma_start3A_577] : memref<4x!tpu.dma_semaphore, #tpu.memory_space<semaphore_mem>> -> memref<1x!tpu.dma_semaphore, #tpu.memory_space<semaphore_mem>>
        %dma_start3A_579 = tpu.memref_squeeze %dma_start3A_578 : memref<1x!tpu.dma_semaphore, #tpu.memory_space<semaphore_mem>> -> memref<!tpu.dma_semaphore, #tpu.memory_space<semaphore_mem>>
        %dma_start3A_580 = arith.constant 0 : i32
        %dma_start3A_581 = arith.constant 128 : i32
        %dma_start3A_582 = arith.constant 0 : i32
        %dma_start3A_583 = tpu.memref_slice %arg3[%dma_start3A_576, %dma_start3A_580, %dma_start3A_581, %dma_start3A_582] : memref<4x20x256x128xf32, #tpu.memory_space<vmem>> -> memref<1x20x64x128xf32, #tpu.memory_space<vmem>>
        %dma_start3A_584 = tpu.memref_squeeze %dma_start3A_583 : memref<1x20x64x128xf32, #tpu.memory_space<vmem>> -> memref<20x64x128xf32, #tpu.memory_space<vmem>>
        %dma_start3A_585 = arith.constant 0 : i32
        %dma_start3A_586 = arith.constant 0 : i32
        %dma_start3A_587 = tpu.memref_slice %arg1[%dma_start3A_585, %add3A_575, %dma_start3A_586] : memref<20x4096x128xf32, #tpu.memory_space<any>> -> memref<20x64x128xf32, #tpu.memory_space<any>>
        tpu.enqueue_dma source(%dma_start3A_587 : memref<20x64x128xf32, #tpu.memory_space<any>>) target(%dma_start3A_584 : memref<20x64x128xf32, #tpu.memory_space<vmem>>) target_semaphore(%dma_start3A_579 : memref<!tpu.dma_semaphore, #tpu.memory_space<semaphore_mem>>)
        %mul3A_588 = arith.constant 256 : i32
        %mul3A_589 = arith.muli %add3A_539, %mul3A_588 : i32
        %add3A_590 = arith.constant 192 : i32
        %add3A_591 = arith.addi %mul3A_589, %add3A_590 : i32
        %dma_start3A_592 = arith.constant 1 : i32
        %dma_start3A_593 = arith.constant 1 : i32
        %dma_start3A_594 = tpu.memref_slice %arg7[%dma_start3A_593] : memref<4x!tpu.dma_semaphore, #tpu.memory_space<semaphore_mem>> -> memref<1x!tpu.dma_semaphore, #tpu.memory_space<semaphore_mem>>
        %dma_start3A_595 = tpu.memref_squeeze %dma_start3A_594 : memref<1x!tpu.dma_semaphore, #tpu.memory_space<semaphore_mem>> -> memref<!tpu.dma_semaphore, #tpu.memory_space<semaphore_mem>>
        %dma_start3A_596 = arith.constant 0 : i32
        %dma_start3A_597 = arith.constant 192 : i32
        %dma_start3A_598 = arith.constant 0 : i32
        %dma_start3A_599 = tpu.memref_slice %arg3[%dma_start3A_592, %dma_start3A_596, %dma_start3A_597, %dma_start3A_598] : memref<4x20x256x128xf32, #tpu.memory_space<vmem>> -> memref<1x20x64x128xf32, #tpu.memory_space<vmem>>
        %dma_start3A_600 = tpu.memref_squeeze %dma_start3A_599 : memref<1x20x64x128xf32, #tpu.memory_space<vmem>> -> memref<20x64x128xf32, #tpu.memory_space<vmem>>
        %dma_start3A_601 = arith.constant 0 : i32
        %dma_start3A_602 = arith.constant 0 : i32
        %dma_start3A_603 = tpu.memref_slice %arg1[%dma_start3A_601, %add3A_591, %dma_start3A_602] : memref<20x4096x128xf32, #tpu.memory_space<any>> -> memref<20x64x128xf32, #tpu.memory_space<any>>
        tpu.enqueue_dma source(%dma_start3A_603 : memref<20x64x128xf32, #tpu.memory_space<any>>) target(%dma_start3A_600 : memref<20x64x128xf32, #tpu.memory_space<vmem>>) target_semaphore(%dma_start3A_595 : memref<!tpu.dma_semaphore, #tpu.memory_space<semaphore_mem>>)
      } else {
      }
      %mul3A_370 = arith.constant 4 : i32
      %mul3A_371 = arith.muli %scan3A_211, %mul3A_370 : i32
      %add3A_372 = arith.constant 2 : i32
      %add3A_373 = arith.addi %mul3A_371, %add3A_372 : i32
      %dma_wait3A_374 = arith.constant 2 : i32
      %dma_wait3A_375 = arith.constant 2 : i32
      %dma_wait3A_376 = tpu.memref_slice %arg4[%dma_wait3A_375] : memref<4x!tpu.dma_semaphore, #tpu.memory_space<semaphore_mem>> -> memref<1x!tpu.dma_semaphore, #tpu.memory_space<semaphore_mem>>
      %dma_wait3A_377 = tpu.memref_squeeze %dma_wait3A_376 : memref<1x!tpu.dma_semaphore, #tpu.memory_space<semaphore_mem>> -> memref<!tpu.dma_semaphore, #tpu.memory_space<semaphore_mem>>
      %dma_wait3A_378 = arith.constant 0 : i32
      %dma_wait3A_379 = arith.constant 0 : i32
      %dma_wait3A_380 = arith.constant 0 : i32
      %dma_wait3A_381 = tpu.memref_slice %arg3[%dma_wait3A_374, %dma_wait3A_378, %dma_wait3A_379, %dma_wait3A_380] : memref<4x20x256x128xf32, #tpu.memory_space<vmem>> -> memref<1x20x64x128xf32, #tpu.memory_space<vmem>>
      %dma_wait3A_382 = tpu.memref_squeeze %dma_wait3A_381 : memref<1x20x64x128xf32, #tpu.memory_space<vmem>> -> memref<20x64x128xf32, #tpu.memory_space<vmem>>
      %dma_wait3A_383 = arith.constant 0 : i32
      %dma_wait3A_384 = arith.constant 0 : i32
      %dma_wait3A_385 = arith.constant 0 : i32
      %dma_wait3A_386 = tpu.memref_slice %arg1[%dma_wait3A_383, %dma_wait3A_384, %dma_wait3A_385] : memref<20x4096x128xf32, #tpu.memory_space<any>> -> memref<20x64x128xf32, #tpu.memory_space<any>>
      tpu.wait_dma2 semaphore(%dma_wait3A_377 : memref<!tpu.dma_semaphore, #tpu.memory_space<semaphore_mem>>) src(%dma_wait3A_386 : memref<20x64x128xf32, #tpu.memory_space<any>>) dst(%dma_wait3A_382 : memref<20x64x128xf32, #tpu.memory_space<vmem>>)
      %dma_wait3A_387 = arith.constant 2 : i32
      %dma_wait3A_388 = arith.constant 2 : i32
      %dma_wait3A_389 = tpu.memref_slice %arg5[%dma_wait3A_388] : memref<4x!tpu.dma_semaphore, #tpu.memory_space<semaphore_mem>> -> memref<1x!tpu.dma_semaphore, #tpu.memory_space<semaphore_mem>>
      %dma_wait3A_390 = tpu.memref_squeeze %dma_wait3A_389 : memref<1x!tpu.dma_semaphore, #tpu.memory_space<semaphore_mem>> -> memref<!tpu.dma_semaphore, #tpu.memory_space<semaphore_mem>>
      %dma_wait3A_391 = arith.constant 0 : i32
      %dma_wait3A_392 = arith.constant 64 : i32
      %dma_wait3A_393 = arith.constant 0 : i32
      %dma_wait3A_394 = tpu.memref_slice %arg3[%dma_wait3A_387, %dma_wait3A_391, %dma_wait3A_392, %dma_wait3A_393] : memref<4x20x256x128xf32, #tpu.memory_space<vmem>> -> memref<1x20x64x128xf32, #tpu.memory_space<vmem>>
      %dma_wait3A_395 = tpu.memref_squeeze %dma_wait3A_394 : memref<1x20x64x128xf32, #tpu.memory_space<vmem>> -> memref<20x64x128xf32, #tpu.memory_space<vmem>>
      %dma_wait3A_396 = arith.constant 0 : i32
      %dma_wait3A_397 = arith.constant 64 : i32
      %dma_wait3A_398 = arith.constant 0 : i32
      %dma_wait3A_399 = tpu.memref_slice %arg1[%dma_wait3A_396, %dma_wait3A_397, %dma_wait3A_398] : memref<20x4096x128xf32, #tpu.memory_space<any>> -> memref<20x64x128xf32, #tpu.memory_space<any>>
      tpu.wait_dma2 semaphore(%dma_wait3A_390 : memref<!tpu.dma_semaphore, #tpu.memory_space<semaphore_mem>>) src(%dma_wait3A_399 : memref<20x64x128xf32, #tpu.memory_space<any>>) dst(%dma_wait3A_395 : memref<20x64x128xf32, #tpu.memory_space<vmem>>)
      %dma_wait3A_400 = arith.constant 2 : i32
      %dma_wait3A_401 = arith.constant 2 : i32
      %dma_wait3A_402 = tpu.memref_slice %arg6[%dma_wait3A_401] : memref<4x!tpu.dma_semaphore, #tpu.memory_space<semaphore_mem>> -> memref<1x!tpu.dma_semaphore, #tpu.memory_space<semaphore_mem>>
      %dma_wait3A_403 = tpu.memref_squeeze %dma_wait3A_402 : memref<1x!tpu.dma_semaphore, #tpu.memory_space<semaphore_mem>> -> memref<!tpu.dma_semaphore, #tpu.memory_space<semaphore_mem>>
      %dma_wait3A_404 = arith.constant 0 : i32
      %dma_wait3A_405 = arith.constant 128 : i32
      %dma_wait3A_406 = arith.constant 0 : i32
      %dma_wait3A_407 = tpu.memref_slice %arg3[%dma_wait3A_400, %dma_wait3A_404, %dma_wait3A_405, %dma_wait3A_406] : memref<4x20x256x128xf32, #tpu.memory_space<vmem>> -> memref<1x20x64x128xf32, #tpu.memory_space<vmem>>
      %dma_wait3A_408 = tpu.memref_squeeze %dma_wait3A_407 : memref<1x20x64x128xf32, #tpu.memory_space<vmem>> -> memref<20x64x128xf32, #tpu.memory_space<vmem>>
      %dma_wait3A_409 = arith.constant 0 : i32
      %dma_wait3A_410 = arith.constant 128 : i32
      %dma_wait3A_411 = arith.constant 0 : i32
      %dma_wait3A_412 = tpu.memref_slice %arg1[%dma_wait3A_409, %dma_wait3A_410, %dma_wait3A_411] : memref<20x4096x128xf32, #tpu.memory_space<any>> -> memref<20x64x128xf32, #tpu.memory_space<any>>
      tpu.wait_dma2 semaphore(%dma_wait3A_403 : memref<!tpu.dma_semaphore, #tpu.memory_space<semaphore_mem>>) src(%dma_wait3A_412 : memref<20x64x128xf32, #tpu.memory_space<any>>) dst(%dma_wait3A_408 : memref<20x64x128xf32, #tpu.memory_space<vmem>>)
      %dma_wait3A_413 = arith.constant 2 : i32
      %dma_wait3A_414 = arith.constant 2 : i32
      %dma_wait3A_415 = tpu.memref_slice %arg7[%dma_wait3A_414] : memref<4x!tpu.dma_semaphore, #tpu.memory_space<semaphore_mem>> -> memref<1x!tpu.dma_semaphore, #tpu.memory_space<semaphore_mem>>
      %dma_wait3A_416 = tpu.memref_squeeze %dma_wait3A_415 : memref<1x!tpu.dma_semaphore, #tpu.memory_space<semaphore_mem>> -> memref<!tpu.dma_semaphore, #tpu.memory_space<semaphore_mem>>
      %dma_wait3A_417 = arith.constant 0 : i32
      %dma_wait3A_418 = arith.constant 192 : i32
      %dma_wait3A_419 = arith.constant 0 : i32
      %dma_wait3A_420 = tpu.memref_slice %arg3[%dma_wait3A_413, %dma_wait3A_417, %dma_wait3A_418, %dma_wait3A_419] : memref<4x20x256x128xf32, #tpu.memory_space<vmem>> -> memref<1x20x64x128xf32, #tpu.memory_space<vmem>>
      %dma_wait3A_421 = tpu.memref_squeeze %dma_wait3A_420 : memref<1x20x64x128xf32, #tpu.memory_space<vmem>> -> memref<20x64x128xf32, #tpu.memory_space<vmem>>
      %dma_wait3A_422 = arith.constant 0 : i32
      %dma_wait3A_423 = arith.constant 192 : i32
      %dma_wait3A_424 = arith.constant 0 : i32
      %dma_wait3A_425 = tpu.memref_slice %arg1[%dma_wait3A_422, %dma_wait3A_423, %dma_wait3A_424] : memref<20x4096x128xf32, #tpu.memory_space<any>> -> memref<20x64x128xf32, #tpu.memory_space<any>>
      tpu.wait_dma2 semaphore(%dma_wait3A_416 : memref<!tpu.dma_semaphore, #tpu.memory_space<semaphore_mem>>) src(%dma_wait3A_425 : memref<20x64x128xf32, #tpu.memory_space<any>>) dst(%dma_wait3A_421 : memref<20x64x128xf32, #tpu.memory_space<vmem>>)
      %mul3A_426 = arith.constant 256 : i32
      %mul3A_427 = arith.muli %add3A_373, %mul3A_426 : i32
      %get3A_428 = arith.index_cast %mul3A_427 : i32 to index
      %get3A_429 = arith.constant 0 : index
      %get3A_430 = vector.load %arg0[%get3A_428, %get3A_429] : memref<4096x128xf32, #tpu.memory_space<vmem>>, vector<256x128xf32>
      %get3A_431 = arith.constant 2 : index
      %get3A_432 = arith.constant 0 : index
      %get3A_433 = arith.constant 0 : index
      %get3A_434 = arith.constant 0 : index
      %get3A_435 = vector.load %arg3[%get3A_431, %get3A_432, %get3A_433, %get3A_434] : memref<4x20x256x128xf32, #tpu.memory_space<vmem>>, vector<1x20x256x128xf32>
      %get3A_436 = vector.shape_cast %get3A_435 : vector<1x20x256x128xf32> to vector<20x256x128xf32>
      %broadcast_in_dim3A_437 = vector.shape_cast %get3A_430 : vector<256x128xf32> to vector<1x256x128xf32>
      %mul3A_438 = vector.broadcast %broadcast_in_dim3A_437 : vector<1x256x128xf32> to vector<20x256x128xf32>
      %mul3A_439 = arith.mulf %get3A_436, %mul3A_438 : vector<20x256x128xf32>
      %reduce_sum3A_440 = arith.constant dense<0.000000e+00> : vector<20x256xf32>
      %reduce_sum3A_441 = vector.multi_reduction <add>, %mul3A_439, %reduce_sum3A_440 [2] : vector<20x256x128xf32> to vector<20x256xf32>
      %mul3A_442 = arith.constant 256 : i32
      %mul3A_443 = arith.muli %add3A_373, %mul3A_442 : i32
      %swap3A_444 = arith.constant 0 : index
      %swap3A_445 = arith.index_cast %mul3A_443 : i32 to index
      %swap3A_446 = vector.load %arg2[%swap3A_444, %swap3A_445] : memref<20x4096xf32, #tpu.memory_space<vmem>>, vector<20x256xf32>
      tpu.vector_store %arg2[%swap3A_444, %swap3A_445], %reduce_sum3A_441 {strides = array<i32>} : memref<20x4096xf32, #tpu.memory_space<vmem>>, vector<20x256xf32>,
      %add3A_447 = arith.constant 4 : i32
      %add3A_448 = arith.addi %add3A_373, %add3A_447 : i32
      %lt3A_449 = arith.constant 16 : i32
      %lt3A_450 = arith.cmpi slt, %add3A_448, %lt3A_449 : i32
      %convert_element_type3A_451 = arith.extui %lt3A_450 : i1 to i32
      %cond3A_452 = arith.constant 0 : i32
      %cond3A_453 = arith.cmpi ne, %convert_element_type3A_451, %cond3A_452 : i32
      scf.if %cond3A_453 {
        %add3A_538 = arith.constant 4 : i32
        %add3A_539 = arith.addi %add3A_373, %add3A_538 : i32
        %mul3A_540 = arith.constant 256 : i32
        %mul3A_541 = arith.muli %add3A_539, %mul3A_540 : i32
        %add3A_542 = arith.constant 0 : i32
        %add3A_543 = arith.addi %mul3A_541, %add3A_542 : i32
        %dma_start3A_544 = arith.constant 2 : i32
        %dma_start3A_545 = arith.constant 2 : i32
        %dma_start3A_546 = tpu.memref_slice %arg4[%dma_start3A_545] : memref<4x!tpu.dma_semaphore, #tpu.memory_space<semaphore_mem>> -> memref<1x!tpu.dma_semaphore, #tpu.memory_space<semaphore_mem>>
        %dma_start3A_547 = tpu.memref_squeeze %dma_start3A_546 : memref<1x!tpu.dma_semaphore, #tpu.memory_space<semaphore_mem>> -> memref<!tpu.dma_semaphore, #tpu.memory_space<semaphore_mem>>
        %dma_start3A_548 = arith.constant 0 : i32
        %dma_start3A_549 = arith.constant 0 : i32
        %dma_start3A_550 = arith.constant 0 : i32
        %dma_start3A_551 = tpu.memref_slice %arg3[%dma_start3A_544, %dma_start3A_548, %dma_start3A_549, %dma_start3A_550] : memref<4x20x256x128xf32, #tpu.memory_space<vmem>> -> memref<1x20x64x128xf32, #tpu.memory_space<vmem>>
        %dma_start3A_552 = tpu.memref_squeeze %dma_start3A_551 : memref<1x20x64x128xf32, #tpu.memory_space<vmem>> -> memref<20x64x128xf32, #tpu.memory_space<vmem>>
        %dma_start3A_553 = arith.constant 0 : i32
        %dma_start3A_554 = arith.constant 0 : i32
        %dma_start3A_555 = tpu.memref_slice %arg1[%dma_start3A_553, %add3A_543, %dma_start3A_554] : memref<20x4096x128xf32, #tpu.memory_space<any>> -> memref<20x64x128xf32, #tpu.memory_space<any>>
        tpu.enqueue_dma source(%dma_start3A_555 : memref<20x64x128xf32, #tpu.memory_space<any>>) target(%dma_start3A_552 : memref<20x64x128xf32, #tpu.memory_space<vmem>>) target_semaphore(%dma_start3A_547 : memref<!tpu.dma_semaphore, #tpu.memory_space<semaphore_mem>>)
        %mul3A_556 = arith.constant 256 : i32
        %mul3A_557 = arith.muli %add3A_539, %mul3A_556 : i32
        %add3A_558 = arith.constant 64 : i32
        %add3A_559 = arith.addi %mul3A_557, %add3A_558 : i32
        %dma_start3A_560 = arith.constant 2 : i32
        %dma_start3A_561 = arith.constant 2 : i32
        %dma_start3A_562 = tpu.memref_slice %arg5[%dma_start3A_561] : memref<4x!tpu.dma_semaphore, #tpu.memory_space<semaphore_mem>> -> memref<1x!tpu.dma_semaphore, #tpu.memory_space<semaphore_mem>>
        %dma_start3A_563 = tpu.memref_squeeze %dma_start3A_562 : memref<1x!tpu.dma_semaphore, #tpu.memory_space<semaphore_mem>> -> memref<!tpu.dma_semaphore, #tpu.memory_space<semaphore_mem>>
        %dma_start3A_564 = arith.constant 0 : i32
        %dma_start3A_565 = arith.constant 64 : i32
        %dma_start3A_566 = arith.constant 0 : i32
        %dma_start3A_567 = tpu.memref_slice %arg3[%dma_start3A_560, %dma_start3A_564, %dma_start3A_565, %dma_start3A_566] : memref<4x20x256x128xf32, #tpu.memory_space<vmem>> -> memref<1x20x64x128xf32, #tpu.memory_space<vmem>>
        %dma_start3A_568 = tpu.memref_squeeze %dma_start3A_567 : memref<1x20x64x128xf32, #tpu.memory_space<vmem>> -> memref<20x64x128xf32, #tpu.memory_space<vmem>>
        %dma_start3A_569 = arith.constant 0 : i32
        %dma_start3A_570 = arith.constant 0 : i32
        %dma_start3A_571 = tpu.memref_slice %arg1[%dma_start3A_569, %add3A_559, %dma_start3A_570] : memref<20x4096x128xf32, #tpu.memory_space<any>> -> memref<20x64x128xf32, #tpu.memory_space<any>>
        tpu.enqueue_dma source(%dma_start3A_571 : memref<20x64x128xf32, #tpu.memory_space<any>>) target(%dma_start3A_568 : memref<20x64x128xf32, #tpu.memory_space<vmem>>) target_semaphore(%dma_start3A_563 : memref<!tpu.dma_semaphore, #tpu.memory_space<semaphore_mem>>)
        %mul3A_572 = arith.constant 256 : i32
        %mul3A_573 = arith.muli %add3A_539, %mul3A_572 : i32
        %add3A_574 = arith.constant 128 : i32
        %add3A_575 = arith.addi %mul3A_573, %add3A_574 : i32
        %dma_start3A_576 = arith.constant 2 : i32
        %dma_start3A_577 = arith.constant 2 : i32
        %dma_start3A_578 = tpu.memref_slice %arg6[%dma_start3A_577] : memref<4x!tpu.dma_semaphore, #tpu.memory_space<semaphore_mem>> -> memref<1x!tpu.dma_semaphore, #tpu.memory_space<semaphore_mem>>
        %dma_start3A_579 = tpu.memref_squeeze %dma_start3A_578 : memref<1x!tpu.dma_semaphore, #tpu.memory_space<semaphore_mem>> -> memref<!tpu.dma_semaphore, #tpu.memory_space<semaphore_mem>>
        %dma_start3A_580 = arith.constant 0 : i32
        %dma_start3A_581 = arith.constant 128 : i32
        %dma_start3A_582 = arith.constant 0 : i32
        %dma_start3A_583 = tpu.memref_slice %arg3[%dma_start3A_576, %dma_start3A_580, %dma_start3A_581, %dma_start3A_582] : memref<4x20x256x128xf32, #tpu.memory_space<vmem>> -> memref<1x20x64x128xf32, #tpu.memory_space<vmem>>
        %dma_start3A_584 = tpu.memref_squeeze %dma_start3A_583 : memref<1x20x64x128xf32, #tpu.memory_space<vmem>> -> memref<20x64x128xf32, #tpu.memory_space<vmem>>
        %dma_start3A_585 = arith.constant 0 : i32
        %dma_start3A_586 = arith.constant 0 : i32
        %dma_start3A_587 = tpu.memref_slice %arg1[%dma_start3A_585, %add3A_575, %dma_start3A_586] : memref<20x4096x128xf32, #tpu.memory_space<any>> -> memref<20x64x128xf32, #tpu.memory_space<any>>
        tpu.enqueue_dma source(%dma_start3A_587 : memref<20x64x128xf32, #tpu.memory_space<any>>) target(%dma_start3A_584 : memref<20x64x128xf32, #tpu.memory_space<vmem>>) target_semaphore(%dma_start3A_579 : memref<!tpu.dma_semaphore, #tpu.memory_space<semaphore_mem>>)
        %mul3A_588 = arith.constant 256 : i32
        %mul3A_589 = arith.muli %add3A_539, %mul3A_588 : i32
        %add3A_590 = arith.constant 192 : i32
        %add3A_591 = arith.addi %mul3A_589, %add3A_590 : i32
        %dma_start3A_592 = arith.constant 2 : i32
        %dma_start3A_593 = arith.constant 2 : i32
        %dma_start3A_594 = tpu.memref_slice %arg7[%dma_start3A_593] : memref<4x!tpu.dma_semaphore, #tpu.memory_space<semaphore_mem>> -> memref<1x!tpu.dma_semaphore, #tpu.memory_space<semaphore_mem>>
        %dma_start3A_595 = tpu.memref_squeeze %dma_start3A_594 : memref<1x!tpu.dma_semaphore, #tpu.memory_space<semaphore_mem>> -> memref<!tpu.dma_semaphore, #tpu.memory_space<semaphore_mem>>
        %dma_start3A_596 = arith.constant 0 : i32
        %dma_start3A_597 = arith.constant 192 : i32
        %dma_start3A_598 = arith.constant 0 : i32
        %dma_start3A_599 = tpu.memref_slice %arg3[%dma_start3A_592, %dma_start3A_596, %dma_start3A_597, %dma_start3A_598] : memref<4x20x256x128xf32, #tpu.memory_space<vmem>> -> memref<1x20x64x128xf32, #tpu.memory_space<vmem>>
        %dma_start3A_600 = tpu.memref_squeeze %dma_start3A_599 : memref<1x20x64x128xf32, #tpu.memory_space<vmem>> -> memref<20x64x128xf32, #tpu.memory_space<vmem>>
        %dma_start3A_601 = arith.constant 0 : i32
        %dma_start3A_602 = arith.constant 0 : i32
        %dma_start3A_603 = tpu.memref_slice %arg1[%dma_start3A_601, %add3A_591, %dma_start3A_602] : memref<20x4096x128xf32, #tpu.memory_space<any>> -> memref<20x64x128xf32, #tpu.memory_space<any>>
        tpu.enqueue_dma source(%dma_start3A_603 : memref<20x64x128xf32, #tpu.memory_space<any>>) target(%dma_start3A_600 : memref<20x64x128xf32, #tpu.memory_space<vmem>>) target_semaphore(%dma_start3A_595 : memref<!tpu.dma_semaphore, #tpu.memory_space<semaphore_mem>>)
      } else {
      }
      %mul3A_454 = arith.constant 4 : i32
      %mul3A_455 = arith.muli %scan3A_211, %mul3A_454 : i32
      %add3A_456 = arith.constant 3 : i32
      %add3A_457 = arith.addi %mul3A_455, %add3A_456 : i32
      %dma_wait3A_458 = arith.constant 3 : i32
      %dma_wait3A_459 = arith.constant 3 : i32
      %dma_wait3A_460 = tpu.memref_slice %arg4[%dma_wait3A_459] : memref<4x!tpu.dma_semaphore, #tpu.memory_space<semaphore_mem>> -> memref<1x!tpu.dma_semaphore, #tpu.memory_space<semaphore_mem>>
      %dma_wait3A_461 = tpu.memref_squeeze %dma_wait3A_460 : memref<1x!tpu.dma_semaphore, #tpu.memory_space<semaphore_mem>> -> memref<!tpu.dma_semaphore, #tpu.memory_space<semaphore_mem>>
      %dma_wait3A_462 = arith.constant 0 : i32
      %dma_wait3A_463 = arith.constant 0 : i32
      %dma_wait3A_464 = arith.constant 0 : i32
      %dma_wait3A_465 = tpu.memref_slice %arg3[%dma_wait3A_458, %dma_wait3A_462, %dma_wait3A_463, %dma_wait3A_464] : memref<4x20x256x128xf32, #tpu.memory_space<vmem>> -> memref<1x20x64x128xf32, #tpu.memory_space<vmem>>
      %dma_wait3A_466 = tpu.memref_squeeze %dma_wait3A_465 : memref<1x20x64x128xf32, #tpu.memory_space<vmem>> -> memref<20x64x128xf32, #tpu.memory_space<vmem>>
      %dma_wait3A_467 = arith.constant 0 : i32
      %dma_wait3A_468 = arith.constant 0 : i32
      %dma_wait3A_469 = arith.constant 0 : i32
      %dma_wait3A_470 = tpu.memref_slice %arg1[%dma_wait3A_467, %dma_wait3A_468, %dma_wait3A_469] : memref<20x4096x128xf32, #tpu.memory_space<any>> -> memref<20x64x128xf32, #tpu.memory_space<any>>
      tpu.wait_dma2 semaphore(%dma_wait3A_461 : memref<!tpu.dma_semaphore, #tpu.memory_space<semaphore_mem>>) src(%dma_wait3A_470 : memref<20x64x128xf32, #tpu.memory_space<any>>) dst(%dma_wait3A_466 : memref<20x64x128xf32, #tpu.memory_space<vmem>>)
      %dma_wait3A_471 = arith.constant 3 : i32
      %dma_wait3A_472 = arith.constant 3 : i32
      %dma_wait3A_473 = tpu.memref_slice %arg5[%dma_wait3A_472] : memref<4x!tpu.dma_semaphore, #tpu.memory_space<semaphore_mem>> -> memref<1x!tpu.dma_semaphore, #tpu.memory_space<semaphore_mem>>
      %dma_wait3A_474 = tpu.memref_squeeze %dma_wait3A_473 : memref<1x!tpu.dma_semaphore, #tpu.memory_space<semaphore_mem>> -> memref<!tpu.dma_semaphore, #tpu.memory_space<semaphore_mem>>
      %dma_wait3A_475 = arith.constant 0 : i32
      %dma_wait3A_476 = arith.constant 64 : i32
      %dma_wait3A_477 = arith.constant 0 : i32
      %dma_wait3A_478 = tpu.memref_slice %arg3[%dma_wait3A_471, %dma_wait3A_475, %dma_wait3A_476, %dma_wait3A_477] : memref<4x20x256x128xf32, #tpu.memory_space<vmem>> -> memref<1x20x64x128xf32, #tpu.memory_space<vmem>>
      %dma_wait3A_479 = tpu.memref_squeeze %dma_wait3A_478 : memref<1x20x64x128xf32, #tpu.memory_space<vmem>> -> memref<20x64x128xf32, #tpu.memory_space<vmem>>
      %dma_wait3A_480 = arith.constant 0 : i32
      %dma_wait3A_481 = arith.constant 64 : i32
      %dma_wait3A_482 = arith.constant 0 : i32
      %dma_wait3A_483 = tpu.memref_slice %arg1[%dma_wait3A_480, %dma_wait3A_481, %dma_wait3A_482] : memref<20x4096x128xf32, #tpu.memory_space<any>> -> memref<20x64x128xf32, #tpu.memory_space<any>>
      tpu.wait_dma2 semaphore(%dma_wait3A_474 : memref<!tpu.dma_semaphore, #tpu.memory_space<semaphore_mem>>) src(%dma_wait3A_483 : memref<20x64x128xf32, #tpu.memory_space<any>>) dst(%dma_wait3A_479 : memref<20x64x128xf32, #tpu.memory_space<vmem>>)
      %dma_wait3A_484 = arith.constant 3 : i32
      %dma_wait3A_485 = arith.constant 3 : i32
      %dma_wait3A_486 = tpu.memref_slice %arg6[%dma_wait3A_485] : memref<4x!tpu.dma_semaphore, #tpu.memory_space<semaphore_mem>> -> memref<1x!tpu.dma_semaphore, #tpu.memory_space<semaphore_mem>>
      %dma_wait3A_487 = tpu.memref_squeeze %dma_wait3A_486 : memref<1x!tpu.dma_semaphore, #tpu.memory_space<semaphore_mem>> -> memref<!tpu.dma_semaphore, #tpu.memory_space<semaphore_mem>>
      %dma_wait3A_488 = arith.constant 0 : i32
      %dma_wait3A_489 = arith.constant 128 : i32
      %dma_wait3A_490 = arith.constant 0 : i32
      %dma_wait3A_491 = tpu.memref_slice %arg3[%dma_wait3A_484, %dma_wait3A_488, %dma_wait3A_489, %dma_wait3A_490] : memref<4x20x256x128xf32, #tpu.memory_space<vmem>> -> memref<1x20x64x128xf32, #tpu.memory_space<vmem>>
      %dma_wait3A_492 = tpu.memref_squeeze %dma_wait3A_491 : memref<1x20x64x128xf32, #tpu.memory_space<vmem>> -> memref<20x64x128xf32, #tpu.memory_space<vmem>>
      %dma_wait3A_493 = arith.constant 0 : i32
      %dma_wait3A_494 = arith.constant 128 : i32
      %dma_wait3A_495 = arith.constant 0 : i32
      %dma_wait3A_496 = tpu.memref_slice %arg1[%dma_wait3A_493, %dma_wait3A_494, %dma_wait3A_495] : memref<20x4096x128xf32, #tpu.memory_space<any>> -> memref<20x64x128xf32, #tpu.memory_space<any>>
      tpu.wait_dma2 semaphore(%dma_wait3A_487 : memref<!tpu.dma_semaphore, #tpu.memory_space<semaphore_mem>>) src(%dma_wait3A_496 : memref<20x64x128xf32, #tpu.memory_space<any>>) dst(%dma_wait3A_492 : memref<20x64x128xf32, #tpu.memory_space<vmem>>)
      %dma_wait3A_497 = arith.constant 3 : i32
      %dma_wait3A_498 = arith.constant 3 : i32
      %dma_wait3A_499 = tpu.memref_slice %arg7[%dma_wait3A_498] : memref<4x!tpu.dma_semaphore, #tpu.memory_space<semaphore_mem>> -> memref<1x!tpu.dma_semaphore, #tpu.memory_space<semaphore_mem>>
      %dma_wait3A_500 = tpu.memref_squeeze %dma_wait3A_499 : memref<1x!tpu.dma_semaphore, #tpu.memory_space<semaphore_mem>> -> memref<!tpu.dma_semaphore, #tpu.memory_space<semaphore_mem>>
      %dma_wait3A_501 = arith.constant 0 : i32
      %dma_wait3A_502 = arith.constant 192 : i32
      %dma_wait3A_503 = arith.constant 0 : i32
      %dma_wait3A_504 = tpu.memref_slice %arg3[%dma_wait3A_497, %dma_wait3A_501, %dma_wait3A_502, %dma_wait3A_503] : memref<4x20x256x128xf32, #tpu.memory_space<vmem>> -> memref<1x20x64x128xf32, #tpu.memory_space<vmem>>
      %dma_wait3A_505 = tpu.memref_squeeze %dma_wait3A_504 : memref<1x20x64x128xf32, #tpu.memory_space<vmem>> -> memref<20x64x128xf32, #tpu.memory_space<vmem>>
      %dma_wait3A_506 = arith.constant 0 : i32
      %dma_wait3A_507 = arith.constant 192 : i32
      %dma_wait3A_508 = arith.constant 0 : i32
      %dma_wait3A_509 = tpu.memref_slice %arg1[%dma_wait3A_506, %dma_wait3A_507, %dma_wait3A_508] : memref<20x4096x128xf32, #tpu.memory_space<any>> -> memref<20x64x128xf32, #tpu.memory_space<any>>
      tpu.wait_dma2 semaphore(%dma_wait3A_500 : memref<!tpu.dma_semaphore, #tpu.memory_space<semaphore_mem>>) src(%dma_wait3A_509 : memref<20x64x128xf32, #tpu.memory_space<any>>) dst(%dma_wait3A_505 : memref<20x64x128xf32, #tpu.memory_space<vmem>>)
      %mul3A_510 = arith.constant 256 : i32
      %mul3A_511 = arith.muli %add3A_457, %mul3A_510 : i32
      %get3A_512 = arith.index_cast %mul3A_511 : i32 to index
      %get3A_513 = arith.constant 0 : index
      %get3A_514 = vector.load %arg0[%get3A_512, %get3A_513] : memref<4096x128xf32, #tpu.memory_space<vmem>>, vector<256x128xf32>
      %get3A_515 = arith.constant 3 : index
      %get3A_516 = arith.constant 0 : index
      %get3A_517 = arith.constant 0 : index
      %get3A_518 = arith.constant 0 : index
      %get3A_519 = vector.load %arg3[%get3A_515, %get3A_516, %get3A_517, %get3A_518] : memref<4x20x256x128xf32, #tpu.memory_space<vmem>>, vector<1x20x256x128xf32>
      %get3A_520 = vector.shape_cast %get3A_519 : vector<1x20x256x128xf32> to vector<20x256x128xf32>
      %broadcast_in_dim3A_521 = vector.shape_cast %get3A_514 : vector<256x128xf32> to vector<1x256x128xf32>
      %mul3A_522 = vector.broadcast %broadcast_in_dim3A_521 : vector<1x256x128xf32> to vector<20x256x128xf32>
      %mul3A_523 = arith.mulf %get3A_520, %mul3A_522 : vector<20x256x128xf32>
      %reduce_sum3A_524 = arith.constant dense<0.000000e+00> : vector<20x256xf32>
      %reduce_sum3A_525 = vector.multi_reduction <add>, %mul3A_523, %reduce_sum3A_524 [2] : vector<20x256x128xf32> to vector<20x256xf32>
      %mul3A_526 = arith.constant 256 : i32
      %mul3A_527 = arith.muli %add3A_457, %mul3A_526 : i32
      %swap3A_528 = arith.constant 0 : index
      %swap3A_529 = arith.index_cast %mul3A_527 : i32 to index
      %swap3A_530 = vector.load %arg2[%swap3A_528, %swap3A_529] : memref<20x4096xf32, #tpu.memory_space<vmem>>, vector<20x256xf32>
      tpu.vector_store %arg2[%swap3A_528, %swap3A_529], %reduce_sum3A_525 {strides = array<i32>} : memref<20x4096xf32, #tpu.memory_space<vmem>>, vector<20x256xf32>,
      %add3A_531 = arith.constant 4 : i32
      %add3A_532 = arith.addi %add3A_457, %add3A_531 : i32
      %lt3A_533 = arith.constant 16 : i32
      %lt3A_534 = arith.cmpi slt, %add3A_532, %lt3A_533 : i32
      %convert_element_type3A_535 = arith.extui %lt3A_534 : i1 to i32
      %cond3A_536 = arith.constant 0 : i32
      %cond3A_537 = arith.cmpi ne, %convert_element_type3A_535, %cond3A_536 : i32
      scf.if %cond3A_537 {
        %add3A_538 = arith.constant 4 : i32
        %add3A_539 = arith.addi %add3A_457, %add3A_538 : i32
        %mul3A_540 = arith.constant 256 : i32
        %mul3A_541 = arith.muli %add3A_539, %mul3A_540 : i32
        %add3A_542 = arith.constant 0 : i32
        %add3A_543 = arith.addi %mul3A_541, %add3A_542 : i32
        %dma_start3A_544 = arith.constant 3 : i32
        %dma_start3A_545 = arith.constant 3 : i32
        %dma_start3A_546 = tpu.memref_slice %arg4[%dma_start3A_545] : memref<4x!tpu.dma_semaphore, #tpu.memory_space<semaphore_mem>> -> memref<1x!tpu.dma_semaphore, #tpu.memory_space<semaphore_mem>>
        %dma_start3A_547 = tpu.memref_squeeze %dma_start3A_546 : memref<1x!tpu.dma_semaphore, #tpu.memory_space<semaphore_mem>> -> memref<!tpu.dma_semaphore, #tpu.memory_space<semaphore_mem>>
        %dma_start3A_548 = arith.constant 0 : i32
        %dma_start3A_549 = arith.constant 0 : i32
        %dma_start3A_550 = arith.constant 0 : i32
        %dma_start3A_551 = tpu.memref_slice %arg3[%dma_start3A_544, %dma_start3A_548, %dma_start3A_549, %dma_start3A_550] : memref<4x20x256x128xf32, #tpu.memory_space<vmem>> -> memref<1x20x64x128xf32, #tpu.memory_space<vmem>>
        %dma_start3A_552 = tpu.memref_squeeze %dma_start3A_551 : memref<1x20x64x128xf32, #tpu.memory_space<vmem>> -> memref<20x64x128xf32, #tpu.memory_space<vmem>>
        %dma_start3A_553 = arith.constant 0 : i32
        %dma_start3A_554 = arith.constant 0 : i32
        %dma_start3A_555 = tpu.memref_slice %arg1[%dma_start3A_553, %add3A_543, %dma_start3A_554] : memref<20x4096x128xf32, #tpu.memory_space<any>> -> memref<20x64x128xf32, #tpu.memory_space<any>>
        tpu.enqueue_dma source(%dma_start3A_555 : memref<20x64x128xf32, #tpu.memory_space<any>>) target(%dma_start3A_552 : memref<20x64x128xf32, #tpu.memory_space<vmem>>) target_semaphore(%dma_start3A_547 : memref<!tpu.dma_semaphore, #tpu.memory_space<semaphore_mem>>)
        %mul3A_556 = arith.constant 256 : i32
        %mul3A_557 = arith.muli %add3A_539, %mul3A_556 : i32
        %add3A_558 = arith.constant 64 : i32
        %add3A_559 = arith.addi %mul3A_557, %add3A_558 : i32
        %dma_start3A_560 = arith.constant 3 : i32
        %dma_start3A_561 = arith.constant 3 : i32
        %dma_start3A_562 = tpu.memref_slice %arg5[%dma_start3A_561] : memref<4x!tpu.dma_semaphore, #tpu.memory_space<semaphore_mem>> -> memref<1x!tpu.dma_semaphore, #tpu.memory_space<semaphore_mem>>
        %dma_start3A_563 = tpu.memref_squeeze %dma_start3A_562 : memref<1x!tpu.dma_semaphore, #tpu.memory_space<semaphore_mem>> -> memref<!tpu.dma_semaphore, #tpu.memory_space<semaphore_mem>>
        %dma_start3A_564 = arith.constant 0 : i32
        %dma_start3A_565 = arith.constant 64 : i32
        %dma_start3A_566 = arith.constant 0 : i32
        %dma_start3A_567 = tpu.memref_slice %arg3[%dma_start3A_560, %dma_start3A_564, %dma_start3A_565, %dma_start3A_566] : memref<4x20x256x128xf32, #tpu.memory_space<vmem>> -> memref<1x20x64x128xf32, #tpu.memory_space<vmem>>
        %dma_start3A_568 = tpu.memref_squeeze %dma_start3A_567 : memref<1x20x64x128xf32, #tpu.memory_space<vmem>> -> memref<20x64x128xf32, #tpu.memory_space<vmem>>
        %dma_start3A_569 = arith.constant 0 : i32
        %dma_start3A_570 = arith.constant 0 : i32
        %dma_start3A_571 = tpu.memref_slice %arg1[%dma_start3A_569, %add3A_559, %dma_start3A_570] : memref<20x4096x128xf32, #tpu.memory_space<any>> -> memref<20x64x128xf32, #tpu.memory_space<any>>
        tpu.enqueue_dma source(%dma_start3A_571 : memref<20x64x128xf32, #tpu.memory_space<any>>) target(%dma_start3A_568 : memref<20x64x128xf32, #tpu.memory_space<vmem>>) target_semaphore(%dma_start3A_563 : memref<!tpu.dma_semaphore, #tpu.memory_space<semaphore_mem>>)
        %mul3A_572 = arith.constant 256 : i32
        %mul3A_573 = arith.muli %add3A_539, %mul3A_572 : i32
        %add3A_574 = arith.constant 128 : i32
        %add3A_575 = arith.addi %mul3A_573, %add3A_574 : i32
        %dma_start3A_576 = arith.constant 3 : i32
        %dma_start3A_577 = arith.constant 3 : i32
        %dma_start3A_578 = tpu.memref_slice %arg6[%dma_start3A_577] : memref<4x!tpu.dma_semaphore, #tpu.memory_space<semaphore_mem>> -> memref<1x!tpu.dma_semaphore, #tpu.memory_space<semaphore_mem>>
        %dma_start3A_579 = tpu.memref_squeeze %dma_start3A_578 : memref<1x!tpu.dma_semaphore, #tpu.memory_space<semaphore_mem>> -> memref<!tpu.dma_semaphore, #tpu.memory_space<semaphore_mem>>
        %dma_start3A_580 = arith.constant 0 : i32
        %dma_start3A_581 = arith.constant 128 : i32
        %dma_start3A_582 = arith.constant 0 : i32
        %dma_start3A_583 = tpu.memref_slice %arg3[%dma_start3A_576, %dma_start3A_580, %dma_start3A_581, %dma_start3A_582] : memref<4x20x256x128xf32, #tpu.memory_space<vmem>> -> memref<1x20x64x128xf32, #tpu.memory_space<vmem>>
        %dma_start3A_584 = tpu.memref_squeeze %dma_start3A_583 : memref<1x20x64x128xf32, #tpu.memory_space<vmem>> -> memref<20x64x128xf32, #tpu.memory_space<vmem>>
        %dma_start3A_585 = arith.constant 0 : i32
        %dma_start3A_586 = arith.constant 0 : i32
        %dma_start3A_587 = tpu.memref_slice %arg1[%dma_start3A_585, %add3A_575, %dma_start3A_586] : memref<20x4096x128xf32, #tpu.memory_space<any>> -> memref<20x64x128xf32, #tpu.memory_space<any>>
        tpu.enqueue_dma source(%dma_start3A_587 : memref<20x64x128xf32, #tpu.memory_space<any>>) target(%dma_start3A_584 : memref<20x64x128xf32, #tpu.memory_space<vmem>>) target_semaphore(%dma_start3A_579 : memref<!tpu.dma_semaphore, #tpu.memory_space<semaphore_mem>>)
        %mul3A_588 = arith.constant 256 : i32
        %mul3A_589 = arith.muli %add3A_539, %mul3A_588 : i32
        %add3A_590 = arith.constant 192 : i32
        %add3A_591 = arith.addi %mul3A_589, %add3A_590 : i32
        %dma_start3A_592 = arith.constant 3 : i32
        %dma_start3A_593 = arith.constant 3 : i32
        %dma_start3A_594 = tpu.memref_slice %arg7[%dma_start3A_593] : memref<4x!tpu.dma_semaphore, #tpu.memory_space<semaphore_mem>> -> memref<1x!tpu.dma_semaphore, #tpu.memory_space<semaphore_mem>>
        %dma_start3A_595 = tpu.memref_squeeze %dma_start3A_594 : memref<1x!tpu.dma_semaphore, #tpu.memory_space<semaphore_mem>> -> memref<!tpu.dma_semaphore, #tpu.memory_space<semaphore_mem>>
        %dma_start3A_596 = arith.constant 0 : i32
        %dma_start3A_597 = arith.constant 192 : i32
        %dma_start3A_598 = arith.constant 0 : i32
        %dma_start3A_599 = tpu.memref_slice %arg3[%dma_start3A_592, %dma_start3A_596, %dma_start3A_597, %dma_start3A_598] : memref<4x20x256x128xf32, #tpu.memory_space<vmem>> -> memref<1x20x64x128xf32, #tpu.memory_space<vmem>>
        %dma_start3A_600 = tpu.memref_squeeze %dma_start3A_599 : memref<1x20x64x128xf32, #tpu.memory_space<vmem>> -> memref<20x64x128xf32, #tpu.memory_space<vmem>>
        %dma_start3A_601 = arith.constant 0 : i32
        %dma_start3A_602 = arith.constant 0 : i32
        %dma_start3A_603 = tpu.memref_slice %arg1[%dma_start3A_601, %add3A_591, %dma_start3A_602] : memref<20x4096x128xf32, #tpu.memory_space<any>> -> memref<20x64x128xf32, #tpu.memory_space<any>>
        tpu.enqueue_dma source(%dma_start3A_603 : memref<20x64x128xf32, #tpu.memory_space<any>>) target(%dma_start3A_600 : memref<20x64x128xf32, #tpu.memory_space<vmem>>) target_semaphore(%dma_start3A_595 : memref<!tpu.dma_semaphore, #tpu.memory_space<semaphore_mem>>)
      } else {
      }
    }
    %scan3A_210 = arith.constant 4 : i32
    return
  }
}

module attributes {stable_mosaic.version = 14 : i64} {
  func.func @_encoder_body(%arg0: memref<50x4096x128xf32, #tpu.memory_space<any>>, %arg1: memref<50x4096x128xf32, #tpu.memory_space<any>>, %arg2: memref<4096x1xi32, #tpu.memory_space<vmem>>, %arg3: memref<4096x1xi32, #tpu.memory_space<vmem>>, %arg4: memref<128x128xf32, #tpu.memory_space<vmem>>, %arg5: memref<128x128xf32, #tpu.memory_space<vmem>>, %arg6: memref<1x128xf32, #tpu.memory_space<vmem>>, %arg7: memref<4096x128xf32, #tpu.memory_space<vmem>>, %arg8: memref<3x50x128x128xf32, #tpu.memory_space<vmem>>, %arg9: memref<3x50x128x128xf32, #tpu.memory_space<vmem>>, %arg10: memref<3x!tpu.dma_semaphore, #tpu.memory_space<semaphore_mem>>, %arg11: memref<3x!tpu.dma_semaphore, #tpu.memory_space<semaphore_mem>>, %arg12: memref<3x!tpu.dma_semaphore, #tpu.memory_space<semaphore_mem>>, %arg13: memref<3x!tpu.dma_semaphore, #tpu.memory_space<semaphore_mem>>, %arg14: memref<3x!tpu.dma_semaphore, #tpu.memory_space<semaphore_mem>>, %arg15: memref<3x!tpu.dma_semaphore, #tpu.memory_space<semaphore_mem>>, %arg16: memref<3x!tpu.dma_semaphore, #tpu.memory_space<semaphore_mem>>, %arg17: memref<3x!tpu.dma_semaphore, #tpu.memory_space<semaphore_mem>>) attributes {dimension_semantics = [], scalar_prefetch = 0 : i64, scratch_operands = 10 : i64, tpu.core_type = #tpu.core_type<tc>} {
    %dma_start3A = arith.constant 0 : i32
    %dma_start3A_0 = arith.constant 0 : i32
    %dma_start3A_1 = tpu.memref_slice %arg10[%dma_start3A_0] : memref<3x!tpu.dma_semaphore, #tpu.memory_space<semaphore_mem>> -> memref<1x!tpu.dma_semaphore, #tpu.memory_space<semaphore_mem>>
    %dma_start3A_2 = tpu.memref_squeeze %dma_start3A_1 : memref<1x!tpu.dma_semaphore, #tpu.memory_space<semaphore_mem>> -> memref<!tpu.dma_semaphore, #tpu.memory_space<semaphore_mem>>
    %dma_start3A_3 = arith.constant 0 : i32
    %dma_start3A_4 = arith.constant 0 : i32
    %dma_start3A_5 = arith.constant 0 : i32
    %dma_start3A_6 = tpu.memref_slice %arg8[%dma_start3A, %dma_start3A_3, %dma_start3A_4, %dma_start3A_5] : memref<3x50x128x128xf32, #tpu.memory_space<vmem>> -> memref<1x50x32x128xf32, #tpu.memory_space<vmem>>
    %dma_start3A_7 = tpu.memref_squeeze %dma_start3A_6 : memref<1x50x32x128xf32, #tpu.memory_space<vmem>> -> memref<50x32x128xf32, #tpu.memory_space<vmem>>
    %dma_start3A_8 = arith.constant 0 : i32
    %dma_start3A_9 = arith.constant 0 : i32
    %dma_start3A_10 = arith.constant 0 : i32
    %dma_start3A_11 = tpu.memref_slice %arg0[%dma_start3A_8, %dma_start3A_9, %dma_start3A_10] : memref<50x4096x128xf32, #tpu.memory_space<any>> -> memref<50x32x128xf32, #tpu.memory_space<any>>
    tpu.enqueue_dma source(%dma_start3A_11 : memref<50x32x128xf32, #tpu.memory_space<any>>) target(%dma_start3A_7 : memref<50x32x128xf32, #tpu.memory_space<vmem>>) target_semaphore(%dma_start3A_2 : memref<!tpu.dma_semaphore, #tpu.memory_space<semaphore_mem>>)
    %dma_start3A_12 = arith.constant 0 : i32
    %dma_start3A_13 = arith.constant 0 : i32
    %dma_start3A_14 = tpu.memref_slice %arg14[%dma_start3A_13] : memref<3x!tpu.dma_semaphore, #tpu.memory_space<semaphore_mem>> -> memref<1x!tpu.dma_semaphore, #tpu.memory_space<semaphore_mem>>
    %dma_start3A_15 = tpu.memref_squeeze %dma_start3A_14 : memref<1x!tpu.dma_semaphore, #tpu.memory_space<semaphore_mem>> -> memref<!tpu.dma_semaphore, #tpu.memory_space<semaphore_mem>>
    %dma_start3A_16 = arith.constant 0 : i32
    %dma_start3A_17 = arith.constant 0 : i32
    %dma_start3A_18 = arith.constant 0 : i32
    %dma_start3A_19 = tpu.memref_slice %arg9[%dma_start3A_12, %dma_start3A_16, %dma_start3A_17, %dma_start3A_18] : memref<3x50x128x128xf32, #tpu.memory_space<vmem>> -> memref<1x50x32x128xf32, #tpu.memory_space<vmem>>
    %dma_start3A_20 = tpu.memref_squeeze %dma_start3A_19 : memref<1x50x32x128xf32, #tpu.memory_space<vmem>> -> memref<50x32x128xf32, #tpu.memory_space<vmem>>
    %dma_start3A_21 = arith.constant 0 : i32
    %dma_start3A_22 = arith.constant 0 : i32
    %dma_start3A_23 = arith.constant 0 : i32
    %dma_start3A_24 = tpu.memref_slice %arg1[%dma_start3A_21, %dma_start3A_22, %dma_start3A_23] : memref<50x4096x128xf32, #tpu.memory_space<any>> -> memref<50x32x128xf32, #tpu.memory_space<any>>
    tpu.enqueue_dma source(%dma_start3A_24 : memref<50x32x128xf32, #tpu.memory_space<any>>) target(%dma_start3A_20 : memref<50x32x128xf32, #tpu.memory_space<vmem>>) target_semaphore(%dma_start3A_15 : memref<!tpu.dma_semaphore, #tpu.memory_space<semaphore_mem>>)
    %dma_start3A_25 = arith.constant 0 : i32
    %dma_start3A_26 = arith.constant 0 : i32
    %dma_start3A_27 = tpu.memref_slice %arg11[%dma_start3A_26] : memref<3x!tpu.dma_semaphore, #tpu.memory_space<semaphore_mem>> -> memref<1x!tpu.dma_semaphore, #tpu.memory_space<semaphore_mem>>
    %dma_start3A_28 = tpu.memref_squeeze %dma_start3A_27 : memref<1x!tpu.dma_semaphore, #tpu.memory_space<semaphore_mem>> -> memref<!tpu.dma_semaphore, #tpu.memory_space<semaphore_mem>>
    %dma_start3A_29 = arith.constant 0 : i32
    %dma_start3A_30 = arith.constant 32 : i32
    %dma_start3A_31 = arith.constant 0 : i32
    %dma_start3A_32 = tpu.memref_slice %arg8[%dma_start3A_25, %dma_start3A_29, %dma_start3A_30, %dma_start3A_31] : memref<3x50x128x128xf32, #tpu.memory_space<vmem>> -> memref<1x50x32x128xf32, #tpu.memory_space<vmem>>
    %dma_start3A_33 = tpu.memref_squeeze %dma_start3A_32 : memref<1x50x32x128xf32, #tpu.memory_space<vmem>> -> memref<50x32x128xf32, #tpu.memory_space<vmem>>
    %dma_start3A_34 = arith.constant 0 : i32
    %dma_start3A_35 = arith.constant 32 : i32
    %dma_start3A_36 = arith.constant 0 : i32
    %dma_start3A_37 = tpu.memref_slice %arg0[%dma_start3A_34, %dma_start3A_35, %dma_start3A_36] : memref<50x4096x128xf32, #tpu.memory_space<any>> -> memref<50x32x128xf32, #tpu.memory_space<any>>
    tpu.enqueue_dma source(%dma_start3A_37 : memref<50x32x128xf32, #tpu.memory_space<any>>) target(%dma_start3A_33 : memref<50x32x128xf32, #tpu.memory_space<vmem>>) target_semaphore(%dma_start3A_28 : memref<!tpu.dma_semaphore, #tpu.memory_space<semaphore_mem>>)
    %dma_start3A_38 = arith.constant 0 : i32
    %dma_start3A_39 = arith.constant 0 : i32
    %dma_start3A_40 = tpu.memref_slice %arg15[%dma_start3A_39] : memref<3x!tpu.dma_semaphore, #tpu.memory_space<semaphore_mem>> -> memref<1x!tpu.dma_semaphore, #tpu.memory_space<semaphore_mem>>
    %dma_start3A_41 = tpu.memref_squeeze %dma_start3A_40 : memref<1x!tpu.dma_semaphore, #tpu.memory_space<semaphore_mem>> -> memref<!tpu.dma_semaphore, #tpu.memory_space<semaphore_mem>>
    %dma_start3A_42 = arith.constant 0 : i32
    %dma_start3A_43 = arith.constant 32 : i32
    %dma_start3A_44 = arith.constant 0 : i32
    %dma_start3A_45 = tpu.memref_slice %arg9[%dma_start3A_38, %dma_start3A_42, %dma_start3A_43, %dma_start3A_44] : memref<3x50x128x128xf32, #tpu.memory_space<vmem>> -> memref<1x50x32x128xf32, #tpu.memory_space<vmem>>
    %dma_start3A_46 = tpu.memref_squeeze %dma_start3A_45 : memref<1x50x32x128xf32, #tpu.memory_space<vmem>> -> memref<50x32x128xf32, #tpu.memory_space<vmem>>
    %dma_start3A_47 = arith.constant 0 : i32
    %dma_start3A_48 = arith.constant 32 : i32
    %dma_start3A_49 = arith.constant 0 : i32
    %dma_start3A_50 = tpu.memref_slice %arg1[%dma_start3A_47, %dma_start3A_48, %dma_start3A_49] : memref<50x4096x128xf32, #tpu.memory_space<any>> -> memref<50x32x128xf32, #tpu.memory_space<any>>
    tpu.enqueue_dma source(%dma_start3A_50 : memref<50x32x128xf32, #tpu.memory_space<any>>) target(%dma_start3A_46 : memref<50x32x128xf32, #tpu.memory_space<vmem>>) target_semaphore(%dma_start3A_41 : memref<!tpu.dma_semaphore, #tpu.memory_space<semaphore_mem>>)
    %dma_start3A_51 = arith.constant 0 : i32
    %dma_start3A_52 = arith.constant 0 : i32
    %dma_start3A_53 = tpu.memref_slice %arg12[%dma_start3A_52] : memref<3x!tpu.dma_semaphore, #tpu.memory_space<semaphore_mem>> -> memref<1x!tpu.dma_semaphore, #tpu.memory_space<semaphore_mem>>
    %dma_start3A_54 = tpu.memref_squeeze %dma_start3A_53 : memref<1x!tpu.dma_semaphore, #tpu.memory_space<semaphore_mem>> -> memref<!tpu.dma_semaphore, #tpu.memory_space<semaphore_mem>>
    %dma_start3A_55 = arith.constant 0 : i32
    %dma_start3A_56 = arith.constant 64 : i32
    %dma_start3A_57 = arith.constant 0 : i32
    %dma_start3A_58 = tpu.memref_slice %arg8[%dma_start3A_51, %dma_start3A_55, %dma_start3A_56, %dma_start3A_57] : memref<3x50x128x128xf32, #tpu.memory_space<vmem>> -> memref<1x50x32x128xf32, #tpu.memory_space<vmem>>
    %dma_start3A_59 = tpu.memref_squeeze %dma_start3A_58 : memref<1x50x32x128xf32, #tpu.memory_space<vmem>> -> memref<50x32x128xf32, #tpu.memory_space<vmem>>
    %dma_start3A_60 = arith.constant 0 : i32
    %dma_start3A_61 = arith.constant 64 : i32
    %dma_start3A_62 = arith.constant 0 : i32
    %dma_start3A_63 = tpu.memref_slice %arg0[%dma_start3A_60, %dma_start3A_61, %dma_start3A_62] : memref<50x4096x128xf32, #tpu.memory_space<any>> -> memref<50x32x128xf32, #tpu.memory_space<any>>
    tpu.enqueue_dma source(%dma_start3A_63 : memref<50x32x128xf32, #tpu.memory_space<any>>) target(%dma_start3A_59 : memref<50x32x128xf32, #tpu.memory_space<vmem>>) target_semaphore(%dma_start3A_54 : memref<!tpu.dma_semaphore, #tpu.memory_space<semaphore_mem>>)
    %dma_start3A_64 = arith.constant 0 : i32
    %dma_start3A_65 = arith.constant 0 : i32
    %dma_start3A_66 = tpu.memref_slice %arg16[%dma_start3A_65] : memref<3x!tpu.dma_semaphore, #tpu.memory_space<semaphore_mem>> -> memref<1x!tpu.dma_semaphore, #tpu.memory_space<semaphore_mem>>
    %dma_start3A_67 = tpu.memref_squeeze %dma_start3A_66 : memref<1x!tpu.dma_semaphore, #tpu.memory_space<semaphore_mem>> -> memref<!tpu.dma_semaphore, #tpu.memory_space<semaphore_mem>>
    %dma_start3A_68 = arith.constant 0 : i32
    %dma_start3A_69 = arith.constant 64 : i32
    %dma_start3A_70 = arith.constant 0 : i32
    %dma_start3A_71 = tpu.memref_slice %arg9[%dma_start3A_64, %dma_start3A_68, %dma_start3A_69, %dma_start3A_70] : memref<3x50x128x128xf32, #tpu.memory_space<vmem>> -> memref<1x50x32x128xf32, #tpu.memory_space<vmem>>
    %dma_start3A_72 = tpu.memref_squeeze %dma_start3A_71 : memref<1x50x32x128xf32, #tpu.memory_space<vmem>> -> memref<50x32x128xf32, #tpu.memory_space<vmem>>
    %dma_start3A_73 = arith.constant 0 : i32
    %dma_start3A_74 = arith.constant 64 : i32
    %dma_start3A_75 = arith.constant 0 : i32
    %dma_start3A_76 = tpu.memref_slice %arg1[%dma_start3A_73, %dma_start3A_74, %dma_start3A_75] : memref<50x4096x128xf32, #tpu.memory_space<any>> -> memref<50x32x128xf32, #tpu.memory_space<any>>
    tpu.enqueue_dma source(%dma_start3A_76 : memref<50x32x128xf32, #tpu.memory_space<any>>) target(%dma_start3A_72 : memref<50x32x128xf32, #tpu.memory_space<vmem>>) target_semaphore(%dma_start3A_67 : memref<!tpu.dma_semaphore, #tpu.memory_space<semaphore_mem>>)
    %dma_start3A_77 = arith.constant 0 : i32
    %dma_start3A_78 = arith.constant 0 : i32
    %dma_start3A_79 = tpu.memref_slice %arg13[%dma_start3A_78] : memref<3x!tpu.dma_semaphore, #tpu.memory_space<semaphore_mem>> -> memref<1x!tpu.dma_semaphore, #tpu.memory_space<semaphore_mem>>
    %dma_start3A_80 = tpu.memref_squeeze %dma_start3A_79 : memref<1x!tpu.dma_semaphore, #tpu.memory_space<semaphore_mem>> -> memref<!tpu.dma_semaphore, #tpu.memory_space<semaphore_mem>>
    %dma_start3A_81 = arith.constant 0 : i32
    %dma_start3A_82 = arith.constant 96 : i32
    %dma_start3A_83 = arith.constant 0 : i32
    %dma_start3A_84 = tpu.memref_slice %arg8[%dma_start3A_77, %dma_start3A_81, %dma_start3A_82, %dma_start3A_83] : memref<3x50x128x128xf32, #tpu.memory_space<vmem>> -> memref<1x50x32x128xf32, #tpu.memory_space<vmem>>
    %dma_start3A_85 = tpu.memref_squeeze %dma_start3A_84 : memref<1x50x32x128xf32, #tpu.memory_space<vmem>> -> memref<50x32x128xf32, #tpu.memory_space<vmem>>
    %dma_start3A_86 = arith.constant 0 : i32
    %dma_start3A_87 = arith.constant 96 : i32
    %dma_start3A_88 = arith.constant 0 : i32
    %dma_start3A_89 = tpu.memref_slice %arg0[%dma_start3A_86, %dma_start3A_87, %dma_start3A_88] : memref<50x4096x128xf32, #tpu.memory_space<any>> -> memref<50x32x128xf32, #tpu.memory_space<any>>
    tpu.enqueue_dma source(%dma_start3A_89 : memref<50x32x128xf32, #tpu.memory_space<any>>) target(%dma_start3A_85 : memref<50x32x128xf32, #tpu.memory_space<vmem>>) target_semaphore(%dma_start3A_80 : memref<!tpu.dma_semaphore, #tpu.memory_space<semaphore_mem>>)
    %dma_start3A_90 = arith.constant 0 : i32
    %dma_start3A_91 = arith.constant 0 : i32
    %dma_start3A_92 = tpu.memref_slice %arg17[%dma_start3A_91] : memref<3x!tpu.dma_semaphore, #tpu.memory_space<semaphore_mem>> -> memref<1x!tpu.dma_semaphore, #tpu.memory_space<semaphore_mem>>
    %dma_start3A_93 = tpu.memref_squeeze %dma_start3A_92 : memref<1x!tpu.dma_semaphore, #tpu.memory_space<semaphore_mem>> -> memref<!tpu.dma_semaphore, #tpu.memory_space<semaphore_mem>>
    %dma_start3A_94 = arith.constant 0 : i32
    %dma_start3A_95 = arith.constant 96 : i32
    %dma_start3A_96 = arith.constant 0 : i32
    %dma_start3A_97 = tpu.memref_slice %arg9[%dma_start3A_90, %dma_start3A_94, %dma_start3A_95, %dma_start3A_96] : memref<3x50x128x128xf32, #tpu.memory_space<vmem>> -> memref<1x50x32x128xf32, #tpu.memory_space<vmem>>
    %dma_start3A_98 = tpu.memref_squeeze %dma_start3A_97 : memref<1x50x32x128xf32, #tpu.memory_space<vmem>> -> memref<50x32x128xf32, #tpu.memory_space<vmem>>
    %dma_start3A_99 = arith.constant 0 : i32
    %dma_start3A_100 = arith.constant 96 : i32
    %dma_start3A_101 = arith.constant 0 : i32
    %dma_start3A_102 = tpu.memref_slice %arg1[%dma_start3A_99, %dma_start3A_100, %dma_start3A_101] : memref<50x4096x128xf32, #tpu.memory_space<any>> -> memref<50x32x128xf32, #tpu.memory_space<any>>
    tpu.enqueue_dma source(%dma_start3A_102 : memref<50x32x128xf32, #tpu.memory_space<any>>) target(%dma_start3A_98 : memref<50x32x128xf32, #tpu.memory_space<vmem>>) target_semaphore(%dma_start3A_93 : memref<!tpu.dma_semaphore, #tpu.memory_space<semaphore_mem>>)
    %dma_start3A_103 = arith.constant 1 : i32
    %dma_start3A_104 = arith.constant 1 : i32
    %dma_start3A_105 = tpu.memref_slice %arg10[%dma_start3A_104] : memref<3x!tpu.dma_semaphore, #tpu.memory_space<semaphore_mem>> -> memref<1x!tpu.dma_semaphore, #tpu.memory_space<semaphore_mem>>
    %dma_start3A_106 = tpu.memref_squeeze %dma_start3A_105 : memref<1x!tpu.dma_semaphore, #tpu.memory_space<semaphore_mem>> -> memref<!tpu.dma_semaphore, #tpu.memory_space<semaphore_mem>>
    %dma_start3A_107 = arith.constant 0 : i32
    %dma_start3A_108 = arith.constant 0 : i32
    %dma_start3A_109 = arith.constant 0 : i32
    %dma_start3A_110 = tpu.memref_slice %arg8[%dma_start3A_103, %dma_start3A_107, %dma_start3A_108, %dma_start3A_109] : memref<3x50x128x128xf32, #tpu.memory_space<vmem>> -> memref<1x50x32x128xf32, #tpu.memory_space<vmem>>
    %dma_start3A_111 = tpu.memref_squeeze %dma_start3A_110 : memref<1x50x32x128xf32, #tpu.memory_space<vmem>> -> memref<50x32x128xf32, #tpu.memory_space<vmem>>
    %dma_start3A_112 = arith.constant 0 : i32
    %dma_start3A_113 = arith.constant 128 : i32
    %dma_start3A_114 = arith.constant 0 : i32
    %dma_start3A_115 = tpu.memref_slice %arg0[%dma_start3A_112, %dma_start3A_113, %dma_start3A_114] : memref<50x4096x128xf32, #tpu.memory_space<any>> -> memref<50x32x128xf32, #tpu.memory_space<any>>
    tpu.enqueue_dma source(%dma_start3A_115 : memref<50x32x128xf32, #tpu.memory_space<any>>) target(%dma_start3A_111 : memref<50x32x128xf32, #tpu.memory_space<vmem>>) target_semaphore(%dma_start3A_106 : memref<!tpu.dma_semaphore, #tpu.memory_space<semaphore_mem>>)
    %dma_start3A_116 = arith.constant 1 : i32
    %dma_start3A_117 = arith.constant 1 : i32
    %dma_start3A_118 = tpu.memref_slice %arg14[%dma_start3A_117] : memref<3x!tpu.dma_semaphore, #tpu.memory_space<semaphore_mem>> -> memref<1x!tpu.dma_semaphore, #tpu.memory_space<semaphore_mem>>
    %dma_start3A_119 = tpu.memref_squeeze %dma_start3A_118 : memref<1x!tpu.dma_semaphore, #tpu.memory_space<semaphore_mem>> -> memref<!tpu.dma_semaphore, #tpu.memory_space<semaphore_mem>>
    %dma_start3A_120 = arith.constant 0 : i32
    %dma_start3A_121 = arith.constant 0 : i32
    %dma_start3A_122 = arith.constant 0 : i32
    %dma_start3A_123 = tpu.memref_slice %arg9[%dma_start3A_116, %dma_start3A_120, %dma_start3A_121, %dma_start3A_122] : memref<3x50x128x128xf32, #tpu.memory_space<vmem>> -> memref<1x50x32x128xf32, #tpu.memory_space<vmem>>
    %dma_start3A_124 = tpu.memref_squeeze %dma_start3A_123 : memref<1x50x32x128xf32, #tpu.memory_space<vmem>> -> memref<50x32x128xf32, #tpu.memory_space<vmem>>
    %dma_start3A_125 = arith.constant 0 : i32
    %dma_start3A_126 = arith.constant 128 : i32
    %dma_start3A_127 = arith.constant 0 : i32
    %dma_start3A_128 = tpu.memref_slice %arg1[%dma_start3A_125, %dma_start3A_126, %dma_start3A_127] : memref<50x4096x128xf32, #tpu.memory_space<any>> -> memref<50x32x128xf32, #tpu.memory_space<any>>
    tpu.enqueue_dma source(%dma_start3A_128 : memref<50x32x128xf32, #tpu.memory_space<any>>) target(%dma_start3A_124 : memref<50x32x128xf32, #tpu.memory_space<vmem>>) target_semaphore(%dma_start3A_119 : memref<!tpu.dma_semaphore, #tpu.memory_space<semaphore_mem>>)
    %dma_start3A_129 = arith.constant 1 : i32
    %dma_start3A_130 = arith.constant 1 : i32
    %dma_start3A_131 = tpu.memref_slice %arg11[%dma_start3A_130] : memref<3x!tpu.dma_semaphore, #tpu.memory_space<semaphore_mem>> -> memref<1x!tpu.dma_semaphore, #tpu.memory_space<semaphore_mem>>
    %dma_start3A_132 = tpu.memref_squeeze %dma_start3A_131 : memref<1x!tpu.dma_semaphore, #tpu.memory_space<semaphore_mem>> -> memref<!tpu.dma_semaphore, #tpu.memory_space<semaphore_mem>>
    %dma_start3A_133 = arith.constant 0 : i32
    %dma_start3A_134 = arith.constant 32 : i32
    %dma_start3A_135 = arith.constant 0 : i32
    %dma_start3A_136 = tpu.memref_slice %arg8[%dma_start3A_129, %dma_start3A_133, %dma_start3A_134, %dma_start3A_135] : memref<3x50x128x128xf32, #tpu.memory_space<vmem>> -> memref<1x50x32x128xf32, #tpu.memory_space<vmem>>
    %dma_start3A_137 = tpu.memref_squeeze %dma_start3A_136 : memref<1x50x32x128xf32, #tpu.memory_space<vmem>> -> memref<50x32x128xf32, #tpu.memory_space<vmem>>
    %dma_start3A_138 = arith.constant 0 : i32
    %dma_start3A_139 = arith.constant 160 : i32
    %dma_start3A_140 = arith.constant 0 : i32
    %dma_start3A_141 = tpu.memref_slice %arg0[%dma_start3A_138, %dma_start3A_139, %dma_start3A_140] : memref<50x4096x128xf32, #tpu.memory_space<any>> -> memref<50x32x128xf32, #tpu.memory_space<any>>
    tpu.enqueue_dma source(%dma_start3A_141 : memref<50x32x128xf32, #tpu.memory_space<any>>) target(%dma_start3A_137 : memref<50x32x128xf32, #tpu.memory_space<vmem>>) target_semaphore(%dma_start3A_132 : memref<!tpu.dma_semaphore, #tpu.memory_space<semaphore_mem>>)
    %dma_start3A_142 = arith.constant 1 : i32
    %dma_start3A_143 = arith.constant 1 : i32
    %dma_start3A_144 = tpu.memref_slice %arg15[%dma_start3A_143] : memref<3x!tpu.dma_semaphore, #tpu.memory_space<semaphore_mem>> -> memref<1x!tpu.dma_semaphore, #tpu.memory_space<semaphore_mem>>
    %dma_start3A_145 = tpu.memref_squeeze %dma_start3A_144 : memref<1x!tpu.dma_semaphore, #tpu.memory_space<semaphore_mem>> -> memref<!tpu.dma_semaphore, #tpu.memory_space<semaphore_mem>>
    %dma_start3A_146 = arith.constant 0 : i32
    %dma_start3A_147 = arith.constant 32 : i32
    %dma_start3A_148 = arith.constant 0 : i32
    %dma_start3A_149 = tpu.memref_slice %arg9[%dma_start3A_142, %dma_start3A_146, %dma_start3A_147, %dma_start3A_148] : memref<3x50x128x128xf32, #tpu.memory_space<vmem>> -> memref<1x50x32x128xf32, #tpu.memory_space<vmem>>
    %dma_start3A_150 = tpu.memref_squeeze %dma_start3A_149 : memref<1x50x32x128xf32, #tpu.memory_space<vmem>> -> memref<50x32x128xf32, #tpu.memory_space<vmem>>
    %dma_start3A_151 = arith.constant 0 : i32
    %dma_start3A_152 = arith.constant 160 : i32
    %dma_start3A_153 = arith.constant 0 : i32
    %dma_start3A_154 = tpu.memref_slice %arg1[%dma_start3A_151, %dma_start3A_152, %dma_start3A_153] : memref<50x4096x128xf32, #tpu.memory_space<any>> -> memref<50x32x128xf32, #tpu.memory_space<any>>
    tpu.enqueue_dma source(%dma_start3A_154 : memref<50x32x128xf32, #tpu.memory_space<any>>) target(%dma_start3A_150 : memref<50x32x128xf32, #tpu.memory_space<vmem>>) target_semaphore(%dma_start3A_145 : memref<!tpu.dma_semaphore, #tpu.memory_space<semaphore_mem>>)
    %dma_start3A_155 = arith.constant 1 : i32
    %dma_start3A_156 = arith.constant 1 : i32
    %dma_start3A_157 = tpu.memref_slice %arg12[%dma_start3A_156] : memref<3x!tpu.dma_semaphore, #tpu.memory_space<semaphore_mem>> -> memref<1x!tpu.dma_semaphore, #tpu.memory_space<semaphore_mem>>
    %dma_start3A_158 = tpu.memref_squeeze %dma_start3A_157 : memref<1x!tpu.dma_semaphore, #tpu.memory_space<semaphore_mem>> -> memref<!tpu.dma_semaphore, #tpu.memory_space<semaphore_mem>>
    %dma_start3A_159 = arith.constant 0 : i32
    %dma_start3A_160 = arith.constant 64 : i32
    %dma_start3A_161 = arith.constant 0 : i32
    %dma_start3A_162 = tpu.memref_slice %arg8[%dma_start3A_155, %dma_start3A_159, %dma_start3A_160, %dma_start3A_161] : memref<3x50x128x128xf32, #tpu.memory_space<vmem>> -> memref<1x50x32x128xf32, #tpu.memory_space<vmem>>
    %dma_start3A_163 = tpu.memref_squeeze %dma_start3A_162 : memref<1x50x32x128xf32, #tpu.memory_space<vmem>> -> memref<50x32x128xf32, #tpu.memory_space<vmem>>
    %dma_start3A_164 = arith.constant 0 : i32
    %dma_start3A_165 = arith.constant 192 : i32
    %dma_start3A_166 = arith.constant 0 : i32
    %dma_start3A_167 = tpu.memref_slice %arg0[%dma_start3A_164, %dma_start3A_165, %dma_start3A_166] : memref<50x4096x128xf32, #tpu.memory_space<any>> -> memref<50x32x128xf32, #tpu.memory_space<any>>
    tpu.enqueue_dma source(%dma_start3A_167 : memref<50x32x128xf32, #tpu.memory_space<any>>) target(%dma_start3A_163 : memref<50x32x128xf32, #tpu.memory_space<vmem>>) target_semaphore(%dma_start3A_158 : memref<!tpu.dma_semaphore, #tpu.memory_space<semaphore_mem>>)
    %dma_start3A_168 = arith.constant 1 : i32
    %dma_start3A_169 = arith.constant 1 : i32
    %dma_start3A_170 = tpu.memref_slice %arg16[%dma_start3A_169] : memref<3x!tpu.dma_semaphore, #tpu.memory_space<semaphore_mem>> -> memref<1x!tpu.dma_semaphore, #tpu.memory_space<semaphore_mem>>
    %dma_start3A_171 = tpu.memref_squeeze %dma_start3A_170 : memref<1x!tpu.dma_semaphore, #tpu.memory_space<semaphore_mem>> -> memref<!tpu.dma_semaphore, #tpu.memory_space<semaphore_mem>>
    %dma_start3A_172 = arith.constant 0 : i32
    %dma_start3A_173 = arith.constant 64 : i32
    %dma_start3A_174 = arith.constant 0 : i32
    %dma_start3A_175 = tpu.memref_slice %arg9[%dma_start3A_168, %dma_start3A_172, %dma_start3A_173, %dma_start3A_174] : memref<3x50x128x128xf32, #tpu.memory_space<vmem>> -> memref<1x50x32x128xf32, #tpu.memory_space<vmem>>
    %dma_start3A_176 = tpu.memref_squeeze %dma_start3A_175 : memref<1x50x32x128xf32, #tpu.memory_space<vmem>> -> memref<50x32x128xf32, #tpu.memory_space<vmem>>
    %dma_start3A_177 = arith.constant 0 : i32
    %dma_start3A_178 = arith.constant 192 : i32
    %dma_start3A_179 = arith.constant 0 : i32
    %dma_start3A_180 = tpu.memref_slice %arg1[%dma_start3A_177, %dma_start3A_178, %dma_start3A_179] : memref<50x4096x128xf32, #tpu.memory_space<any>> -> memref<50x32x128xf32, #tpu.memory_space<any>>
    tpu.enqueue_dma source(%dma_start3A_180 : memref<50x32x128xf32, #tpu.memory_space<any>>) target(%dma_start3A_176 : memref<50x32x128xf32, #tpu.memory_space<vmem>>) target_semaphore(%dma_start3A_171 : memref<!tpu.dma_semaphore, #tpu.memory_space<semaphore_mem>>)
    %dma_start3A_181 = arith.constant 1 : i32
    %dma_start3A_182 = arith.constant 1 : i32
    %dma_start3A_183 = tpu.memref_slice %arg13[%dma_start3A_182] : memref<3x!tpu.dma_semaphore, #tpu.memory_space<semaphore_mem>> -> memref<1x!tpu.dma_semaphore, #tpu.memory_space<semaphore_mem>>
    %dma_start3A_184 = tpu.memref_squeeze %dma_start3A_183 : memref<1x!tpu.dma_semaphore, #tpu.memory_space<semaphore_mem>> -> memref<!tpu.dma_semaphore, #tpu.memory_space<semaphore_mem>>
    %dma_start3A_185 = arith.constant 0 : i32
    %dma_start3A_186 = arith.constant 96 : i32
    %dma_start3A_187 = arith.constant 0 : i32
    %dma_start3A_188 = tpu.memref_slice %arg8[%dma_start3A_181, %dma_start3A_185, %dma_start3A_186, %dma_start3A_187] : memref<3x50x128x128xf32, #tpu.memory_space<vmem>> -> memref<1x50x32x128xf32, #tpu.memory_space<vmem>>
    %dma_start3A_189 = tpu.memref_squeeze %dma_start3A_188 : memref<1x50x32x128xf32, #tpu.memory_space<vmem>> -> memref<50x32x128xf32, #tpu.memory_space<vmem>>
    %dma_start3A_190 = arith.constant 0 : i32
    %dma_start3A_191 = arith.constant 224 : i32
    %dma_start3A_192 = arith.constant 0 : i32
    %dma_start3A_193 = tpu.memref_slice %arg0[%dma_start3A_190, %dma_start3A_191, %dma_start3A_192] : memref<50x4096x128xf32, #tpu.memory_space<any>> -> memref<50x32x128xf32, #tpu.memory_space<any>>
    tpu.enqueue_dma source(%dma_start3A_193 : memref<50x32x128xf32, #tpu.memory_space<any>>) target(%dma_start3A_189 : memref<50x32x128xf32, #tpu.memory_space<vmem>>) target_semaphore(%dma_start3A_184 : memref<!tpu.dma_semaphore, #tpu.memory_space<semaphore_mem>>)
    %dma_start3A_194 = arith.constant 1 : i32
    %dma_start3A_195 = arith.constant 1 : i32
    %dma_start3A_196 = tpu.memref_slice %arg17[%dma_start3A_195] : memref<3x!tpu.dma_semaphore, #tpu.memory_space<semaphore_mem>> -> memref<1x!tpu.dma_semaphore, #tpu.memory_space<semaphore_mem>>
    %dma_start3A_197 = tpu.memref_squeeze %dma_start3A_196 : memref<1x!tpu.dma_semaphore, #tpu.memory_space<semaphore_mem>> -> memref<!tpu.dma_semaphore, #tpu.memory_space<semaphore_mem>>
    %dma_start3A_198 = arith.constant 0 : i32
    %dma_start3A_199 = arith.constant 96 : i32
    %dma_start3A_200 = arith.constant 0 : i32
    %dma_start3A_201 = tpu.memref_slice %arg9[%dma_start3A_194, %dma_start3A_198, %dma_start3A_199, %dma_start3A_200] : memref<3x50x128x128xf32, #tpu.memory_space<vmem>> -> memref<1x50x32x128xf32, #tpu.memory_space<vmem>>
    %dma_start3A_202 = tpu.memref_squeeze %dma_start3A_201 : memref<1x50x32x128xf32, #tpu.memory_space<vmem>> -> memref<50x32x128xf32, #tpu.memory_space<vmem>>
    %dma_start3A_203 = arith.constant 0 : i32
    %dma_start3A_204 = arith.constant 224 : i32
    %dma_start3A_205 = arith.constant 0 : i32
    %dma_start3A_206 = tpu.memref_slice %arg1[%dma_start3A_203, %dma_start3A_204, %dma_start3A_205] : memref<50x4096x128xf32, #tpu.memory_space<any>> -> memref<50x32x128xf32, #tpu.memory_space<any>>
    tpu.enqueue_dma source(%dma_start3A_206 : memref<50x32x128xf32, #tpu.memory_space<any>>) target(%dma_start3A_202 : memref<50x32x128xf32, #tpu.memory_space<vmem>>) target_semaphore(%dma_start3A_197 : memref<!tpu.dma_semaphore, #tpu.memory_space<semaphore_mem>>)
    %dma_start3A_207 = arith.constant 2 : i32
    %dma_start3A_208 = arith.constant 2 : i32
    %dma_start3A_209 = tpu.memref_slice %arg10[%dma_start3A_208] : memref<3x!tpu.dma_semaphore, #tpu.memory_space<semaphore_mem>> -> memref<1x!tpu.dma_semaphore, #tpu.memory_space<semaphore_mem>>
    %dma_start3A_210 = tpu.memref_squeeze %dma_start3A_209 : memref<1x!tpu.dma_semaphore, #tpu.memory_space<semaphore_mem>> -> memref<!tpu.dma_semaphore, #tpu.memory_space<semaphore_mem>>
    %dma_start3A_211 = arith.constant 0 : i32
    %dma_start3A_212 = arith.constant 0 : i32
    %dma_start3A_213 = arith.constant 0 : i32
    %dma_start3A_214 = tpu.memref_slice %arg8[%dma_start3A_207, %dma_start3A_211, %dma_start3A_212, %dma_start3A_213] : memref<3x50x128x128xf32, #tpu.memory_space<vmem>> -> memref<1x50x32x128xf32, #tpu.memory_space<vmem>>
    %dma_start3A_215 = tpu.memref_squeeze %dma_start3A_214 : memref<1x50x32x128xf32, #tpu.memory_space<vmem>> -> memref<50x32x128xf32, #tpu.memory_space<vmem>>
    %dma_start3A_216 = arith.constant 0 : i32
    %dma_start3A_217 = arith.constant 256 : i32
    %dma_start3A_218 = arith.constant 0 : i32
    %dma_start3A_219 = tpu.memref_slice %arg0[%dma_start3A_216, %dma_start3A_217, %dma_start3A_218] : memref<50x4096x128xf32, #tpu.memory_space<any>> -> memref<50x32x128xf32, #tpu.memory_space<any>>
    tpu.enqueue_dma source(%dma_start3A_219 : memref<50x32x128xf32, #tpu.memory_space<any>>) target(%dma_start3A_215 : memref<50x32x128xf32, #tpu.memory_space<vmem>>) target_semaphore(%dma_start3A_210 : memref<!tpu.dma_semaphore, #tpu.memory_space<semaphore_mem>>)
    %dma_start3A_220 = arith.constant 2 : i32
    %dma_start3A_221 = arith.constant 2 : i32
    %dma_start3A_222 = tpu.memref_slice %arg14[%dma_start3A_221] : memref<3x!tpu.dma_semaphore, #tpu.memory_space<semaphore_mem>> -> memref<1x!tpu.dma_semaphore, #tpu.memory_space<semaphore_mem>>
    %dma_start3A_223 = tpu.memref_squeeze %dma_start3A_222 : memref<1x!tpu.dma_semaphore, #tpu.memory_space<semaphore_mem>> -> memref<!tpu.dma_semaphore, #tpu.memory_space<semaphore_mem>>
    %dma_start3A_224 = arith.constant 0 : i32
    %dma_start3A_225 = arith.constant 0 : i32
    %dma_start3A_226 = arith.constant 0 : i32
    %dma_start3A_227 = tpu.memref_slice %arg9[%dma_start3A_220, %dma_start3A_224, %dma_start3A_225, %dma_start3A_226] : memref<3x50x128x128xf32, #tpu.memory_space<vmem>> -> memref<1x50x32x128xf32, #tpu.memory_space<vmem>>
    %dma_start3A_228 = tpu.memref_squeeze %dma_start3A_227 : memref<1x50x32x128xf32, #tpu.memory_space<vmem>> -> memref<50x32x128xf32, #tpu.memory_space<vmem>>
    %dma_start3A_229 = arith.constant 0 : i32
    %dma_start3A_230 = arith.constant 256 : i32
    %dma_start3A_231 = arith.constant 0 : i32
    %dma_start3A_232 = tpu.memref_slice %arg1[%dma_start3A_229, %dma_start3A_230, %dma_start3A_231] : memref<50x4096x128xf32, #tpu.memory_space<any>> -> memref<50x32x128xf32, #tpu.memory_space<any>>
    tpu.enqueue_dma source(%dma_start3A_232 : memref<50x32x128xf32, #tpu.memory_space<any>>) target(%dma_start3A_228 : memref<50x32x128xf32, #tpu.memory_space<vmem>>) target_semaphore(%dma_start3A_223 : memref<!tpu.dma_semaphore, #tpu.memory_space<semaphore_mem>>)
    %dma_start3A_233 = arith.constant 2 : i32
    %dma_start3A_234 = arith.constant 2 : i32
    %dma_start3A_235 = tpu.memref_slice %arg11[%dma_start3A_234] : memref<3x!tpu.dma_semaphore, #tpu.memory_space<semaphore_mem>> -> memref<1x!tpu.dma_semaphore, #tpu.memory_space<semaphore_mem>>
    %dma_start3A_236 = tpu.memref_squeeze %dma_start3A_235 : memref<1x!tpu.dma_semaphore, #tpu.memory_space<semaphore_mem>> -> memref<!tpu.dma_semaphore, #tpu.memory_space<semaphore_mem>>
    %dma_start3A_237 = arith.constant 0 : i32
    %dma_start3A_238 = arith.constant 32 : i32
    %dma_start3A_239 = arith.constant 0 : i32
    %dma_start3A_240 = tpu.memref_slice %arg8[%dma_start3A_233, %dma_start3A_237, %dma_start3A_238, %dma_start3A_239] : memref<3x50x128x128xf32, #tpu.memory_space<vmem>> -> memref<1x50x32x128xf32, #tpu.memory_space<vmem>>
    %dma_start3A_241 = tpu.memref_squeeze %dma_start3A_240 : memref<1x50x32x128xf32, #tpu.memory_space<vmem>> -> memref<50x32x128xf32, #tpu.memory_space<vmem>>
    %dma_start3A_242 = arith.constant 0 : i32
    %dma_start3A_243 = arith.constant 288 : i32
    %dma_start3A_244 = arith.constant 0 : i32
    %dma_start3A_245 = tpu.memref_slice %arg0[%dma_start3A_242, %dma_start3A_243, %dma_start3A_244] : memref<50x4096x128xf32, #tpu.memory_space<any>> -> memref<50x32x128xf32, #tpu.memory_space<any>>
    tpu.enqueue_dma source(%dma_start3A_245 : memref<50x32x128xf32, #tpu.memory_space<any>>) target(%dma_start3A_241 : memref<50x32x128xf32, #tpu.memory_space<vmem>>) target_semaphore(%dma_start3A_236 : memref<!tpu.dma_semaphore, #tpu.memory_space<semaphore_mem>>)
    %dma_start3A_246 = arith.constant 2 : i32
    %dma_start3A_247 = arith.constant 2 : i32
    %dma_start3A_248 = tpu.memref_slice %arg15[%dma_start3A_247] : memref<3x!tpu.dma_semaphore, #tpu.memory_space<semaphore_mem>> -> memref<1x!tpu.dma_semaphore, #tpu.memory_space<semaphore_mem>>
    %dma_start3A_249 = tpu.memref_squeeze %dma_start3A_248 : memref<1x!tpu.dma_semaphore, #tpu.memory_space<semaphore_mem>> -> memref<!tpu.dma_semaphore, #tpu.memory_space<semaphore_mem>>
    %dma_start3A_250 = arith.constant 0 : i32
    %dma_start3A_251 = arith.constant 32 : i32
    %dma_start3A_252 = arith.constant 0 : i32
    %dma_start3A_253 = tpu.memref_slice %arg9[%dma_start3A_246, %dma_start3A_250, %dma_start3A_251, %dma_start3A_252] : memref<3x50x128x128xf32, #tpu.memory_space<vmem>> -> memref<1x50x32x128xf32, #tpu.memory_space<vmem>>
    %dma_start3A_254 = tpu.memref_squeeze %dma_start3A_253 : memref<1x50x32x128xf32, #tpu.memory_space<vmem>> -> memref<50x32x128xf32, #tpu.memory_space<vmem>>
    %dma_start3A_255 = arith.constant 0 : i32
    %dma_start3A_256 = arith.constant 288 : i32
    %dma_start3A_257 = arith.constant 0 : i32
    %dma_start3A_258 = tpu.memref_slice %arg1[%dma_start3A_255, %dma_start3A_256, %dma_start3A_257] : memref<50x4096x128xf32, #tpu.memory_space<any>> -> memref<50x32x128xf32, #tpu.memory_space<any>>
    tpu.enqueue_dma source(%dma_start3A_258 : memref<50x32x128xf32, #tpu.memory_space<any>>) target(%dma_start3A_254 : memref<50x32x128xf32, #tpu.memory_space<vmem>>) target_semaphore(%dma_start3A_249 : memref<!tpu.dma_semaphore, #tpu.memory_space<semaphore_mem>>)
    %dma_start3A_259 = arith.constant 2 : i32
    %dma_start3A_260 = arith.constant 2 : i32
    %dma_start3A_261 = tpu.memref_slice %arg12[%dma_start3A_260] : memref<3x!tpu.dma_semaphore, #tpu.memory_space<semaphore_mem>> -> memref<1x!tpu.dma_semaphore, #tpu.memory_space<semaphore_mem>>
    %dma_start3A_262 = tpu.memref_squeeze %dma_start3A_261 : memref<1x!tpu.dma_semaphore, #tpu.memory_space<semaphore_mem>> -> memref<!tpu.dma_semaphore, #tpu.memory_space<semaphore_mem>>
    %dma_start3A_263 = arith.constant 0 : i32
    %dma_start3A_264 = arith.constant 64 : i32
    %dma_start3A_265 = arith.constant 0 : i32
    %dma_start3A_266 = tpu.memref_slice %arg8[%dma_start3A_259, %dma_start3A_263, %dma_start3A_264, %dma_start3A_265] : memref<3x50x128x128xf32, #tpu.memory_space<vmem>> -> memref<1x50x32x128xf32, #tpu.memory_space<vmem>>
    %dma_start3A_267 = tpu.memref_squeeze %dma_start3A_266 : memref<1x50x32x128xf32, #tpu.memory_space<vmem>> -> memref<50x32x128xf32, #tpu.memory_space<vmem>>
    %dma_start3A_268 = arith.constant 0 : i32
    %dma_start3A_269 = arith.constant 320 : i32
    %dma_start3A_270 = arith.constant 0 : i32
    %dma_start3A_271 = tpu.memref_slice %arg0[%dma_start3A_268, %dma_start3A_269, %dma_start3A_270] : memref<50x4096x128xf32, #tpu.memory_space<any>> -> memref<50x32x128xf32, #tpu.memory_space<any>>
    tpu.enqueue_dma source(%dma_start3A_271 : memref<50x32x128xf32, #tpu.memory_space<any>>) target(%dma_start3A_267 : memref<50x32x128xf32, #tpu.memory_space<vmem>>) target_semaphore(%dma_start3A_262 : memref<!tpu.dma_semaphore, #tpu.memory_space<semaphore_mem>>)
    %dma_start3A_272 = arith.constant 2 : i32
    %dma_start3A_273 = arith.constant 2 : i32
    %dma_start3A_274 = tpu.memref_slice %arg16[%dma_start3A_273] : memref<3x!tpu.dma_semaphore, #tpu.memory_space<semaphore_mem>> -> memref<1x!tpu.dma_semaphore, #tpu.memory_space<semaphore_mem>>
    %dma_start3A_275 = tpu.memref_squeeze %dma_start3A_274 : memref<1x!tpu.dma_semaphore, #tpu.memory_space<semaphore_mem>> -> memref<!tpu.dma_semaphore, #tpu.memory_space<semaphore_mem>>
    %dma_start3A_276 = arith.constant 0 : i32
    %dma_start3A_277 = arith.constant 64 : i32
    %dma_start3A_278 = arith.constant 0 : i32
    %dma_start3A_279 = tpu.memref_slice %arg9[%dma_start3A_272, %dma_start3A_276, %dma_start3A_277, %dma_start3A_278] : memref<3x50x128x128xf32, #tpu.memory_space<vmem>> -> memref<1x50x32x128xf32, #tpu.memory_space<vmem>>
    %dma_start3A_280 = tpu.memref_squeeze %dma_start3A_279 : memref<1x50x32x128xf32, #tpu.memory_space<vmem>> -> memref<50x32x128xf32, #tpu.memory_space<vmem>>
    %dma_start3A_281 = arith.constant 0 : i32
    %dma_start3A_282 = arith.constant 320 : i32
    %dma_start3A_283 = arith.constant 0 : i32
    %dma_start3A_284 = tpu.memref_slice %arg1[%dma_start3A_281, %dma_start3A_282, %dma_start3A_283] : memref<50x4096x128xf32, #tpu.memory_space<any>> -> memref<50x32x128xf32, #tpu.memory_space<any>>
    tpu.enqueue_dma source(%dma_start3A_284 : memref<50x32x128xf32, #tpu.memory_space<any>>) target(%dma_start3A_280 : memref<50x32x128xf32, #tpu.memory_space<vmem>>) target_semaphore(%dma_start3A_275 : memref<!tpu.dma_semaphore, #tpu.memory_space<semaphore_mem>>)
    %dma_start3A_285 = arith.constant 2 : i32
    %dma_start3A_286 = arith.constant 2 : i32
    %dma_start3A_287 = tpu.memref_slice %arg13[%dma_start3A_286] : memref<3x!tpu.dma_semaphore, #tpu.memory_space<semaphore_mem>> -> memref<1x!tpu.dma_semaphore, #tpu.memory_space<semaphore_mem>>
    %dma_start3A_288 = tpu.memref_squeeze %dma_start3A_287 : memref<1x!tpu.dma_semaphore, #tpu.memory_space<semaphore_mem>> -> memref<!tpu.dma_semaphore, #tpu.memory_space<semaphore_mem>>
    %dma_start3A_289 = arith.constant 0 : i32
    %dma_start3A_290 = arith.constant 96 : i32
    %dma_start3A_291 = arith.constant 0 : i32
    %dma_start3A_292 = tpu.memref_slice %arg8[%dma_start3A_285, %dma_start3A_289, %dma_start3A_290, %dma_start3A_291] : memref<3x50x128x128xf32, #tpu.memory_space<vmem>> -> memref<1x50x32x128xf32, #tpu.memory_space<vmem>>
    %dma_start3A_293 = tpu.memref_squeeze %dma_start3A_292 : memref<1x50x32x128xf32, #tpu.memory_space<vmem>> -> memref<50x32x128xf32, #tpu.memory_space<vmem>>
    %dma_start3A_294 = arith.constant 0 : i32
    %dma_start3A_295 = arith.constant 352 : i32
    %dma_start3A_296 = arith.constant 0 : i32
    %dma_start3A_297 = tpu.memref_slice %arg0[%dma_start3A_294, %dma_start3A_295, %dma_start3A_296] : memref<50x4096x128xf32, #tpu.memory_space<any>> -> memref<50x32x128xf32, #tpu.memory_space<any>>
    tpu.enqueue_dma source(%dma_start3A_297 : memref<50x32x128xf32, #tpu.memory_space<any>>) target(%dma_start3A_293 : memref<50x32x128xf32, #tpu.memory_space<vmem>>) target_semaphore(%dma_start3A_288 : memref<!tpu.dma_semaphore, #tpu.memory_space<semaphore_mem>>)
    %dma_start3A_298 = arith.constant 2 : i32
    %dma_start3A_299 = arith.constant 2 : i32
    %dma_start3A_300 = tpu.memref_slice %arg17[%dma_start3A_299] : memref<3x!tpu.dma_semaphore, #tpu.memory_space<semaphore_mem>> -> memref<1x!tpu.dma_semaphore, #tpu.memory_space<semaphore_mem>>
    %dma_start3A_301 = tpu.memref_squeeze %dma_start3A_300 : memref<1x!tpu.dma_semaphore, #tpu.memory_space<semaphore_mem>> -> memref<!tpu.dma_semaphore, #tpu.memory_space<semaphore_mem>>
    %dma_start3A_302 = arith.constant 0 : i32
    %dma_start3A_303 = arith.constant 96 : i32
    %dma_start3A_304 = arith.constant 0 : i32
    %dma_start3A_305 = tpu.memref_slice %arg9[%dma_start3A_298, %dma_start3A_302, %dma_start3A_303, %dma_start3A_304] : memref<3x50x128x128xf32, #tpu.memory_space<vmem>> -> memref<1x50x32x128xf32, #tpu.memory_space<vmem>>
    %dma_start3A_306 = tpu.memref_squeeze %dma_start3A_305 : memref<1x50x32x128xf32, #tpu.memory_space<vmem>> -> memref<50x32x128xf32, #tpu.memory_space<vmem>>
    %dma_start3A_307 = arith.constant 0 : i32
    %dma_start3A_308 = arith.constant 352 : i32
    %dma_start3A_309 = arith.constant 0 : i32
    %dma_start3A_310 = tpu.memref_slice %arg1[%dma_start3A_307, %dma_start3A_308, %dma_start3A_309] : memref<50x4096x128xf32, #tpu.memory_space<any>> -> memref<50x32x128xf32, #tpu.memory_space<any>>
    tpu.enqueue_dma source(%dma_start3A_310 : memref<50x32x128xf32, #tpu.memory_space<any>>) target(%dma_start3A_306 : memref<50x32x128xf32, #tpu.memory_space<vmem>>) target_semaphore(%dma_start3A_301 : memref<!tpu.dma_semaphore, #tpu.memory_space<semaphore_mem>>)
    %scan3A = arith.constant 0 : i32
    %scan3A_311 = arith.constant 10 : i32
    %scan3A_312 = arith.addi %scan3A, %scan3A_311 : i32
    %scan3A_313 = arith.constant 1 : i32
    scf.for %scan3A_651 = %scan3A to %scan3A_312 step %scan3A_313  : i32 {
      %mul3A_652 = arith.constant 3 : i32
      %mul3A_653 = arith.muli %scan3A_651, %mul3A_652 : i32
      %add3A_654 = arith.constant 0 : i32
      %add3A_655 = arith.addi %mul3A_653, %add3A_654 : i32
      %dma_wait3A_656 = arith.constant 0 : i32
      %dma_wait3A_657 = arith.constant 0 : i32
      %dma_wait3A_658 = tpu.memref_slice %arg10[%dma_wait3A_657] : memref<3x!tpu.dma_semaphore, #tpu.memory_space<semaphore_mem>> -> memref<1x!tpu.dma_semaphore, #tpu.memory_space<semaphore_mem>>
      %dma_wait3A_659 = tpu.memref_squeeze %dma_wait3A_658 : memref<1x!tpu.dma_semaphore, #tpu.memory_space<semaphore_mem>> -> memref<!tpu.dma_semaphore, #tpu.memory_space<semaphore_mem>>
      %dma_wait3A_660 = arith.constant 0 : i32
      %dma_wait3A_661 = arith.constant 0 : i32
      %dma_wait3A_662 = arith.constant 0 : i32
      %dma_wait3A_663 = tpu.memref_slice %arg8[%dma_wait3A_656, %dma_wait3A_660, %dma_wait3A_661, %dma_wait3A_662] : memref<3x50x128x128xf32, #tpu.memory_space<vmem>> -> memref<1x50x32x128xf32, #tpu.memory_space<vmem>>
      %dma_wait3A_664 = tpu.memref_squeeze %dma_wait3A_663 : memref<1x50x32x128xf32, #tpu.memory_space<vmem>> -> memref<50x32x128xf32, #tpu.memory_space<vmem>>
      %dma_wait3A_665 = arith.constant 0 : i32
      %dma_wait3A_666 = arith.constant 0 : i32
      %dma_wait3A_667 = arith.constant 0 : i32
      %dma_wait3A_668 = tpu.memref_slice %arg0[%dma_wait3A_665, %dma_wait3A_666, %dma_wait3A_667] : memref<50x4096x128xf32, #tpu.memory_space<any>> -> memref<50x32x128xf32, #tpu.memory_space<any>>
      tpu.wait_dma2 semaphore(%dma_wait3A_659 : memref<!tpu.dma_semaphore, #tpu.memory_space<semaphore_mem>>) src(%dma_wait3A_668 : memref<50x32x128xf32, #tpu.memory_space<any>>) dst(%dma_wait3A_664 : memref<50x32x128xf32, #tpu.memory_space<vmem>>)
      %dma_wait3A_669 = arith.constant 0 : i32
      %dma_wait3A_670 = arith.constant 0 : i32
      %dma_wait3A_671 = tpu.memref_slice %arg14[%dma_wait3A_670] : memref<3x!tpu.dma_semaphore, #tpu.memory_space<semaphore_mem>> -> memref<1x!tpu.dma_semaphore, #tpu.memory_space<semaphore_mem>>
      %dma_wait3A_672 = tpu.memref_squeeze %dma_wait3A_671 : memref<1x!tpu.dma_semaphore, #tpu.memory_space<semaphore_mem>> -> memref<!tpu.dma_semaphore, #tpu.memory_space<semaphore_mem>>
      %dma_wait3A_673 = arith.constant 0 : i32
      %dma_wait3A_674 = arith.constant 0 : i32
      %dma_wait3A_675 = arith.constant 0 : i32
      %dma_wait3A_676 = tpu.memref_slice %arg9[%dma_wait3A_669, %dma_wait3A_673, %dma_wait3A_674, %dma_wait3A_675] : memref<3x50x128x128xf32, #tpu.memory_space<vmem>> -> memref<1x50x32x128xf32, #tpu.memory_space<vmem>>
      %dma_wait3A_677 = tpu.memref_squeeze %dma_wait3A_676 : memref<1x50x32x128xf32, #tpu.memory_space<vmem>> -> memref<50x32x128xf32, #tpu.memory_space<vmem>>
      %dma_wait3A_678 = arith.constant 0 : i32
      %dma_wait3A_679 = arith.constant 0 : i32
      %dma_wait3A_680 = arith.constant 0 : i32
      %dma_wait3A_681 = tpu.memref_slice %arg1[%dma_wait3A_678, %dma_wait3A_679, %dma_wait3A_680] : memref<50x4096x128xf32, #tpu.memory_space<any>> -> memref<50x32x128xf32, #tpu.memory_space<any>>
      tpu.wait_dma2 semaphore(%dma_wait3A_672 : memref<!tpu.dma_semaphore, #tpu.memory_space<semaphore_mem>>) src(%dma_wait3A_681 : memref<50x32x128xf32, #tpu.memory_space<any>>) dst(%dma_wait3A_677 : memref<50x32x128xf32, #tpu.memory_space<vmem>>)
      %dma_wait3A_682 = arith.constant 0 : i32
      %dma_wait3A_683 = arith.constant 0 : i32
      %dma_wait3A_684 = tpu.memref_slice %arg11[%dma_wait3A_683] : memref<3x!tpu.dma_semaphore, #tpu.memory_space<semaphore_mem>> -> memref<1x!tpu.dma_semaphore, #tpu.memory_space<semaphore_mem>>
      %dma_wait3A_685 = tpu.memref_squeeze %dma_wait3A_684 : memref<1x!tpu.dma_semaphore, #tpu.memory_space<semaphore_mem>> -> memref<!tpu.dma_semaphore, #tpu.memory_space<semaphore_mem>>
      %dma_wait3A_686 = arith.constant 0 : i32
      %dma_wait3A_687 = arith.constant 32 : i32
      %dma_wait3A_688 = arith.constant 0 : i32
      %dma_wait3A_689 = tpu.memref_slice %arg8[%dma_wait3A_682, %dma_wait3A_686, %dma_wait3A_687, %dma_wait3A_688] : memref<3x50x128x128xf32, #tpu.memory_space<vmem>> -> memref<1x50x32x128xf32, #tpu.memory_space<vmem>>
      %dma_wait3A_690 = tpu.memref_squeeze %dma_wait3A_689 : memref<1x50x32x128xf32, #tpu.memory_space<vmem>> -> memref<50x32x128xf32, #tpu.memory_space<vmem>>
      %dma_wait3A_691 = arith.constant 0 : i32
      %dma_wait3A_692 = arith.constant 32 : i32
      %dma_wait3A_693 = arith.constant 0 : i32
      %dma_wait3A_694 = tpu.memref_slice %arg0[%dma_wait3A_691, %dma_wait3A_692, %dma_wait3A_693] : memref<50x4096x128xf32, #tpu.memory_space<any>> -> memref<50x32x128xf32, #tpu.memory_space<any>>
      tpu.wait_dma2 semaphore(%dma_wait3A_685 : memref<!tpu.dma_semaphore, #tpu.memory_space<semaphore_mem>>) src(%dma_wait3A_694 : memref<50x32x128xf32, #tpu.memory_space<any>>) dst(%dma_wait3A_690 : memref<50x32x128xf32, #tpu.memory_space<vmem>>)
      %dma_wait3A_695 = arith.constant 0 : i32
      %dma_wait3A_696 = arith.constant 0 : i32
      %dma_wait3A_697 = tpu.memref_slice %arg15[%dma_wait3A_696] : memref<3x!tpu.dma_semaphore, #tpu.memory_space<semaphore_mem>> -> memref<1x!tpu.dma_semaphore, #tpu.memory_space<semaphore_mem>>
      %dma_wait3A_698 = tpu.memref_squeeze %dma_wait3A_697 : memref<1x!tpu.dma_semaphore, #tpu.memory_space<semaphore_mem>> -> memref<!tpu.dma_semaphore, #tpu.memory_space<semaphore_mem>>
      %dma_wait3A_699 = arith.constant 0 : i32
      %dma_wait3A_700 = arith.constant 32 : i32
      %dma_wait3A_701 = arith.constant 0 : i32
      %dma_wait3A_702 = tpu.memref_slice %arg9[%dma_wait3A_695, %dma_wait3A_699, %dma_wait3A_700, %dma_wait3A_701] : memref<3x50x128x128xf32, #tpu.memory_space<vmem>> -> memref<1x50x32x128xf32, #tpu.memory_space<vmem>>
      %dma_wait3A_703 = tpu.memref_squeeze %dma_wait3A_702 : memref<1x50x32x128xf32, #tpu.memory_space<vmem>> -> memref<50x32x128xf32, #tpu.memory_space<vmem>>
      %dma_wait3A_704 = arith.constant 0 : i32
      %dma_wait3A_705 = arith.constant 32 : i32
      %dma_wait3A_706 = arith.constant 0 : i32
      %dma_wait3A_707 = tpu.memref_slice %arg1[%dma_wait3A_704, %dma_wait3A_705, %dma_wait3A_706] : memref<50x4096x128xf32, #tpu.memory_space<any>> -> memref<50x32x128xf32, #tpu.memory_space<any>>
      tpu.wait_dma2 semaphore(%dma_wait3A_698 : memref<!tpu.dma_semaphore, #tpu.memory_space<semaphore_mem>>) src(%dma_wait3A_707 : memref<50x32x128xf32, #tpu.memory_space<any>>) dst(%dma_wait3A_703 : memref<50x32x128xf32, #tpu.memory_space<vmem>>)
      %dma_wait3A_708 = arith.constant 0 : i32
      %dma_wait3A_709 = arith.constant 0 : i32
      %dma_wait3A_710 = tpu.memref_slice %arg12[%dma_wait3A_709] : memref<3x!tpu.dma_semaphore, #tpu.memory_space<semaphore_mem>> -> memref<1x!tpu.dma_semaphore, #tpu.memory_space<semaphore_mem>>
      %dma_wait3A_711 = tpu.memref_squeeze %dma_wait3A_710 : memref<1x!tpu.dma_semaphore, #tpu.memory_space<semaphore_mem>> -> memref<!tpu.dma_semaphore, #tpu.memory_space<semaphore_mem>>
      %dma_wait3A_712 = arith.constant 0 : i32
      %dma_wait3A_713 = arith.constant 64 : i32
      %dma_wait3A_714 = arith.constant 0 : i32
      %dma_wait3A_715 = tpu.memref_slice %arg8[%dma_wait3A_708, %dma_wait3A_712, %dma_wait3A_713, %dma_wait3A_714] : memref<3x50x128x128xf32, #tpu.memory_space<vmem>> -> memref<1x50x32x128xf32, #tpu.memory_space<vmem>>
      %dma_wait3A_716 = tpu.memref_squeeze %dma_wait3A_715 : memref<1x50x32x128xf32, #tpu.memory_space<vmem>> -> memref<50x32x128xf32, #tpu.memory_space<vmem>>
      %dma_wait3A_717 = arith.constant 0 : i32
      %dma_wait3A_718 = arith.constant 64 : i32
      %dma_wait3A_719 = arith.constant 0 : i32
      %dma_wait3A_720 = tpu.memref_slice %arg0[%dma_wait3A_717, %dma_wait3A_718, %dma_wait3A_719] : memref<50x4096x128xf32, #tpu.memory_space<any>> -> memref<50x32x128xf32, #tpu.memory_space<any>>
      tpu.wait_dma2 semaphore(%dma_wait3A_711 : memref<!tpu.dma_semaphore, #tpu.memory_space<semaphore_mem>>) src(%dma_wait3A_720 : memref<50x32x128xf32, #tpu.memory_space<any>>) dst(%dma_wait3A_716 : memref<50x32x128xf32, #tpu.memory_space<vmem>>)
      %dma_wait3A_721 = arith.constant 0 : i32
      %dma_wait3A_722 = arith.constant 0 : i32
      %dma_wait3A_723 = tpu.memref_slice %arg16[%dma_wait3A_722] : memref<3x!tpu.dma_semaphore, #tpu.memory_space<semaphore_mem>> -> memref<1x!tpu.dma_semaphore, #tpu.memory_space<semaphore_mem>>
      %dma_wait3A_724 = tpu.memref_squeeze %dma_wait3A_723 : memref<1x!tpu.dma_semaphore, #tpu.memory_space<semaphore_mem>> -> memref<!tpu.dma_semaphore, #tpu.memory_space<semaphore_mem>>
      %dma_wait3A_725 = arith.constant 0 : i32
      %dma_wait3A_726 = arith.constant 64 : i32
      %dma_wait3A_727 = arith.constant 0 : i32
      %dma_wait3A_728 = tpu.memref_slice %arg9[%dma_wait3A_721, %dma_wait3A_725, %dma_wait3A_726, %dma_wait3A_727] : memref<3x50x128x128xf32, #tpu.memory_space<vmem>> -> memref<1x50x32x128xf32, #tpu.memory_space<vmem>>
      %dma_wait3A_729 = tpu.memref_squeeze %dma_wait3A_728 : memref<1x50x32x128xf32, #tpu.memory_space<vmem>> -> memref<50x32x128xf32, #tpu.memory_space<vmem>>
      %dma_wait3A_730 = arith.constant 0 : i32
      %dma_wait3A_731 = arith.constant 64 : i32
      %dma_wait3A_732 = arith.constant 0 : i32
      %dma_wait3A_733 = tpu.memref_slice %arg1[%dma_wait3A_730, %dma_wait3A_731, %dma_wait3A_732] : memref<50x4096x128xf32, #tpu.memory_space<any>> -> memref<50x32x128xf32, #tpu.memory_space<any>>
      tpu.wait_dma2 semaphore(%dma_wait3A_724 : memref<!tpu.dma_semaphore, #tpu.memory_space<semaphore_mem>>) src(%dma_wait3A_733 : memref<50x32x128xf32, #tpu.memory_space<any>>) dst(%dma_wait3A_729 : memref<50x32x128xf32, #tpu.memory_space<vmem>>)
      %dma_wait3A_734 = arith.constant 0 : i32
      %dma_wait3A_735 = arith.constant 0 : i32
      %dma_wait3A_736 = tpu.memref_slice %arg13[%dma_wait3A_735] : memref<3x!tpu.dma_semaphore, #tpu.memory_space<semaphore_mem>> -> memref<1x!tpu.dma_semaphore, #tpu.memory_space<semaphore_mem>>
      %dma_wait3A_737 = tpu.memref_squeeze %dma_wait3A_736 : memref<1x!tpu.dma_semaphore, #tpu.memory_space<semaphore_mem>> -> memref<!tpu.dma_semaphore, #tpu.memory_space<semaphore_mem>>
      %dma_wait3A_738 = arith.constant 0 : i32
      %dma_wait3A_739 = arith.constant 96 : i32
      %dma_wait3A_740 = arith.constant 0 : i32
      %dma_wait3A_741 = tpu.memref_slice %arg8[%dma_wait3A_734, %dma_wait3A_738, %dma_wait3A_739, %dma_wait3A_740] : memref<3x50x128x128xf32, #tpu.memory_space<vmem>> -> memref<1x50x32x128xf32, #tpu.memory_space<vmem>>
      %dma_wait3A_742 = tpu.memref_squeeze %dma_wait3A_741 : memref<1x50x32x128xf32, #tpu.memory_space<vmem>> -> memref<50x32x128xf32, #tpu.memory_space<vmem>>
      %dma_wait3A_743 = arith.constant 0 : i32
      %dma_wait3A_744 = arith.constant 96 : i32
      %dma_wait3A_745 = arith.constant 0 : i32
      %dma_wait3A_746 = tpu.memref_slice %arg0[%dma_wait3A_743, %dma_wait3A_744, %dma_wait3A_745] : memref<50x4096x128xf32, #tpu.memory_space<any>> -> memref<50x32x128xf32, #tpu.memory_space<any>>
      tpu.wait_dma2 semaphore(%dma_wait3A_737 : memref<!tpu.dma_semaphore, #tpu.memory_space<semaphore_mem>>) src(%dma_wait3A_746 : memref<50x32x128xf32, #tpu.memory_space<any>>) dst(%dma_wait3A_742 : memref<50x32x128xf32, #tpu.memory_space<vmem>>)
      %dma_wait3A_747 = arith.constant 0 : i32
      %dma_wait3A_748 = arith.constant 0 : i32
      %dma_wait3A_749 = tpu.memref_slice %arg17[%dma_wait3A_748] : memref<3x!tpu.dma_semaphore, #tpu.memory_space<semaphore_mem>> -> memref<1x!tpu.dma_semaphore, #tpu.memory_space<semaphore_mem>>
      %dma_wait3A_750 = tpu.memref_squeeze %dma_wait3A_749 : memref<1x!tpu.dma_semaphore, #tpu.memory_space<semaphore_mem>> -> memref<!tpu.dma_semaphore, #tpu.memory_space<semaphore_mem>>
      %dma_wait3A_751 = arith.constant 0 : i32
      %dma_wait3A_752 = arith.constant 96 : i32
      %dma_wait3A_753 = arith.constant 0 : i32
      %dma_wait3A_754 = tpu.memref_slice %arg9[%dma_wait3A_747, %dma_wait3A_751, %dma_wait3A_752, %dma_wait3A_753] : memref<3x50x128x128xf32, #tpu.memory_space<vmem>> -> memref<1x50x32x128xf32, #tpu.memory_space<vmem>>
      %dma_wait3A_755 = tpu.memref_squeeze %dma_wait3A_754 : memref<1x50x32x128xf32, #tpu.memory_space<vmem>> -> memref<50x32x128xf32, #tpu.memory_space<vmem>>
      %dma_wait3A_756 = arith.constant 0 : i32
      %dma_wait3A_757 = arith.constant 96 : i32
      %dma_wait3A_758 = arith.constant 0 : i32
      %dma_wait3A_759 = tpu.memref_slice %arg1[%dma_wait3A_756, %dma_wait3A_757, %dma_wait3A_758] : memref<50x4096x128xf32, #tpu.memory_space<any>> -> memref<50x32x128xf32, #tpu.memory_space<any>>
      tpu.wait_dma2 semaphore(%dma_wait3A_750 : memref<!tpu.dma_semaphore, #tpu.memory_space<semaphore_mem>>) src(%dma_wait3A_759 : memref<50x32x128xf32, #tpu.memory_space<any>>) dst(%dma_wait3A_755 : memref<50x32x128xf32, #tpu.memory_space<vmem>>)
      %mul3A_760 = arith.constant 128 : i32
      %mul3A_761 = arith.muli %add3A_655, %mul3A_760 : i32
      %get3A_762 = arith.index_cast %mul3A_761 : i32 to index
      %get3A_763 = arith.constant 0 : index
      %get3A_764 = vector.load %arg2[%get3A_762, %get3A_763] : memref<4096x1xi32, #tpu.memory_space<vmem>>, vector<128x1xi32>
      %mul3A_765 = arith.constant 128 : i32
      %mul3A_766 = arith.muli %add3A_655, %mul3A_765 : i32
      %get3A_767 = arith.index_cast %mul3A_766 : i32 to index
      %get3A_768 = arith.constant 0 : index
      %get3A_769 = vector.load %arg3[%get3A_767, %get3A_768] : memref<4096x1xi32, #tpu.memory_space<vmem>>, vector<128x1xi32>
      %iota3A_770 = tpu.iota {dimensions = array<i32: 0>} : vector<50x1x1xi32>
      %broadcast_in_dim3A_771 = vector.shape_cast %get3A_764 : vector<128x1xi32> to vector<1x128x1xi32>
      %lt3A_772 = vector.broadcast %iota3A_770 : vector<50x1x1xi32> to vector<50x128x1xi32>
      %lt3A_773 = vector.broadcast %broadcast_in_dim3A_771 : vector<1x128x1xi32> to vector<50x128x1xi32>
      %lt3A_774 = arith.cmpi slt, %lt3A_772, %lt3A_773 : vector<50x128x1xi32>
      %convert_element_type3A_775 = arith.extui %lt3A_774 : vector<50x128x1xi1> to vector<50x128x1xi32>
      %convert_element_type3A_776 = arith.sitofp %convert_element_type3A_775 : vector<50x128x1xi32> to vector<50x128x1xf32>
      %broadcast_in_dim3A_777 = vector.shape_cast %get3A_769 : vector<128x1xi32> to vector<1x128x1xi32>
      %lt3A_778 = vector.broadcast %iota3A_770 : vector<50x1x1xi32> to vector<50x128x1xi32>
      %lt3A_779 = vector.broadcast %broadcast_in_dim3A_777 : vector<1x128x1xi32> to vector<50x128x1xi32>
      %lt3A_780 = arith.cmpi slt, %lt3A_778, %lt3A_779 : vector<50x128x1xi32>
      %convert_element_type3A_781 = arith.extui %lt3A_780 : vector<50x128x1xi1> to vector<50x128x1xi32>
      %convert_element_type3A_782 = arith.sitofp %convert_element_type3A_781 : vector<50x128x1xi32> to vector<50x128x1xf32>
      %get3A_783 = arith.constant 0 : index
      %get3A_784 = arith.constant 0 : index
      %get3A_785 = arith.constant 0 : index
      %get3A_786 = arith.constant 0 : index
      %get3A_787 = vector.load %arg8[%get3A_783, %get3A_784, %get3A_785, %get3A_786] : memref<3x50x128x128xf32, #tpu.memory_space<vmem>>, vector<1x50x128x128xf32>
      %get3A_788 = vector.shape_cast %get3A_787 : vector<1x50x128x128xf32> to vector<50x128x128xf32>
      %mul3A_789 = vector.broadcast %convert_element_type3A_776 : vector<50x128x1xf32> to vector<50x128x128xf32>
      %mul3A_790 = arith.mulf %get3A_788, %mul3A_789 : vector<50x128x128xf32>
      %reduce_sum3A_791 = arith.constant dense<0.000000e+00> : vector<128x128xf32>
      %reduce_sum3A_792 = vector.multi_reduction <add>, %mul3A_790, %reduce_sum3A_791 [0] : vector<50x128x128xf32> to vector<128x128xf32>
      %get3A_793 = arith.constant 0 : index
      %get3A_794 = arith.constant 0 : index
      %get3A_795 = arith.constant 0 : index
      %get3A_796 = arith.constant 0 : index
      %get3A_797 = vector.load %arg9[%get3A_793, %get3A_794, %get3A_795, %get3A_796] : memref<3x50x128x128xf32, #tpu.memory_space<vmem>>, vector<1x50x128x128xf32>
      %get3A_798 = vector.shape_cast %get3A_797 : vector<1x50x128x128xf32> to vector<50x128x128xf32>
      %mul3A_799 = vector.broadcast %convert_element_type3A_782 : vector<50x128x1xf32> to vector<50x128x128xf32>
      %mul3A_800 = arith.mulf %get3A_798, %mul3A_799 : vector<50x128x128xf32>
      %reduce_sum3A_801 = arith.constant dense<0.000000e+00> : vector<128x128xf32>
      %reduce_sum3A_802 = vector.multi_reduction <add>, %mul3A_800, %reduce_sum3A_801 [0] : vector<50x128x128xf32> to vector<128x128xf32>
      %max3A_803 = arith.constant 1 : i32
      %max3A_804 = vector.broadcast %max3A_803 : i32 to vector<128x1xi32>
      %max3A_805 = arith.maxsi %get3A_764, %max3A_804 : vector<128x1xi32>
      %convert_element_type3A_806 = arith.sitofp %max3A_805 : vector<128x1xi32> to vector<128x1xf32>
      %div3A_807 = vector.broadcast %convert_element_type3A_806 : vector<128x1xf32> to vector<128x128xf32>
      %div3A_808 = arith.divf %reduce_sum3A_792, %div3A_807 : vector<128x128xf32>
      %max3A_809 = arith.constant 1 : i32
      %max3A_810 = vector.broadcast %max3A_809 : i32 to vector<128x1xi32>
      %max3A_811 = arith.maxsi %get3A_769, %max3A_810 : vector<128x1xi32>
      %convert_element_type3A_812 = arith.sitofp %max3A_811 : vector<128x1xi32> to vector<128x1xf32>
      %div3A_813 = vector.broadcast %convert_element_type3A_812 : vector<128x1xf32> to vector<128x128xf32>
      %div3A_814 = arith.divf %reduce_sum3A_802, %div3A_813 : vector<128x128xf32>
      %get3A_815 = arith.constant 0 : index
      %get3A_816 = arith.constant 0 : index
      %get3A_817 = vector.load %arg4[%get3A_815, %get3A_816] : memref<128x128xf32, #tpu.memory_space<vmem>>, vector<128x128xf32>
      %dot_general3A_818 = arith.constant dense<0.000000e+00> : vector<128x128xf32>
      %dot_general3A_819 = tpu.matmul %div3A_808, %get3A_817, %dot_general3A_818 {dimension_numbers = #tpu.dot_dimension_numbers<[1], [0], [0], [1], [0, 0, 1, 1], [], []>, transpose_lhs_hint = false} : vector<128x128xf32>, vector<128x128xf32>, vector<128x128xf32> -> vector<128x128xf32>
      %get3A_820 = arith.constant 0 : index
      %get3A_821 = arith.constant 0 : index
      %get3A_822 = vector.load %arg5[%get3A_820, %get3A_821] : memref<128x128xf32, #tpu.memory_space<vmem>>, vector<128x128xf32>
      %dot_general3A_823 = arith.constant dense<0.000000e+00> : vector<128x128xf32>
      %dot_general3A_824 = tpu.matmul %div3A_814, %get3A_822, %dot_general3A_823 {dimension_numbers = #tpu.dot_dimension_numbers<[1], [0], [0], [1], [0, 0, 1, 1], [], []>, transpose_lhs_hint = false} : vector<128x128xf32>, vector<128x128xf32>, vector<128x128xf32> -> vector<128x128xf32>
      %add3A_825 = arith.addf %dot_general3A_819, %dot_general3A_824 : vector<128x128xf32>
      %get3A_826 = arith.constant 0 : index
      %get3A_827 = arith.constant 0 : index
      %get3A_828 = vector.load %arg6[%get3A_826, %get3A_827] : memref<1x128xf32, #tpu.memory_space<vmem>>, vector<1x128xf32>
      %add3A_829 = vector.broadcast %get3A_828 : vector<1x128xf32> to vector<128x128xf32>
      %add3A_830 = arith.addf %add3A_825, %add3A_829 : vector<128x128xf32>
      %tanh3A_831 = math.tanh %add3A_830 : vector<128x128xf32>
      %mul3A_832 = arith.constant 128 : i32
      %mul3A_833 = arith.muli %add3A_655, %mul3A_832 : i32
      %swap3A_834 = arith.index_cast %mul3A_833 : i32 to index
      %swap3A_835 = arith.constant 0 : index
      %swap3A_836 = vector.load %arg7[%swap3A_834, %swap3A_835] : memref<4096x128xf32, #tpu.memory_space<vmem>>, vector<128x128xf32>
      tpu.vector_store %arg7[%swap3A_834, %swap3A_835], %tanh3A_831 {strides = array<i32>} : memref<4096x128xf32, #tpu.memory_space<vmem>>, vector<128x128xf32>,
      %add3A_837 = arith.constant 3 : i32
      %add3A_838 = arith.addi %add3A_655, %add3A_837 : i32
      %lt3A_839 = arith.constant 32 : i32
      %lt3A_840 = arith.cmpi slt, %add3A_838, %lt3A_839 : i32
      %convert_element_type3A_841 = arith.extui %lt3A_840 : i1 to i32
      %cond3A = arith.constant 0 : i32
      %cond3A_842 = arith.cmpi ne, %convert_element_type3A_841, %cond3A : i32
      scf.if %cond3A_842 {
        %add3A_1227 = arith.constant 3 : i32
        %add3A_1228 = arith.addi %add3A_655, %add3A_1227 : i32
        %mul3A_1229 = arith.constant 128 : i32
        %mul3A_1230 = arith.muli %add3A_1228, %mul3A_1229 : i32
        %add3A_1231 = arith.constant 0 : i32
        %add3A_1232 = arith.addi %mul3A_1230, %add3A_1231 : i32
        %dma_start3A_1233 = arith.constant 0 : i32
        %dma_start3A_1234 = arith.constant 0 : i32
        %dma_start3A_1235 = tpu.memref_slice %arg10[%dma_start3A_1234] : memref<3x!tpu.dma_semaphore, #tpu.memory_space<semaphore_mem>> -> memref<1x!tpu.dma_semaphore, #tpu.memory_space<semaphore_mem>>
        %dma_start3A_1236 = tpu.memref_squeeze %dma_start3A_1235 : memref<1x!tpu.dma_semaphore, #tpu.memory_space<semaphore_mem>> -> memref<!tpu.dma_semaphore, #tpu.memory_space<semaphore_mem>>
        %dma_start3A_1237 = arith.constant 0 : i32
        %dma_start3A_1238 = arith.constant 0 : i32
        %dma_start3A_1239 = arith.constant 0 : i32
        %dma_start3A_1240 = tpu.memref_slice %arg8[%dma_start3A_1233, %dma_start3A_1237, %dma_start3A_1238, %dma_start3A_1239] : memref<3x50x128x128xf32, #tpu.memory_space<vmem>> -> memref<1x50x32x128xf32, #tpu.memory_space<vmem>>
        %dma_start3A_1241 = tpu.memref_squeeze %dma_start3A_1240 : memref<1x50x32x128xf32, #tpu.memory_space<vmem>> -> memref<50x32x128xf32, #tpu.memory_space<vmem>>
        %dma_start3A_1242 = arith.constant 0 : i32
        %dma_start3A_1243 = arith.constant 0 : i32
        %dma_start3A_1244 = tpu.memref_slice %arg0[%dma_start3A_1242, %add3A_1232, %dma_start3A_1243] : memref<50x4096x128xf32, #tpu.memory_space<any>> -> memref<50x32x128xf32, #tpu.memory_space<any>>
        tpu.enqueue_dma source(%dma_start3A_1244 : memref<50x32x128xf32, #tpu.memory_space<any>>) target(%dma_start3A_1241 : memref<50x32x128xf32, #tpu.memory_space<vmem>>) target_semaphore(%dma_start3A_1236 : memref<!tpu.dma_semaphore, #tpu.memory_space<semaphore_mem>>)
        %mul3A_1245 = arith.constant 128 : i32
        %mul3A_1246 = arith.muli %add3A_1228, %mul3A_1245 : i32
        %add3A_1247 = arith.constant 0 : i32
        %add3A_1248 = arith.addi %mul3A_1246, %add3A_1247 : i32
        %dma_start3A_1249 = arith.constant 0 : i32
        %dma_start3A_1250 = arith.constant 0 : i32
        %dma_start3A_1251 = tpu.memref_slice %arg14[%dma_start3A_1250] : memref<3x!tpu.dma_semaphore, #tpu.memory_space<semaphore_mem>> -> memref<1x!tpu.dma_semaphore, #tpu.memory_space<semaphore_mem>>
        %dma_start3A_1252 = tpu.memref_squeeze %dma_start3A_1251 : memref<1x!tpu.dma_semaphore, #tpu.memory_space<semaphore_mem>> -> memref<!tpu.dma_semaphore, #tpu.memory_space<semaphore_mem>>
        %dma_start3A_1253 = arith.constant 0 : i32
        %dma_start3A_1254 = arith.constant 0 : i32
        %dma_start3A_1255 = arith.constant 0 : i32
        %dma_start3A_1256 = tpu.memref_slice %arg9[%dma_start3A_1249, %dma_start3A_1253, %dma_start3A_1254, %dma_start3A_1255] : memref<3x50x128x128xf32, #tpu.memory_space<vmem>> -> memref<1x50x32x128xf32, #tpu.memory_space<vmem>>
        %dma_start3A_1257 = tpu.memref_squeeze %dma_start3A_1256 : memref<1x50x32x128xf32, #tpu.memory_space<vmem>> -> memref<50x32x128xf32, #tpu.memory_space<vmem>>
        %dma_start3A_1258 = arith.constant 0 : i32
        %dma_start3A_1259 = arith.constant 0 : i32
        %dma_start3A_1260 = tpu.memref_slice %arg1[%dma_start3A_1258, %add3A_1248, %dma_start3A_1259] : memref<50x4096x128xf32, #tpu.memory_space<any>> -> memref<50x32x128xf32, #tpu.memory_space<any>>
        tpu.enqueue_dma source(%dma_start3A_1260 : memref<50x32x128xf32, #tpu.memory_space<any>>) target(%dma_start3A_1257 : memref<50x32x128xf32, #tpu.memory_space<vmem>>) target_semaphore(%dma_start3A_1252 : memref<!tpu.dma_semaphore, #tpu.memory_space<semaphore_mem>>)
        %mul3A_1261 = arith.constant 128 : i32
        %mul3A_1262 = arith.muli %add3A_1228, %mul3A_1261 : i32
        %add3A_1263 = arith.constant 32 : i32
        %add3A_1264 = arith.addi %mul3A_1262, %add3A_1263 : i32
        %dma_start3A_1265 = arith.constant 0 : i32
        %dma_start3A_1266 = arith.constant 0 : i32
        %dma_start3A_1267 = tpu.memref_slice %arg11[%dma_start3A_1266] : memref<3x!tpu.dma_semaphore, #tpu.memory_space<semaphore_mem>> -> memref<1x!tpu.dma_semaphore, #tpu.memory_space<semaphore_mem>>
        %dma_start3A_1268 = tpu.memref_squeeze %dma_start3A_1267 : memref<1x!tpu.dma_semaphore, #tpu.memory_space<semaphore_mem>> -> memref<!tpu.dma_semaphore, #tpu.memory_space<semaphore_mem>>
        %dma_start3A_1269 = arith.constant 0 : i32
        %dma_start3A_1270 = arith.constant 32 : i32
        %dma_start3A_1271 = arith.constant 0 : i32
        %dma_start3A_1272 = tpu.memref_slice %arg8[%dma_start3A_1265, %dma_start3A_1269, %dma_start3A_1270, %dma_start3A_1271] : memref<3x50x128x128xf32, #tpu.memory_space<vmem>> -> memref<1x50x32x128xf32, #tpu.memory_space<vmem>>
        %dma_start3A_1273 = tpu.memref_squeeze %dma_start3A_1272 : memref<1x50x32x128xf32, #tpu.memory_space<vmem>> -> memref<50x32x128xf32, #tpu.memory_space<vmem>>
        %dma_start3A_1274 = arith.constant 0 : i32
        %dma_start3A_1275 = arith.constant 0 : i32
        %dma_start3A_1276 = tpu.memref_slice %arg0[%dma_start3A_1274, %add3A_1264, %dma_start3A_1275] : memref<50x4096x128xf32, #tpu.memory_space<any>> -> memref<50x32x128xf32, #tpu.memory_space<any>>
        tpu.enqueue_dma source(%dma_start3A_1276 : memref<50x32x128xf32, #tpu.memory_space<any>>) target(%dma_start3A_1273 : memref<50x32x128xf32, #tpu.memory_space<vmem>>) target_semaphore(%dma_start3A_1268 : memref<!tpu.dma_semaphore, #tpu.memory_space<semaphore_mem>>)
        %mul3A_1277 = arith.constant 128 : i32
        %mul3A_1278 = arith.muli %add3A_1228, %mul3A_1277 : i32
        %add3A_1279 = arith.constant 32 : i32
        %add3A_1280 = arith.addi %mul3A_1278, %add3A_1279 : i32
        %dma_start3A_1281 = arith.constant 0 : i32
        %dma_start3A_1282 = arith.constant 0 : i32
        %dma_start3A_1283 = tpu.memref_slice %arg15[%dma_start3A_1282] : memref<3x!tpu.dma_semaphore, #tpu.memory_space<semaphore_mem>> -> memref<1x!tpu.dma_semaphore, #tpu.memory_space<semaphore_mem>>
        %dma_start3A_1284 = tpu.memref_squeeze %dma_start3A_1283 : memref<1x!tpu.dma_semaphore, #tpu.memory_space<semaphore_mem>> -> memref<!tpu.dma_semaphore, #tpu.memory_space<semaphore_mem>>
        %dma_start3A_1285 = arith.constant 0 : i32
        %dma_start3A_1286 = arith.constant 32 : i32
        %dma_start3A_1287 = arith.constant 0 : i32
        %dma_start3A_1288 = tpu.memref_slice %arg9[%dma_start3A_1281, %dma_start3A_1285, %dma_start3A_1286, %dma_start3A_1287] : memref<3x50x128x128xf32, #tpu.memory_space<vmem>> -> memref<1x50x32x128xf32, #tpu.memory_space<vmem>>
        %dma_start3A_1289 = tpu.memref_squeeze %dma_start3A_1288 : memref<1x50x32x128xf32, #tpu.memory_space<vmem>> -> memref<50x32x128xf32, #tpu.memory_space<vmem>>
        %dma_start3A_1290 = arith.constant 0 : i32
        %dma_start3A_1291 = arith.constant 0 : i32
        %dma_start3A_1292 = tpu.memref_slice %arg1[%dma_start3A_1290, %add3A_1280, %dma_start3A_1291] : memref<50x4096x128xf32, #tpu.memory_space<any>> -> memref<50x32x128xf32, #tpu.memory_space<any>>
        tpu.enqueue_dma source(%dma_start3A_1292 : memref<50x32x128xf32, #tpu.memory_space<any>>) target(%dma_start3A_1289 : memref<50x32x128xf32, #tpu.memory_space<vmem>>) target_semaphore(%dma_start3A_1284 : memref<!tpu.dma_semaphore, #tpu.memory_space<semaphore_mem>>)
        %mul3A_1293 = arith.constant 128 : i32
        %mul3A_1294 = arith.muli %add3A_1228, %mul3A_1293 : i32
        %add3A_1295 = arith.constant 64 : i32
        %add3A_1296 = arith.addi %mul3A_1294, %add3A_1295 : i32
        %dma_start3A_1297 = arith.constant 0 : i32
        %dma_start3A_1298 = arith.constant 0 : i32
        %dma_start3A_1299 = tpu.memref_slice %arg12[%dma_start3A_1298] : memref<3x!tpu.dma_semaphore, #tpu.memory_space<semaphore_mem>> -> memref<1x!tpu.dma_semaphore, #tpu.memory_space<semaphore_mem>>
        %dma_start3A_1300 = tpu.memref_squeeze %dma_start3A_1299 : memref<1x!tpu.dma_semaphore, #tpu.memory_space<semaphore_mem>> -> memref<!tpu.dma_semaphore, #tpu.memory_space<semaphore_mem>>
        %dma_start3A_1301 = arith.constant 0 : i32
        %dma_start3A_1302 = arith.constant 64 : i32
        %dma_start3A_1303 = arith.constant 0 : i32
        %dma_start3A_1304 = tpu.memref_slice %arg8[%dma_start3A_1297, %dma_start3A_1301, %dma_start3A_1302, %dma_start3A_1303] : memref<3x50x128x128xf32, #tpu.memory_space<vmem>> -> memref<1x50x32x128xf32, #tpu.memory_space<vmem>>
        %dma_start3A_1305 = tpu.memref_squeeze %dma_start3A_1304 : memref<1x50x32x128xf32, #tpu.memory_space<vmem>> -> memref<50x32x128xf32, #tpu.memory_space<vmem>>
        %dma_start3A_1306 = arith.constant 0 : i32
        %dma_start3A_1307 = arith.constant 0 : i32
        %dma_start3A_1308 = tpu.memref_slice %arg0[%dma_start3A_1306, %add3A_1296, %dma_start3A_1307] : memref<50x4096x128xf32, #tpu.memory_space<any>> -> memref<50x32x128xf32, #tpu.memory_space<any>>
        tpu.enqueue_dma source(%dma_start3A_1308 : memref<50x32x128xf32, #tpu.memory_space<any>>) target(%dma_start3A_1305 : memref<50x32x128xf32, #tpu.memory_space<vmem>>) target_semaphore(%dma_start3A_1300 : memref<!tpu.dma_semaphore, #tpu.memory_space<semaphore_mem>>)
        %mul3A_1309 = arith.constant 128 : i32
        %mul3A_1310 = arith.muli %add3A_1228, %mul3A_1309 : i32
        %add3A_1311 = arith.constant 64 : i32
        %add3A_1312 = arith.addi %mul3A_1310, %add3A_1311 : i32
        %dma_start3A_1313 = arith.constant 0 : i32
        %dma_start3A_1314 = arith.constant 0 : i32
        %dma_start3A_1315 = tpu.memref_slice %arg16[%dma_start3A_1314] : memref<3x!tpu.dma_semaphore, #tpu.memory_space<semaphore_mem>> -> memref<1x!tpu.dma_semaphore, #tpu.memory_space<semaphore_mem>>
        %dma_start3A_1316 = tpu.memref_squeeze %dma_start3A_1315 : memref<1x!tpu.dma_semaphore, #tpu.memory_space<semaphore_mem>> -> memref<!tpu.dma_semaphore, #tpu.memory_space<semaphore_mem>>
        %dma_start3A_1317 = arith.constant 0 : i32
        %dma_start3A_1318 = arith.constant 64 : i32
        %dma_start3A_1319 = arith.constant 0 : i32
        %dma_start3A_1320 = tpu.memref_slice %arg9[%dma_start3A_1313, %dma_start3A_1317, %dma_start3A_1318, %dma_start3A_1319] : memref<3x50x128x128xf32, #tpu.memory_space<vmem>> -> memref<1x50x32x128xf32, #tpu.memory_space<vmem>>
        %dma_start3A_1321 = tpu.memref_squeeze %dma_start3A_1320 : memref<1x50x32x128xf32, #tpu.memory_space<vmem>> -> memref<50x32x128xf32, #tpu.memory_space<vmem>>
        %dma_start3A_1322 = arith.constant 0 : i32
        %dma_start3A_1323 = arith.constant 0 : i32
        %dma_start3A_1324 = tpu.memref_slice %arg1[%dma_start3A_1322, %add3A_1312, %dma_start3A_1323] : memref<50x4096x128xf32, #tpu.memory_space<any>> -> memref<50x32x128xf32, #tpu.memory_space<any>>
        tpu.enqueue_dma source(%dma_start3A_1324 : memref<50x32x128xf32, #tpu.memory_space<any>>) target(%dma_start3A_1321 : memref<50x32x128xf32, #tpu.memory_space<vmem>>) target_semaphore(%dma_start3A_1316 : memref<!tpu.dma_semaphore, #tpu.memory_space<semaphore_mem>>)
        %mul3A_1325 = arith.constant 128 : i32
        %mul3A_1326 = arith.muli %add3A_1228, %mul3A_1325 : i32
        %add3A_1327 = arith.constant 96 : i32
        %add3A_1328 = arith.addi %mul3A_1326, %add3A_1327 : i32
        %dma_start3A_1329 = arith.constant 0 : i32
        %dma_start3A_1330 = arith.constant 0 : i32
        %dma_start3A_1331 = tpu.memref_slice %arg13[%dma_start3A_1330] : memref<3x!tpu.dma_semaphore, #tpu.memory_space<semaphore_mem>> -> memref<1x!tpu.dma_semaphore, #tpu.memory_space<semaphore_mem>>
        %dma_start3A_1332 = tpu.memref_squeeze %dma_start3A_1331 : memref<1x!tpu.dma_semaphore, #tpu.memory_space<semaphore_mem>> -> memref<!tpu.dma_semaphore, #tpu.memory_space<semaphore_mem>>
        %dma_start3A_1333 = arith.constant 0 : i32
        %dma_start3A_1334 = arith.constant 96 : i32
        %dma_start3A_1335 = arith.constant 0 : i32
        %dma_start3A_1336 = tpu.memref_slice %arg8[%dma_start3A_1329, %dma_start3A_1333, %dma_start3A_1334, %dma_start3A_1335] : memref<3x50x128x128xf32, #tpu.memory_space<vmem>> -> memref<1x50x32x128xf32, #tpu.memory_space<vmem>>
        %dma_start3A_1337 = tpu.memref_squeeze %dma_start3A_1336 : memref<1x50x32x128xf32, #tpu.memory_space<vmem>> -> memref<50x32x128xf32, #tpu.memory_space<vmem>>
        %dma_start3A_1338 = arith.constant 0 : i32
        %dma_start3A_1339 = arith.constant 0 : i32
        %dma_start3A_1340 = tpu.memref_slice %arg0[%dma_start3A_1338, %add3A_1328, %dma_start3A_1339] : memref<50x4096x128xf32, #tpu.memory_space<any>> -> memref<50x32x128xf32, #tpu.memory_space<any>>
        tpu.enqueue_dma source(%dma_start3A_1340 : memref<50x32x128xf32, #tpu.memory_space<any>>) target(%dma_start3A_1337 : memref<50x32x128xf32, #tpu.memory_space<vmem>>) target_semaphore(%dma_start3A_1332 : memref<!tpu.dma_semaphore, #tpu.memory_space<semaphore_mem>>)
        %mul3A_1341 = arith.constant 128 : i32
        %mul3A_1342 = arith.muli %add3A_1228, %mul3A_1341 : i32
        %add3A_1343 = arith.constant 96 : i32
        %add3A_1344 = arith.addi %mul3A_1342, %add3A_1343 : i32
        %dma_start3A_1345 = arith.constant 0 : i32
        %dma_start3A_1346 = arith.constant 0 : i32
        %dma_start3A_1347 = tpu.memref_slice %arg17[%dma_start3A_1346] : memref<3x!tpu.dma_semaphore, #tpu.memory_space<semaphore_mem>> -> memref<1x!tpu.dma_semaphore, #tpu.memory_space<semaphore_mem>>
        %dma_start3A_1348 = tpu.memref_squeeze %dma_start3A_1347 : memref<1x!tpu.dma_semaphore, #tpu.memory_space<semaphore_mem>> -> memref<!tpu.dma_semaphore, #tpu.memory_space<semaphore_mem>>
        %dma_start3A_1349 = arith.constant 0 : i32
        %dma_start3A_1350 = arith.constant 96 : i32
        %dma_start3A_1351 = arith.constant 0 : i32
        %dma_start3A_1352 = tpu.memref_slice %arg9[%dma_start3A_1345, %dma_start3A_1349, %dma_start3A_1350, %dma_start3A_1351] : memref<3x50x128x128xf32, #tpu.memory_space<vmem>> -> memref<1x50x32x128xf32, #tpu.memory_space<vmem>>
        %dma_start3A_1353 = tpu.memref_squeeze %dma_start3A_1352 : memref<1x50x32x128xf32, #tpu.memory_space<vmem>> -> memref<50x32x128xf32, #tpu.memory_space<vmem>>
        %dma_start3A_1354 = arith.constant 0 : i32
        %dma_start3A_1355 = arith.constant 0 : i32
        %dma_start3A_1356 = tpu.memref_slice %arg1[%dma_start3A_1354, %add3A_1344, %dma_start3A_1355] : memref<50x4096x128xf32, #tpu.memory_space<any>> -> memref<50x32x128xf32, #tpu.memory_space<any>>
        tpu.enqueue_dma source(%dma_start3A_1356 : memref<50x32x128xf32, #tpu.memory_space<any>>) target(%dma_start3A_1353 : memref<50x32x128xf32, #tpu.memory_space<vmem>>) target_semaphore(%dma_start3A_1348 : memref<!tpu.dma_semaphore, #tpu.memory_space<semaphore_mem>>)
      } else {
      }
      %mul3A_843 = arith.constant 3 : i32
      %mul3A_844 = arith.muli %scan3A_651, %mul3A_843 : i32
      %add3A_845 = arith.constant 1 : i32
      %add3A_846 = arith.addi %mul3A_844, %add3A_845 : i32
      %dma_wait3A_847 = arith.constant 1 : i32
      %dma_wait3A_848 = arith.constant 1 : i32
      %dma_wait3A_849 = tpu.memref_slice %arg10[%dma_wait3A_848] : memref<3x!tpu.dma_semaphore, #tpu.memory_space<semaphore_mem>> -> memref<1x!tpu.dma_semaphore, #tpu.memory_space<semaphore_mem>>
      %dma_wait3A_850 = tpu.memref_squeeze %dma_wait3A_849 : memref<1x!tpu.dma_semaphore, #tpu.memory_space<semaphore_mem>> -> memref<!tpu.dma_semaphore, #tpu.memory_space<semaphore_mem>>
      %dma_wait3A_851 = arith.constant 0 : i32
      %dma_wait3A_852 = arith.constant 0 : i32
      %dma_wait3A_853 = arith.constant 0 : i32
      %dma_wait3A_854 = tpu.memref_slice %arg8[%dma_wait3A_847, %dma_wait3A_851, %dma_wait3A_852, %dma_wait3A_853] : memref<3x50x128x128xf32, #tpu.memory_space<vmem>> -> memref<1x50x32x128xf32, #tpu.memory_space<vmem>>
      %dma_wait3A_855 = tpu.memref_squeeze %dma_wait3A_854 : memref<1x50x32x128xf32, #tpu.memory_space<vmem>> -> memref<50x32x128xf32, #tpu.memory_space<vmem>>
      %dma_wait3A_856 = arith.constant 0 : i32
      %dma_wait3A_857 = arith.constant 0 : i32
      %dma_wait3A_858 = arith.constant 0 : i32
      %dma_wait3A_859 = tpu.memref_slice %arg0[%dma_wait3A_856, %dma_wait3A_857, %dma_wait3A_858] : memref<50x4096x128xf32, #tpu.memory_space<any>> -> memref<50x32x128xf32, #tpu.memory_space<any>>
      tpu.wait_dma2 semaphore(%dma_wait3A_850 : memref<!tpu.dma_semaphore, #tpu.memory_space<semaphore_mem>>) src(%dma_wait3A_859 : memref<50x32x128xf32, #tpu.memory_space<any>>) dst(%dma_wait3A_855 : memref<50x32x128xf32, #tpu.memory_space<vmem>>)
      %dma_wait3A_860 = arith.constant 1 : i32
      %dma_wait3A_861 = arith.constant 1 : i32
      %dma_wait3A_862 = tpu.memref_slice %arg14[%dma_wait3A_861] : memref<3x!tpu.dma_semaphore, #tpu.memory_space<semaphore_mem>> -> memref<1x!tpu.dma_semaphore, #tpu.memory_space<semaphore_mem>>
      %dma_wait3A_863 = tpu.memref_squeeze %dma_wait3A_862 : memref<1x!tpu.dma_semaphore, #tpu.memory_space<semaphore_mem>> -> memref<!tpu.dma_semaphore, #tpu.memory_space<semaphore_mem>>
      %dma_wait3A_864 = arith.constant 0 : i32
      %dma_wait3A_865 = arith.constant 0 : i32
      %dma_wait3A_866 = arith.constant 0 : i32
      %dma_wait3A_867 = tpu.memref_slice %arg9[%dma_wait3A_860, %dma_wait3A_864, %dma_wait3A_865, %dma_wait3A_866] : memref<3x50x128x128xf32, #tpu.memory_space<vmem>> -> memref<1x50x32x128xf32, #tpu.memory_space<vmem>>
      %dma_wait3A_868 = tpu.memref_squeeze %dma_wait3A_867 : memref<1x50x32x128xf32, #tpu.memory_space<vmem>> -> memref<50x32x128xf32, #tpu.memory_space<vmem>>
      %dma_wait3A_869 = arith.constant 0 : i32
      %dma_wait3A_870 = arith.constant 0 : i32
      %dma_wait3A_871 = arith.constant 0 : i32
      %dma_wait3A_872 = tpu.memref_slice %arg1[%dma_wait3A_869, %dma_wait3A_870, %dma_wait3A_871] : memref<50x4096x128xf32, #tpu.memory_space<any>> -> memref<50x32x128xf32, #tpu.memory_space<any>>
      tpu.wait_dma2 semaphore(%dma_wait3A_863 : memref<!tpu.dma_semaphore, #tpu.memory_space<semaphore_mem>>) src(%dma_wait3A_872 : memref<50x32x128xf32, #tpu.memory_space<any>>) dst(%dma_wait3A_868 : memref<50x32x128xf32, #tpu.memory_space<vmem>>)
      %dma_wait3A_873 = arith.constant 1 : i32
      %dma_wait3A_874 = arith.constant 1 : i32
      %dma_wait3A_875 = tpu.memref_slice %arg11[%dma_wait3A_874] : memref<3x!tpu.dma_semaphore, #tpu.memory_space<semaphore_mem>> -> memref<1x!tpu.dma_semaphore, #tpu.memory_space<semaphore_mem>>
      %dma_wait3A_876 = tpu.memref_squeeze %dma_wait3A_875 : memref<1x!tpu.dma_semaphore, #tpu.memory_space<semaphore_mem>> -> memref<!tpu.dma_semaphore, #tpu.memory_space<semaphore_mem>>
      %dma_wait3A_877 = arith.constant 0 : i32
      %dma_wait3A_878 = arith.constant 32 : i32
      %dma_wait3A_879 = arith.constant 0 : i32
      %dma_wait3A_880 = tpu.memref_slice %arg8[%dma_wait3A_873, %dma_wait3A_877, %dma_wait3A_878, %dma_wait3A_879] : memref<3x50x128x128xf32, #tpu.memory_space<vmem>> -> memref<1x50x32x128xf32, #tpu.memory_space<vmem>>
      %dma_wait3A_881 = tpu.memref_squeeze %dma_wait3A_880 : memref<1x50x32x128xf32, #tpu.memory_space<vmem>> -> memref<50x32x128xf32, #tpu.memory_space<vmem>>
      %dma_wait3A_882 = arith.constant 0 : i32
      %dma_wait3A_883 = arith.constant 32 : i32
      %dma_wait3A_884 = arith.constant 0 : i32
      %dma_wait3A_885 = tpu.memref_slice %arg0[%dma_wait3A_882, %dma_wait3A_883, %dma_wait3A_884] : memref<50x4096x128xf32, #tpu.memory_space<any>> -> memref<50x32x128xf32, #tpu.memory_space<any>>
      tpu.wait_dma2 semaphore(%dma_wait3A_876 : memref<!tpu.dma_semaphore, #tpu.memory_space<semaphore_mem>>) src(%dma_wait3A_885 : memref<50x32x128xf32, #tpu.memory_space<any>>) dst(%dma_wait3A_881 : memref<50x32x128xf32, #tpu.memory_space<vmem>>)
      %dma_wait3A_886 = arith.constant 1 : i32
      %dma_wait3A_887 = arith.constant 1 : i32
      %dma_wait3A_888 = tpu.memref_slice %arg15[%dma_wait3A_887] : memref<3x!tpu.dma_semaphore, #tpu.memory_space<semaphore_mem>> -> memref<1x!tpu.dma_semaphore, #tpu.memory_space<semaphore_mem>>
      %dma_wait3A_889 = tpu.memref_squeeze %dma_wait3A_888 : memref<1x!tpu.dma_semaphore, #tpu.memory_space<semaphore_mem>> -> memref<!tpu.dma_semaphore, #tpu.memory_space<semaphore_mem>>
      %dma_wait3A_890 = arith.constant 0 : i32
      %dma_wait3A_891 = arith.constant 32 : i32
      %dma_wait3A_892 = arith.constant 0 : i32
      %dma_wait3A_893 = tpu.memref_slice %arg9[%dma_wait3A_886, %dma_wait3A_890, %dma_wait3A_891, %dma_wait3A_892] : memref<3x50x128x128xf32, #tpu.memory_space<vmem>> -> memref<1x50x32x128xf32, #tpu.memory_space<vmem>>
      %dma_wait3A_894 = tpu.memref_squeeze %dma_wait3A_893 : memref<1x50x32x128xf32, #tpu.memory_space<vmem>> -> memref<50x32x128xf32, #tpu.memory_space<vmem>>
      %dma_wait3A_895 = arith.constant 0 : i32
      %dma_wait3A_896 = arith.constant 32 : i32
      %dma_wait3A_897 = arith.constant 0 : i32
      %dma_wait3A_898 = tpu.memref_slice %arg1[%dma_wait3A_895, %dma_wait3A_896, %dma_wait3A_897] : memref<50x4096x128xf32, #tpu.memory_space<any>> -> memref<50x32x128xf32, #tpu.memory_space<any>>
      tpu.wait_dma2 semaphore(%dma_wait3A_889 : memref<!tpu.dma_semaphore, #tpu.memory_space<semaphore_mem>>) src(%dma_wait3A_898 : memref<50x32x128xf32, #tpu.memory_space<any>>) dst(%dma_wait3A_894 : memref<50x32x128xf32, #tpu.memory_space<vmem>>)
      %dma_wait3A_899 = arith.constant 1 : i32
      %dma_wait3A_900 = arith.constant 1 : i32
      %dma_wait3A_901 = tpu.memref_slice %arg12[%dma_wait3A_900] : memref<3x!tpu.dma_semaphore, #tpu.memory_space<semaphore_mem>> -> memref<1x!tpu.dma_semaphore, #tpu.memory_space<semaphore_mem>>
      %dma_wait3A_902 = tpu.memref_squeeze %dma_wait3A_901 : memref<1x!tpu.dma_semaphore, #tpu.memory_space<semaphore_mem>> -> memref<!tpu.dma_semaphore, #tpu.memory_space<semaphore_mem>>
      %dma_wait3A_903 = arith.constant 0 : i32
      %dma_wait3A_904 = arith.constant 64 : i32
      %dma_wait3A_905 = arith.constant 0 : i32
      %dma_wait3A_906 = tpu.memref_slice %arg8[%dma_wait3A_899, %dma_wait3A_903, %dma_wait3A_904, %dma_wait3A_905] : memref<3x50x128x128xf32, #tpu.memory_space<vmem>> -> memref<1x50x32x128xf32, #tpu.memory_space<vmem>>
      %dma_wait3A_907 = tpu.memref_squeeze %dma_wait3A_906 : memref<1x50x32x128xf32, #tpu.memory_space<vmem>> -> memref<50x32x128xf32, #tpu.memory_space<vmem>>
      %dma_wait3A_908 = arith.constant 0 : i32
      %dma_wait3A_909 = arith.constant 64 : i32
      %dma_wait3A_910 = arith.constant 0 : i32
      %dma_wait3A_911 = tpu.memref_slice %arg0[%dma_wait3A_908, %dma_wait3A_909, %dma_wait3A_910] : memref<50x4096x128xf32, #tpu.memory_space<any>> -> memref<50x32x128xf32, #tpu.memory_space<any>>
      tpu.wait_dma2 semaphore(%dma_wait3A_902 : memref<!tpu.dma_semaphore, #tpu.memory_space<semaphore_mem>>) src(%dma_wait3A_911 : memref<50x32x128xf32, #tpu.memory_space<any>>) dst(%dma_wait3A_907 : memref<50x32x128xf32, #tpu.memory_space<vmem>>)
      %dma_wait3A_912 = arith.constant 1 : i32
      %dma_wait3A_913 = arith.constant 1 : i32
      %dma_wait3A_914 = tpu.memref_slice %arg16[%dma_wait3A_913] : memref<3x!tpu.dma_semaphore, #tpu.memory_space<semaphore_mem>> -> memref<1x!tpu.dma_semaphore, #tpu.memory_space<semaphore_mem>>
      %dma_wait3A_915 = tpu.memref_squeeze %dma_wait3A_914 : memref<1x!tpu.dma_semaphore, #tpu.memory_space<semaphore_mem>> -> memref<!tpu.dma_semaphore, #tpu.memory_space<semaphore_mem>>
      %dma_wait3A_916 = arith.constant 0 : i32
      %dma_wait3A_917 = arith.constant 64 : i32
      %dma_wait3A_918 = arith.constant 0 : i32
      %dma_wait3A_919 = tpu.memref_slice %arg9[%dma_wait3A_912, %dma_wait3A_916, %dma_wait3A_917, %dma_wait3A_918] : memref<3x50x128x128xf32, #tpu.memory_space<vmem>> -> memref<1x50x32x128xf32, #tpu.memory_space<vmem>>
      %dma_wait3A_920 = tpu.memref_squeeze %dma_wait3A_919 : memref<1x50x32x128xf32, #tpu.memory_space<vmem>> -> memref<50x32x128xf32, #tpu.memory_space<vmem>>
      %dma_wait3A_921 = arith.constant 0 : i32
      %dma_wait3A_922 = arith.constant 64 : i32
      %dma_wait3A_923 = arith.constant 0 : i32
      %dma_wait3A_924 = tpu.memref_slice %arg1[%dma_wait3A_921, %dma_wait3A_922, %dma_wait3A_923] : memref<50x4096x128xf32, #tpu.memory_space<any>> -> memref<50x32x128xf32, #tpu.memory_space<any>>
      tpu.wait_dma2 semaphore(%dma_wait3A_915 : memref<!tpu.dma_semaphore, #tpu.memory_space<semaphore_mem>>) src(%dma_wait3A_924 : memref<50x32x128xf32, #tpu.memory_space<any>>) dst(%dma_wait3A_920 : memref<50x32x128xf32, #tpu.memory_space<vmem>>)
      %dma_wait3A_925 = arith.constant 1 : i32
      %dma_wait3A_926 = arith.constant 1 : i32
      %dma_wait3A_927 = tpu.memref_slice %arg13[%dma_wait3A_926] : memref<3x!tpu.dma_semaphore, #tpu.memory_space<semaphore_mem>> -> memref<1x!tpu.dma_semaphore, #tpu.memory_space<semaphore_mem>>
      %dma_wait3A_928 = tpu.memref_squeeze %dma_wait3A_927 : memref<1x!tpu.dma_semaphore, #tpu.memory_space<semaphore_mem>> -> memref<!tpu.dma_semaphore, #tpu.memory_space<semaphore_mem>>
      %dma_wait3A_929 = arith.constant 0 : i32
      %dma_wait3A_930 = arith.constant 96 : i32
      %dma_wait3A_931 = arith.constant 0 : i32
      %dma_wait3A_932 = tpu.memref_slice %arg8[%dma_wait3A_925, %dma_wait3A_929, %dma_wait3A_930, %dma_wait3A_931] : memref<3x50x128x128xf32, #tpu.memory_space<vmem>> -> memref<1x50x32x128xf32, #tpu.memory_space<vmem>>
      %dma_wait3A_933 = tpu.memref_squeeze %dma_wait3A_932 : memref<1x50x32x128xf32, #tpu.memory_space<vmem>> -> memref<50x32x128xf32, #tpu.memory_space<vmem>>
      %dma_wait3A_934 = arith.constant 0 : i32
      %dma_wait3A_935 = arith.constant 96 : i32
      %dma_wait3A_936 = arith.constant 0 : i32
      %dma_wait3A_937 = tpu.memref_slice %arg0[%dma_wait3A_934, %dma_wait3A_935, %dma_wait3A_936] : memref<50x4096x128xf32, #tpu.memory_space<any>> -> memref<50x32x128xf32, #tpu.memory_space<any>>
      tpu.wait_dma2 semaphore(%dma_wait3A_928 : memref<!tpu.dma_semaphore, #tpu.memory_space<semaphore_mem>>) src(%dma_wait3A_937 : memref<50x32x128xf32, #tpu.memory_space<any>>) dst(%dma_wait3A_933 : memref<50x32x128xf32, #tpu.memory_space<vmem>>)
      %dma_wait3A_938 = arith.constant 1 : i32
      %dma_wait3A_939 = arith.constant 1 : i32
      %dma_wait3A_940 = tpu.memref_slice %arg17[%dma_wait3A_939] : memref<3x!tpu.dma_semaphore, #tpu.memory_space<semaphore_mem>> -> memref<1x!tpu.dma_semaphore, #tpu.memory_space<semaphore_mem>>
      %dma_wait3A_941 = tpu.memref_squeeze %dma_wait3A_940 : memref<1x!tpu.dma_semaphore, #tpu.memory_space<semaphore_mem>> -> memref<!tpu.dma_semaphore, #tpu.memory_space<semaphore_mem>>
      %dma_wait3A_942 = arith.constant 0 : i32
      %dma_wait3A_943 = arith.constant 96 : i32
      %dma_wait3A_944 = arith.constant 0 : i32
      %dma_wait3A_945 = tpu.memref_slice %arg9[%dma_wait3A_938, %dma_wait3A_942, %dma_wait3A_943, %dma_wait3A_944] : memref<3x50x128x128xf32, #tpu.memory_space<vmem>> -> memref<1x50x32x128xf32, #tpu.memory_space<vmem>>
      %dma_wait3A_946 = tpu.memref_squeeze %dma_wait3A_945 : memref<1x50x32x128xf32, #tpu.memory_space<vmem>> -> memref<50x32x128xf32, #tpu.memory_space<vmem>>
      %dma_wait3A_947 = arith.constant 0 : i32
      %dma_wait3A_948 = arith.constant 96 : i32
      %dma_wait3A_949 = arith.constant 0 : i32
      %dma_wait3A_950 = tpu.memref_slice %arg1[%dma_wait3A_947, %dma_wait3A_948, %dma_wait3A_949] : memref<50x4096x128xf32, #tpu.memory_space<any>> -> memref<50x32x128xf32, #tpu.memory_space<any>>
      tpu.wait_dma2 semaphore(%dma_wait3A_941 : memref<!tpu.dma_semaphore, #tpu.memory_space<semaphore_mem>>) src(%dma_wait3A_950 : memref<50x32x128xf32, #tpu.memory_space<any>>) dst(%dma_wait3A_946 : memref<50x32x128xf32, #tpu.memory_space<vmem>>)
      %mul3A_951 = arith.constant 128 : i32
      %mul3A_952 = arith.muli %add3A_846, %mul3A_951 : i32
      %get3A_953 = arith.index_cast %mul3A_952 : i32 to index
      %get3A_954 = arith.constant 0 : index
      %get3A_955 = vector.load %arg2[%get3A_953, %get3A_954] : memref<4096x1xi32, #tpu.memory_space<vmem>>, vector<128x1xi32>
      %mul3A_956 = arith.constant 128 : i32
      %mul3A_957 = arith.muli %add3A_846, %mul3A_956 : i32
      %get3A_958 = arith.index_cast %mul3A_957 : i32 to index
      %get3A_959 = arith.constant 0 : index
      %get3A_960 = vector.load %arg3[%get3A_958, %get3A_959] : memref<4096x1xi32, #tpu.memory_space<vmem>>, vector<128x1xi32>
      %iota3A_961 = tpu.iota {dimensions = array<i32: 0>} : vector<50x1x1xi32>
      %broadcast_in_dim3A_962 = vector.shape_cast %get3A_955 : vector<128x1xi32> to vector<1x128x1xi32>
      %lt3A_963 = vector.broadcast %iota3A_961 : vector<50x1x1xi32> to vector<50x128x1xi32>
      %lt3A_964 = vector.broadcast %broadcast_in_dim3A_962 : vector<1x128x1xi32> to vector<50x128x1xi32>
      %lt3A_965 = arith.cmpi slt, %lt3A_963, %lt3A_964 : vector<50x128x1xi32>
      %convert_element_type3A_966 = arith.extui %lt3A_965 : vector<50x128x1xi1> to vector<50x128x1xi32>
      %convert_element_type3A_967 = arith.sitofp %convert_element_type3A_966 : vector<50x128x1xi32> to vector<50x128x1xf32>
      %broadcast_in_dim3A_968 = vector.shape_cast %get3A_960 : vector<128x1xi32> to vector<1x128x1xi32>
      %lt3A_969 = vector.broadcast %iota3A_961 : vector<50x1x1xi32> to vector<50x128x1xi32>
      %lt3A_970 = vector.broadcast %broadcast_in_dim3A_968 : vector<1x128x1xi32> to vector<50x128x1xi32>
      %lt3A_971 = arith.cmpi slt, %lt3A_969, %lt3A_970 : vector<50x128x1xi32>
      %convert_element_type3A_972 = arith.extui %lt3A_971 : vector<50x128x1xi1> to vector<50x128x1xi32>
      %convert_element_type3A_973 = arith.sitofp %convert_element_type3A_972 : vector<50x128x1xi32> to vector<50x128x1xf32>
      %get3A_974 = arith.constant 1 : index
      %get3A_975 = arith.constant 0 : index
      %get3A_976 = arith.constant 0 : index
      %get3A_977 = arith.constant 0 : index
      %get3A_978 = vector.load %arg8[%get3A_974, %get3A_975, %get3A_976, %get3A_977] : memref<3x50x128x128xf32, #tpu.memory_space<vmem>>, vector<1x50x128x128xf32>
      %get3A_979 = vector.shape_cast %get3A_978 : vector<1x50x128x128xf32> to vector<50x128x128xf32>
      %mul3A_980 = vector.broadcast %convert_element_type3A_967 : vector<50x128x1xf32> to vector<50x128x128xf32>
      %mul3A_981 = arith.mulf %get3A_979, %mul3A_980 : vector<50x128x128xf32>
      %reduce_sum3A_982 = arith.constant dense<0.000000e+00> : vector<128x128xf32>
      %reduce_sum3A_983 = vector.multi_reduction <add>, %mul3A_981, %reduce_sum3A_982 [0] : vector<50x128x128xf32> to vector<128x128xf32>
      %get3A_984 = arith.constant 1 : index
      %get3A_985 = arith.constant 0 : index
      %get3A_986 = arith.constant 0 : index
      %get3A_987 = arith.constant 0 : index
      %get3A_988 = vector.load %arg9[%get3A_984, %get3A_985, %get3A_986, %get3A_987] : memref<3x50x128x128xf32, #tpu.memory_space<vmem>>, vector<1x50x128x128xf32>
      %get3A_989 = vector.shape_cast %get3A_988 : vector<1x50x128x128xf32> to vector<50x128x128xf32>
      %mul3A_990 = vector.broadcast %convert_element_type3A_973 : vector<50x128x1xf32> to vector<50x128x128xf32>
      %mul3A_991 = arith.mulf %get3A_989, %mul3A_990 : vector<50x128x128xf32>
      %reduce_sum3A_992 = arith.constant dense<0.000000e+00> : vector<128x128xf32>
      %reduce_sum3A_993 = vector.multi_reduction <add>, %mul3A_991, %reduce_sum3A_992 [0] : vector<50x128x128xf32> to vector<128x128xf32>
      %max3A_994 = arith.constant 1 : i32
      %max3A_995 = vector.broadcast %max3A_994 : i32 to vector<128x1xi32>
      %max3A_996 = arith.maxsi %get3A_955, %max3A_995 : vector<128x1xi32>
      %convert_element_type3A_997 = arith.sitofp %max3A_996 : vector<128x1xi32> to vector<128x1xf32>
      %div3A_998 = vector.broadcast %convert_element_type3A_997 : vector<128x1xf32> to vector<128x128xf32>
      %div3A_999 = arith.divf %reduce_sum3A_983, %div3A_998 : vector<128x128xf32>
      %max3A_1000 = arith.constant 1 : i32
      %max3A_1001 = vector.broadcast %max3A_1000 : i32 to vector<128x1xi32>
      %max3A_1002 = arith.maxsi %get3A_960, %max3A_1001 : vector<128x1xi32>
      %convert_element_type3A_1003 = arith.sitofp %max3A_1002 : vector<128x1xi32> to vector<128x1xf32>
      %div3A_1004 = vector.broadcast %convert_element_type3A_1003 : vector<128x1xf32> to vector<128x128xf32>
      %div3A_1005 = arith.divf %reduce_sum3A_993, %div3A_1004 : vector<128x128xf32>
      %get3A_1006 = arith.constant 0 : index
      %get3A_1007 = arith.constant 0 : index
      %get3A_1008 = vector.load %arg4[%get3A_1006, %get3A_1007] : memref<128x128xf32, #tpu.memory_space<vmem>>, vector<128x128xf32>
      %dot_general3A_1009 = arith.constant dense<0.000000e+00> : vector<128x128xf32>
      %dot_general3A_1010 = tpu.matmul %div3A_999, %get3A_1008, %dot_general3A_1009 {dimension_numbers = #tpu.dot_dimension_numbers<[1], [0], [0], [1], [0, 0, 1, 1], [], []>, transpose_lhs_hint = false} : vector<128x128xf32>, vector<128x128xf32>, vector<128x128xf32> -> vector<128x128xf32>
      %get3A_1011 = arith.constant 0 : index
      %get3A_1012 = arith.constant 0 : index
      %get3A_1013 = vector.load %arg5[%get3A_1011, %get3A_1012] : memref<128x128xf32, #tpu.memory_space<vmem>>, vector<128x128xf32>
      %dot_general3A_1014 = arith.constant dense<0.000000e+00> : vector<128x128xf32>
      %dot_general3A_1015 = tpu.matmul %div3A_1005, %get3A_1013, %dot_general3A_1014 {dimension_numbers = #tpu.dot_dimension_numbers<[1], [0], [0], [1], [0, 0, 1, 1], [], []>, transpose_lhs_hint = false} : vector<128x128xf32>, vector<128x128xf32>, vector<128x128xf32> -> vector<128x128xf32>
      %add3A_1016 = arith.addf %dot_general3A_1010, %dot_general3A_1015 : vector<128x128xf32>
      %get3A_1017 = arith.constant 0 : index
      %get3A_1018 = arith.constant 0 : index
      %get3A_1019 = vector.load %arg6[%get3A_1017, %get3A_1018] : memref<1x128xf32, #tpu.memory_space<vmem>>, vector<1x128xf32>
      %add3A_1020 = vector.broadcast %get3A_1019 : vector<1x128xf32> to vector<128x128xf32>
      %add3A_1021 = arith.addf %add3A_1016, %add3A_1020 : vector<128x128xf32>
      %tanh3A_1022 = math.tanh %add3A_1021 : vector<128x128xf32>
      %mul3A_1023 = arith.constant 128 : i32
      %mul3A_1024 = arith.muli %add3A_846, %mul3A_1023 : i32
      %swap3A_1025 = arith.index_cast %mul3A_1024 : i32 to index
      %swap3A_1026 = arith.constant 0 : index
      %swap3A_1027 = vector.load %arg7[%swap3A_1025, %swap3A_1026] : memref<4096x128xf32, #tpu.memory_space<vmem>>, vector<128x128xf32>
      tpu.vector_store %arg7[%swap3A_1025, %swap3A_1026], %tanh3A_1022 {strides = array<i32>} : memref<4096x128xf32, #tpu.memory_space<vmem>>, vector<128x128xf32>,
      %add3A_1028 = arith.constant 3 : i32
      %add3A_1029 = arith.addi %add3A_846, %add3A_1028 : i32
      %lt3A_1030 = arith.constant 32 : i32
      %lt3A_1031 = arith.cmpi slt, %add3A_1029, %lt3A_1030 : i32
      %convert_element_type3A_1032 = arith.extui %lt3A_1031 : i1 to i32
      %cond3A_1033 = arith.constant 0 : i32
      %cond3A_1034 = arith.cmpi ne, %convert_element_type3A_1032, %cond3A_1033 : i32
      scf.if %cond3A_1034 {
        %add3A_1227 = arith.constant 3 : i32
        %add3A_1228 = arith.addi %add3A_846, %add3A_1227 : i32
        %mul3A_1229 = arith.constant 128 : i32
        %mul3A_1230 = arith.muli %add3A_1228, %mul3A_1229 : i32
        %add3A_1231 = arith.constant 0 : i32
        %add3A_1232 = arith.addi %mul3A_1230, %add3A_1231 : i32
        %dma_start3A_1233 = arith.constant 1 : i32
        %dma_start3A_1234 = arith.constant 1 : i32
        %dma_start3A_1235 = tpu.memref_slice %arg10[%dma_start3A_1234] : memref<3x!tpu.dma_semaphore, #tpu.memory_space<semaphore_mem>> -> memref<1x!tpu.dma_semaphore, #tpu.memory_space<semaphore_mem>>
        %dma_start3A_1236 = tpu.memref_squeeze %dma_start3A_1235 : memref<1x!tpu.dma_semaphore, #tpu.memory_space<semaphore_mem>> -> memref<!tpu.dma_semaphore, #tpu.memory_space<semaphore_mem>>
        %dma_start3A_1237 = arith.constant 0 : i32
        %dma_start3A_1238 = arith.constant 0 : i32
        %dma_start3A_1239 = arith.constant 0 : i32
        %dma_start3A_1240 = tpu.memref_slice %arg8[%dma_start3A_1233, %dma_start3A_1237, %dma_start3A_1238, %dma_start3A_1239] : memref<3x50x128x128xf32, #tpu.memory_space<vmem>> -> memref<1x50x32x128xf32, #tpu.memory_space<vmem>>
        %dma_start3A_1241 = tpu.memref_squeeze %dma_start3A_1240 : memref<1x50x32x128xf32, #tpu.memory_space<vmem>> -> memref<50x32x128xf32, #tpu.memory_space<vmem>>
        %dma_start3A_1242 = arith.constant 0 : i32
        %dma_start3A_1243 = arith.constant 0 : i32
        %dma_start3A_1244 = tpu.memref_slice %arg0[%dma_start3A_1242, %add3A_1232, %dma_start3A_1243] : memref<50x4096x128xf32, #tpu.memory_space<any>> -> memref<50x32x128xf32, #tpu.memory_space<any>>
        tpu.enqueue_dma source(%dma_start3A_1244 : memref<50x32x128xf32, #tpu.memory_space<any>>) target(%dma_start3A_1241 : memref<50x32x128xf32, #tpu.memory_space<vmem>>) target_semaphore(%dma_start3A_1236 : memref<!tpu.dma_semaphore, #tpu.memory_space<semaphore_mem>>)
        %mul3A_1245 = arith.constant 128 : i32
        %mul3A_1246 = arith.muli %add3A_1228, %mul3A_1245 : i32
        %add3A_1247 = arith.constant 0 : i32
        %add3A_1248 = arith.addi %mul3A_1246, %add3A_1247 : i32
        %dma_start3A_1249 = arith.constant 1 : i32
        %dma_start3A_1250 = arith.constant 1 : i32
        %dma_start3A_1251 = tpu.memref_slice %arg14[%dma_start3A_1250] : memref<3x!tpu.dma_semaphore, #tpu.memory_space<semaphore_mem>> -> memref<1x!tpu.dma_semaphore, #tpu.memory_space<semaphore_mem>>
        %dma_start3A_1252 = tpu.memref_squeeze %dma_start3A_1251 : memref<1x!tpu.dma_semaphore, #tpu.memory_space<semaphore_mem>> -> memref<!tpu.dma_semaphore, #tpu.memory_space<semaphore_mem>>
        %dma_start3A_1253 = arith.constant 0 : i32
        %dma_start3A_1254 = arith.constant 0 : i32
        %dma_start3A_1255 = arith.constant 0 : i32
        %dma_start3A_1256 = tpu.memref_slice %arg9[%dma_start3A_1249, %dma_start3A_1253, %dma_start3A_1254, %dma_start3A_1255] : memref<3x50x128x128xf32, #tpu.memory_space<vmem>> -> memref<1x50x32x128xf32, #tpu.memory_space<vmem>>
        %dma_start3A_1257 = tpu.memref_squeeze %dma_start3A_1256 : memref<1x50x32x128xf32, #tpu.memory_space<vmem>> -> memref<50x32x128xf32, #tpu.memory_space<vmem>>
        %dma_start3A_1258 = arith.constant 0 : i32
        %dma_start3A_1259 = arith.constant 0 : i32
        %dma_start3A_1260 = tpu.memref_slice %arg1[%dma_start3A_1258, %add3A_1248, %dma_start3A_1259] : memref<50x4096x128xf32, #tpu.memory_space<any>> -> memref<50x32x128xf32, #tpu.memory_space<any>>
        tpu.enqueue_dma source(%dma_start3A_1260 : memref<50x32x128xf32, #tpu.memory_space<any>>) target(%dma_start3A_1257 : memref<50x32x128xf32, #tpu.memory_space<vmem>>) target_semaphore(%dma_start3A_1252 : memref<!tpu.dma_semaphore, #tpu.memory_space<semaphore_mem>>)
        %mul3A_1261 = arith.constant 128 : i32
        %mul3A_1262 = arith.muli %add3A_1228, %mul3A_1261 : i32
        %add3A_1263 = arith.constant 32 : i32
        %add3A_1264 = arith.addi %mul3A_1262, %add3A_1263 : i32
        %dma_start3A_1265 = arith.constant 1 : i32
        %dma_start3A_1266 = arith.constant 1 : i32
        %dma_start3A_1267 = tpu.memref_slice %arg11[%dma_start3A_1266] : memref<3x!tpu.dma_semaphore, #tpu.memory_space<semaphore_mem>> -> memref<1x!tpu.dma_semaphore, #tpu.memory_space<semaphore_mem>>
        %dma_start3A_1268 = tpu.memref_squeeze %dma_start3A_1267 : memref<1x!tpu.dma_semaphore, #tpu.memory_space<semaphore_mem>> -> memref<!tpu.dma_semaphore, #tpu.memory_space<semaphore_mem>>
        %dma_start3A_1269 = arith.constant 0 : i32
        %dma_start3A_1270 = arith.constant 32 : i32
        %dma_start3A_1271 = arith.constant 0 : i32
        %dma_start3A_1272 = tpu.memref_slice %arg8[%dma_start3A_1265, %dma_start3A_1269, %dma_start3A_1270, %dma_start3A_1271] : memref<3x50x128x128xf32, #tpu.memory_space<vmem>> -> memref<1x50x32x128xf32, #tpu.memory_space<vmem>>
        %dma_start3A_1273 = tpu.memref_squeeze %dma_start3A_1272 : memref<1x50x32x128xf32, #tpu.memory_space<vmem>> -> memref<50x32x128xf32, #tpu.memory_space<vmem>>
        %dma_start3A_1274 = arith.constant 0 : i32
        %dma_start3A_1275 = arith.constant 0 : i32
        %dma_start3A_1276 = tpu.memref_slice %arg0[%dma_start3A_1274, %add3A_1264, %dma_start3A_1275] : memref<50x4096x128xf32, #tpu.memory_space<any>> -> memref<50x32x128xf32, #tpu.memory_space<any>>
        tpu.enqueue_dma source(%dma_start3A_1276 : memref<50x32x128xf32, #tpu.memory_space<any>>) target(%dma_start3A_1273 : memref<50x32x128xf32, #tpu.memory_space<vmem>>) target_semaphore(%dma_start3A_1268 : memref<!tpu.dma_semaphore, #tpu.memory_space<semaphore_mem>>)
        %mul3A_1277 = arith.constant 128 : i32
        %mul3A_1278 = arith.muli %add3A_1228, %mul3A_1277 : i32
        %add3A_1279 = arith.constant 32 : i32
        %add3A_1280 = arith.addi %mul3A_1278, %add3A_1279 : i32
        %dma_start3A_1281 = arith.constant 1 : i32
        %dma_start3A_1282 = arith.constant 1 : i32
        %dma_start3A_1283 = tpu.memref_slice %arg15[%dma_start3A_1282] : memref<3x!tpu.dma_semaphore, #tpu.memory_space<semaphore_mem>> -> memref<1x!tpu.dma_semaphore, #tpu.memory_space<semaphore_mem>>
        %dma_start3A_1284 = tpu.memref_squeeze %dma_start3A_1283 : memref<1x!tpu.dma_semaphore, #tpu.memory_space<semaphore_mem>> -> memref<!tpu.dma_semaphore, #tpu.memory_space<semaphore_mem>>
        %dma_start3A_1285 = arith.constant 0 : i32
        %dma_start3A_1286 = arith.constant 32 : i32
        %dma_start3A_1287 = arith.constant 0 : i32
        %dma_start3A_1288 = tpu.memref_slice %arg9[%dma_start3A_1281, %dma_start3A_1285, %dma_start3A_1286, %dma_start3A_1287] : memref<3x50x128x128xf32, #tpu.memory_space<vmem>> -> memref<1x50x32x128xf32, #tpu.memory_space<vmem>>
        %dma_start3A_1289 = tpu.memref_squeeze %dma_start3A_1288 : memref<1x50x32x128xf32, #tpu.memory_space<vmem>> -> memref<50x32x128xf32, #tpu.memory_space<vmem>>
        %dma_start3A_1290 = arith.constant 0 : i32
        %dma_start3A_1291 = arith.constant 0 : i32
        %dma_start3A_1292 = tpu.memref_slice %arg1[%dma_start3A_1290, %add3A_1280, %dma_start3A_1291] : memref<50x4096x128xf32, #tpu.memory_space<any>> -> memref<50x32x128xf32, #tpu.memory_space<any>>
        tpu.enqueue_dma source(%dma_start3A_1292 : memref<50x32x128xf32, #tpu.memory_space<any>>) target(%dma_start3A_1289 : memref<50x32x128xf32, #tpu.memory_space<vmem>>) target_semaphore(%dma_start3A_1284 : memref<!tpu.dma_semaphore, #tpu.memory_space<semaphore_mem>>)
        %mul3A_1293 = arith.constant 128 : i32
        %mul3A_1294 = arith.muli %add3A_1228, %mul3A_1293 : i32
        %add3A_1295 = arith.constant 64 : i32
        %add3A_1296 = arith.addi %mul3A_1294, %add3A_1295 : i32
        %dma_start3A_1297 = arith.constant 1 : i32
        %dma_start3A_1298 = arith.constant 1 : i32
        %dma_start3A_1299 = tpu.memref_slice %arg12[%dma_start3A_1298] : memref<3x!tpu.dma_semaphore, #tpu.memory_space<semaphore_mem>> -> memref<1x!tpu.dma_semaphore, #tpu.memory_space<semaphore_mem>>
        %dma_start3A_1300 = tpu.memref_squeeze %dma_start3A_1299 : memref<1x!tpu.dma_semaphore, #tpu.memory_space<semaphore_mem>> -> memref<!tpu.dma_semaphore, #tpu.memory_space<semaphore_mem>>
        %dma_start3A_1301 = arith.constant 0 : i32
        %dma_start3A_1302 = arith.constant 64 : i32
        %dma_start3A_1303 = arith.constant 0 : i32
        %dma_start3A_1304 = tpu.memref_slice %arg8[%dma_start3A_1297, %dma_start3A_1301, %dma_start3A_1302, %dma_start3A_1303] : memref<3x50x128x128xf32, #tpu.memory_space<vmem>> -> memref<1x50x32x128xf32, #tpu.memory_space<vmem>>
        %dma_start3A_1305 = tpu.memref_squeeze %dma_start3A_1304 : memref<1x50x32x128xf32, #tpu.memory_space<vmem>> -> memref<50x32x128xf32, #tpu.memory_space<vmem>>
        %dma_start3A_1306 = arith.constant 0 : i32
        %dma_start3A_1307 = arith.constant 0 : i32
        %dma_start3A_1308 = tpu.memref_slice %arg0[%dma_start3A_1306, %add3A_1296, %dma_start3A_1307] : memref<50x4096x128xf32, #tpu.memory_space<any>> -> memref<50x32x128xf32, #tpu.memory_space<any>>
        tpu.enqueue_dma source(%dma_start3A_1308 : memref<50x32x128xf32, #tpu.memory_space<any>>) target(%dma_start3A_1305 : memref<50x32x128xf32, #tpu.memory_space<vmem>>) target_semaphore(%dma_start3A_1300 : memref<!tpu.dma_semaphore, #tpu.memory_space<semaphore_mem>>)
        %mul3A_1309 = arith.constant 128 : i32
        %mul3A_1310 = arith.muli %add3A_1228, %mul3A_1309 : i32
        %add3A_1311 = arith.constant 64 : i32
        %add3A_1312 = arith.addi %mul3A_1310, %add3A_1311 : i32
        %dma_start3A_1313 = arith.constant 1 : i32
        %dma_start3A_1314 = arith.constant 1 : i32
        %dma_start3A_1315 = tpu.memref_slice %arg16[%dma_start3A_1314] : memref<3x!tpu.dma_semaphore, #tpu.memory_space<semaphore_mem>> -> memref<1x!tpu.dma_semaphore, #tpu.memory_space<semaphore_mem>>
        %dma_start3A_1316 = tpu.memref_squeeze %dma_start3A_1315 : memref<1x!tpu.dma_semaphore, #tpu.memory_space<semaphore_mem>> -> memref<!tpu.dma_semaphore, #tpu.memory_space<semaphore_mem>>
        %dma_start3A_1317 = arith.constant 0 : i32
        %dma_start3A_1318 = arith.constant 64 : i32
        %dma_start3A_1319 = arith.constant 0 : i32
        %dma_start3A_1320 = tpu.memref_slice %arg9[%dma_start3A_1313, %dma_start3A_1317, %dma_start3A_1318, %dma_start3A_1319] : memref<3x50x128x128xf32, #tpu.memory_space<vmem>> -> memref<1x50x32x128xf32, #tpu.memory_space<vmem>>
        %dma_start3A_1321 = tpu.memref_squeeze %dma_start3A_1320 : memref<1x50x32x128xf32, #tpu.memory_space<vmem>> -> memref<50x32x128xf32, #tpu.memory_space<vmem>>
        %dma_start3A_1322 = arith.constant 0 : i32
        %dma_start3A_1323 = arith.constant 0 : i32
        %dma_start3A_1324 = tpu.memref_slice %arg1[%dma_start3A_1322, %add3A_1312, %dma_start3A_1323] : memref<50x4096x128xf32, #tpu.memory_space<any>> -> memref<50x32x128xf32, #tpu.memory_space<any>>
        tpu.enqueue_dma source(%dma_start3A_1324 : memref<50x32x128xf32, #tpu.memory_space<any>>) target(%dma_start3A_1321 : memref<50x32x128xf32, #tpu.memory_space<vmem>>) target_semaphore(%dma_start3A_1316 : memref<!tpu.dma_semaphore, #tpu.memory_space<semaphore_mem>>)
        %mul3A_1325 = arith.constant 128 : i32
        %mul3A_1326 = arith.muli %add3A_1228, %mul3A_1325 : i32
        %add3A_1327 = arith.constant 96 : i32
        %add3A_1328 = arith.addi %mul3A_1326, %add3A_1327 : i32
        %dma_start3A_1329 = arith.constant 1 : i32
        %dma_start3A_1330 = arith.constant 1 : i32
        %dma_start3A_1331 = tpu.memref_slice %arg13[%dma_start3A_1330] : memref<3x!tpu.dma_semaphore, #tpu.memory_space<semaphore_mem>> -> memref<1x!tpu.dma_semaphore, #tpu.memory_space<semaphore_mem>>
        %dma_start3A_1332 = tpu.memref_squeeze %dma_start3A_1331 : memref<1x!tpu.dma_semaphore, #tpu.memory_space<semaphore_mem>> -> memref<!tpu.dma_semaphore, #tpu.memory_space<semaphore_mem>>
        %dma_start3A_1333 = arith.constant 0 : i32
        %dma_start3A_1334 = arith.constant 96 : i32
        %dma_start3A_1335 = arith.constant 0 : i32
        %dma_start3A_1336 = tpu.memref_slice %arg8[%dma_start3A_1329, %dma_start3A_1333, %dma_start3A_1334, %dma_start3A_1335] : memref<3x50x128x128xf32, #tpu.memory_space<vmem>> -> memref<1x50x32x128xf32, #tpu.memory_space<vmem>>
        %dma_start3A_1337 = tpu.memref_squeeze %dma_start3A_1336 : memref<1x50x32x128xf32, #tpu.memory_space<vmem>> -> memref<50x32x128xf32, #tpu.memory_space<vmem>>
        %dma_start3A_1338 = arith.constant 0 : i32
        %dma_start3A_1339 = arith.constant 0 : i32
        %dma_start3A_1340 = tpu.memref_slice %arg0[%dma_start3A_1338, %add3A_1328, %dma_start3A_1339] : memref<50x4096x128xf32, #tpu.memory_space<any>> -> memref<50x32x128xf32, #tpu.memory_space<any>>
        tpu.enqueue_dma source(%dma_start3A_1340 : memref<50x32x128xf32, #tpu.memory_space<any>>) target(%dma_start3A_1337 : memref<50x32x128xf32, #tpu.memory_space<vmem>>) target_semaphore(%dma_start3A_1332 : memref<!tpu.dma_semaphore, #tpu.memory_space<semaphore_mem>>)
        %mul3A_1341 = arith.constant 128 : i32
        %mul3A_1342 = arith.muli %add3A_1228, %mul3A_1341 : i32
        %add3A_1343 = arith.constant 96 : i32
        %add3A_1344 = arith.addi %mul3A_1342, %add3A_1343 : i32
        %dma_start3A_1345 = arith.constant 1 : i32
        %dma_start3A_1346 = arith.constant 1 : i32
        %dma_start3A_1347 = tpu.memref_slice %arg17[%dma_start3A_1346] : memref<3x!tpu.dma_semaphore, #tpu.memory_space<semaphore_mem>> -> memref<1x!tpu.dma_semaphore, #tpu.memory_space<semaphore_mem>>
        %dma_start3A_1348 = tpu.memref_squeeze %dma_start3A_1347 : memref<1x!tpu.dma_semaphore, #tpu.memory_space<semaphore_mem>> -> memref<!tpu.dma_semaphore, #tpu.memory_space<semaphore_mem>>
        %dma_start3A_1349 = arith.constant 0 : i32
        %dma_start3A_1350 = arith.constant 96 : i32
        %dma_start3A_1351 = arith.constant 0 : i32
        %dma_start3A_1352 = tpu.memref_slice %arg9[%dma_start3A_1345, %dma_start3A_1349, %dma_start3A_1350, %dma_start3A_1351] : memref<3x50x128x128xf32, #tpu.memory_space<vmem>> -> memref<1x50x32x128xf32, #tpu.memory_space<vmem>>
        %dma_start3A_1353 = tpu.memref_squeeze %dma_start3A_1352 : memref<1x50x32x128xf32, #tpu.memory_space<vmem>> -> memref<50x32x128xf32, #tpu.memory_space<vmem>>
        %dma_start3A_1354 = arith.constant 0 : i32
        %dma_start3A_1355 = arith.constant 0 : i32
        %dma_start3A_1356 = tpu.memref_slice %arg1[%dma_start3A_1354, %add3A_1344, %dma_start3A_1355] : memref<50x4096x128xf32, #tpu.memory_space<any>> -> memref<50x32x128xf32, #tpu.memory_space<any>>
        tpu.enqueue_dma source(%dma_start3A_1356 : memref<50x32x128xf32, #tpu.memory_space<any>>) target(%dma_start3A_1353 : memref<50x32x128xf32, #tpu.memory_space<vmem>>) target_semaphore(%dma_start3A_1348 : memref<!tpu.dma_semaphore, #tpu.memory_space<semaphore_mem>>)
      } else {
      }
      %mul3A_1035 = arith.constant 3 : i32
      %mul3A_1036 = arith.muli %scan3A_651, %mul3A_1035 : i32
      %add3A_1037 = arith.constant 2 : i32
      %add3A_1038 = arith.addi %mul3A_1036, %add3A_1037 : i32
      %dma_wait3A_1039 = arith.constant 2 : i32
      %dma_wait3A_1040 = arith.constant 2 : i32
      %dma_wait3A_1041 = tpu.memref_slice %arg10[%dma_wait3A_1040] : memref<3x!tpu.dma_semaphore, #tpu.memory_space<semaphore_mem>> -> memref<1x!tpu.dma_semaphore, #tpu.memory_space<semaphore_mem>>
      %dma_wait3A_1042 = tpu.memref_squeeze %dma_wait3A_1041 : memref<1x!tpu.dma_semaphore, #tpu.memory_space<semaphore_mem>> -> memref<!tpu.dma_semaphore, #tpu.memory_space<semaphore_mem>>
      %dma_wait3A_1043 = arith.constant 0 : i32
      %dma_wait3A_1044 = arith.constant 0 : i32
      %dma_wait3A_1045 = arith.constant 0 : i32
      %dma_wait3A_1046 = tpu.memref_slice %arg8[%dma_wait3A_1039, %dma_wait3A_1043, %dma_wait3A_1044, %dma_wait3A_1045] : memref<3x50x128x128xf32, #tpu.memory_space<vmem>> -> memref<1x50x32x128xf32, #tpu.memory_space<vmem>>
      %dma_wait3A_1047 = tpu.memref_squeeze %dma_wait3A_1046 : memref<1x50x32x128xf32, #tpu.memory_space<vmem>> -> memref<50x32x128xf32, #tpu.memory_space<vmem>>
      %dma_wait3A_1048 = arith.constant 0 : i32
      %dma_wait3A_1049 = arith.constant 0 : i32
      %dma_wait3A_1050 = arith.constant 0 : i32
      %dma_wait3A_1051 = tpu.memref_slice %arg0[%dma_wait3A_1048, %dma_wait3A_1049, %dma_wait3A_1050] : memref<50x4096x128xf32, #tpu.memory_space<any>> -> memref<50x32x128xf32, #tpu.memory_space<any>>
      tpu.wait_dma2 semaphore(%dma_wait3A_1042 : memref<!tpu.dma_semaphore, #tpu.memory_space<semaphore_mem>>) src(%dma_wait3A_1051 : memref<50x32x128xf32, #tpu.memory_space<any>>) dst(%dma_wait3A_1047 : memref<50x32x128xf32, #tpu.memory_space<vmem>>)
      %dma_wait3A_1052 = arith.constant 2 : i32
      %dma_wait3A_1053 = arith.constant 2 : i32
      %dma_wait3A_1054 = tpu.memref_slice %arg14[%dma_wait3A_1053] : memref<3x!tpu.dma_semaphore, #tpu.memory_space<semaphore_mem>> -> memref<1x!tpu.dma_semaphore, #tpu.memory_space<semaphore_mem>>
      %dma_wait3A_1055 = tpu.memref_squeeze %dma_wait3A_1054 : memref<1x!tpu.dma_semaphore, #tpu.memory_space<semaphore_mem>> -> memref<!tpu.dma_semaphore, #tpu.memory_space<semaphore_mem>>
      %dma_wait3A_1056 = arith.constant 0 : i32
      %dma_wait3A_1057 = arith.constant 0 : i32
      %dma_wait3A_1058 = arith.constant 0 : i32
      %dma_wait3A_1059 = tpu.memref_slice %arg9[%dma_wait3A_1052, %dma_wait3A_1056, %dma_wait3A_1057, %dma_wait3A_1058] : memref<3x50x128x128xf32, #tpu.memory_space<vmem>> -> memref<1x50x32x128xf32, #tpu.memory_space<vmem>>
      %dma_wait3A_1060 = tpu.memref_squeeze %dma_wait3A_1059 : memref<1x50x32x128xf32, #tpu.memory_space<vmem>> -> memref<50x32x128xf32, #tpu.memory_space<vmem>>
      %dma_wait3A_1061 = arith.constant 0 : i32
      %dma_wait3A_1062 = arith.constant 0 : i32
      %dma_wait3A_1063 = arith.constant 0 : i32
      %dma_wait3A_1064 = tpu.memref_slice %arg1[%dma_wait3A_1061, %dma_wait3A_1062, %dma_wait3A_1063] : memref<50x4096x128xf32, #tpu.memory_space<any>> -> memref<50x32x128xf32, #tpu.memory_space<any>>
      tpu.wait_dma2 semaphore(%dma_wait3A_1055 : memref<!tpu.dma_semaphore, #tpu.memory_space<semaphore_mem>>) src(%dma_wait3A_1064 : memref<50x32x128xf32, #tpu.memory_space<any>>) dst(%dma_wait3A_1060 : memref<50x32x128xf32, #tpu.memory_space<vmem>>)
      %dma_wait3A_1065 = arith.constant 2 : i32
      %dma_wait3A_1066 = arith.constant 2 : i32
      %dma_wait3A_1067 = tpu.memref_slice %arg11[%dma_wait3A_1066] : memref<3x!tpu.dma_semaphore, #tpu.memory_space<semaphore_mem>> -> memref<1x!tpu.dma_semaphore, #tpu.memory_space<semaphore_mem>>
      %dma_wait3A_1068 = tpu.memref_squeeze %dma_wait3A_1067 : memref<1x!tpu.dma_semaphore, #tpu.memory_space<semaphore_mem>> -> memref<!tpu.dma_semaphore, #tpu.memory_space<semaphore_mem>>
      %dma_wait3A_1069 = arith.constant 0 : i32
      %dma_wait3A_1070 = arith.constant 32 : i32
      %dma_wait3A_1071 = arith.constant 0 : i32
      %dma_wait3A_1072 = tpu.memref_slice %arg8[%dma_wait3A_1065, %dma_wait3A_1069, %dma_wait3A_1070, %dma_wait3A_1071] : memref<3x50x128x128xf32, #tpu.memory_space<vmem>> -> memref<1x50x32x128xf32, #tpu.memory_space<vmem>>
      %dma_wait3A_1073 = tpu.memref_squeeze %dma_wait3A_1072 : memref<1x50x32x128xf32, #tpu.memory_space<vmem>> -> memref<50x32x128xf32, #tpu.memory_space<vmem>>
      %dma_wait3A_1074 = arith.constant 0 : i32
      %dma_wait3A_1075 = arith.constant 32 : i32
      %dma_wait3A_1076 = arith.constant 0 : i32
      %dma_wait3A_1077 = tpu.memref_slice %arg0[%dma_wait3A_1074, %dma_wait3A_1075, %dma_wait3A_1076] : memref<50x4096x128xf32, #tpu.memory_space<any>> -> memref<50x32x128xf32, #tpu.memory_space<any>>
      tpu.wait_dma2 semaphore(%dma_wait3A_1068 : memref<!tpu.dma_semaphore, #tpu.memory_space<semaphore_mem>>) src(%dma_wait3A_1077 : memref<50x32x128xf32, #tpu.memory_space<any>>) dst(%dma_wait3A_1073 : memref<50x32x128xf32, #tpu.memory_space<vmem>>)
      %dma_wait3A_1078 = arith.constant 2 : i32
      %dma_wait3A_1079 = arith.constant 2 : i32
      %dma_wait3A_1080 = tpu.memref_slice %arg15[%dma_wait3A_1079] : memref<3x!tpu.dma_semaphore, #tpu.memory_space<semaphore_mem>> -> memref<1x!tpu.dma_semaphore, #tpu.memory_space<semaphore_mem>>
      %dma_wait3A_1081 = tpu.memref_squeeze %dma_wait3A_1080 : memref<1x!tpu.dma_semaphore, #tpu.memory_space<semaphore_mem>> -> memref<!tpu.dma_semaphore, #tpu.memory_space<semaphore_mem>>
      %dma_wait3A_1082 = arith.constant 0 : i32
      %dma_wait3A_1083 = arith.constant 32 : i32
      %dma_wait3A_1084 = arith.constant 0 : i32
      %dma_wait3A_1085 = tpu.memref_slice %arg9[%dma_wait3A_1078, %dma_wait3A_1082, %dma_wait3A_1083, %dma_wait3A_1084] : memref<3x50x128x128xf32, #tpu.memory_space<vmem>> -> memref<1x50x32x128xf32, #tpu.memory_space<vmem>>
      %dma_wait3A_1086 = tpu.memref_squeeze %dma_wait3A_1085 : memref<1x50x32x128xf32, #tpu.memory_space<vmem>> -> memref<50x32x128xf32, #tpu.memory_space<vmem>>
      %dma_wait3A_1087 = arith.constant 0 : i32
      %dma_wait3A_1088 = arith.constant 32 : i32
      %dma_wait3A_1089 = arith.constant 0 : i32
      %dma_wait3A_1090 = tpu.memref_slice %arg1[%dma_wait3A_1087, %dma_wait3A_1088, %dma_wait3A_1089] : memref<50x4096x128xf32, #tpu.memory_space<any>> -> memref<50x32x128xf32, #tpu.memory_space<any>>
      tpu.wait_dma2 semaphore(%dma_wait3A_1081 : memref<!tpu.dma_semaphore, #tpu.memory_space<semaphore_mem>>) src(%dma_wait3A_1090 : memref<50x32x128xf32, #tpu.memory_space<any>>) dst(%dma_wait3A_1086 : memref<50x32x128xf32, #tpu.memory_space<vmem>>)
      %dma_wait3A_1091 = arith.constant 2 : i32
      %dma_wait3A_1092 = arith.constant 2 : i32
      %dma_wait3A_1093 = tpu.memref_slice %arg12[%dma_wait3A_1092] : memref<3x!tpu.dma_semaphore, #tpu.memory_space<semaphore_mem>> -> memref<1x!tpu.dma_semaphore, #tpu.memory_space<semaphore_mem>>
      %dma_wait3A_1094 = tpu.memref_squeeze %dma_wait3A_1093 : memref<1x!tpu.dma_semaphore, #tpu.memory_space<semaphore_mem>> -> memref<!tpu.dma_semaphore, #tpu.memory_space<semaphore_mem>>
      %dma_wait3A_1095 = arith.constant 0 : i32
      %dma_wait3A_1096 = arith.constant 64 : i32
      %dma_wait3A_1097 = arith.constant 0 : i32
      %dma_wait3A_1098 = tpu.memref_slice %arg8[%dma_wait3A_1091, %dma_wait3A_1095, %dma_wait3A_1096, %dma_wait3A_1097] : memref<3x50x128x128xf32, #tpu.memory_space<vmem>> -> memref<1x50x32x128xf32, #tpu.memory_space<vmem>>
      %dma_wait3A_1099 = tpu.memref_squeeze %dma_wait3A_1098 : memref<1x50x32x128xf32, #tpu.memory_space<vmem>> -> memref<50x32x128xf32, #tpu.memory_space<vmem>>
      %dma_wait3A_1100 = arith.constant 0 : i32
      %dma_wait3A_1101 = arith.constant 64 : i32
      %dma_wait3A_1102 = arith.constant 0 : i32
      %dma_wait3A_1103 = tpu.memref_slice %arg0[%dma_wait3A_1100, %dma_wait3A_1101, %dma_wait3A_1102] : memref<50x4096x128xf32, #tpu.memory_space<any>> -> memref<50x32x128xf32, #tpu.memory_space<any>>
      tpu.wait_dma2 semaphore(%dma_wait3A_1094 : memref<!tpu.dma_semaphore, #tpu.memory_space<semaphore_mem>>) src(%dma_wait3A_1103 : memref<50x32x128xf32, #tpu.memory_space<any>>) dst(%dma_wait3A_1099 : memref<50x32x128xf32, #tpu.memory_space<vmem>>)
      %dma_wait3A_1104 = arith.constant 2 : i32
      %dma_wait3A_1105 = arith.constant 2 : i32
      %dma_wait3A_1106 = tpu.memref_slice %arg16[%dma_wait3A_1105] : memref<3x!tpu.dma_semaphore, #tpu.memory_space<semaphore_mem>> -> memref<1x!tpu.dma_semaphore, #tpu.memory_space<semaphore_mem>>
      %dma_wait3A_1107 = tpu.memref_squeeze %dma_wait3A_1106 : memref<1x!tpu.dma_semaphore, #tpu.memory_space<semaphore_mem>> -> memref<!tpu.dma_semaphore, #tpu.memory_space<semaphore_mem>>
      %dma_wait3A_1108 = arith.constant 0 : i32
      %dma_wait3A_1109 = arith.constant 64 : i32
      %dma_wait3A_1110 = arith.constant 0 : i32
      %dma_wait3A_1111 = tpu.memref_slice %arg9[%dma_wait3A_1104, %dma_wait3A_1108, %dma_wait3A_1109, %dma_wait3A_1110] : memref<3x50x128x128xf32, #tpu.memory_space<vmem>> -> memref<1x50x32x128xf32, #tpu.memory_space<vmem>>
      %dma_wait3A_1112 = tpu.memref_squeeze %dma_wait3A_1111 : memref<1x50x32x128xf32, #tpu.memory_space<vmem>> -> memref<50x32x128xf32, #tpu.memory_space<vmem>>
      %dma_wait3A_1113 = arith.constant 0 : i32
      %dma_wait3A_1114 = arith.constant 64 : i32
      %dma_wait3A_1115 = arith.constant 0 : i32
      %dma_wait3A_1116 = tpu.memref_slice %arg1[%dma_wait3A_1113, %dma_wait3A_1114, %dma_wait3A_1115] : memref<50x4096x128xf32, #tpu.memory_space<any>> -> memref<50x32x128xf32, #tpu.memory_space<any>>
      tpu.wait_dma2 semaphore(%dma_wait3A_1107 : memref<!tpu.dma_semaphore, #tpu.memory_space<semaphore_mem>>) src(%dma_wait3A_1116 : memref<50x32x128xf32, #tpu.memory_space<any>>) dst(%dma_wait3A_1112 : memref<50x32x128xf32, #tpu.memory_space<vmem>>)
      %dma_wait3A_1117 = arith.constant 2 : i32
      %dma_wait3A_1118 = arith.constant 2 : i32
      %dma_wait3A_1119 = tpu.memref_slice %arg13[%dma_wait3A_1118] : memref<3x!tpu.dma_semaphore, #tpu.memory_space<semaphore_mem>> -> memref<1x!tpu.dma_semaphore, #tpu.memory_space<semaphore_mem>>
      %dma_wait3A_1120 = tpu.memref_squeeze %dma_wait3A_1119 : memref<1x!tpu.dma_semaphore, #tpu.memory_space<semaphore_mem>> -> memref<!tpu.dma_semaphore, #tpu.memory_space<semaphore_mem>>
      %dma_wait3A_1121 = arith.constant 0 : i32
      %dma_wait3A_1122 = arith.constant 96 : i32
      %dma_wait3A_1123 = arith.constant 0 : i32
      %dma_wait3A_1124 = tpu.memref_slice %arg8[%dma_wait3A_1117, %dma_wait3A_1121, %dma_wait3A_1122, %dma_wait3A_1123] : memref<3x50x128x128xf32, #tpu.memory_space<vmem>> -> memref<1x50x32x128xf32, #tpu.memory_space<vmem>>
      %dma_wait3A_1125 = tpu.memref_squeeze %dma_wait3A_1124 : memref<1x50x32x128xf32, #tpu.memory_space<vmem>> -> memref<50x32x128xf32, #tpu.memory_space<vmem>>
      %dma_wait3A_1126 = arith.constant 0 : i32
      %dma_wait3A_1127 = arith.constant 96 : i32
      %dma_wait3A_1128 = arith.constant 0 : i32
      %dma_wait3A_1129 = tpu.memref_slice %arg0[%dma_wait3A_1126, %dma_wait3A_1127, %dma_wait3A_1128] : memref<50x4096x128xf32, #tpu.memory_space<any>> -> memref<50x32x128xf32, #tpu.memory_space<any>>
      tpu.wait_dma2 semaphore(%dma_wait3A_1120 : memref<!tpu.dma_semaphore, #tpu.memory_space<semaphore_mem>>) src(%dma_wait3A_1129 : memref<50x32x128xf32, #tpu.memory_space<any>>) dst(%dma_wait3A_1125 : memref<50x32x128xf32, #tpu.memory_space<vmem>>)
      %dma_wait3A_1130 = arith.constant 2 : i32
      %dma_wait3A_1131 = arith.constant 2 : i32
      %dma_wait3A_1132 = tpu.memref_slice %arg17[%dma_wait3A_1131] : memref<3x!tpu.dma_semaphore, #tpu.memory_space<semaphore_mem>> -> memref<1x!tpu.dma_semaphore, #tpu.memory_space<semaphore_mem>>
      %dma_wait3A_1133 = tpu.memref_squeeze %dma_wait3A_1132 : memref<1x!tpu.dma_semaphore, #tpu.memory_space<semaphore_mem>> -> memref<!tpu.dma_semaphore, #tpu.memory_space<semaphore_mem>>
      %dma_wait3A_1134 = arith.constant 0 : i32
      %dma_wait3A_1135 = arith.constant 96 : i32
      %dma_wait3A_1136 = arith.constant 0 : i32
      %dma_wait3A_1137 = tpu.memref_slice %arg9[%dma_wait3A_1130, %dma_wait3A_1134, %dma_wait3A_1135, %dma_wait3A_1136] : memref<3x50x128x128xf32, #tpu.memory_space<vmem>> -> memref<1x50x32x128xf32, #tpu.memory_space<vmem>>
      %dma_wait3A_1138 = tpu.memref_squeeze %dma_wait3A_1137 : memref<1x50x32x128xf32, #tpu.memory_space<vmem>> -> memref<50x32x128xf32, #tpu.memory_space<vmem>>
      %dma_wait3A_1139 = arith.constant 0 : i32
      %dma_wait3A_1140 = arith.constant 96 : i32
      %dma_wait3A_1141 = arith.constant 0 : i32
      %dma_wait3A_1142 = tpu.memref_slice %arg1[%dma_wait3A_1139, %dma_wait3A_1140, %dma_wait3A_1141] : memref<50x4096x128xf32, #tpu.memory_space<any>> -> memref<50x32x128xf32, #tpu.memory_space<any>>
      tpu.wait_dma2 semaphore(%dma_wait3A_1133 : memref<!tpu.dma_semaphore, #tpu.memory_space<semaphore_mem>>) src(%dma_wait3A_1142 : memref<50x32x128xf32, #tpu.memory_space<any>>) dst(%dma_wait3A_1138 : memref<50x32x128xf32, #tpu.memory_space<vmem>>)
      %mul3A_1143 = arith.constant 128 : i32
      %mul3A_1144 = arith.muli %add3A_1038, %mul3A_1143 : i32
      %get3A_1145 = arith.index_cast %mul3A_1144 : i32 to index
      %get3A_1146 = arith.constant 0 : index
      %get3A_1147 = vector.load %arg2[%get3A_1145, %get3A_1146] : memref<4096x1xi32, #tpu.memory_space<vmem>>, vector<128x1xi32>
      %mul3A_1148 = arith.constant 128 : i32
      %mul3A_1149 = arith.muli %add3A_1038, %mul3A_1148 : i32
      %get3A_1150 = arith.index_cast %mul3A_1149 : i32 to index
      %get3A_1151 = arith.constant 0 : index
      %get3A_1152 = vector.load %arg3[%get3A_1150, %get3A_1151] : memref<4096x1xi32, #tpu.memory_space<vmem>>, vector<128x1xi32>
      %iota3A_1153 = tpu.iota {dimensions = array<i32: 0>} : vector<50x1x1xi32>
      %broadcast_in_dim3A_1154 = vector.shape_cast %get3A_1147 : vector<128x1xi32> to vector<1x128x1xi32>
      %lt3A_1155 = vector.broadcast %iota3A_1153 : vector<50x1x1xi32> to vector<50x128x1xi32>
      %lt3A_1156 = vector.broadcast %broadcast_in_dim3A_1154 : vector<1x128x1xi32> to vector<50x128x1xi32>
      %lt3A_1157 = arith.cmpi slt, %lt3A_1155, %lt3A_1156 : vector<50x128x1xi32>
      %convert_element_type3A_1158 = arith.extui %lt3A_1157 : vector<50x128x1xi1> to vector<50x128x1xi32>
      %convert_element_type3A_1159 = arith.sitofp %convert_element_type3A_1158 : vector<50x128x1xi32> to vector<50x128x1xf32>
      %broadcast_in_dim3A_1160 = vector.shape_cast %get3A_1152 : vector<128x1xi32> to vector<1x128x1xi32>
      %lt3A_1161 = vector.broadcast %iota3A_1153 : vector<50x1x1xi32> to vector<50x128x1xi32>
      %lt3A_1162 = vector.broadcast %broadcast_in_dim3A_1160 : vector<1x128x1xi32> to vector<50x128x1xi32>
      %lt3A_1163 = arith.cmpi slt, %lt3A_1161, %lt3A_1162 : vector<50x128x1xi32>
      %convert_element_type3A_1164 = arith.extui %lt3A_1163 : vector<50x128x1xi1> to vector<50x128x1xi32>
      %convert_element_type3A_1165 = arith.sitofp %convert_element_type3A_1164 : vector<50x128x1xi32> to vector<50x128x1xf32>
      %get3A_1166 = arith.constant 2 : index
      %get3A_1167 = arith.constant 0 : index
      %get3A_1168 = arith.constant 0 : index
      %get3A_1169 = arith.constant 0 : index
      %get3A_1170 = vector.load %arg8[%get3A_1166, %get3A_1167, %get3A_1168, %get3A_1169] : memref<3x50x128x128xf32, #tpu.memory_space<vmem>>, vector<1x50x128x128xf32>
      %get3A_1171 = vector.shape_cast %get3A_1170 : vector<1x50x128x128xf32> to vector<50x128x128xf32>
      %mul3A_1172 = vector.broadcast %convert_element_type3A_1159 : vector<50x128x1xf32> to vector<50x128x128xf32>
      %mul3A_1173 = arith.mulf %get3A_1171, %mul3A_1172 : vector<50x128x128xf32>
      %reduce_sum3A_1174 = arith.constant dense<0.000000e+00> : vector<128x128xf32>
      %reduce_sum3A_1175 = vector.multi_reduction <add>, %mul3A_1173, %reduce_sum3A_1174 [0] : vector<50x128x128xf32> to vector<128x128xf32>
      %get3A_1176 = arith.constant 2 : index
      %get3A_1177 = arith.constant 0 : index
      %get3A_1178 = arith.constant 0 : index
      %get3A_1179 = arith.constant 0 : index
      %get3A_1180 = vector.load %arg9[%get3A_1176, %get3A_1177, %get3A_1178, %get3A_1179] : memref<3x50x128x128xf32, #tpu.memory_space<vmem>>, vector<1x50x128x128xf32>
      %get3A_1181 = vector.shape_cast %get3A_1180 : vector<1x50x128x128xf32> to vector<50x128x128xf32>
      %mul3A_1182 = vector.broadcast %convert_element_type3A_1165 : vector<50x128x1xf32> to vector<50x128x128xf32>
      %mul3A_1183 = arith.mulf %get3A_1181, %mul3A_1182 : vector<50x128x128xf32>
      %reduce_sum3A_1184 = arith.constant dense<0.000000e+00> : vector<128x128xf32>
      %reduce_sum3A_1185 = vector.multi_reduction <add>, %mul3A_1183, %reduce_sum3A_1184 [0] : vector<50x128x128xf32> to vector<128x128xf32>
      %max3A_1186 = arith.constant 1 : i32
      %max3A_1187 = vector.broadcast %max3A_1186 : i32 to vector<128x1xi32>
      %max3A_1188 = arith.maxsi %get3A_1147, %max3A_1187 : vector<128x1xi32>
      %convert_element_type3A_1189 = arith.sitofp %max3A_1188 : vector<128x1xi32> to vector<128x1xf32>
      %div3A_1190 = vector.broadcast %convert_element_type3A_1189 : vector<128x1xf32> to vector<128x128xf32>
      %div3A_1191 = arith.divf %reduce_sum3A_1175, %div3A_1190 : vector<128x128xf32>
      %max3A_1192 = arith.constant 1 : i32
      %max3A_1193 = vector.broadcast %max3A_1192 : i32 to vector<128x1xi32>
      %max3A_1194 = arith.maxsi %get3A_1152, %max3A_1193 : vector<128x1xi32>
      %convert_element_type3A_1195 = arith.sitofp %max3A_1194 : vector<128x1xi32> to vector<128x1xf32>
      %div3A_1196 = vector.broadcast %convert_element_type3A_1195 : vector<128x1xf32> to vector<128x128xf32>
      %div3A_1197 = arith.divf %reduce_sum3A_1185, %div3A_1196 : vector<128x128xf32>
      %get3A_1198 = arith.constant 0 : index
      %get3A_1199 = arith.constant 0 : index
      %get3A_1200 = vector.load %arg4[%get3A_1198, %get3A_1199] : memref<128x128xf32, #tpu.memory_space<vmem>>, vector<128x128xf32>
      %dot_general3A_1201 = arith.constant dense<0.000000e+00> : vector<128x128xf32>
      %dot_general3A_1202 = tpu.matmul %div3A_1191, %get3A_1200, %dot_general3A_1201 {dimension_numbers = #tpu.dot_dimension_numbers<[1], [0], [0], [1], [0, 0, 1, 1], [], []>, transpose_lhs_hint = false} : vector<128x128xf32>, vector<128x128xf32>, vector<128x128xf32> -> vector<128x128xf32>
      %get3A_1203 = arith.constant 0 : index
      %get3A_1204 = arith.constant 0 : index
      %get3A_1205 = vector.load %arg5[%get3A_1203, %get3A_1204] : memref<128x128xf32, #tpu.memory_space<vmem>>, vector<128x128xf32>
      %dot_general3A_1206 = arith.constant dense<0.000000e+00> : vector<128x128xf32>
      %dot_general3A_1207 = tpu.matmul %div3A_1197, %get3A_1205, %dot_general3A_1206 {dimension_numbers = #tpu.dot_dimension_numbers<[1], [0], [0], [1], [0, 0, 1, 1], [], []>, transpose_lhs_hint = false} : vector<128x128xf32>, vector<128x128xf32>, vector<128x128xf32> -> vector<128x128xf32>
      %add3A_1208 = arith.addf %dot_general3A_1202, %dot_general3A_1207 : vector<128x128xf32>
      %get3A_1209 = arith.constant 0 : index
      %get3A_1210 = arith.constant 0 : index
      %get3A_1211 = vector.load %arg6[%get3A_1209, %get3A_1210] : memref<1x128xf32, #tpu.memory_space<vmem>>, vector<1x128xf32>
      %add3A_1212 = vector.broadcast %get3A_1211 : vector<1x128xf32> to vector<128x128xf32>
      %add3A_1213 = arith.addf %add3A_1208, %add3A_1212 : vector<128x128xf32>
      %tanh3A_1214 = math.tanh %add3A_1213 : vector<128x128xf32>
      %mul3A_1215 = arith.constant 128 : i32
      %mul3A_1216 = arith.muli %add3A_1038, %mul3A_1215 : i32
      %swap3A_1217 = arith.index_cast %mul3A_1216 : i32 to index
      %swap3A_1218 = arith.constant 0 : index
      %swap3A_1219 = vector.load %arg7[%swap3A_1217, %swap3A_1218] : memref<4096x128xf32, #tpu.memory_space<vmem>>, vector<128x128xf32>
      tpu.vector_store %arg7[%swap3A_1217, %swap3A_1218], %tanh3A_1214 {strides = array<i32>} : memref<4096x128xf32, #tpu.memory_space<vmem>>, vector<128x128xf32>,
      %add3A_1220 = arith.constant 3 : i32
      %add3A_1221 = arith.addi %add3A_1038, %add3A_1220 : i32
      %lt3A_1222 = arith.constant 32 : i32
      %lt3A_1223 = arith.cmpi slt, %add3A_1221, %lt3A_1222 : i32
      %convert_element_type3A_1224 = arith.extui %lt3A_1223 : i1 to i32
      %cond3A_1225 = arith.constant 0 : i32
      %cond3A_1226 = arith.cmpi ne, %convert_element_type3A_1224, %cond3A_1225 : i32
      scf.if %cond3A_1226 {
        %add3A_1227 = arith.constant 3 : i32
        %add3A_1228 = arith.addi %add3A_1038, %add3A_1227 : i32
        %mul3A_1229 = arith.constant 128 : i32
        %mul3A_1230 = arith.muli %add3A_1228, %mul3A_1229 : i32
        %add3A_1231 = arith.constant 0 : i32
        %add3A_1232 = arith.addi %mul3A_1230, %add3A_1231 : i32
        %dma_start3A_1233 = arith.constant 2 : i32
        %dma_start3A_1234 = arith.constant 2 : i32
        %dma_start3A_1235 = tpu.memref_slice %arg10[%dma_start3A_1234] : memref<3x!tpu.dma_semaphore, #tpu.memory_space<semaphore_mem>> -> memref<1x!tpu.dma_semaphore, #tpu.memory_space<semaphore_mem>>
        %dma_start3A_1236 = tpu.memref_squeeze %dma_start3A_1235 : memref<1x!tpu.dma_semaphore, #tpu.memory_space<semaphore_mem>> -> memref<!tpu.dma_semaphore, #tpu.memory_space<semaphore_mem>>
        %dma_start3A_1237 = arith.constant 0 : i32
        %dma_start3A_1238 = arith.constant 0 : i32
        %dma_start3A_1239 = arith.constant 0 : i32
        %dma_start3A_1240 = tpu.memref_slice %arg8[%dma_start3A_1233, %dma_start3A_1237, %dma_start3A_1238, %dma_start3A_1239] : memref<3x50x128x128xf32, #tpu.memory_space<vmem>> -> memref<1x50x32x128xf32, #tpu.memory_space<vmem>>
        %dma_start3A_1241 = tpu.memref_squeeze %dma_start3A_1240 : memref<1x50x32x128xf32, #tpu.memory_space<vmem>> -> memref<50x32x128xf32, #tpu.memory_space<vmem>>
        %dma_start3A_1242 = arith.constant 0 : i32
        %dma_start3A_1243 = arith.constant 0 : i32
        %dma_start3A_1244 = tpu.memref_slice %arg0[%dma_start3A_1242, %add3A_1232, %dma_start3A_1243] : memref<50x4096x128xf32, #tpu.memory_space<any>> -> memref<50x32x128xf32, #tpu.memory_space<any>>
        tpu.enqueue_dma source(%dma_start3A_1244 : memref<50x32x128xf32, #tpu.memory_space<any>>) target(%dma_start3A_1241 : memref<50x32x128xf32, #tpu.memory_space<vmem>>) target_semaphore(%dma_start3A_1236 : memref<!tpu.dma_semaphore, #tpu.memory_space<semaphore_mem>>)
        %mul3A_1245 = arith.constant 128 : i32
        %mul3A_1246 = arith.muli %add3A_1228, %mul3A_1245 : i32
        %add3A_1247 = arith.constant 0 : i32
        %add3A_1248 = arith.addi %mul3A_1246, %add3A_1247 : i32
        %dma_start3A_1249 = arith.constant 2 : i32
        %dma_start3A_1250 = arith.constant 2 : i32
        %dma_start3A_1251 = tpu.memref_slice %arg14[%dma_start3A_1250] : memref<3x!tpu.dma_semaphore, #tpu.memory_space<semaphore_mem>> -> memref<1x!tpu.dma_semaphore, #tpu.memory_space<semaphore_mem>>
        %dma_start3A_1252 = tpu.memref_squeeze %dma_start3A_1251 : memref<1x!tpu.dma_semaphore, #tpu.memory_space<semaphore_mem>> -> memref<!tpu.dma_semaphore, #tpu.memory_space<semaphore_mem>>
        %dma_start3A_1253 = arith.constant 0 : i32
        %dma_start3A_1254 = arith.constant 0 : i32
        %dma_start3A_1255 = arith.constant 0 : i32
        %dma_start3A_1256 = tpu.memref_slice %arg9[%dma_start3A_1249, %dma_start3A_1253, %dma_start3A_1254, %dma_start3A_1255] : memref<3x50x128x128xf32, #tpu.memory_space<vmem>> -> memref<1x50x32x128xf32, #tpu.memory_space<vmem>>
        %dma_start3A_1257 = tpu.memref_squeeze %dma_start3A_1256 : memref<1x50x32x128xf32, #tpu.memory_space<vmem>> -> memref<50x32x128xf32, #tpu.memory_space<vmem>>
        %dma_start3A_1258 = arith.constant 0 : i32
        %dma_start3A_1259 = arith.constant 0 : i32
        %dma_start3A_1260 = tpu.memref_slice %arg1[%dma_start3A_1258, %add3A_1248, %dma_start3A_1259] : memref<50x4096x128xf32, #tpu.memory_space<any>> -> memref<50x32x128xf32, #tpu.memory_space<any>>
        tpu.enqueue_dma source(%dma_start3A_1260 : memref<50x32x128xf32, #tpu.memory_space<any>>) target(%dma_start3A_1257 : memref<50x32x128xf32, #tpu.memory_space<vmem>>) target_semaphore(%dma_start3A_1252 : memref<!tpu.dma_semaphore, #tpu.memory_space<semaphore_mem>>)
        %mul3A_1261 = arith.constant 128 : i32
        %mul3A_1262 = arith.muli %add3A_1228, %mul3A_1261 : i32
        %add3A_1263 = arith.constant 32 : i32
        %add3A_1264 = arith.addi %mul3A_1262, %add3A_1263 : i32
        %dma_start3A_1265 = arith.constant 2 : i32
        %dma_start3A_1266 = arith.constant 2 : i32
        %dma_start3A_1267 = tpu.memref_slice %arg11[%dma_start3A_1266] : memref<3x!tpu.dma_semaphore, #tpu.memory_space<semaphore_mem>> -> memref<1x!tpu.dma_semaphore, #tpu.memory_space<semaphore_mem>>
        %dma_start3A_1268 = tpu.memref_squeeze %dma_start3A_1267 : memref<1x!tpu.dma_semaphore, #tpu.memory_space<semaphore_mem>> -> memref<!tpu.dma_semaphore, #tpu.memory_space<semaphore_mem>>
        %dma_start3A_1269 = arith.constant 0 : i32
        %dma_start3A_1270 = arith.constant 32 : i32
        %dma_start3A_1271 = arith.constant 0 : i32
        %dma_start3A_1272 = tpu.memref_slice %arg8[%dma_start3A_1265, %dma_start3A_1269, %dma_start3A_1270, %dma_start3A_1271] : memref<3x50x128x128xf32, #tpu.memory_space<vmem>> -> memref<1x50x32x128xf32, #tpu.memory_space<vmem>>
        %dma_start3A_1273 = tpu.memref_squeeze %dma_start3A_1272 : memref<1x50x32x128xf32, #tpu.memory_space<vmem>> -> memref<50x32x128xf32, #tpu.memory_space<vmem>>
        %dma_start3A_1274 = arith.constant 0 : i32
        %dma_start3A_1275 = arith.constant 0 : i32
        %dma_start3A_1276 = tpu.memref_slice %arg0[%dma_start3A_1274, %add3A_1264, %dma_start3A_1275] : memref<50x4096x128xf32, #tpu.memory_space<any>> -> memref<50x32x128xf32, #tpu.memory_space<any>>
        tpu.enqueue_dma source(%dma_start3A_1276 : memref<50x32x128xf32, #tpu.memory_space<any>>) target(%dma_start3A_1273 : memref<50x32x128xf32, #tpu.memory_space<vmem>>) target_semaphore(%dma_start3A_1268 : memref<!tpu.dma_semaphore, #tpu.memory_space<semaphore_mem>>)
        %mul3A_1277 = arith.constant 128 : i32
        %mul3A_1278 = arith.muli %add3A_1228, %mul3A_1277 : i32
        %add3A_1279 = arith.constant 32 : i32
        %add3A_1280 = arith.addi %mul3A_1278, %add3A_1279 : i32
        %dma_start3A_1281 = arith.constant 2 : i32
        %dma_start3A_1282 = arith.constant 2 : i32
        %dma_start3A_1283 = tpu.memref_slice %arg15[%dma_start3A_1282] : memref<3x!tpu.dma_semaphore, #tpu.memory_space<semaphore_mem>> -> memref<1x!tpu.dma_semaphore, #tpu.memory_space<semaphore_mem>>
        %dma_start3A_1284 = tpu.memref_squeeze %dma_start3A_1283 : memref<1x!tpu.dma_semaphore, #tpu.memory_space<semaphore_mem>> -> memref<!tpu.dma_semaphore, #tpu.memory_space<semaphore_mem>>
        %dma_start3A_1285 = arith.constant 0 : i32
        %dma_start3A_1286 = arith.constant 32 : i32
        %dma_start3A_1287 = arith.constant 0 : i32
        %dma_start3A_1288 = tpu.memref_slice %arg9[%dma_start3A_1281, %dma_start3A_1285, %dma_start3A_1286, %dma_start3A_1287] : memref<3x50x128x128xf32, #tpu.memory_space<vmem>> -> memref<1x50x32x128xf32, #tpu.memory_space<vmem>>
        %dma_start3A_1289 = tpu.memref_squeeze %dma_start3A_1288 : memref<1x50x32x128xf32, #tpu.memory_space<vmem>> -> memref<50x32x128xf32, #tpu.memory_space<vmem>>
        %dma_start3A_1290 = arith.constant 0 : i32
        %dma_start3A_1291 = arith.constant 0 : i32
        %dma_start3A_1292 = tpu.memref_slice %arg1[%dma_start3A_1290, %add3A_1280, %dma_start3A_1291] : memref<50x4096x128xf32, #tpu.memory_space<any>> -> memref<50x32x128xf32, #tpu.memory_space<any>>
        tpu.enqueue_dma source(%dma_start3A_1292 : memref<50x32x128xf32, #tpu.memory_space<any>>) target(%dma_start3A_1289 : memref<50x32x128xf32, #tpu.memory_space<vmem>>) target_semaphore(%dma_start3A_1284 : memref<!tpu.dma_semaphore, #tpu.memory_space<semaphore_mem>>)
        %mul3A_1293 = arith.constant 128 : i32
        %mul3A_1294 = arith.muli %add3A_1228, %mul3A_1293 : i32
        %add3A_1295 = arith.constant 64 : i32
        %add3A_1296 = arith.addi %mul3A_1294, %add3A_1295 : i32
        %dma_start3A_1297 = arith.constant 2 : i32
        %dma_start3A_1298 = arith.constant 2 : i32
        %dma_start3A_1299 = tpu.memref_slice %arg12[%dma_start3A_1298] : memref<3x!tpu.dma_semaphore, #tpu.memory_space<semaphore_mem>> -> memref<1x!tpu.dma_semaphore, #tpu.memory_space<semaphore_mem>>
        %dma_start3A_1300 = tpu.memref_squeeze %dma_start3A_1299 : memref<1x!tpu.dma_semaphore, #tpu.memory_space<semaphore_mem>> -> memref<!tpu.dma_semaphore, #tpu.memory_space<semaphore_mem>>
        %dma_start3A_1301 = arith.constant 0 : i32
        %dma_start3A_1302 = arith.constant 64 : i32
        %dma_start3A_1303 = arith.constant 0 : i32
        %dma_start3A_1304 = tpu.memref_slice %arg8[%dma_start3A_1297, %dma_start3A_1301, %dma_start3A_1302, %dma_start3A_1303] : memref<3x50x128x128xf32, #tpu.memory_space<vmem>> -> memref<1x50x32x128xf32, #tpu.memory_space<vmem>>
        %dma_start3A_1305 = tpu.memref_squeeze %dma_start3A_1304 : memref<1x50x32x128xf32, #tpu.memory_space<vmem>> -> memref<50x32x128xf32, #tpu.memory_space<vmem>>
        %dma_start3A_1306 = arith.constant 0 : i32
        %dma_start3A_1307 = arith.constant 0 : i32
        %dma_start3A_1308 = tpu.memref_slice %arg0[%dma_start3A_1306, %add3A_1296, %dma_start3A_1307] : memref<50x4096x128xf32, #tpu.memory_space<any>> -> memref<50x32x128xf32, #tpu.memory_space<any>>
        tpu.enqueue_dma source(%dma_start3A_1308 : memref<50x32x128xf32, #tpu.memory_space<any>>) target(%dma_start3A_1305 : memref<50x32x128xf32, #tpu.memory_space<vmem>>) target_semaphore(%dma_start3A_1300 : memref<!tpu.dma_semaphore, #tpu.memory_space<semaphore_mem>>)
        %mul3A_1309 = arith.constant 128 : i32
        %mul3A_1310 = arith.muli %add3A_1228, %mul3A_1309 : i32
        %add3A_1311 = arith.constant 64 : i32
        %add3A_1312 = arith.addi %mul3A_1310, %add3A_1311 : i32
        %dma_start3A_1313 = arith.constant 2 : i32
        %dma_start3A_1314 = arith.constant 2 : i32
        %dma_start3A_1315 = tpu.memref_slice %arg16[%dma_start3A_1314] : memref<3x!tpu.dma_semaphore, #tpu.memory_space<semaphore_mem>> -> memref<1x!tpu.dma_semaphore, #tpu.memory_space<semaphore_mem>>
        %dma_start3A_1316 = tpu.memref_squeeze %dma_start3A_1315 : memref<1x!tpu.dma_semaphore, #tpu.memory_space<semaphore_mem>> -> memref<!tpu.dma_semaphore, #tpu.memory_space<semaphore_mem>>
        %dma_start3A_1317 = arith.constant 0 : i32
        %dma_start3A_1318 = arith.constant 64 : i32
        %dma_start3A_1319 = arith.constant 0 : i32
        %dma_start3A_1320 = tpu.memref_slice %arg9[%dma_start3A_1313, %dma_start3A_1317, %dma_start3A_1318, %dma_start3A_1319] : memref<3x50x128x128xf32, #tpu.memory_space<vmem>> -> memref<1x50x32x128xf32, #tpu.memory_space<vmem>>
        %dma_start3A_1321 = tpu.memref_squeeze %dma_start3A_1320 : memref<1x50x32x128xf32, #tpu.memory_space<vmem>> -> memref<50x32x128xf32, #tpu.memory_space<vmem>>
        %dma_start3A_1322 = arith.constant 0 : i32
        %dma_start3A_1323 = arith.constant 0 : i32
        %dma_start3A_1324 = tpu.memref_slice %arg1[%dma_start3A_1322, %add3A_1312, %dma_start3A_1323] : memref<50x4096x128xf32, #tpu.memory_space<any>> -> memref<50x32x128xf32, #tpu.memory_space<any>>
        tpu.enqueue_dma source(%dma_start3A_1324 : memref<50x32x128xf32, #tpu.memory_space<any>>) target(%dma_start3A_1321 : memref<50x32x128xf32, #tpu.memory_space<vmem>>) target_semaphore(%dma_start3A_1316 : memref<!tpu.dma_semaphore, #tpu.memory_space<semaphore_mem>>)
        %mul3A_1325 = arith.constant 128 : i32
        %mul3A_1326 = arith.muli %add3A_1228, %mul3A_1325 : i32
        %add3A_1327 = arith.constant 96 : i32
        %add3A_1328 = arith.addi %mul3A_1326, %add3A_1327 : i32
        %dma_start3A_1329 = arith.constant 2 : i32
        %dma_start3A_1330 = arith.constant 2 : i32
        %dma_start3A_1331 = tpu.memref_slice %arg13[%dma_start3A_1330] : memref<3x!tpu.dma_semaphore, #tpu.memory_space<semaphore_mem>> -> memref<1x!tpu.dma_semaphore, #tpu.memory_space<semaphore_mem>>
        %dma_start3A_1332 = tpu.memref_squeeze %dma_start3A_1331 : memref<1x!tpu.dma_semaphore, #tpu.memory_space<semaphore_mem>> -> memref<!tpu.dma_semaphore, #tpu.memory_space<semaphore_mem>>
        %dma_start3A_1333 = arith.constant 0 : i32
        %dma_start3A_1334 = arith.constant 96 : i32
        %dma_start3A_1335 = arith.constant 0 : i32
        %dma_start3A_1336 = tpu.memref_slice %arg8[%dma_start3A_1329, %dma_start3A_1333, %dma_start3A_1334, %dma_start3A_1335] : memref<3x50x128x128xf32, #tpu.memory_space<vmem>> -> memref<1x50x32x128xf32, #tpu.memory_space<vmem>>
        %dma_start3A_1337 = tpu.memref_squeeze %dma_start3A_1336 : memref<1x50x32x128xf32, #tpu.memory_space<vmem>> -> memref<50x32x128xf32, #tpu.memory_space<vmem>>
        %dma_start3A_1338 = arith.constant 0 : i32
        %dma_start3A_1339 = arith.constant 0 : i32
        %dma_start3A_1340 = tpu.memref_slice %arg0[%dma_start3A_1338, %add3A_1328, %dma_start3A_1339] : memref<50x4096x128xf32, #tpu.memory_space<any>> -> memref<50x32x128xf32, #tpu.memory_space<any>>
        tpu.enqueue_dma source(%dma_start3A_1340 : memref<50x32x128xf32, #tpu.memory_space<any>>) target(%dma_start3A_1337 : memref<50x32x128xf32, #tpu.memory_space<vmem>>) target_semaphore(%dma_start3A_1332 : memref<!tpu.dma_semaphore, #tpu.memory_space<semaphore_mem>>)
        %mul3A_1341 = arith.constant 128 : i32
        %mul3A_1342 = arith.muli %add3A_1228, %mul3A_1341 : i32
        %add3A_1343 = arith.constant 96 : i32
        %add3A_1344 = arith.addi %mul3A_1342, %add3A_1343 : i32
        %dma_start3A_1345 = arith.constant 2 : i32
        %dma_start3A_1346 = arith.constant 2 : i32
        %dma_start3A_1347 = tpu.memref_slice %arg17[%dma_start3A_1346] : memref<3x!tpu.dma_semaphore, #tpu.memory_space<semaphore_mem>> -> memref<1x!tpu.dma_semaphore, #tpu.memory_space<semaphore_mem>>
        %dma_start3A_1348 = tpu.memref_squeeze %dma_start3A_1347 : memref<1x!tpu.dma_semaphore, #tpu.memory_space<semaphore_mem>> -> memref<!tpu.dma_semaphore, #tpu.memory_space<semaphore_mem>>
        %dma_start3A_1349 = arith.constant 0 : i32
        %dma_start3A_1350 = arith.constant 96 : i32
        %dma_start3A_1351 = arith.constant 0 : i32
        %dma_start3A_1352 = tpu.memref_slice %arg9[%dma_start3A_1345, %dma_start3A_1349, %dma_start3A_1350, %dma_start3A_1351] : memref<3x50x128x128xf32, #tpu.memory_space<vmem>> -> memref<1x50x32x128xf32, #tpu.memory_space<vmem>>
        %dma_start3A_1353 = tpu.memref_squeeze %dma_start3A_1352 : memref<1x50x32x128xf32, #tpu.memory_space<vmem>> -> memref<50x32x128xf32, #tpu.memory_space<vmem>>
        %dma_start3A_1354 = arith.constant 0 : i32
        %dma_start3A_1355 = arith.constant 0 : i32
        %dma_start3A_1356 = tpu.memref_slice %arg1[%dma_start3A_1354, %add3A_1344, %dma_start3A_1355] : memref<50x4096x128xf32, #tpu.memory_space<any>> -> memref<50x32x128xf32, #tpu.memory_space<any>>
        tpu.enqueue_dma source(%dma_start3A_1356 : memref<50x32x128xf32, #tpu.memory_space<any>>) target(%dma_start3A_1353 : memref<50x32x128xf32, #tpu.memory_space<vmem>>) target_semaphore(%dma_start3A_1348 : memref<!tpu.dma_semaphore, #tpu.memory_space<semaphore_mem>>)
      } else {
      }
    }
    %scan3A_314 = arith.constant 10 : i32
    %dma_wait3A = arith.constant 0 : i32
    %dma_wait3A_315 = arith.constant 0 : i32
    %dma_wait3A_316 = tpu.memref_slice %arg10[%dma_wait3A_315] : memref<3x!tpu.dma_semaphore, #tpu.memory_space<semaphore_mem>> -> memref<1x!tpu.dma_semaphore, #tpu.memory_space<semaphore_mem>>
    %dma_wait3A_317 = tpu.memref_squeeze %dma_wait3A_316 : memref<1x!tpu.dma_semaphore, #tpu.memory_space<semaphore_mem>> -> memref<!tpu.dma_semaphore, #tpu.memory_space<semaphore_mem>>
    %dma_wait3A_318 = arith.constant 0 : i32
    %dma_wait3A_319 = arith.constant 0 : i32
    %dma_wait3A_320 = arith.constant 0 : i32
    %dma_wait3A_321 = tpu.memref_slice %arg8[%dma_wait3A, %dma_wait3A_318, %dma_wait3A_319, %dma_wait3A_320] : memref<3x50x128x128xf32, #tpu.memory_space<vmem>> -> memref<1x50x32x128xf32, #tpu.memory_space<vmem>>
    %dma_wait3A_322 = tpu.memref_squeeze %dma_wait3A_321 : memref<1x50x32x128xf32, #tpu.memory_space<vmem>> -> memref<50x32x128xf32, #tpu.memory_space<vmem>>
    %dma_wait3A_323 = arith.constant 0 : i32
    %dma_wait3A_324 = arith.constant 0 : i32
    %dma_wait3A_325 = arith.constant 0 : i32
    %dma_wait3A_326 = tpu.memref_slice %arg0[%dma_wait3A_323, %dma_wait3A_324, %dma_wait3A_325] : memref<50x4096x128xf32, #tpu.memory_space<any>> -> memref<50x32x128xf32, #tpu.memory_space<any>>
    tpu.wait_dma2 semaphore(%dma_wait3A_317 : memref<!tpu.dma_semaphore, #tpu.memory_space<semaphore_mem>>) src(%dma_wait3A_326 : memref<50x32x128xf32, #tpu.memory_space<any>>) dst(%dma_wait3A_322 : memref<50x32x128xf32, #tpu.memory_space<vmem>>)
    %dma_wait3A_327 = arith.constant 0 : i32
    %dma_wait3A_328 = arith.constant 0 : i32
    %dma_wait3A_329 = tpu.memref_slice %arg14[%dma_wait3A_328] : memref<3x!tpu.dma_semaphore, #tpu.memory_space<semaphore_mem>> -> memref<1x!tpu.dma_semaphore, #tpu.memory_space<semaphore_mem>>
    %dma_wait3A_330 = tpu.memref_squeeze %dma_wait3A_329 : memref<1x!tpu.dma_semaphore, #tpu.memory_space<semaphore_mem>> -> memref<!tpu.dma_semaphore, #tpu.memory_space<semaphore_mem>>
    %dma_wait3A_331 = arith.constant 0 : i32
    %dma_wait3A_332 = arith.constant 0 : i32
    %dma_wait3A_333 = arith.constant 0 : i32
    %dma_wait3A_334 = tpu.memref_slice %arg9[%dma_wait3A_327, %dma_wait3A_331, %dma_wait3A_332, %dma_wait3A_333] : memref<3x50x128x128xf32, #tpu.memory_space<vmem>> -> memref<1x50x32x128xf32, #tpu.memory_space<vmem>>
    %dma_wait3A_335 = tpu.memref_squeeze %dma_wait3A_334 : memref<1x50x32x128xf32, #tpu.memory_space<vmem>> -> memref<50x32x128xf32, #tpu.memory_space<vmem>>
    %dma_wait3A_336 = arith.constant 0 : i32
    %dma_wait3A_337 = arith.constant 0 : i32
    %dma_wait3A_338 = arith.constant 0 : i32
    %dma_wait3A_339 = tpu.memref_slice %arg1[%dma_wait3A_336, %dma_wait3A_337, %dma_wait3A_338] : memref<50x4096x128xf32, #tpu.memory_space<any>> -> memref<50x32x128xf32, #tpu.memory_space<any>>
    tpu.wait_dma2 semaphore(%dma_wait3A_330 : memref<!tpu.dma_semaphore, #tpu.memory_space<semaphore_mem>>) src(%dma_wait3A_339 : memref<50x32x128xf32, #tpu.memory_space<any>>) dst(%dma_wait3A_335 : memref<50x32x128xf32, #tpu.memory_space<vmem>>)
    %dma_wait3A_340 = arith.constant 0 : i32
    %dma_wait3A_341 = arith.constant 0 : i32
    %dma_wait3A_342 = tpu.memref_slice %arg11[%dma_wait3A_341] : memref<3x!tpu.dma_semaphore, #tpu.memory_space<semaphore_mem>> -> memref<1x!tpu.dma_semaphore, #tpu.memory_space<semaphore_mem>>
    %dma_wait3A_343 = tpu.memref_squeeze %dma_wait3A_342 : memref<1x!tpu.dma_semaphore, #tpu.memory_space<semaphore_mem>> -> memref<!tpu.dma_semaphore, #tpu.memory_space<semaphore_mem>>
    %dma_wait3A_344 = arith.constant 0 : i32
    %dma_wait3A_345 = arith.constant 32 : i32
    %dma_wait3A_346 = arith.constant 0 : i32
    %dma_wait3A_347 = tpu.memref_slice %arg8[%dma_wait3A_340, %dma_wait3A_344, %dma_wait3A_345, %dma_wait3A_346] : memref<3x50x128x128xf32, #tpu.memory_space<vmem>> -> memref<1x50x32x128xf32, #tpu.memory_space<vmem>>
    %dma_wait3A_348 = tpu.memref_squeeze %dma_wait3A_347 : memref<1x50x32x128xf32, #tpu.memory_space<vmem>> -> memref<50x32x128xf32, #tpu.memory_space<vmem>>
    %dma_wait3A_349 = arith.constant 0 : i32
    %dma_wait3A_350 = arith.constant 32 : i32
    %dma_wait3A_351 = arith.constant 0 : i32
    %dma_wait3A_352 = tpu.memref_slice %arg0[%dma_wait3A_349, %dma_wait3A_350, %dma_wait3A_351] : memref<50x4096x128xf32, #tpu.memory_space<any>> -> memref<50x32x128xf32, #tpu.memory_space<any>>
    tpu.wait_dma2 semaphore(%dma_wait3A_343 : memref<!tpu.dma_semaphore, #tpu.memory_space<semaphore_mem>>) src(%dma_wait3A_352 : memref<50x32x128xf32, #tpu.memory_space<any>>) dst(%dma_wait3A_348 : memref<50x32x128xf32, #tpu.memory_space<vmem>>)
    %dma_wait3A_353 = arith.constant 0 : i32
    %dma_wait3A_354 = arith.constant 0 : i32
    %dma_wait3A_355 = tpu.memref_slice %arg15[%dma_wait3A_354] : memref<3x!tpu.dma_semaphore, #tpu.memory_space<semaphore_mem>> -> memref<1x!tpu.dma_semaphore, #tpu.memory_space<semaphore_mem>>
    %dma_wait3A_356 = tpu.memref_squeeze %dma_wait3A_355 : memref<1x!tpu.dma_semaphore, #tpu.memory_space<semaphore_mem>> -> memref<!tpu.dma_semaphore, #tpu.memory_space<semaphore_mem>>
    %dma_wait3A_357 = arith.constant 0 : i32
    %dma_wait3A_358 = arith.constant 32 : i32
    %dma_wait3A_359 = arith.constant 0 : i32
    %dma_wait3A_360 = tpu.memref_slice %arg9[%dma_wait3A_353, %dma_wait3A_357, %dma_wait3A_358, %dma_wait3A_359] : memref<3x50x128x128xf32, #tpu.memory_space<vmem>> -> memref<1x50x32x128xf32, #tpu.memory_space<vmem>>
    %dma_wait3A_361 = tpu.memref_squeeze %dma_wait3A_360 : memref<1x50x32x128xf32, #tpu.memory_space<vmem>> -> memref<50x32x128xf32, #tpu.memory_space<vmem>>
    %dma_wait3A_362 = arith.constant 0 : i32
    %dma_wait3A_363 = arith.constant 32 : i32
    %dma_wait3A_364 = arith.constant 0 : i32
    %dma_wait3A_365 = tpu.memref_slice %arg1[%dma_wait3A_362, %dma_wait3A_363, %dma_wait3A_364] : memref<50x4096x128xf32, #tpu.memory_space<any>> -> memref<50x32x128xf32, #tpu.memory_space<any>>
    tpu.wait_dma2 semaphore(%dma_wait3A_356 : memref<!tpu.dma_semaphore, #tpu.memory_space<semaphore_mem>>) src(%dma_wait3A_365 : memref<50x32x128xf32, #tpu.memory_space<any>>) dst(%dma_wait3A_361 : memref<50x32x128xf32, #tpu.memory_space<vmem>>)
    %dma_wait3A_366 = arith.constant 0 : i32
    %dma_wait3A_367 = arith.constant 0 : i32
    %dma_wait3A_368 = tpu.memref_slice %arg12[%dma_wait3A_367] : memref<3x!tpu.dma_semaphore, #tpu.memory_space<semaphore_mem>> -> memref<1x!tpu.dma_semaphore, #tpu.memory_space<semaphore_mem>>
    %dma_wait3A_369 = tpu.memref_squeeze %dma_wait3A_368 : memref<1x!tpu.dma_semaphore, #tpu.memory_space<semaphore_mem>> -> memref<!tpu.dma_semaphore, #tpu.memory_space<semaphore_mem>>
    %dma_wait3A_370 = arith.constant 0 : i32
    %dma_wait3A_371 = arith.constant 64 : i32
    %dma_wait3A_372 = arith.constant 0 : i32
    %dma_wait3A_373 = tpu.memref_slice %arg8[%dma_wait3A_366, %dma_wait3A_370, %dma_wait3A_371, %dma_wait3A_372] : memref<3x50x128x128xf32, #tpu.memory_space<vmem>> -> memref<1x50x32x128xf32, #tpu.memory_space<vmem>>
    %dma_wait3A_374 = tpu.memref_squeeze %dma_wait3A_373 : memref<1x50x32x128xf32, #tpu.memory_space<vmem>> -> memref<50x32x128xf32, #tpu.memory_space<vmem>>
    %dma_wait3A_375 = arith.constant 0 : i32
    %dma_wait3A_376 = arith.constant 64 : i32
    %dma_wait3A_377 = arith.constant 0 : i32
    %dma_wait3A_378 = tpu.memref_slice %arg0[%dma_wait3A_375, %dma_wait3A_376, %dma_wait3A_377] : memref<50x4096x128xf32, #tpu.memory_space<any>> -> memref<50x32x128xf32, #tpu.memory_space<any>>
    tpu.wait_dma2 semaphore(%dma_wait3A_369 : memref<!tpu.dma_semaphore, #tpu.memory_space<semaphore_mem>>) src(%dma_wait3A_378 : memref<50x32x128xf32, #tpu.memory_space<any>>) dst(%dma_wait3A_374 : memref<50x32x128xf32, #tpu.memory_space<vmem>>)
    %dma_wait3A_379 = arith.constant 0 : i32
    %dma_wait3A_380 = arith.constant 0 : i32
    %dma_wait3A_381 = tpu.memref_slice %arg16[%dma_wait3A_380] : memref<3x!tpu.dma_semaphore, #tpu.memory_space<semaphore_mem>> -> memref<1x!tpu.dma_semaphore, #tpu.memory_space<semaphore_mem>>
    %dma_wait3A_382 = tpu.memref_squeeze %dma_wait3A_381 : memref<1x!tpu.dma_semaphore, #tpu.memory_space<semaphore_mem>> -> memref<!tpu.dma_semaphore, #tpu.memory_space<semaphore_mem>>
    %dma_wait3A_383 = arith.constant 0 : i32
    %dma_wait3A_384 = arith.constant 64 : i32
    %dma_wait3A_385 = arith.constant 0 : i32
    %dma_wait3A_386 = tpu.memref_slice %arg9[%dma_wait3A_379, %dma_wait3A_383, %dma_wait3A_384, %dma_wait3A_385] : memref<3x50x128x128xf32, #tpu.memory_space<vmem>> -> memref<1x50x32x128xf32, #tpu.memory_space<vmem>>
    %dma_wait3A_387 = tpu.memref_squeeze %dma_wait3A_386 : memref<1x50x32x128xf32, #tpu.memory_space<vmem>> -> memref<50x32x128xf32, #tpu.memory_space<vmem>>
    %dma_wait3A_388 = arith.constant 0 : i32
    %dma_wait3A_389 = arith.constant 64 : i32
    %dma_wait3A_390 = arith.constant 0 : i32
    %dma_wait3A_391 = tpu.memref_slice %arg1[%dma_wait3A_388, %dma_wait3A_389, %dma_wait3A_390] : memref<50x4096x128xf32, #tpu.memory_space<any>> -> memref<50x32x128xf32, #tpu.memory_space<any>>
    tpu.wait_dma2 semaphore(%dma_wait3A_382 : memref<!tpu.dma_semaphore, #tpu.memory_space<semaphore_mem>>) src(%dma_wait3A_391 : memref<50x32x128xf32, #tpu.memory_space<any>>) dst(%dma_wait3A_387 : memref<50x32x128xf32, #tpu.memory_space<vmem>>)
    %dma_wait3A_392 = arith.constant 0 : i32
    %dma_wait3A_393 = arith.constant 0 : i32
    %dma_wait3A_394 = tpu.memref_slice %arg13[%dma_wait3A_393] : memref<3x!tpu.dma_semaphore, #tpu.memory_space<semaphore_mem>> -> memref<1x!tpu.dma_semaphore, #tpu.memory_space<semaphore_mem>>
    %dma_wait3A_395 = tpu.memref_squeeze %dma_wait3A_394 : memref<1x!tpu.dma_semaphore, #tpu.memory_space<semaphore_mem>> -> memref<!tpu.dma_semaphore, #tpu.memory_space<semaphore_mem>>
    %dma_wait3A_396 = arith.constant 0 : i32
    %dma_wait3A_397 = arith.constant 96 : i32
    %dma_wait3A_398 = arith.constant 0 : i32
    %dma_wait3A_399 = tpu.memref_slice %arg8[%dma_wait3A_392, %dma_wait3A_396, %dma_wait3A_397, %dma_wait3A_398] : memref<3x50x128x128xf32, #tpu.memory_space<vmem>> -> memref<1x50x32x128xf32, #tpu.memory_space<vmem>>
    %dma_wait3A_400 = tpu.memref_squeeze %dma_wait3A_399 : memref<1x50x32x128xf32, #tpu.memory_space<vmem>> -> memref<50x32x128xf32, #tpu.memory_space<vmem>>
    %dma_wait3A_401 = arith.constant 0 : i32
    %dma_wait3A_402 = arith.constant 96 : i32
    %dma_wait3A_403 = arith.constant 0 : i32
    %dma_wait3A_404 = tpu.memref_slice %arg0[%dma_wait3A_401, %dma_wait3A_402, %dma_wait3A_403] : memref<50x4096x128xf32, #tpu.memory_space<any>> -> memref<50x32x128xf32, #tpu.memory_space<any>>
    tpu.wait_dma2 semaphore(%dma_wait3A_395 : memref<!tpu.dma_semaphore, #tpu.memory_space<semaphore_mem>>) src(%dma_wait3A_404 : memref<50x32x128xf32, #tpu.memory_space<any>>) dst(%dma_wait3A_400 : memref<50x32x128xf32, #tpu.memory_space<vmem>>)
    %dma_wait3A_405 = arith.constant 0 : i32
    %dma_wait3A_406 = arith.constant 0 : i32
    %dma_wait3A_407 = tpu.memref_slice %arg17[%dma_wait3A_406] : memref<3x!tpu.dma_semaphore, #tpu.memory_space<semaphore_mem>> -> memref<1x!tpu.dma_semaphore, #tpu.memory_space<semaphore_mem>>
    %dma_wait3A_408 = tpu.memref_squeeze %dma_wait3A_407 : memref<1x!tpu.dma_semaphore, #tpu.memory_space<semaphore_mem>> -> memref<!tpu.dma_semaphore, #tpu.memory_space<semaphore_mem>>
    %dma_wait3A_409 = arith.constant 0 : i32
    %dma_wait3A_410 = arith.constant 96 : i32
    %dma_wait3A_411 = arith.constant 0 : i32
    %dma_wait3A_412 = tpu.memref_slice %arg9[%dma_wait3A_405, %dma_wait3A_409, %dma_wait3A_410, %dma_wait3A_411] : memref<3x50x128x128xf32, #tpu.memory_space<vmem>> -> memref<1x50x32x128xf32, #tpu.memory_space<vmem>>
    %dma_wait3A_413 = tpu.memref_squeeze %dma_wait3A_412 : memref<1x50x32x128xf32, #tpu.memory_space<vmem>> -> memref<50x32x128xf32, #tpu.memory_space<vmem>>
    %dma_wait3A_414 = arith.constant 0 : i32
    %dma_wait3A_415 = arith.constant 96 : i32
    %dma_wait3A_416 = arith.constant 0 : i32
    %dma_wait3A_417 = tpu.memref_slice %arg1[%dma_wait3A_414, %dma_wait3A_415, %dma_wait3A_416] : memref<50x4096x128xf32, #tpu.memory_space<any>> -> memref<50x32x128xf32, #tpu.memory_space<any>>
    tpu.wait_dma2 semaphore(%dma_wait3A_408 : memref<!tpu.dma_semaphore, #tpu.memory_space<semaphore_mem>>) src(%dma_wait3A_417 : memref<50x32x128xf32, #tpu.memory_space<any>>) dst(%dma_wait3A_413 : memref<50x32x128xf32, #tpu.memory_space<vmem>>)
    %get3A = arith.constant 3840 : index
    %get3A_418 = arith.constant 0 : index
    %get3A_419 = vector.load %arg2[%get3A, %get3A_418] : memref<4096x1xi32, #tpu.memory_space<vmem>>, vector<128x1xi32>
    %get3A_420 = arith.constant 3840 : index
    %get3A_421 = arith.constant 0 : index
    %get3A_422 = vector.load %arg3[%get3A_420, %get3A_421] : memref<4096x1xi32, #tpu.memory_space<vmem>>, vector<128x1xi32>
    %iota3A = tpu.iota {dimensions = array<i32: 0>} : vector<50x1x1xi32>
    %broadcast_in_dim3A = vector.shape_cast %get3A_419 : vector<128x1xi32> to vector<1x128x1xi32>
    %lt3A = vector.broadcast %iota3A : vector<50x1x1xi32> to vector<50x128x1xi32>
    %lt3A_423 = vector.broadcast %broadcast_in_dim3A : vector<1x128x1xi32> to vector<50x128x1xi32>
    %lt3A_424 = arith.cmpi slt, %lt3A, %lt3A_423 : vector<50x128x1xi32>
    %convert_element_type3A = arith.extui %lt3A_424 : vector<50x128x1xi1> to vector<50x128x1xi32>
    %convert_element_type3A_425 = arith.sitofp %convert_element_type3A : vector<50x128x1xi32> to vector<50x128x1xf32>
    %broadcast_in_dim3A_426 = vector.shape_cast %get3A_422 : vector<128x1xi32> to vector<1x128x1xi32>
    %lt3A_427 = vector.broadcast %iota3A : vector<50x1x1xi32> to vector<50x128x1xi32>
    %lt3A_428 = vector.broadcast %broadcast_in_dim3A_426 : vector<1x128x1xi32> to vector<50x128x1xi32>
    %lt3A_429 = arith.cmpi slt, %lt3A_427, %lt3A_428 : vector<50x128x1xi32>
    %convert_element_type3A_430 = arith.extui %lt3A_429 : vector<50x128x1xi1> to vector<50x128x1xi32>
    %convert_element_type3A_431 = arith.sitofp %convert_element_type3A_430 : vector<50x128x1xi32> to vector<50x128x1xf32>
    %get3A_432 = arith.constant 0 : index
    %get3A_433 = arith.constant 0 : index
    %get3A_434 = arith.constant 0 : index
    %get3A_435 = arith.constant 0 : index
    %get3A_436 = vector.load %arg8[%get3A_432, %get3A_433, %get3A_434, %get3A_435] : memref<3x50x128x128xf32, #tpu.memory_space<vmem>>, vector<1x50x128x128xf32>
    %get3A_437 = vector.shape_cast %get3A_436 : vector<1x50x128x128xf32> to vector<50x128x128xf32>
    %mul3A = vector.broadcast %convert_element_type3A_425 : vector<50x128x1xf32> to vector<50x128x128xf32>
    %mul3A_438 = arith.mulf %get3A_437, %mul3A : vector<50x128x128xf32>
    %reduce_sum3A = arith.constant dense<0.000000e+00> : vector<128x128xf32>
    %reduce_sum3A_439 = vector.multi_reduction <add>, %mul3A_438, %reduce_sum3A [0] : vector<50x128x128xf32> to vector<128x128xf32>
    %get3A_440 = arith.constant 0 : index
    %get3A_441 = arith.constant 0 : index
    %get3A_442 = arith.constant 0 : index
    %get3A_443 = arith.constant 0 : index
    %get3A_444 = vector.load %arg9[%get3A_440, %get3A_441, %get3A_442, %get3A_443] : memref<3x50x128x128xf32, #tpu.memory_space<vmem>>, vector<1x50x128x128xf32>
    %get3A_445 = vector.shape_cast %get3A_444 : vector<1x50x128x128xf32> to vector<50x128x128xf32>
    %mul3A_446 = vector.broadcast %convert_element_type3A_431 : vector<50x128x1xf32> to vector<50x128x128xf32>
    %mul3A_447 = arith.mulf %get3A_445, %mul3A_446 : vector<50x128x128xf32>
    %reduce_sum3A_448 = arith.constant dense<0.000000e+00> : vector<128x128xf32>
    %reduce_sum3A_449 = vector.multi_reduction <add>, %mul3A_447, %reduce_sum3A_448 [0] : vector<50x128x128xf32> to vector<128x128xf32>
    %max3A = arith.constant 1 : i32
    %max3A_450 = vector.broadcast %max3A : i32 to vector<128x1xi32>
    %max3A_451 = arith.maxsi %get3A_419, %max3A_450 : vector<128x1xi32>
    %convert_element_type3A_452 = arith.sitofp %max3A_451 : vector<128x1xi32> to vector<128x1xf32>
    %div3A = vector.broadcast %convert_element_type3A_452 : vector<128x1xf32> to vector<128x128xf32>
    %div3A_453 = arith.divf %reduce_sum3A_439, %div3A : vector<128x128xf32>
    %max3A_454 = arith.constant 1 : i32
    %max3A_455 = vector.broadcast %max3A_454 : i32 to vector<128x1xi32>
    %max3A_456 = arith.maxsi %get3A_422, %max3A_455 : vector<128x1xi32>
    %convert_element_type3A_457 = arith.sitofp %max3A_456 : vector<128x1xi32> to vector<128x1xf32>
    %div3A_458 = vector.broadcast %convert_element_type3A_457 : vector<128x1xf32> to vector<128x128xf32>
    %div3A_459 = arith.divf %reduce_sum3A_449, %div3A_458 : vector<128x128xf32>
    %get3A_460 = arith.constant 0 : index
    %get3A_461 = arith.constant 0 : index
    %get3A_462 = vector.load %arg4[%get3A_460, %get3A_461] : memref<128x128xf32, #tpu.memory_space<vmem>>, vector<128x128xf32>
    %dot_general3A = arith.constant dense<0.000000e+00> : vector<128x128xf32>
    %dot_general3A_463 = tpu.matmul %div3A_453, %get3A_462, %dot_general3A {dimension_numbers = #tpu.dot_dimension_numbers<[1], [0], [0], [1], [0, 0, 1, 1], [], []>, transpose_lhs_hint = false} : vector<128x128xf32>, vector<128x128xf32>, vector<128x128xf32> -> vector<128x128xf32>
    %get3A_464 = arith.constant 0 : index
    %get3A_465 = arith.constant 0 : index
    %get3A_466 = vector.load %arg5[%get3A_464, %get3A_465] : memref<128x128xf32, #tpu.memory_space<vmem>>, vector<128x128xf32>
    %dot_general3A_467 = arith.constant dense<0.000000e+00> : vector<128x128xf32>
    %dot_general3A_468 = tpu.matmul %div3A_459, %get3A_466, %dot_general3A_467 {dimension_numbers = #tpu.dot_dimension_numbers<[1], [0], [0], [1], [0, 0, 1, 1], [], []>, transpose_lhs_hint = false} : vector<128x128xf32>, vector<128x128xf32>, vector<128x128xf32> -> vector<128x128xf32>
    %add3A = arith.addf %dot_general3A_463, %dot_general3A_468 : vector<128x128xf32>
    %get3A_469 = arith.constant 0 : index
    %get3A_470 = arith.constant 0 : index
    %get3A_471 = vector.load %arg6[%get3A_469, %get3A_470] : memref<1x128xf32, #tpu.memory_space<vmem>>, vector<1x128xf32>
    %add3A_472 = vector.broadcast %get3A_471 : vector<1x128xf32> to vector<128x128xf32>
    %add3A_473 = arith.addf %add3A, %add3A_472 : vector<128x128xf32>
    %tanh3A = math.tanh %add3A_473 : vector<128x128xf32>
    %swap3A = arith.constant 3840 : index
    %swap3A_474 = arith.constant 0 : index
    %swap3A_475 = vector.load %arg7[%swap3A, %swap3A_474] : memref<4096x128xf32, #tpu.memory_space<vmem>>, vector<128x128xf32>
    tpu.vector_store %arg7[%swap3A, %swap3A_474], %tanh3A {strides = array<i32>} : memref<4096x128xf32, #tpu.memory_space<vmem>>, vector<128x128xf32>,
    %dma_wait3A_476 = arith.constant 1 : i32
    %dma_wait3A_477 = arith.constant 1 : i32
    %dma_wait3A_478 = tpu.memref_slice %arg10[%dma_wait3A_477] : memref<3x!tpu.dma_semaphore, #tpu.memory_space<semaphore_mem>> -> memref<1x!tpu.dma_semaphore, #tpu.memory_space<semaphore_mem>>
    %dma_wait3A_479 = tpu.memref_squeeze %dma_wait3A_478 : memref<1x!tpu.dma_semaphore, #tpu.memory_space<semaphore_mem>> -> memref<!tpu.dma_semaphore, #tpu.memory_space<semaphore_mem>>
    %dma_wait3A_480 = arith.constant 0 : i32
    %dma_wait3A_481 = arith.constant 0 : i32
    %dma_wait3A_482 = arith.constant 0 : i32
    %dma_wait3A_483 = tpu.memref_slice %arg8[%dma_wait3A_476, %dma_wait3A_480, %dma_wait3A_481, %dma_wait3A_482] : memref<3x50x128x128xf32, #tpu.memory_space<vmem>> -> memref<1x50x32x128xf32, #tpu.memory_space<vmem>>
    %dma_wait3A_484 = tpu.memref_squeeze %dma_wait3A_483 : memref<1x50x32x128xf32, #tpu.memory_space<vmem>> -> memref<50x32x128xf32, #tpu.memory_space<vmem>>
    %dma_wait3A_485 = arith.constant 0 : i32
    %dma_wait3A_486 = arith.constant 0 : i32
    %dma_wait3A_487 = arith.constant 0 : i32
    %dma_wait3A_488 = tpu.memref_slice %arg0[%dma_wait3A_485, %dma_wait3A_486, %dma_wait3A_487] : memref<50x4096x128xf32, #tpu.memory_space<any>> -> memref<50x32x128xf32, #tpu.memory_space<any>>
    tpu.wait_dma2 semaphore(%dma_wait3A_479 : memref<!tpu.dma_semaphore, #tpu.memory_space<semaphore_mem>>) src(%dma_wait3A_488 : memref<50x32x128xf32, #tpu.memory_space<any>>) dst(%dma_wait3A_484 : memref<50x32x128xf32, #tpu.memory_space<vmem>>)
    %dma_wait3A_489 = arith.constant 1 : i32
    %dma_wait3A_490 = arith.constant 1 : i32
    %dma_wait3A_491 = tpu.memref_slice %arg14[%dma_wait3A_490] : memref<3x!tpu.dma_semaphore, #tpu.memory_space<semaphore_mem>> -> memref<1x!tpu.dma_semaphore, #tpu.memory_space<semaphore_mem>>
    %dma_wait3A_492 = tpu.memref_squeeze %dma_wait3A_491 : memref<1x!tpu.dma_semaphore, #tpu.memory_space<semaphore_mem>> -> memref<!tpu.dma_semaphore, #tpu.memory_space<semaphore_mem>>
    %dma_wait3A_493 = arith.constant 0 : i32
    %dma_wait3A_494 = arith.constant 0 : i32
    %dma_wait3A_495 = arith.constant 0 : i32
    %dma_wait3A_496 = tpu.memref_slice %arg9[%dma_wait3A_489, %dma_wait3A_493, %dma_wait3A_494, %dma_wait3A_495] : memref<3x50x128x128xf32, #tpu.memory_space<vmem>> -> memref<1x50x32x128xf32, #tpu.memory_space<vmem>>
    %dma_wait3A_497 = tpu.memref_squeeze %dma_wait3A_496 : memref<1x50x32x128xf32, #tpu.memory_space<vmem>> -> memref<50x32x128xf32, #tpu.memory_space<vmem>>
    %dma_wait3A_498 = arith.constant 0 : i32
    %dma_wait3A_499 = arith.constant 0 : i32
    %dma_wait3A_500 = arith.constant 0 : i32
    %dma_wait3A_501 = tpu.memref_slice %arg1[%dma_wait3A_498, %dma_wait3A_499, %dma_wait3A_500] : memref<50x4096x128xf32, #tpu.memory_space<any>> -> memref<50x32x128xf32, #tpu.memory_space<any>>
    tpu.wait_dma2 semaphore(%dma_wait3A_492 : memref<!tpu.dma_semaphore, #tpu.memory_space<semaphore_mem>>) src(%dma_wait3A_501 : memref<50x32x128xf32, #tpu.memory_space<any>>) dst(%dma_wait3A_497 : memref<50x32x128xf32, #tpu.memory_space<vmem>>)
    %dma_wait3A_502 = arith.constant 1 : i32
    %dma_wait3A_503 = arith.constant 1 : i32
    %dma_wait3A_504 = tpu.memref_slice %arg11[%dma_wait3A_503] : memref<3x!tpu.dma_semaphore, #tpu.memory_space<semaphore_mem>> -> memref<1x!tpu.dma_semaphore, #tpu.memory_space<semaphore_mem>>
    %dma_wait3A_505 = tpu.memref_squeeze %dma_wait3A_504 : memref<1x!tpu.dma_semaphore, #tpu.memory_space<semaphore_mem>> -> memref<!tpu.dma_semaphore, #tpu.memory_space<semaphore_mem>>
    %dma_wait3A_506 = arith.constant 0 : i32
    %dma_wait3A_507 = arith.constant 32 : i32
    %dma_wait3A_508 = arith.constant 0 : i32
    %dma_wait3A_509 = tpu.memref_slice %arg8[%dma_wait3A_502, %dma_wait3A_506, %dma_wait3A_507, %dma_wait3A_508] : memref<3x50x128x128xf32, #tpu.memory_space<vmem>> -> memref<1x50x32x128xf32, #tpu.memory_space<vmem>>
    %dma_wait3A_510 = tpu.memref_squeeze %dma_wait3A_509 : memref<1x50x32x128xf32, #tpu.memory_space<vmem>> -> memref<50x32x128xf32, #tpu.memory_space<vmem>>
    %dma_wait3A_511 = arith.constant 0 : i32
    %dma_wait3A_512 = arith.constant 32 : i32
    %dma_wait3A_513 = arith.constant 0 : i32
    %dma_wait3A_514 = tpu.memref_slice %arg0[%dma_wait3A_511, %dma_wait3A_512, %dma_wait3A_513] : memref<50x4096x128xf32, #tpu.memory_space<any>> -> memref<50x32x128xf32, #tpu.memory_space<any>>
    tpu.wait_dma2 semaphore(%dma_wait3A_505 : memref<!tpu.dma_semaphore, #tpu.memory_space<semaphore_mem>>) src(%dma_wait3A_514 : memref<50x32x128xf32, #tpu.memory_space<any>>) dst(%dma_wait3A_510 : memref<50x32x128xf32, #tpu.memory_space<vmem>>)
    %dma_wait3A_515 = arith.constant 1 : i32
    %dma_wait3A_516 = arith.constant 1 : i32
    %dma_wait3A_517 = tpu.memref_slice %arg15[%dma_wait3A_516] : memref<3x!tpu.dma_semaphore, #tpu.memory_space<semaphore_mem>> -> memref<1x!tpu.dma_semaphore, #tpu.memory_space<semaphore_mem>>
    %dma_wait3A_518 = tpu.memref_squeeze %dma_wait3A_517 : memref<1x!tpu.dma_semaphore, #tpu.memory_space<semaphore_mem>> -> memref<!tpu.dma_semaphore, #tpu.memory_space<semaphore_mem>>
    %dma_wait3A_519 = arith.constant 0 : i32
    %dma_wait3A_520 = arith.constant 32 : i32
    %dma_wait3A_521 = arith.constant 0 : i32
    %dma_wait3A_522 = tpu.memref_slice %arg9[%dma_wait3A_515, %dma_wait3A_519, %dma_wait3A_520, %dma_wait3A_521] : memref<3x50x128x128xf32, #tpu.memory_space<vmem>> -> memref<1x50x32x128xf32, #tpu.memory_space<vmem>>
    %dma_wait3A_523 = tpu.memref_squeeze %dma_wait3A_522 : memref<1x50x32x128xf32, #tpu.memory_space<vmem>> -> memref<50x32x128xf32, #tpu.memory_space<vmem>>
    %dma_wait3A_524 = arith.constant 0 : i32
    %dma_wait3A_525 = arith.constant 32 : i32
    %dma_wait3A_526 = arith.constant 0 : i32
    %dma_wait3A_527 = tpu.memref_slice %arg1[%dma_wait3A_524, %dma_wait3A_525, %dma_wait3A_526] : memref<50x4096x128xf32, #tpu.memory_space<any>> -> memref<50x32x128xf32, #tpu.memory_space<any>>
    tpu.wait_dma2 semaphore(%dma_wait3A_518 : memref<!tpu.dma_semaphore, #tpu.memory_space<semaphore_mem>>) src(%dma_wait3A_527 : memref<50x32x128xf32, #tpu.memory_space<any>>) dst(%dma_wait3A_523 : memref<50x32x128xf32, #tpu.memory_space<vmem>>)
    %dma_wait3A_528 = arith.constant 1 : i32
    %dma_wait3A_529 = arith.constant 1 : i32
    %dma_wait3A_530 = tpu.memref_slice %arg12[%dma_wait3A_529] : memref<3x!tpu.dma_semaphore, #tpu.memory_space<semaphore_mem>> -> memref<1x!tpu.dma_semaphore, #tpu.memory_space<semaphore_mem>>
    %dma_wait3A_531 = tpu.memref_squeeze %dma_wait3A_530 : memref<1x!tpu.dma_semaphore, #tpu.memory_space<semaphore_mem>> -> memref<!tpu.dma_semaphore, #tpu.memory_space<semaphore_mem>>
    %dma_wait3A_532 = arith.constant 0 : i32
    %dma_wait3A_533 = arith.constant 64 : i32
    %dma_wait3A_534 = arith.constant 0 : i32
    %dma_wait3A_535 = tpu.memref_slice %arg8[%dma_wait3A_528, %dma_wait3A_532, %dma_wait3A_533, %dma_wait3A_534] : memref<3x50x128x128xf32, #tpu.memory_space<vmem>> -> memref<1x50x32x128xf32, #tpu.memory_space<vmem>>
    %dma_wait3A_536 = tpu.memref_squeeze %dma_wait3A_535 : memref<1x50x32x128xf32, #tpu.memory_space<vmem>> -> memref<50x32x128xf32, #tpu.memory_space<vmem>>
    %dma_wait3A_537 = arith.constant 0 : i32
    %dma_wait3A_538 = arith.constant 64 : i32
    %dma_wait3A_539 = arith.constant 0 : i32
    %dma_wait3A_540 = tpu.memref_slice %arg0[%dma_wait3A_537, %dma_wait3A_538, %dma_wait3A_539] : memref<50x4096x128xf32, #tpu.memory_space<any>> -> memref<50x32x128xf32, #tpu.memory_space<any>>
    tpu.wait_dma2 semaphore(%dma_wait3A_531 : memref<!tpu.dma_semaphore, #tpu.memory_space<semaphore_mem>>) src(%dma_wait3A_540 : memref<50x32x128xf32, #tpu.memory_space<any>>) dst(%dma_wait3A_536 : memref<50x32x128xf32, #tpu.memory_space<vmem>>)
    %dma_wait3A_541 = arith.constant 1 : i32
    %dma_wait3A_542 = arith.constant 1 : i32
    %dma_wait3A_543 = tpu.memref_slice %arg16[%dma_wait3A_542] : memref<3x!tpu.dma_semaphore, #tpu.memory_space<semaphore_mem>> -> memref<1x!tpu.dma_semaphore, #tpu.memory_space<semaphore_mem>>
    %dma_wait3A_544 = tpu.memref_squeeze %dma_wait3A_543 : memref<1x!tpu.dma_semaphore, #tpu.memory_space<semaphore_mem>> -> memref<!tpu.dma_semaphore, #tpu.memory_space<semaphore_mem>>
    %dma_wait3A_545 = arith.constant 0 : i32
    %dma_wait3A_546 = arith.constant 64 : i32
    %dma_wait3A_547 = arith.constant 0 : i32
    %dma_wait3A_548 = tpu.memref_slice %arg9[%dma_wait3A_541, %dma_wait3A_545, %dma_wait3A_546, %dma_wait3A_547] : memref<3x50x128x128xf32, #tpu.memory_space<vmem>> -> memref<1x50x32x128xf32, #tpu.memory_space<vmem>>
    %dma_wait3A_549 = tpu.memref_squeeze %dma_wait3A_548 : memref<1x50x32x128xf32, #tpu.memory_space<vmem>> -> memref<50x32x128xf32, #tpu.memory_space<vmem>>
    %dma_wait3A_550 = arith.constant 0 : i32
    %dma_wait3A_551 = arith.constant 64 : i32
    %dma_wait3A_552 = arith.constant 0 : i32
    %dma_wait3A_553 = tpu.memref_slice %arg1[%dma_wait3A_550, %dma_wait3A_551, %dma_wait3A_552] : memref<50x4096x128xf32, #tpu.memory_space<any>> -> memref<50x32x128xf32, #tpu.memory_space<any>>
    tpu.wait_dma2 semaphore(%dma_wait3A_544 : memref<!tpu.dma_semaphore, #tpu.memory_space<semaphore_mem>>) src(%dma_wait3A_553 : memref<50x32x128xf32, #tpu.memory_space<any>>) dst(%dma_wait3A_549 : memref<50x32x128xf32, #tpu.memory_space<vmem>>)
    %dma_wait3A_554 = arith.constant 1 : i32
    %dma_wait3A_555 = arith.constant 1 : i32
    %dma_wait3A_556 = tpu.memref_slice %arg13[%dma_wait3A_555] : memref<3x!tpu.dma_semaphore, #tpu.memory_space<semaphore_mem>> -> memref<1x!tpu.dma_semaphore, #tpu.memory_space<semaphore_mem>>
    %dma_wait3A_557 = tpu.memref_squeeze %dma_wait3A_556 : memref<1x!tpu.dma_semaphore, #tpu.memory_space<semaphore_mem>> -> memref<!tpu.dma_semaphore, #tpu.memory_space<semaphore_mem>>
    %dma_wait3A_558 = arith.constant 0 : i32
    %dma_wait3A_559 = arith.constant 96 : i32
    %dma_wait3A_560 = arith.constant 0 : i32
    %dma_wait3A_561 = tpu.memref_slice %arg8[%dma_wait3A_554, %dma_wait3A_558, %dma_wait3A_559, %dma_wait3A_560] : memref<3x50x128x128xf32, #tpu.memory_space<vmem>> -> memref<1x50x32x128xf32, #tpu.memory_space<vmem>>
    %dma_wait3A_562 = tpu.memref_squeeze %dma_wait3A_561 : memref<1x50x32x128xf32, #tpu.memory_space<vmem>> -> memref<50x32x128xf32, #tpu.memory_space<vmem>>
    %dma_wait3A_563 = arith.constant 0 : i32
    %dma_wait3A_564 = arith.constant 96 : i32
    %dma_wait3A_565 = arith.constant 0 : i32
    %dma_wait3A_566 = tpu.memref_slice %arg0[%dma_wait3A_563, %dma_wait3A_564, %dma_wait3A_565] : memref<50x4096x128xf32, #tpu.memory_space<any>> -> memref<50x32x128xf32, #tpu.memory_space<any>>
    tpu.wait_dma2 semaphore(%dma_wait3A_557 : memref<!tpu.dma_semaphore, #tpu.memory_space<semaphore_mem>>) src(%dma_wait3A_566 : memref<50x32x128xf32, #tpu.memory_space<any>>) dst(%dma_wait3A_562 : memref<50x32x128xf32, #tpu.memory_space<vmem>>)
    %dma_wait3A_567 = arith.constant 1 : i32
    %dma_wait3A_568 = arith.constant 1 : i32
    %dma_wait3A_569 = tpu.memref_slice %arg17[%dma_wait3A_568] : memref<3x!tpu.dma_semaphore, #tpu.memory_space<semaphore_mem>> -> memref<1x!tpu.dma_semaphore, #tpu.memory_space<semaphore_mem>>
    %dma_wait3A_570 = tpu.memref_squeeze %dma_wait3A_569 : memref<1x!tpu.dma_semaphore, #tpu.memory_space<semaphore_mem>> -> memref<!tpu.dma_semaphore, #tpu.memory_space<semaphore_mem>>
    %dma_wait3A_571 = arith.constant 0 : i32
    %dma_wait3A_572 = arith.constant 96 : i32
    %dma_wait3A_573 = arith.constant 0 : i32
    %dma_wait3A_574 = tpu.memref_slice %arg9[%dma_wait3A_567, %dma_wait3A_571, %dma_wait3A_572, %dma_wait3A_573] : memref<3x50x128x128xf32, #tpu.memory_space<vmem>> -> memref<1x50x32x128xf32, #tpu.memory_space<vmem>>
    %dma_wait3A_575 = tpu.memref_squeeze %dma_wait3A_574 : memref<1x50x32x128xf32, #tpu.memory_space<vmem>> -> memref<50x32x128xf32, #tpu.memory_space<vmem>>
    %dma_wait3A_576 = arith.constant 0 : i32
    %dma_wait3A_577 = arith.constant 96 : i32
    %dma_wait3A_578 = arith.constant 0 : i32
    %dma_wait3A_579 = tpu.memref_slice %arg1[%dma_wait3A_576, %dma_wait3A_577, %dma_wait3A_578] : memref<50x4096x128xf32, #tpu.memory_space<any>> -> memref<50x32x128xf32, #tpu.memory_space<any>>
    tpu.wait_dma2 semaphore(%dma_wait3A_570 : memref<!tpu.dma_semaphore, #tpu.memory_space<semaphore_mem>>) src(%dma_wait3A_579 : memref<50x32x128xf32, #tpu.memory_space<any>>) dst(%dma_wait3A_575 : memref<50x32x128xf32, #tpu.memory_space<vmem>>)
    %get3A_580 = arith.constant 3968 : index
    %get3A_581 = arith.constant 0 : index
    %get3A_582 = vector.load %arg2[%get3A_580, %get3A_581] : memref<4096x1xi32, #tpu.memory_space<vmem>>, vector<128x1xi32>
    %get3A_583 = arith.constant 3968 : index
    %get3A_584 = arith.constant 0 : index
    %get3A_585 = vector.load %arg3[%get3A_583, %get3A_584] : memref<4096x1xi32, #tpu.memory_space<vmem>>, vector<128x1xi32>
    %iota3A_586 = tpu.iota {dimensions = array<i32: 0>} : vector<50x1x1xi32>
    %broadcast_in_dim3A_587 = vector.shape_cast %get3A_582 : vector<128x1xi32> to vector<1x128x1xi32>
    %lt3A_588 = vector.broadcast %iota3A_586 : vector<50x1x1xi32> to vector<50x128x1xi32>
    %lt3A_589 = vector.broadcast %broadcast_in_dim3A_587 : vector<1x128x1xi32> to vector<50x128x1xi32>
    %lt3A_590 = arith.cmpi slt, %lt3A_588, %lt3A_589 : vector<50x128x1xi32>
    %convert_element_type3A_591 = arith.extui %lt3A_590 : vector<50x128x1xi1> to vector<50x128x1xi32>
    %convert_element_type3A_592 = arith.sitofp %convert_element_type3A_591 : vector<50x128x1xi32> to vector<50x128x1xf32>
    %broadcast_in_dim3A_593 = vector.shape_cast %get3A_585 : vector<128x1xi32> to vector<1x128x1xi32>
    %lt3A_594 = vector.broadcast %iota3A_586 : vector<50x1x1xi32> to vector<50x128x1xi32>
    %lt3A_595 = vector.broadcast %broadcast_in_dim3A_593 : vector<1x128x1xi32> to vector<50x128x1xi32>
    %lt3A_596 = arith.cmpi slt, %lt3A_594, %lt3A_595 : vector<50x128x1xi32>
    %convert_element_type3A_597 = arith.extui %lt3A_596 : vector<50x128x1xi1> to vector<50x128x1xi32>
    %convert_element_type3A_598 = arith.sitofp %convert_element_type3A_597 : vector<50x128x1xi32> to vector<50x128x1xf32>
    %get3A_599 = arith.constant 1 : index
    %get3A_600 = arith.constant 0 : index
    %get3A_601 = arith.constant 0 : index
    %get3A_602 = arith.constant 0 : index
    %get3A_603 = vector.load %arg8[%get3A_599, %get3A_600, %get3A_601, %get3A_602] : memref<3x50x128x128xf32, #tpu.memory_space<vmem>>, vector<1x50x128x128xf32>
    %get3A_604 = vector.shape_cast %get3A_603 : vector<1x50x128x128xf32> to vector<50x128x128xf32>
    %mul3A_605 = vector.broadcast %convert_element_type3A_592 : vector<50x128x1xf32> to vector<50x128x128xf32>
    %mul3A_606 = arith.mulf %get3A_604, %mul3A_605 : vector<50x128x128xf32>
    %reduce_sum3A_607 = arith.constant dense<0.000000e+00> : vector<128x128xf32>
    %reduce_sum3A_608 = vector.multi_reduction <add>, %mul3A_606, %reduce_sum3A_607 [0] : vector<50x128x128xf32> to vector<128x128xf32>
    %get3A_609 = arith.constant 1 : index
    %get3A_610 = arith.constant 0 : index
    %get3A_611 = arith.constant 0 : index
    %get3A_612 = arith.constant 0 : index
    %get3A_613 = vector.load %arg9[%get3A_609, %get3A_610, %get3A_611, %get3A_612] : memref<3x50x128x128xf32, #tpu.memory_space<vmem>>, vector<1x50x128x128xf32>
    %get3A_614 = vector.shape_cast %get3A_613 : vector<1x50x128x128xf32> to vector<50x128x128xf32>
    %mul3A_615 = vector.broadcast %convert_element_type3A_598 : vector<50x128x1xf32> to vector<50x128x128xf32>
    %mul3A_616 = arith.mulf %get3A_614, %mul3A_615 : vector<50x128x128xf32>
    %reduce_sum3A_617 = arith.constant dense<0.000000e+00> : vector<128x128xf32>
    %reduce_sum3A_618 = vector.multi_reduction <add>, %mul3A_616, %reduce_sum3A_617 [0] : vector<50x128x128xf32> to vector<128x128xf32>
    %max3A_619 = arith.constant 1 : i32
    %max3A_620 = vector.broadcast %max3A_619 : i32 to vector<128x1xi32>
    %max3A_621 = arith.maxsi %get3A_582, %max3A_620 : vector<128x1xi32>
    %convert_element_type3A_622 = arith.sitofp %max3A_621 : vector<128x1xi32> to vector<128x1xf32>
    %div3A_623 = vector.broadcast %convert_element_type3A_622 : vector<128x1xf32> to vector<128x128xf32>
    %div3A_624 = arith.divf %reduce_sum3A_608, %div3A_623 : vector<128x128xf32>
    %max3A_625 = arith.constant 1 : i32
    %max3A_626 = vector.broadcast %max3A_625 : i32 to vector<128x1xi32>
    %max3A_627 = arith.maxsi %get3A_585, %max3A_626 : vector<128x1xi32>
    %convert_element_type3A_628 = arith.sitofp %max3A_627 : vector<128x1xi32> to vector<128x1xf32>
    %div3A_629 = vector.broadcast %convert_element_type3A_628 : vector<128x1xf32> to vector<128x128xf32>
    %div3A_630 = arith.divf %reduce_sum3A_618, %div3A_629 : vector<128x128xf32>
    %get3A_631 = arith.constant 0 : index
    %get3A_632 = arith.constant 0 : index
    %get3A_633 = vector.load %arg4[%get3A_631, %get3A_632] : memref<128x128xf32, #tpu.memory_space<vmem>>, vector<128x128xf32>
    %dot_general3A_634 = arith.constant dense<0.000000e+00> : vector<128x128xf32>
    %dot_general3A_635 = tpu.matmul %div3A_624, %get3A_633, %dot_general3A_634 {dimension_numbers = #tpu.dot_dimension_numbers<[1], [0], [0], [1], [0, 0, 1, 1], [], []>, transpose_lhs_hint = false} : vector<128x128xf32>, vector<128x128xf32>, vector<128x128xf32> -> vector<128x128xf32>
    %get3A_636 = arith.constant 0 : index
    %get3A_637 = arith.constant 0 : index
    %get3A_638 = vector.load %arg5[%get3A_636, %get3A_637] : memref<128x128xf32, #tpu.memory_space<vmem>>, vector<128x128xf32>
    %dot_general3A_639 = arith.constant dense<0.000000e+00> : vector<128x128xf32>
    %dot_general3A_640 = tpu.matmul %div3A_630, %get3A_638, %dot_general3A_639 {dimension_numbers = #tpu.dot_dimension_numbers<[1], [0], [0], [1], [0, 0, 1, 1], [], []>, transpose_lhs_hint = false} : vector<128x128xf32>, vector<128x128xf32>, vector<128x128xf32> -> vector<128x128xf32>
    %add3A_641 = arith.addf %dot_general3A_635, %dot_general3A_640 : vector<128x128xf32>
    %get3A_642 = arith.constant 0 : index
    %get3A_643 = arith.constant 0 : index
    %get3A_644 = vector.load %arg6[%get3A_642, %get3A_643] : memref<1x128xf32, #tpu.memory_space<vmem>>, vector<1x128xf32>
    %add3A_645 = vector.broadcast %get3A_644 : vector<1x128xf32> to vector<128x128xf32>
    %add3A_646 = arith.addf %add3A_641, %add3A_645 : vector<128x128xf32>
    %tanh3A_647 = math.tanh %add3A_646 : vector<128x128xf32>
    %swap3A_648 = arith.constant 3968 : index
    %swap3A_649 = arith.constant 0 : index
    %swap3A_650 = vector.load %arg7[%swap3A_648, %swap3A_649] : memref<4096x128xf32, #tpu.memory_space<vmem>>, vector<128x128xf32>
    tpu.vector_store %arg7[%swap3A_648, %swap3A_649], %tanh3A_647 {strides = array<i32>} : memref<4096x128xf32, #tpu.memory_space<vmem>>, vector<128x128xf32>,
    return
  }
}

</mosaic_0001>

<sc_bundles>
// kernel: kernel.5.cloned.1.call-start
scs
__scs_entry_jumppad:
0x0: {  	(pc) =	sbr.rel $0x88, $3  }
0x1: {  	(tag) =	ssettag $0x0;
	lr =	simm.s32 $0x1  }
0x2: {  	[smem:$0x3F98] =	sst lr;
	_ =	strace $0xD0000000  }
0x3: {  	_ = 	snop  }
0x4: {  	_ = 	snop  }
0x5: {  	_ = 	snop  }
0x6: {  	_ = 	snop  }
0x7: {  	_ = 	snop  }
__scs_overlays_trampoline_lowered:
0x8: {  	[smem:$0x3FA7] =	sst s0  }
0x9: {  	[smem:$0x3FA8] =	sst s1  }
0xa: {  	[smem:$0x3FA9] =	sst s2  }
0xb: {  	[smem:$0x3FAA] =	sst s3  }
0xc: {  	[smem:$0x3FAB] =	sst s4  }
0xd: {  	[smem:$0x3FAC] =	sst s5  }
0xe: {  	[smem:$0x3FAD] =	sst s6  }
0xf: {  	[smem:$0x3FAE] =	sst s7  }
0x10: {  	[smem:$0x3FAF] =	sst s8  }
0x11: {  	[smem:$0x3FB0] =	sst s9;
	s0 =	simm.s32 @!p0 $0x0  }
0x12: {  	s1 =	sld [smem:$0x3F96];
	s0 =	simm.s32 @p0 $0x1  }
0x13: {  	[smem:$0x3FB1] =	sst s0;
	s0 =	simm.s32 @!p1 $0x0  }
0x14: {  	s2 =	sld [smem:$0x3F95];
	s0 =	simm.s32 @p1 $0x1  }
0x15: {  	[smem:$0x3FB2] =	sst s0;
	s0 =	simm.s32 @!p2 $0x0  }
0x16: {  	s3 =	sld [smem:$0x3FDB];
	s0 =	simm.s32 @p2 $0x1  }
0x17: {  	s4 =	simm.s32 $0x1BF5;
	[smem:$0x3FB4] =	sst s0  }
0x18: {  	s0 =	sld [smem:$0x3F97];
	_ =	swait.ge [sflag:s4], $0x0  }
0x19: {  	s7 =	sld [smem:$0x3F98]  }
0x1a: {  	s8 =	sadd.s32 $0xFFFFE003, lr  }
0x1b: {  	s9 =	sadd.s32 $0xFFFFFEF7, lr;
	s5 =	simm.s32 $0xFFFFFFFF;
	p2 =	slt.u32 s8, $0xFFFFF086  }
0x1c: {  	p1 =	slt.u32 s9, $0xF7A;
	s5 =	simm.s32 @!p2 $0x0  }
0x1d: {  	s5 =	simm.s32 @p1 $0x1;
	p0 =	seq.s32 s7, s2  }
0x1e: {  	s7 =	smul.u32 @!p0 $0xF7A, s2;
	p2 =	seq.s32 @!p0 s5, $0x0  }
0x1f: {  	s9 =	smul.u32 $0xF7A, s1;
	s8 =	simm.s32 @!p0 $0x1BF5;
	p2 =	por !p2, p0  }
0x20: {  	[sflag:s8] =	ssyncset.s32 @!p0 $0xFFFFF086;
	s6 =	sadd.s32 @!p0 s3, s7;
	s7 =	simm.s32 @!p0 $0x108  }
0x21: {  	s3 =	sadd.s32 s3, s9;
	s6 =	sadd.s32 @!p0 $0x88, s6;
	s7 =	simm.s32 @p2 $0x1082  }
0x22: {  	[simem:s7], [sflag:s8] =	dma.local @!p0 [hbm:s6], $0xF7A  }
0x23: {  	s9 =	sor.u32 $0xD0000000, s2;
	s6 =	simm.s32 $0x108;
	_ =	swait.ge @!p0 [sflag:s8], $0x0  }
0x24: {  	s3 =	sadd.s32 $0x88, s3;
	s6 =	simm.s32 @!p1 $0x1082;
	[sflag:s4] =	ssyncset.s32 $0xFFFFF086  }
0x25: {  	[simem:s6], [sflag:s4] =	dma.local [hbm:s3], $0xF7A  }
0x26: {  	[smem:$0x3F98] =	sst s1;
	(tag) =	ssettag s2;
	_ =	strace s9  }
0x27: {  	s1 =	sld [smem:$0x3FA8]  }
0x28: {  	s2 =	sld [smem:$0x3FA9]  }
0x29: {  	s4 =	sld [smem:$0x3FAB]  }
0x2a: {  	p0 =	seq.s32 s5, $0x0;
	s5 =	sld [smem:$0x3FAC]  }
0x2b: {  	s6 =	sld [smem:$0x3FAD]  }
0x2c: {  	s7 =	sld [smem:$0x3FAE]  }
0x2d: {  	s3 =	simm.s32 $0x108;
	s8 =	sld [smem:$0x3FAF]  }
0x2e: {  	s3 =	simm.s32 @!p0 $0x1082;
	s9 =	sld [smem:$0x3FB0]  }
0x2f: {  	lr =	sadd.s32 s0, s3;
	s0 =	sld [smem:$0x3FA7]  }
0x30: {  	s3 =	sld [smem:$0x3FAA]  }
0x31: {  	[smem:$0x3FB3] =	sst s10  }
0x32: {  	s10 =	sld [smem:$0x3FB1];
	_ =	sdelay $0x3  }
0x33: {  	p0 =	seq.s32 s10, $0x1;
	s10 =	sld [smem:$0x3FB3];
	_ =	sdelay $0x3  }
0x34: {  	[smem:$0x3FB3] =	sst s10  }
0x35: {  	s10 =	sld [smem:$0x3FB2];
	_ =	sdelay $0x3  }
0x36: {  	p1 =	seq.s32 s10, $0x1;
	s10 =	sld [smem:$0x3FB3];
	_ =	sdelay $0x3  }
0x37: {  	[smem:$0x3FB3] =	sst s10  }
0x38: {  	s10 =	sld [smem:$0x3FB4]  }
0x39: {  	_ = 	snop;
	(pc) =	sbr.ind lr, $3  }
0x3a: {  	_ = 	snop  }
0x3b: {  	_ = 	snop  }
0x3c: {  	p2 =	seq.s32 s10, $0x1;
	s10 =	sld [smem:$0x3FB3]  }
0x3d: {  	_ =	shalt  }
0x3e: {  	_ =	shalt  }
0x3f: {  	_ =	shalt  }
0x40: {  	_ =	shalt  }
0x41: {  	_ =	shalt  }
0x42: {  	_ =	shalt  }
0x43: {  	_ =	shalt  }
0x44: {  	_ =	shalt  }
0x45: {  	_ =	shalt  }
0x46: {  	_ =	shalt  }
0x47: {  	_ =	shalt  }
0x48: {  	_ =	shalt  }
0x49: {  	_ =	shalt  }
0x4a: {  	_ =	shalt  }
0x4b: {  	_ =	shalt  }
0x4c: {  	_ =	shalt  }
0x4d: {  	_ =	shalt  }
0x4e: {  	_ =	shalt  }
0x4f: {  	_ =	shalt  }
0x50: {  	_ =	shalt  }
0x51: {  	_ =	shalt  }
0x52: {  	_ =	shalt  }
0x53: {  	_ =	shalt  }
0x54: {  	_ =	shalt  }
0x55: {  	_ =	shalt  }
0x56: {  	_ =	shalt  }
0x57: {  	_ =	shalt  }
0x58: {  	_ =	shalt  }
0x59: {  	_ =	shalt  }
0x5a: {  	_ =	shalt  }
0x5b: {  	_ =	shalt  }
0x5c: {  	_ =	shalt  }
0x5d: {  	_ =	shalt  }
0x5e: {  	_ =	shalt  }
0x5f: {  	_ =	shalt  }
0x60: {  	_ =	shalt  }
0x61: {  	_ =	shalt  }
0x62: {  	_ =	shalt  }
0x63: {  	_ =	shalt  }
0x64: {  	_ =	shalt  }
0x65: {  	_ =	shalt  }
0x66: {  	_ =	shalt  }
0x67: {  	_ =	shalt  }
0x68: {  	_ =	shalt  }
0x69: {  	_ =	shalt  }
0x6a: {  	_ =	shalt  }
0x6b: {  	_ =	shalt  }
0x6c: {  	_ =	shalt  }
0x6d: {  	_ =	shalt  }
0x6e: {  	_ =	shalt  }
0x6f: {  	_ =	shalt  }
0x70: {  	_ =	shalt  }
0x71: {  	_ =	shalt  }
0x72: {  	_ =	shalt  }
0x73: {  	_ =	shalt  }
0x74: {  	_ =	shalt  }
0x75: {  	_ =	shalt  }
0x76: {  	_ =	shalt  }
0x77: {  	_ =	shalt  }
0x78: {  	_ =	shalt  }
0x79: {  	_ =	shalt  }
0x7a: {  	_ =	shalt  }
0x7b: {  	_ =	shalt  }
0x7c: {  	_ =	shalt  }
0x7d: {  	_ =	shalt  }
0x7e: {  	_ =	shalt  }
0x7f: {  	_ =	shalt  }
0x80: {  	_ =	shalt  }
0x81: {  	_ =	shalt  }
0x82: {  	_ =	shalt  }
0x83: {  	_ =	shalt  }
0x84: {  	_ =	shalt  }
0x85: {  	_ =	shalt  }
0x86: {  	_ =	shalt  }
0x87: {  	_ =	shalt  }
.Lfunc_end0:
.L_simem_size_0:
called_computation_lowered:
.L_overlay_start_0:
0x88: {  	s2 =	sld [smem:$0x3FD9]  }
0x89: {  	s3 =	sld [smem:$0x3FFE];
	_ =	sdelay $0x1  }
0x8a: {  	s1 =	srdreg.scid  }
0x8b: {  	s0 =	sand.u32 $0x1, s1  }
0x8c: {  	s17 =	sshll.u32 s0, $0xA;
	s2 =	sadd.s32 s3, s2  }
0x8d: {  	s2 =	sadd.s32 s2, s17  }
0x8e: {  	[smem:$0x3FBF] =	sst s2  }
0x8f: {  	_ = 	snop  }
0x90: {  	s2 =	sld [smem:$0x3FC4]  }
0x91: {  	s18 =	sld [smem:$0x3FD0];
	(tm) =	ssettm $0x1  }
0x92: {  	s4 =	sld [smem:$0x3FFB];
	_ =	sdelay $0x3  }
0x93: {  	_ =	strace s4  }
0x94: {  	s4 =	sld [smem:$0x3FFC];
	_ =	sdelay $0x3  }
0x95: {  	_ =	strace s4  }
0x96: {  	s4 =	sld [smem:$0x3FFD];
	_ =	sdelay $0x3  }
0x97: {  	_ =	strace s4  }
0x98: {  	_ =	strace $0x8FFFFFFF  }
0x99: {  	s19 =	sld [smem:$0x3FDB];
	_ =	sdelay $0x1  }
0x9a: {  	s5 =	simm.s32 $_scs_section_size  }
0x9b: {  	s6 =	simm.s32 $_size__tile_overlayer_lowered;
	s7 =	simm.s32 $_tile_overlayer_lowered  }
0x9c: {  	s22 =	simm.s32 $0x1BFF;
	s21 =	sshll.u32 s7, $0x1;
	s4 =	sadd.s32 s5, s19  }
0x9d: {  	s8 =	simm.s32 $0x0;
	s20 =	sshll.u32 s6, $0x1;
	s6 =	sadd.s32 s21, s4  }
0x9e: {  	[timem:s8], [sflag:s22] =	dma.local [hbm:s6], s20  }
0x9f: {  	_ =	swait.ge [sflag:s22], s20  }
0xa0: {  	s5 =	ssub.s32 $0x0, s20;
	[sflag:s22] =	ssyncset.done $0x0  }
0xa1: {  	[sflag:s22] =	ssyncadd.s32 s5;
	_ =	sdelay $0x1  }
0xa2: {  	s23 =	simm.s32 $0x1B8B  }
0xa3: {  	_ =	swait.ge [sflag:s23], $0x1  }
0xa4: {  	[sflag:s23] =	ssyncset.done $0x0  }
0xa5: {  	s25 =	simm.s32 $0x1B8E;
	s24 =	sld [smem:$0x3FFE];
	[sflag:s23] =	ssyncadd.s32 $0xFFFFFFFF  }
0xa6: {  	s26 =	simm.s32 $execute0_lowered;
	[smem:$0x3FD2] =	sst s25  }
0xa7: {  	s6 =	sshll.u32 s26, $0x1;
	_ =	strace $0x80000046;
	[dreg:$0x1] =	wrdreg $0xFFFFFFFF  }
0xa8: {  	s28 =	simm.s32 $_size_execute0_lowered;
	s4 =	sadd.s32 s4, s6;
	[dreg:$0x0] =	wrdreg $0x0  }
0xa9: {  	s6 =	sshll.u32 s28, $0x1;
	[dreg:$0x2] =	wrdreg s4  }
0xaa: {  	[dreg:$0x3] =	wrdreg s6  }
0xab: {  	[dreg:$0x4] =	wrdreg $0xC0  }
0xac: {  	_ =	task [dreg:s8], $0x5FFFF  }
0xad: {  	[dreg:$0x1] =	wrdreg $0xFFFFFFFF  }
0xae: {  	[dreg:$0x0] =	wrdreg $0x60  }
0xaf: {  	[dreg:$0x2] =	wrdreg s2  }
0xb0: {  	[dreg:$0x3] =	wrdreg s18  }
0xb1: {  	[dreg:$0x4] =	wrdreg s24  }
0xb2: {  	[dreg:$0x5] =	wrdreg $0x9  }
0xb3: {  	_ =	task.clear_ibuf [dreg:s8], $0x6FFFF;
	_ =	strace $0x90000046  }
0xb4: {  	s29 =	simm.s32 $0x9;
	_ =	strace $0x80000048  }
0xb5: {  	_ =	swait.ge [sflag:s29], $0x1  }
0xb6: {  	[sflag:s29] =	ssyncadd.s32 $0xFFFFFFFF  }
0xb7: {  	_ =	strace $0x90000048  }
0xb8: {  	_ =	sfence  }
0xb9: {  	s30 =	sld [smem:$0x0];
	_ =	sdelay $0x2  }
0xba: {  	s31 =	sshll.u32 s1, $0xD;
	s1 =	sshrl.u32 s1, $0x2  }
0xbb: {  	s3 =	sand.u32 $0x4000, s31;
	s1 =	sadd.s32 s1, s30  }
0xbc: {  	s0 =	sor.u32 s3, s0;
	s1 =	sshll.u32 s1, $0x11  }
0xbd: {  	s0 =	sor.u32 s1, s0  }
0xbe: {  	s0 =	sadd.s32 $0x8F2B, s0  }
0xbf: {  	[sflag:s0] =	ssyncadd.remote.s32 $0x1  }
0xc0: {  	_ =	sfence.sel $0xFFFF  }
0xc1: {  	[dreg:$0x0] =	wrdreg $0xFFFFFFFF;
	(pc) =	sbr.abs _section_cstart, $3  }
0xc2: {  	[dreg:$0x1] =	wrdreg $0xFFFFFFFF  }
0xc3: {  	_ =	task.clear_ibuf [dreg:s8], $0x2FFFF;
	_ =	strace $0x9FFFFFFF  }
0xc4: {  	(tm) =	ssettm $0x7FFFFFFF  }
0xc5: {  	_ =	shalt  }
tec
execute0_lowered:
.L_overlay_start_1:
0x0: {  	(tag) =	ssettag $0x1  }
0x1: {  	s0 =	srdreg.scid;
	s2 =	stileid.u32  }
0x2: {  	s3 =	rddreg [dreg:$0x0];
	s0 =	sand.u32 $0x1, s0;
	s2 =	sshll.u32 s2, $0x1  }
0x3: {  	s4 =	rddreg [dreg:$0x2];
	s5 =	sor.u32 s0, s2  }
0x4: {  	s1 =	rddreg [dreg:$0x1];
	s4 =	sadd.s32 $0xE00, s4;
	s6 =	smul.u32 $0x180, s5  }
0x5: {  	s2 =	simm.s32 $0x0;
	s0 =	ssub.s32 $0x2, s0;
	s7 =	smul.u32 $0xA000, s5  }
0x6: {  	[smem:$0x7FF] =	sst s2;
	s5 =	smul.u32 $0x50000, s5;
	s25 =	sshrl.u32 s0, $0x1  }
0x7: {  	_ =	strace $0x80000047;
	s1 =	sadd.s32 s1, s6;
	s24 =	sadd.s32 s4, s7  }
0x8: {  	s0 =	ssub.s32 s0, s25;
	[dreg:$0x4] =	wrdreg s1;
	s8 =	sadd.s32 $0x800, s24  }
0x9: {  	s5 =	sshrl.u32 s5, $0x3;
	s9 =	sadd.s32 $0x1000, s24;
	[dreg:$0x5] =	wrdreg s8  }
0xa: {  	s0 =	smax.u32 s0, $0x1;
	s10 =	sadd.s32 $0x1800, s24;
	[dreg:$0x6] =	wrdreg s9  }
0xb: {  	s4 =	sadd.s32 s4, s5;
	p1 =	sne.s32 s0, $0x1;
	[dreg:$0x7] =	wrdreg s10  }
0xc: {  	s1 =	sadd.s32 $0xFFFFFFFF, s0;
	s11 =	sadd.s32 $0x2000, s4;
	s0 =	rddreg [dreg:$0x4]  }
0xd: {  	s12 =	sadd.s32 $0x2800, s4;
	[dreg:$0x8] =	wrdreg s11  }
0xe: {  	s13 =	sadd.s32 $0x3000, s4;
	[dreg:$0x9] =	wrdreg s12  }
0xf: {  	s31 =	simm.s32 $0x100;
	s14 =	sadd.s32 $0x3800, s4;
	[dreg:$0xa] =	wrdreg s13  }
0x10: {  	s30 =	simm.s32 $0x180;
	s15 =	sadd.s32 $0x4000, s4;
	[dreg:$0xb] =	wrdreg s14  }
0x11: {  	s29 =	simm.s32 $0x200;
	s16 =	sadd.s32 $0x4800, s4;
	[dreg:$0xc] =	wrdreg s15  }
0x12: {  	s28 =	simm.s32 $0x280;
	s17 =	sadd.s32 $0x5000, s4;
	[dreg:$0xd] =	wrdreg s16  }
0x13: {  	p0 =	por $0x0, $0x0;
	s18 =	sadd.s32 $0x5800, s4;
	[dreg:$0xe] =	wrdreg s17  }
0x14: {  	s25 =	simm.s32 $0x380;
	s19 =	sadd.s32 $0x6000, s4;
	[dreg:$0xf] =	wrdreg s18  }
0x15: {  	s6 =	simm.s32 $0x4C00;
	s20 =	sadd.s32 $0x6800, s4;
	[dreg:$0x10] =	wrdreg s19  }
0x16: {  	s21 =	sadd.s32 $0x7000, s4;
	s22 =	sadd.s32 $0x7800, s4;
	[dreg:$0x11] =	wrdreg s20  }
0x17: {  	s23 =	sadd.s32 $0x8000, s4;
	s26 =	sadd.s32 $0x8800, s4;
	[dreg:$0x12] =	wrdreg s21  }
0x18: {  	s7 =	sadd.s32 $0x9000, s4;
	s5 =	sadd.s32 $0x9800, s4;
	[dreg:$0x13] =	wrdreg s22  }
0x19: {  	s4 =	simm.s32 $0x3;
	s10 =	simm.s32 $0x80;
	[dreg:$0x14] =	wrdreg s23  }
0x1a: {  	s9 =	simm.s32 $0xC00;
	s8 =	simm.s32 $0x2;
	[dreg:$0x15] =	wrdreg s26  }
.Ltmp0:
0x1b: {  	s11 =	simm.s32 $0x1;
	s26 =	simm.s32 $0x300;
	(pc) =	sbr.rel @!p1 .LBB2_3-.Ltmp0, $4  }
0x1c: {  	s23 =	simm.s32 $0x400;
	s22 =	simm.s32 $0x480;
	s21 =	simm.s32 $0x500  }
0x1d: {  	s20 =	simm.s32 $0x580;
	s19 =	simm.s32 $0x600;
	s18 =	simm.s32 $0x680  }
0x1e: {  	s17 =	simm.s32 $0x700;
	s16 =	simm.s32 $0x780;
	s15 =	simm.s32 $0x800  }
0x1f: {  	s14 =	simm.s32 $0x880;
	s13 =	simm.s32 $0x900;
	s12 =	simm.s32 $0x980  }
0x20: {  	[tilespmem:s2], [sflag:$0x3] =	stream.linear.gather [hbm4b:s0+s2], $0xA00, $0x38;
	[tilespmem:$0x8C00] =	vst v63  }
0x21: {  	_ =	swait.ge [sflag:s4], $0xA00  }
0x22: {  	[sflag:s4] =	ssyncset.done $0x0  }
0x23: {  	[sflag:s4] =	ssyncadd.s32 $0xFFFFF600  }
0x24: {  	[tilespmem:s9], [sflag:$0x1] =	stream.indirect.gather [hbm4b:s3+s10], $0x80, s2, s10, $0xb8;
	[tilespmem:$0x8C00] =	vst v63  }
0x25: {  	_ = 	snop  }
0x26: {  	[tilespmem:s6], [sflag:$0x2] =	stream.indirect.gather [hbm4b:s3+s10], $0x80, s10, s10, $0xb8;
	[tilespmem:$0x8C00] =	vst v63  }
0x27: {  	_ =	swait.ge [sflag:s11], $0x4000  }
0x28: {  	[sflag:s11] =	ssyncset.done $0x0  }
0x29: {  	[sflag:s11] =	ssyncadd.s32 $0xFFFFC000  }
0x2a: {  	[hbm4b:s24+s2] =	stream.linear.scatter [tilespmem:s9], [sflag:$0x3], $0x4000, $0x38;
	[tilespmem:$0x8C00] =	vst v63  }
0x2b: {  	_ =	swait.ge [sflag:s4], $0x4000  }
0x2c: {  	[sflag:s4] =	ssyncset.done $0x0  }
0x2d: {  	[sflag:s4] =	ssyncadd.s32 $0xFFFFC000  }
0x2e: {  	[tilespmem:s9], [sflag:$0x1] =	stream.indirect.gather [hbm4b:s3+s10], $0x80, s31, s10, $0xb8;
	[tilespmem:$0x8C00] =	vst v63  }
0x2f: {  	_ =	swait.ge [sflag:s8], $0x4000  }
0x30: {  	[sflag:s8] =	ssyncset.done $0x0  }
0x31: {  	s0 =	rddreg [dreg:$0x5];
	[sflag:s8] =	ssyncadd.s32 $0xFFFFC000  }
0x32: {  	[hbm4b:s0+s2] =	stream.linear.scatter [tilespmem:s6], [sflag:$0x3], $0x4000, $0x38;
	[tilespmem:$0x8C00] =	vst v63  }
0x33: {  	_ =	swait.ge [sflag:s4], $0x4000  }
0x34: {  	[sflag:s4] =	ssyncset.done $0x0  }
0x35: {  	[sflag:s4] =	ssyncadd.s32 $0xFFFFC000  }
0x36: {  	[tilespmem:s6], [sflag:$0x2] =	stream.indirect.gather [hbm4b:s3+s10], $0x80, s30, s10, $0xb8;
	[tilespmem:$0x8C00] =	vst v63  }
0x37: {  	_ =	swait.ge [sflag:s11], $0x4000  }
0x38: {  	[sflag:s11] =	ssyncset.done $0x0  }
0x39: {  	s0 =	rddreg [dreg:$0x6];
	[sflag:s11] =	ssyncadd.s32 $0xFFFFC000  }
0x3a: {  	[hbm4b:s0+s2] =	stream.linear.scatter [tilespmem:s9], [sflag:$0x3], $0x4000, $0x38;
	[tilespmem:$0x8C00] =	vst v63  }
0x3b: {  	_ =	swait.ge [sflag:s4], $0x4000  }
0x3c: {  	[sflag:s4] =	ssyncset.done $0x0  }
0x3d: {  	[sflag:s4] =	ssyncadd.s32 $0xFFFFC000  }
0x3e: {  	[tilespmem:s9], [sflag:$0x1] =	stream.indirect.gather [hbm4b:s3+s10], $0x80, s29, s10, $0xb8;
	[tilespmem:$0x8C00] =	vst v63  }
0x3f: {  	_ =	swait.ge [sflag:s8], $0x4000  }
0x40: {  	[sflag:s8] =	ssyncset.done $0x0  }
0x41: {  	s0 =	rddreg [dreg:$0x7];
	[sflag:s8] =	ssyncadd.s32 $0xFFFFC000  }
0x42: {  	[hbm4b:s0+s2] =	stream.linear.scatter [tilespmem:s6], [sflag:$0x3], $0x4000, $0x38;
	[tilespmem:$0x8C00] =	vst v63  }
0x43: {  	_ =	swait.ge [sflag:s4], $0x4000  }
0x44: {  	[sflag:s4] =	ssyncset.done $0x0  }
0x45: {  	[sflag:s4] =	ssyncadd.s32 $0xFFFFC000  }
0x46: {  	[tilespmem:s6], [sflag:$0x2] =	stream.indirect.gather [hbm4b:s3+s10], $0x80, s28, s10, $0xb8;
	[tilespmem:$0x8C00] =	vst v63  }
0x47: {  	_ =	swait.ge [sflag:s11], $0x4000  }
0x48: {  	[sflag:s11] =	ssyncset.done $0x0  }
0x49: {  	s0 =	rddreg [dreg:$0x8];
	[sflag:s11] =	ssyncadd.s32 $0xFFFFC000  }
0x4a: {  	[hbm4b:s0+s2] =	stream.linear.scatter [tilespmem:s9], [sflag:$0x3], $0x4000, $0x38;
	[tilespmem:$0x8C00] =	vst v63  }
0x4b: {  	_ =	swait.ge [sflag:s4], $0x4000  }
0x4c: {  	[sflag:s4] =	ssyncset.done $0x0  }
0x4d: {  	[sflag:s4] =	ssyncadd.s32 $0xFFFFC000  }
0x4e: {  	[tilespmem:s9], [sflag:$0x1] =	stream.indirect.gather [hbm4b:s3+s10], $0x80, s26, s10, $0xb8;
	[tilespmem:$0x8C00] =	vst v63  }
0x4f: {  	_ =	swait.ge [sflag:s8], $0x4000  }
0x50: {  	[sflag:s8] =	ssyncset.done $0x0  }
0x51: {  	s0 =	rddreg [dreg:$0x9];
	[sflag:s8] =	ssyncadd.s32 $0xFFFFC000  }
0x52: {  	[hbm4b:s0+s2] =	stream.linear.scatter [tilespmem:s6], [sflag:$0x3], $0x4000, $0x38;
	[tilespmem:$0x8C00] =	vst v63  }
0x53: {  	_ =	swait.ge [sflag:s4], $0x4000  }
0x54: {  	[sflag:s4] =	ssyncset.done $0x0  }
0x55: {  	[sflag:s4] =	ssyncadd.s32 $0xFFFFC000  }
0x56: {  	[tilespmem:s6], [sflag:$0x2] =	stream.indirect.gather [hbm4b:s3+s10], $0x80, s25, s10, $0xb8;
	[tilespmem:$0x8C00] =	vst v63  }
0x57: {  	_ =	swait.ge [sflag:s11], $0x4000  }
0x58: {  	[sflag:s11] =	ssyncset.done $0x0  }
0x59: {  	s0 =	rddreg [dreg:$0xa];
	[sflag:s11] =	ssyncadd.s32 $0xFFFFC000  }
0x5a: {  	[hbm4b:s0+s2] =	stream.linear.scatter [tilespmem:s9], [sflag:$0x3], $0x4000, $0x38;
	[tilespmem:$0x8C00] =	vst v63  }
0x5b: {  	_ =	swait.ge [sflag:s4], $0x4000  }
0x5c: {  	[sflag:s4] =	ssyncset.done $0x0  }
0x5d: {  	[sflag:s4] =	ssyncadd.s32 $0xFFFFC000  }
0x5e: {  	[tilespmem:s9], [sflag:$0x1] =	stream.indirect.gather [hbm4b:s3+s10], $0x80, s23, s10, $0xb8;
	[tilespmem:$0x8C00] =	vst v63  }
0x5f: {  	_ =	swait.ge [sflag:s8], $0x4000  }
0x60: {  	[sflag:s8] =	ssyncset.done $0x0  }
0x61: {  	s0 =	rddreg [dreg:$0xb];
	[sflag:s8] =	ssyncadd.s32 $0xFFFFC000  }
0x62: {  	[hbm4b:s0+s2] =	stream.linear.scatter [tilespmem:s6], [sflag:$0x3], $0x4000, $0x38;
	[tilespmem:$0x8C00] =	vst v63  }
0x63: {  	_ =	swait.ge [sflag:s4], $0x4000  }
0x64: {  	[sflag:s4] =	ssyncset.done $0x0  }
0x65: {  	[sflag:s4] =	ssyncadd.s32 $0xFFFFC000  }
0x66: {  	[tilespmem:s6], [sflag:$0x2] =	stream.indirect.gather [hbm4b:s3+s10], $0x80, s22, s10, $0xb8;
	[tilespmem:$0x8C00] =	vst v63  }
0x67: {  	_ =	swait.ge [sflag:s11], $0x4000  }
0x68: {  	[sflag:s11] =	ssyncset.done $0x0  }
0x69: {  	s0 =	rddreg [dreg:$0xc];
	[sflag:s11] =	ssyncadd.s32 $0xFFFFC000  }
0x6a: {  	[hbm4b:s0+s2] =	stream.linear.scatter [tilespmem:s9], [sflag:$0x3], $0x4000, $0x38;
	[tilespmem:$0x8C00] =	vst v63  }
0x6b: {  	_ =	swait.ge [sflag:s4], $0x4000  }
0x6c: {  	[sflag:s4] =	ssyncset.done $0x0  }
0x6d: {  	[sflag:s4] =	ssyncadd.s32 $0xFFFFC000  }
0x6e: {  	[tilespmem:s9], [sflag:$0x1] =	stream.indirect.gather [hbm4b:s3+s10], $0x80, s21, s10, $0xb8;
	[tilespmem:$0x8C00] =	vst v63  }
0x6f: {  	_ =	swait.ge [sflag:s8], $0x4000  }
0x70: {  	[sflag:s8] =	ssyncset.done $0x0  }
0x71: {  	s0 =	rddreg [dreg:$0xd];
	[sflag:s8] =	ssyncadd.s32 $0xFFFFC000  }
0x72: {  	[hbm4b:s0+s2] =	stream.linear.scatter [tilespmem:s6], [sflag:$0x3], $0x4000, $0x38;
	[tilespmem:$0x8C00] =	vst v63  }
0x73: {  	_ =	swait.ge [sflag:s4], $0x4000  }
0x74: {  	[sflag:s4] =	ssyncset.done $0x0  }
0x75: {  	[sflag:s4] =	ssyncadd.s32 $0xFFFFC000  }
0x76: {  	[tilespmem:s6], [sflag:$0x2] =	stream.indirect.gather [hbm4b:s3+s10], $0x80, s20, s10, $0xb8;
	[tilespmem:$0x8C00] =	vst v63  }
0x77: {  	_ =	swait.ge [sflag:s11], $0x4000  }
0x78: {  	[sflag:s11] =	ssyncset.done $0x0  }
0x79: {  	s0 =	rddreg [dreg:$0xe];
	[sflag:s11] =	ssyncadd.s32 $0xFFFFC000  }
0x7a: {  	[hbm4b:s0+s2] =	stream.linear.scatter [tilespmem:s9], [sflag:$0x3], $0x4000, $0x38;
	[tilespmem:$0x8C00] =	vst v63  }
0x7b: {  	_ =	swait.ge [sflag:s4], $0x4000  }
0x7c: {  	[sflag:s4] =	ssyncset.done $0x0  }
0x7d: {  	[sflag:s4] =	ssyncadd.s32 $0xFFFFC000  }
0x7e: {  	[tilespmem:s9], [sflag:$0x1] =	stream.indirect.gather [hbm4b:s3+s10], $0x80, s19, s10, $0xb8;
	[tilespmem:$0x8C00] =	vst v63  }
0x7f: {  	_ =	swait.ge [sflag:s8], $0x4000  }
0x80: {  	[sflag:s8] =	ssyncset.done $0x0  }
0x81: {  	s0 =	rddreg [dreg:$0xf];
	[sflag:s8] =	ssyncadd.s32 $0xFFFFC000  }
0x82: {  	[hbm4b:s0+s2] =	stream.linear.scatter [tilespmem:s6], [sflag:$0x3], $0x4000, $0x38;
	[tilespmem:$0x8C00] =	vst v63  }
0x83: {  	_ =	swait.ge [sflag:s4], $0x4000  }
0x84: {  	[sflag:s4] =	ssyncset.done $0x0  }
0x85: {  	[sflag:s4] =	ssyncadd.s32 $0xFFFFC000  }
0x86: {  	[tilespmem:s6], [sflag:$0x2] =	stream.indirect.gather [hbm4b:s3+s10], $0x80, s18, s10, $0xb8;
	[tilespmem:$0x8C00] =	vst v63  }
0x87: {  	_ =	swait.ge [sflag:s11], $0x4000  }
0x88: {  	[sflag:s11] =	ssyncset.done $0x0  }
0x89: {  	s0 =	rddreg [dreg:$0x10];
	[sflag:s11] =	ssyncadd.s32 $0xFFFFC000  }
0x8a: {  	[hbm4b:s0+s2] =	stream.linear.scatter [tilespmem:s9], [sflag:$0x3], $0x4000, $0x38;
	[tilespmem:$0x8C00] =	vst v63  }
0x8b: {  	_ =	swait.ge [sflag:s4], $0x4000  }
0x8c: {  	[sflag:s4] =	ssyncset.done $0x0  }
0x8d: {  	[sflag:s4] =	ssyncadd.s32 $0xFFFFC000  }
0x8e: {  	[tilespmem:s9], [sflag:$0x1] =	stream.indirect.gather [hbm4b:s3+s10], $0x80, s17, s10, $0xb8;
	[tilespmem:$0x8C00] =	vst v63  }
0x8f: {  	_ =	swait.ge [sflag:s8], $0x4000  }
0x90: {  	[sflag:s8] =	ssyncset.done $0x0  }
0x91: {  	s0 =	rddreg [dreg:$0x11];
	[sflag:s8] =	ssyncadd.s32 $0xFFFFC000  }
0x92: {  	[hbm4b:s0+s2] =	stream.linear.scatter [tilespmem:s6], [sflag:$0x3], $0x4000, $0x38;
	[tilespmem:$0x8C00] =	vst v63  }
0x93: {  	_ =	swait.ge [sflag:s4], $0x4000  }
0x94: {  	[sflag:s4] =	ssyncset.done $0x0  }
0x95: {  	[sflag:s4] =	ssyncadd.s32 $0xFFFFC000  }
0x96: {  	[tilespmem:s6], [sflag:$0x2] =	stream.indirect.gather [hbm4b:s3+s10], $0x80, s16, s10, $0xb8;
	[tilespmem:$0x8C00] =	vst v63  }
0x97: {  	_ =	swait.ge [sflag:s11], $0x4000  }
0x98: {  	[sflag:s11] =	ssyncset.done $0x0  }
0x99: {  	s0 =	rddreg [dreg:$0x12];
	[sflag:s11] =	ssyncadd.s32 $0xFFFFC000  }
0x9a: {  	[hbm4b:s0+s2] =	stream.linear.scatter [tilespmem:s9], [sflag:$0x3], $0x4000, $0x38;
	[tilespmem:$0x8C00] =	vst v63  }
0x9b: {  	_ =	swait.ge [sflag:s4], $0x4000  }
0x9c: {  	[sflag:s4] =	ssyncset.done $0x0  }
0x9d: {  	[sflag:s4] =	ssyncadd.s32 $0xFFFFC000  }
0x9e: {  	[tilespmem:s9], [sflag:$0x1] =	stream.indirect.gather [hbm4b:s3+s10], $0x80, s15, s10, $0xb8;
	[tilespmem:$0x8C00] =	vst v63  }
0x9f: {  	_ =	swait.ge [sflag:s8], $0x4000  }
0xa0: {  	[sflag:s8] =	ssyncset.done $0x0  }
0xa1: {  	s0 =	rddreg [dreg:$0x13];
	[sflag:s8] =	ssyncadd.s32 $0xFFFFC000  }
0xa2: {  	[hbm4b:s0+s2] =	stream.linear.scatter [tilespmem:s6], [sflag:$0x3], $0x4000, $0x38;
	[tilespmem:$0x8C00] =	vst v63  }
0xa3: {  	_ =	swait.ge [sflag:s4], $0x4000  }
0xa4: {  	[sflag:s4] =	ssyncset.done $0x0  }
0xa5: {  	[sflag:s4] =	ssyncadd.s32 $0xFFFFC000  }
0xa6: {  	[tilespmem:s6], [sflag:$0x2] =	stream.indirect.gather [hbm4b:s3+s10], $0x80, s14, s10, $0xb8;
	[tilespmem:$0x8C00] =	vst v63  }
0xa7: {  	_ =	swait.ge [sflag:s11], $0x4000  }
0xa8: {  	[sflag:s11] =	ssyncset.done $0x0  }
0xa9: {  	s0 =	rddreg [dreg:$0x14];
	[sflag:s11] =	ssyncadd.s32 $0xFFFFC000  }
0xaa: {  	[hbm4b:s0+s2] =	stream.linear.scatter [tilespmem:s9], [sflag:$0x3], $0x4000, $0x38;
	[tilespmem:$0x8C00] =	vst v63  }
0xab: {  	_ =	swait.ge [sflag:s4], $0x4000  }
0xac: {  	[sflag:s4] =	ssyncset.done $0x0  }
0xad: {  	[sflag:s4] =	ssyncadd.s32 $0xFFFFC000  }
0xae: {  	[tilespmem:s9], [sflag:$0x1] =	stream.indirect.gather [hbm4b:s3+s10], $0x80, s13, s10, $0xb8;
	[tilespmem:$0x8C00] =	vst v63  }
0xaf: {  	_ =	swait.ge [sflag:s8], $0x4000  }
0xb0: {  	[sflag:s8] =	ssyncset.done $0x0  }
0xb1: {  	s0 =	rddreg [dreg:$0x15];
	[sflag:s8] =	ssyncadd.s32 $0xFFFFC000  }
0xb2: {  	[hbm4b:s0+s2] =	stream.linear.scatter [tilespmem:s6], [sflag:$0x3], $0x4000, $0x38;
	[tilespmem:$0x8C00] =	vst v63  }
0xb3: {  	_ =	swait.ge [sflag:s4], $0x4000  }
0xb4: {  	[sflag:s4] =	ssyncset.done $0x0  }
0xb5: {  	[sflag:s4] =	ssyncadd.s32 $0xFFFFC000  }
0xb6: {  	[tilespmem:s6], [sflag:$0x2] =	stream.indirect.gather [hbm4b:s3+s10], $0x80, s12, s10, $0xb8;
	[tilespmem:$0x8C00] =	vst v63  }
0xb7: {  	_ =	swait.ge [sflag:s11], $0x4000  }
0xb8: {  	[sflag:s11] =	ssyncset.done $0x0  }
0xb9: {  	[sflag:s11] =	ssyncadd.s32 $0xFFFFC000  }
0xba: {  	[hbm4b:s7+s2] =	stream.linear.scatter [tilespmem:s9], [sflag:$0x3], $0x4000, $0x38;
	[tilespmem:$0x8C00] =	vst v63  }
0xbb: {  	_ =	swait.ge [sflag:s4], $0x4000  }
0xbc: {  	[sflag:s4] =	ssyncset.done $0x0  }
0xbd: {  	[sflag:s4] =	ssyncadd.s32 $0xFFFFC000  }
0xbe: {  	p1 =	sne.s32 s1, $0x1;
	_ =	swait.ge [sflag:s8], $0x4000  }
.Ltmp1:
0xbf: {  	[sflag:s8] =	ssyncset.done $0x0;
	(pc) =	sbr.rel @!p1 .LBB2_3-.Ltmp1, $4  }
0xc0: {  	[sflag:s8] =	ssyncadd.s32 $0xFFFFC000  }
0xc1: {  	[hbm4b:s5+s2] =	stream.linear.scatter [tilespmem:s6], [sflag:$0x3], $0x4000, $0x38;
	[tilespmem:$0x8C00] =	vst v63  }
0xc2: {  	s1 =	sadd.s32 $0xFFFFFFFF, s1;
	_ =	swait.ge [sflag:s4], $0x4000  }
0xc3: {  	p0 =	por $0x1, $0x1;
	s0 =	rddreg [dreg:$0x4];
	[sflag:s4] =	ssyncset.done $0x0  }
.LBB2_2:
0xc4: {  	[sflag:s4] =	ssyncadd.s32 $0xFFFFC000  }
0xc5: {  	[tilespmem:s2], [sflag:$0x3] =	stream.linear.gather [hbm4b:s0+s2], $0xA00, $0x38;
	[tilespmem:$0x8C00] =	vst v63  }
0xc6: {  	_ =	swait.ge [sflag:s4], $0xA00  }
0xc7: {  	[sflag:s4] =	ssyncset.done $0x0  }
0xc8: {  	[sflag:s4] =	ssyncadd.s32 $0xFFFFF600  }
0xc9: {  	[tilespmem:s9], [sflag:$0x1] =	stream.indirect.gather [hbm4b:s3+s10], $0x80, s2, s10, $0xb8;
	[tilespmem:$0x8C00] =	vst v63  }
0xca: {  	_ = 	snop  }
0xcb: {  	[tilespmem:s6], [sflag:$0x2] =	stream.indirect.gather [hbm4b:s3+s10], $0x80, s10, s10, $0xb8;
	[tilespmem:$0x8C00] =	vst v63  }
0xcc: {  	_ =	swait.ge [sflag:s11], $0x4000  }
0xcd: {  	[sflag:s11] =	ssyncset.done $0x0  }
0xce: {  	[sflag:s11] =	ssyncadd.s32 $0xFFFFC000  }
0xcf: {  	[hbm4b:s24+s2] =	stream.linear.scatter [tilespmem:s9], [sflag:$0x3], $0x4000, $0x38;
	[tilespmem:$0x8C00] =	vst v63  }
0xd0: {  	_ =	swait.ge [sflag:s4], $0x4000  }
0xd1: {  	[sflag:s4] =	ssyncset.done $0x0  }
0xd2: {  	[sflag:s4] =	ssyncadd.s32 $0xFFFFC000  }
0xd3: {  	[tilespmem:s9], [sflag:$0x1] =	stream.indirect.gather [hbm4b:s3+s10], $0x80, s31, s10, $0xb8;
	[tilespmem:$0x8C00] =	vst v63  }
0xd4: {  	_ =	swait.ge [sflag:s8], $0x4000  }
0xd5: {  	[sflag:s8] =	ssyncset.done $0x0  }
0xd6: {  	s0 =	rddreg [dreg:$0x5];
	[sflag:s8] =	ssyncadd.s32 $0xFFFFC000  }
0xd7: {  	[hbm4b:s0+s2] =	stream.linear.scatter [tilespmem:s6], [sflag:$0x3], $0x4000, $0x38;
	[tilespmem:$0x8C00] =	vst v63  }
0xd8: {  	_ =	swait.ge [sflag:s4], $0x4000  }
0xd9: {  	[sflag:s4] =	ssyncset.done $0x0  }
0xda: {  	[sflag:s4] =	ssyncadd.s32 $0xFFFFC000  }
0xdb: {  	[tilespmem:s6], [sflag:$0x2] =	stream.indirect.gather [hbm4b:s3+s10], $0x80, s30, s10, $0xb8;
	[tilespmem:$0x8C00] =	vst v63  }
0xdc: {  	_ =	swait.ge [sflag:s11], $0x4000  }
0xdd: {  	[sflag:s11] =	ssyncset.done $0x0  }
0xde: {  	s0 =	rddreg [dreg:$0x6];
	[sflag:s11] =	ssyncadd.s32 $0xFFFFC000  }
0xdf: {  	[hbm4b:s0+s2] =	stream.linear.scatter [tilespmem:s9], [sflag:$0x3], $0x4000, $0x38;
	[tilespmem:$0x8C00] =	vst v63  }
0xe0: {  	_ =	swait.ge [sflag:s4], $0x4000  }
0xe1: {  	[sflag:s4] =	ssyncset.done $0x0  }
0xe2: {  	[sflag:s4] =	ssyncadd.s32 $0xFFFFC000  }
0xe3: {  	[tilespmem:s9], [sflag:$0x1] =	stream.indirect.gather [hbm4b:s3+s10], $0x80, s29, s10, $0xb8;
	[tilespmem:$0x8C00] =	vst v63  }
0xe4: {  	_ =	swait.ge [sflag:s8], $0x4000  }
0xe5: {  	[sflag:s8] =	ssyncset.done $0x0  }
0xe6: {  	s0 =	rddreg [dreg:$0x7];
	[sflag:s8] =	ssyncadd.s32 $0xFFFFC000  }
0xe7: {  	[hbm4b:s0+s2] =	stream.linear.scatter [tilespmem:s6], [sflag:$0x3], $0x4000, $0x38;
	[tilespmem:$0x8C00] =	vst v63  }
0xe8: {  	_ =	swait.ge [sflag:s4], $0x4000  }
0xe9: {  	[sflag:s4] =	ssyncset.done $0x0  }
0xea: {  	[sflag:s4] =	ssyncadd.s32 $0xFFFFC000  }
0xeb: {  	[tilespmem:s6], [sflag:$0x2] =	stream.indirect.gather [hbm4b:s3+s10], $0x80, s28, s10, $0xb8;
	[tilespmem:$0x8C00] =	vst v63  }
0xec: {  	_ =	swait.ge [sflag:s11], $0x4000  }
0xed: {  	[sflag:s11] =	ssyncset.done $0x0  }
0xee: {  	s0 =	rddreg [dreg:$0x8];
	[sflag:s11] =	ssyncadd.s32 $0xFFFFC000  }
0xef: {  	[hbm4b:s0+s2] =	stream.linear.scatter [tilespmem:s9], [sflag:$0x3], $0x4000, $0x38;
	[tilespmem:$0x8C00] =	vst v63  }
0xf0: {  	_ =	swait.ge [sflag:s4], $0x4000  }
0xf1: {  	[sflag:s4] =	ssyncset.done $0x0  }
0xf2: {  	[sflag:s4] =	ssyncadd.s32 $0xFFFFC000  }
0xf3: {  	[tilespmem:s9], [sflag:$0x1] =	stream.indirect.gather [hbm4b:s3+s10], $0x80, s26, s10, $0xb8;
	[tilespmem:$0x8C00] =	vst v63  }
0xf4: {  	_ =	swait.ge [sflag:s8], $0x4000  }
0xf5: {  	[sflag:s8] =	ssyncset.done $0x0  }
0xf6: {  	s0 =	rddreg [dreg:$0x9];
	[sflag:s8] =	ssyncadd.s32 $0xFFFFC000  }
0xf7: {  	[hbm4b:s0+s2] =	stream.linear.scatter [tilespmem:s6], [sflag:$0x3], $0x4000, $0x38;
	[tilespmem:$0x8C00] =	vst v63  }
0xf8: {  	_ =	swait.ge [sflag:s4], $0x4000  }
0xf9: {  	[sflag:s4] =	ssyncset.done $0x0  }
0xfa: {  	[sflag:s4] =	ssyncadd.s32 $0xFFFFC000  }
0xfb: {  	[tilespmem:s6], [sflag:$0x2] =	stream.indirect.gather [hbm4b:s3+s10], $0x80, s25, s10, $0xb8;
	[tilespmem:$0x8C00] =	vst v63  }
0xfc: {  	_ =	swait.ge [sflag:s11], $0x4000  }
0xfd: {  	[sflag:s11] =	ssyncset.done $0x0  }
0xfe: {  	s0 =	rddreg [dreg:$0xa];
	[sflag:s11] =	ssyncadd.s32 $0xFFFFC000  }
0xff: {  	[hbm4b:s0+s2] =	stream.linear.scatter [tilespmem:s9], [sflag:$0x3], $0x4000, $0x38;
	[tilespmem:$0x8C00] =	vst v63  }
0x100: {  	_ =	swait.ge [sflag:s4], $0x4000  }
0x101: {  	[sflag:s4] =	ssyncset.done $0x0  }
0x102: {  	[sflag:s4] =	ssyncadd.s32 $0xFFFFC000  }
0x103: {  	[tilespmem:s9], [sflag:$0x1] =	stream.indirect.gather [hbm4b:s3+s10], $0x80, s23, s10, $0xb8;
	[tilespmem:$0x8C00] =	vst v63  }
0x104: {  	_ =	swait.ge [sflag:s8], $0x4000  }
0x105: {  	[sflag:s8] =	ssyncset.done $0x0  }
0x106: {  	s0 =	rddreg [dreg:$0xb];
	[sflag:s8] =	ssyncadd.s32 $0xFFFFC000  }
0x107: {  	[hbm4b:s0+s2] =	stream.linear.scatter [tilespmem:s6], [sflag:$0x3], $0x4000, $0x38;
	[tilespmem:$0x8C00] =	vst v63  }
0x108: {  	_ =	swait.ge [sflag:s4], $0x4000  }
0x109: {  	[sflag:s4] =	ssyncset.done $0x0  }
0x10a: {  	[sflag:s4] =	ssyncadd.s32 $0xFFFFC000  }
0x10b: {  	[tilespmem:s6], [sflag:$0x2] =	stream.indirect.gather [hbm4b:s3+s10], $0x80, s22, s10, $0xb8;
	[tilespmem:$0x8C00] =	vst v63  }
0x10c: {  	_ =	swait.ge [sflag:s11], $0x4000  }
0x10d: {  	[sflag:s11] =	ssyncset.done $0x0  }
0x10e: {  	s0 =	rddreg [dreg:$0xc];
	[sflag:s11] =	ssyncadd.s32 $0xFFFFC000  }
0x10f: {  	[hbm4b:s0+s2] =	stream.linear.scatter [tilespmem:s9], [sflag:$0x3], $0x4000, $0x38;
	[tilespmem:$0x8C00] =	vst v63  }
0x110: {  	_ =	swait.ge [sflag:s4], $0x4000  }
0x111: {  	[sflag:s4] =	ssyncset.done $0x0  }
0x112: {  	[sflag:s4] =	ssyncadd.s32 $0xFFFFC000  }
0x113: {  	[tilespmem:s9], [sflag:$0x1] =	stream.indirect.gather [hbm4b:s3+s10], $0x80, s21, s10, $0xb8;
	[tilespmem:$0x8C00] =	vst v63  }
0x114: {  	_ =	swait.ge [sflag:s8], $0x4000  }
0x115: {  	[sflag:s8] =	ssyncset.done $0x0  }
0x116: {  	s0 =	rddreg [dreg:$0xd];
	[sflag:s8] =	ssyncadd.s32 $0xFFFFC000  }
0x117: {  	[hbm4b:s0+s2] =	stream.linear.scatter [tilespmem:s6], [sflag:$0x3], $0x4000, $0x38;
	[tilespmem:$0x8C00] =	vst v63  }
0x118: {  	_ =	swait.ge [sflag:s4], $0x4000  }
0x119: {  	[sflag:s4] =	ssyncset.done $0x0  }
0x11a: {  	[sflag:s4] =	ssyncadd.s32 $0xFFFFC000  }
0x11b: {  	[tilespmem:s6], [sflag:$0x2] =	stream.indirect.gather [hbm4b:s3+s10], $0x80, s20, s10, $0xb8;
	[tilespmem:$0x8C00] =	vst v63  }
0x11c: {  	_ =	swait.ge [sflag:s11], $0x4000  }
0x11d: {  	[sflag:s11] =	ssyncset.done $0x0  }
0x11e: {  	s0 =	rddreg [dreg:$0xe];
	[sflag:s11] =	ssyncadd.s32 $0xFFFFC000  }
0x11f: {  	[hbm4b:s0+s2] =	stream.linear.scatter [tilespmem:s9], [sflag:$0x3], $0x4000, $0x38;
	[tilespmem:$0x8C00] =	vst v63  }
0x120: {  	_ =	swait.ge [sflag:s4], $0x4000  }
0x121: {  	[sflag:s4] =	ssyncset.done $0x0  }
0x122: {  	[sflag:s4] =	ssyncadd.s32 $0xFFFFC000  }
0x123: {  	[tilespmem:s9], [sflag:$0x1] =	stream.indirect.gather [hbm4b:s3+s10], $0x80, s19, s10, $0xb8;
	[tilespmem:$0x8C00] =	vst v63  }
0x124: {  	_ =	swait.ge [sflag:s8], $0x4000  }
0x125: {  	[sflag:s8] =	ssyncset.done $0x0  }
0x126: {  	s0 =	rddreg [dreg:$0xf];
	[sflag:s8] =	ssyncadd.s32 $0xFFFFC000  }
0x127: {  	[hbm4b:s0+s2] =	stream.linear.scatter [tilespmem:s6], [sflag:$0x3], $0x4000, $0x38;
	[tilespmem:$0x8C00] =	vst v63  }
0x128: {  	_ =	swait.ge [sflag:s4], $0x4000  }
0x129: {  	[sflag:s4] =	ssyncset.done $0x0  }
0x12a: {  	[sflag:s4] =	ssyncadd.s32 $0xFFFFC000  }
0x12b: {  	[tilespmem:s6], [sflag:$0x2] =	stream.indirect.gather [hbm4b:s3+s10], $0x80, s18, s10, $0xb8;
	[tilespmem:$0x8C00] =	vst v63  }
0x12c: {  	_ =	swait.ge [sflag:s11], $0x4000  }
0x12d: {  	[sflag:s11] =	ssyncset.done $0x0  }
0x12e: {  	s0 =	rddreg [dreg:$0x10];
	[sflag:s11] =	ssyncadd.s32 $0xFFFFC000  }
0x12f: {  	[hbm4b:s0+s2] =	stream.linear.scatter [tilespmem:s9], [sflag:$0x3], $0x4000, $0x38;
	[tilespmem:$0x8C00] =	vst v63  }
0x130: {  	_ =	swait.ge [sflag:s4], $0x4000  }
0x131: {  	[sflag:s4] =	ssyncset.done $0x0  }
0x132: {  	[sflag:s4] =	ssyncadd.s32 $0xFFFFC000  }
0x133: {  	[tilespmem:s9], [sflag:$0x1] =	stream.indirect.gather [hbm4b:s3+s10], $0x80, s17, s10, $0xb8;
	[tilespmem:$0x8C00] =	vst v63  }
0x134: {  	_ =	swait.ge [sflag:s8], $0x4000  }
0x135: {  	[sflag:s8] =	ssyncset.done $0x0  }
0x136: {  	s0 =	rddreg [dreg:$0x11];
	[sflag:s8] =	ssyncadd.s32 $0xFFFFC000  }
0x137: {  	[hbm4b:s0+s2] =	stream.linear.scatter [tilespmem:s6], [sflag:$0x3], $0x4000, $0x38;
	[tilespmem:$0x8C00] =	vst v63  }
0x138: {  	_ =	swait.ge [sflag:s4], $0x4000  }
0x139: {  	[sflag:s4] =	ssyncset.done $0x0  }
0x13a: {  	[sflag:s4] =	ssyncadd.s32 $0xFFFFC000  }
0x13b: {  	[tilespmem:s6], [sflag:$0x2] =	stream.indirect.gather [hbm4b:s3+s10], $0x80, s16, s10, $0xb8;
	[tilespmem:$0x8C00] =	vst v63  }
0x13c: {  	_ =	swait.ge [sflag:s11], $0x4000  }
0x13d: {  	[sflag:s11] =	ssyncset.done $0x0  }
0x13e: {  	s0 =	rddreg [dreg:$0x12];
	[sflag:s11] =	ssyncadd.s32 $0xFFFFC000  }
0x13f: {  	[hbm4b:s0+s2] =	stream.linear.scatter [tilespmem:s9], [sflag:$0x3], $0x4000, $0x38;
	[tilespmem:$0x8C00] =	vst v63  }
0x140: {  	_ =	swait.ge [sflag:s4], $0x4000  }
0x141: {  	[sflag:s4] =	ssyncset.done $0x0  }
0x142: {  	[sflag:s4] =	ssyncadd.s32 $0xFFFFC000  }
0x143: {  	[tilespmem:s9], [sflag:$0x1] =	stream.indirect.gather [hbm4b:s3+s10], $0x80, s15, s10, $0xb8;
	[tilespmem:$0x8C00] =	vst v63  }
0x144: {  	_ =	swait.ge [sflag:s8], $0x4000  }
0x145: {  	[sflag:s8] =	ssyncset.done $0x0  }
0x146: {  	s0 =	rddreg [dreg:$0x13];
	[sflag:s8] =	ssyncadd.s32 $0xFFFFC000  }
0x147: {  	[hbm4b:s0+s2] =	stream.linear.scatter [tilespmem:s6], [sflag:$0x3], $0x4000, $0x38;
	[tilespmem:$0x8C00] =	vst v63  }
0x148: {  	_ =	swait.ge [sflag:s4], $0x4000  }
0x149: {  	[sflag:s4] =	ssyncset.done $0x0  }
0x14a: {  	[sflag:s4] =	ssyncadd.s32 $0xFFFFC000  }
0x14b: {  	[tilespmem:s6], [sflag:$0x2] =	stream.indirect.gather [hbm4b:s3+s10], $0x80, s14, s10, $0xb8;
	[tilespmem:$0x8C00] =	vst v63  }
0x14c: {  	_ =	swait.ge [sflag:s11], $0x4000  }
0x14d: {  	[sflag:s11] =	ssyncset.done $0x0  }
0x14e: {  	s0 =	rddreg [dreg:$0x14];
	[sflag:s11] =	ssyncadd.s32 $0xFFFFC000  }
0x14f: {  	[hbm4b:s0+s2] =	stream.linear.scatter [tilespmem:s9], [sflag:$0x3], $0x4000, $0x38;
	[tilespmem:$0x8C00] =	vst v63  }
0x150: {  	_ =	swait.ge [sflag:s4], $0x4000  }
0x151: {  	[sflag:s4] =	ssyncset.done $0x0  }
0x152: {  	[sflag:s4] =	ssyncadd.s32 $0xFFFFC000  }
0x153: {  	[tilespmem:s9], [sflag:$0x1] =	stream.indirect.gather [hbm4b:s3+s10], $0x80, s13, s10, $0xb8;
	[tilespmem:$0x8C00] =	vst v63  }
0x154: {  	_ =	swait.ge [sflag:s8], $0x4000  }
0x155: {  	[sflag:s8] =	ssyncset.done $0x0  }
0x156: {  	s0 =	rddreg [dreg:$0x15];
	[sflag:s8] =	ssyncadd.s32 $0xFFFFC000  }
0x157: {  	[hbm4b:s0+s2] =	stream.linear.scatter [tilespmem:s6], [sflag:$0x3], $0x4000, $0x38;
	[tilespmem:$0x8C00] =	vst v63  }
0x158: {  	_ =	swait.ge [sflag:s4], $0x4000  }
0x159: {  	[sflag:s4] =	ssyncset.done $0x0  }
0x15a: {  	[sflag:s4] =	ssyncadd.s32 $0xFFFFC000  }
0x15b: {  	[tilespmem:s6], [sflag:$0x2] =	stream.indirect.gather [hbm4b:s3+s10], $0x80, s12, s10, $0xb8;
	[tilespmem:$0x8C00] =	vst v63  }
0x15c: {  	_ =	swait.ge [sflag:s11], $0x4000  }
0x15d: {  	[sflag:s11] =	ssyncset.done $0x0  }
0x15e: {  	[sflag:s11] =	ssyncadd.s32 $0xFFFFC000  }
0x15f: {  	[hbm4b:s7+s2] =	stream.linear.scatter [tilespmem:s9], [sflag:$0x3], $0x4000, $0x38;
	[tilespmem:$0x8C00] =	vst v63  }
0x160: {  	_ =	swait.ge [sflag:s4], $0x4000  }
0x161: {  	[sflag:s4] =	ssyncset.done $0x0  }
0x162: {  	[sflag:s4] =	ssyncadd.s32 $0xFFFFC000  }
0x163: {  	p1 =	sne.s32 s1, $0x1;
	_ =	swait.ge [sflag:s8], $0x4000  }
.Ltmp2:
0x164: {  	[sflag:s8] =	ssyncset.done $0x0;
	(pc) =	sbr.rel @p1 .LBB2_2-.Ltmp2, $4  }
0x165: {  	[sflag:s8] =	ssyncadd.s32 $0xFFFFC000  }
0x166: {  	[hbm4b:s5+s2] =	stream.linear.scatter [tilespmem:s6], [sflag:$0x3], $0x4000, $0x38;
	[tilespmem:$0x8C00] =	vst v63  }
0x167: {  	_ =	swait.ge [sflag:s4], $0x4000  }
0x168: {  	s1 =	sadd.s32 $0xFFFFFFFF, s1;
	s0 =	rddreg [dreg:$0x4];
	[sflag:s4] =	ssyncset.done $0x0  }
.LBB2_3:
0x169: {  	[sflag:s4] =	ssyncadd.s32 @p0 $0xFFFFC000  }
0x16a: {  	[tilespmem:s2], [sflag:$0x3] =	stream.linear.gather [hbm4b:s0+s2], $0xA00, $0x38;
	[tilespmem:$0x8C00] =	vst v63  }
0x16b: {  	_ =	swait.ge [sflag:s4], $0xA00  }
0x16c: {  	[sflag:s4] =	ssyncset.done $0x0  }
0x16d: {  	[sflag:s4] =	ssyncadd.s32 $0xFFFFF600  }
0x16e: {  	[tilespmem:s9], [sflag:$0x1] =	stream.indirect.gather [hbm4b:s3+s10], $0x80, s2, s10, $0xb8;
	[tilespmem:$0x8C00] =	vst v63  }
0x16f: {  	_ = 	snop  }
0x170: {  	[tilespmem:s6], [sflag:$0x2] =	stream.indirect.gather [hbm4b:s3+s10], $0x80, s10, s10, $0xb8;
	[tilespmem:$0x8C00] =	vst v63  }
0x171: {  	_ =	swait.ge [sflag:s11], $0x4000  }
0x172: {  	[sflag:s11] =	ssyncset.done $0x0  }
0x173: {  	[sflag:s11] =	ssyncadd.s32 $0xFFFFC000  }
0x174: {  	[hbm4b:s24+s2] =	stream.linear.scatter [tilespmem:s9], [sflag:$0x3], $0x4000, $0x38;
	[tilespmem:$0x8C00] =	vst v63  }
0x175: {  	_ =	swait.ge [sflag:s4], $0x4000  }
0x176: {  	[sflag:s4] =	ssyncset.done $0x0  }
0x177: {  	[sflag:s4] =	ssyncadd.s32 $0xFFFFC000  }
0x178: {  	[tilespmem:s9], [sflag:$0x1] =	stream.indirect.gather [hbm4b:s3+s10], $0x80, s31, s10, $0xb8;
	[tilespmem:$0x8C00] =	vst v63  }
0x179: {  	_ =	swait.ge [sflag:s8], $0x4000  }
0x17a: {  	[sflag:s8] =	ssyncset.done $0x0  }
0x17b: {  	s31 =	rddreg [dreg:$0x5];
	[sflag:s8] =	ssyncadd.s32 $0xFFFFC000  }
0x17c: {  	[hbm4b:s31+s2] =	stream.linear.scatter [tilespmem:s6], [sflag:$0x3], $0x4000, $0x38;
	[tilespmem:$0x8C00] =	vst v63  }
0x17d: {  	_ =	swait.ge [sflag:s4], $0x4000  }
0x17e: {  	[sflag:s4] =	ssyncset.done $0x0  }
0x17f: {  	[sflag:s4] =	ssyncadd.s32 $0xFFFFC000  }
0x180: {  	[tilespmem:s6], [sflag:$0x2] =	stream.indirect.gather [hbm4b:s3+s10], $0x80, s30, s10, $0xb8;
	[tilespmem:$0x8C00] =	vst v63  }
0x181: {  	_ =	swait.ge [sflag:s11], $0x4000  }
0x182: {  	[sflag:s11] =	ssyncset.done $0x0  }
0x183: {  	s1 =	rddreg [dreg:$0x6];
	[sflag:s11] =	ssyncadd.s32 $0xFFFFC000  }
0x184: {  	[hbm4b:s1+s2] =	stream.linear.scatter [tilespmem:s9], [sflag:$0x3], $0x4000, $0x38;
	[tilespmem:$0x8C00] =	vst v63  }
0x185: {  	_ =	swait.ge [sflag:s4], $0x4000  }
0x186: {  	[sflag:s4] =	ssyncset.done $0x0  }
0x187: {  	[sflag:s4] =	ssyncadd.s32 $0xFFFFC000  }
0x188: {  	[tilespmem:s9], [sflag:$0x1] =	stream.indirect.gather [hbm4b:s3+s10], $0x80, s29, s10, $0xb8;
	[tilespmem:$0x8C00] =	vst v63  }
0x189: {  	_ =	swait.ge [sflag:s8], $0x4000  }
0x18a: {  	[sflag:s8] =	ssyncset.done $0x0  }
0x18b: {  	s24 =	rddreg [dreg:$0x7];
	[sflag:s8] =	ssyncadd.s32 $0xFFFFC000  }
0x18c: {  	[hbm4b:s24+s2] =	stream.linear.scatter [tilespmem:s6], [sflag:$0x3], $0x4000, $0x38;
	[tilespmem:$0x8C00] =	vst v63  }
0x18d: {  	_ =	swait.ge [sflag:s4], $0x4000  }
0x18e: {  	[sflag:s4] =	ssyncset.done $0x0  }
0x18f: {  	[sflag:s4] =	ssyncadd.s32 $0xFFFFC000  }
0x190: {  	[tilespmem:s6], [sflag:$0x2] =	stream.indirect.gather [hbm4b:s3+s10], $0x80, s28, s10, $0xb8;
	[tilespmem:$0x8C00] =	vst v63  }
0x191: {  	_ =	swait.ge [sflag:s11], $0x4000  }
0x192: {  	[sflag:s11] =	ssyncset.done $0x0  }
0x193: {  	s28 =	rddreg [dreg:$0x8];
	[sflag:s11] =	ssyncadd.s32 $0xFFFFC000  }
0x194: {  	[hbm4b:s28+s2] =	stream.linear.scatter [tilespmem:s9], [sflag:$0x3], $0x4000, $0x38;
	[tilespmem:$0x8C00] =	vst v63  }
0x195: {  	_ =	swait.ge [sflag:s4], $0x4000  }
0x196: {  	[sflag:s4] =	ssyncset.done $0x0  }
0x197: {  	[sflag:s4] =	ssyncadd.s32 $0xFFFFC000  }
0x198: {  	[tilespmem:s9], [sflag:$0x1] =	stream.indirect.gather [hbm4b:s3+s10], $0x80, s26, s10, $0xb8;
	[tilespmem:$0x8C00] =	vst v63  }
0x199: {  	_ =	swait.ge [sflag:s8], $0x4000  }
0x19a: {  	[sflag:s8] =	ssyncset.done $0x0  }
0x19b: {  	s29 =	rddreg [dreg:$0x9];
	[sflag:s8] =	ssyncadd.s32 $0xFFFFC000  }
0x19c: {  	[hbm4b:s29+s2] =	stream.linear.scatter [tilespmem:s6], [sflag:$0x3], $0x4000, $0x38;
	[tilespmem:$0x8C00] =	vst v63  }
0x19d: {  	_ =	swait.ge [sflag:s4], $0x4000  }
0x19e: {  	[sflag:s4] =	ssyncset.done $0x0  }
0x19f: {  	[sflag:s4] =	ssyncadd.s32 $0xFFFFC000  }
0x1a0: {  	[tilespmem:s6], [sflag:$0x2] =	stream.indirect.gather [hbm4b:s3+s10], $0x80, s25, s10, $0xb8;
	[tilespmem:$0x8C00] =	vst v63  }
0x1a1: {  	_ =	swait.ge [sflag:s11], $0x4000  }
0x1a2: {  	[sflag:s11] =	ssyncset.done $0x0  }
0x1a3: {  	s30 =	rddreg [dreg:$0xa];
	[sflag:s11] =	ssyncadd.s32 $0xFFFFC000  }
0x1a4: {  	[hbm4b:s30+s2] =	stream.linear.scatter [tilespmem:s9], [sflag:$0x3], $0x4000, $0x38;
	[tilespmem:$0x8C00] =	vst v63  }
0x1a5: {  	_ =	swait.ge [sflag:s4], $0x4000  }
0x1a6: {  	[sflag:s4] =	ssyncset.done $0x0  }
0x1a7: {  	[sflag:s4] =	ssyncadd.s32 $0xFFFFC000  }
0x1a8: {  	[tilespmem:s9], [sflag:$0x1] =	stream.indirect.gather [hbm4b:s3+s10], $0x80, s23, s10, $0xb8;
	[tilespmem:$0x8C00] =	vst v63  }
0x1a9: {  	_ =	swait.ge [sflag:s8], $0x4000  }
0x1aa: {  	[sflag:s8] =	ssyncset.done $0x0  }
0x1ab: {  	s31 =	rddreg [dreg:$0xb];
	[sflag:s8] =	ssyncadd.s32 $0xFFFFC000  }
0x1ac: {  	[hbm4b:s31+s2] =	stream.linear.scatter [tilespmem:s6], [sflag:$0x3], $0x4000, $0x38;
	[tilespmem:$0x8C00] =	vst v63  }
0x1ad: {  	_ =	swait.ge [sflag:s4], $0x4000  }
0x1ae: {  	[sflag:s4] =	ssyncset.done $0x0  }
0x1af: {  	[sflag:s4] =	ssyncadd.s32 $0xFFFFC000  }
0x1b0: {  	[tilespmem:s6], [sflag:$0x2] =	stream.indirect.gather [hbm4b:s3+s10], $0x80, s22, s10, $0xb8;
	[tilespmem:$0x8C00] =	vst v63  }
0x1b1: {  	_ =	swait.ge [sflag:s11], $0x4000  }
0x1b2: {  	[sflag:s11] =	ssyncset.done $0x0  }
0x1b3: {  	s1 =	rddreg [dreg:$0xc];
	[sflag:s11] =	ssyncadd.s32 $0xFFFFC000  }
0x1b4: {  	[hbm4b:s1+s2] =	stream.linear.scatter [tilespmem:s9], [sflag:$0x3], $0x4000, $0x38;
	[tilespmem:$0x8C00] =	vst v63  }
0x1b5: {  	_ =	swait.ge [sflag:s4], $0x4000  }
0x1b6: {  	[sflag:s4] =	ssyncset.done $0x0  }
0x1b7: {  	[sflag:s4] =	ssyncadd.s32 $0xFFFFC000  }
0x1b8: {  	[tilespmem:s9], [sflag:$0x1] =	stream.indirect.gather [hbm4b:s3+s10], $0x80, s21, s10, $0xb8;
	[tilespmem:$0x8C00] =	vst v63  }
0x1b9: {  	_ =	swait.ge [sflag:s8], $0x4000  }
0x1ba: {  	[sflag:s8] =	ssyncset.done $0x0  }
0x1bb: {  	s21 =	rddreg [dreg:$0xd];
	[sflag:s8] =	ssyncadd.s32 $0xFFFFC000  }
0x1bc: {  	[hbm4b:s21+s2] =	stream.linear.scatter [tilespmem:s6], [sflag:$0x3], $0x4000, $0x38;
	[tilespmem:$0x8C00] =	vst v63  }
0x1bd: {  	_ =	swait.ge [sflag:s4], $0x4000  }
0x1be: {  	[sflag:s4] =	ssyncset.done $0x0  }
0x1bf: {  	[sflag:s4] =	ssyncadd.s32 $0xFFFFC000  }
0x1c0: {  	[tilespmem:s6], [sflag:$0x2] =	stream.indirect.gather [hbm4b:s3+s10], $0x80, s20, s10, $0xb8;
	[tilespmem:$0x8C00] =	vst v63  }
0x1c1: {  	_ =	swait.ge [sflag:s11], $0x4000  }
0x1c2: {  	[sflag:s11] =	ssyncset.done $0x0  }
0x1c3: {  	s22 =	rddreg [dreg:$0xe];
	[sflag:s11] =	ssyncadd.s32 $0xFFFFC000  }
0x1c4: {  	[hbm4b:s22+s2] =	stream.linear.scatter [tilespmem:s9], [sflag:$0x3], $0x4000, $0x38;
	[tilespmem:$0x8C00] =	vst v63  }
0x1c5: {  	_ =	swait.ge [sflag:s4], $0x4000  }
0x1c6: {  	[sflag:s4] =	ssyncset.done $0x0  }
0x1c7: {  	[sflag:s4] =	ssyncadd.s32 $0xFFFFC000  }
0x1c8: {  	[tilespmem:s9], [sflag:$0x1] =	stream.indirect.gather [hbm4b:s3+s10], $0x80, s19, s10, $0xb8;
	[tilespmem:$0x8C00] =	vst v63  }
0x1c9: {  	_ =	swait.ge [sflag:s8], $0x4000  }
0x1ca: {  	[sflag:s8] =	ssyncset.done $0x0  }
0x1cb: {  	s23 =	rddreg [dreg:$0xf];
	[sflag:s8] =	ssyncadd.s32 $0xFFFFC000  }
0x1cc: {  	[hbm4b:s23+s2] =	stream.linear.scatter [tilespmem:s6], [sflag:$0x3], $0x4000, $0x38;
	[tilespmem:$0x8C00] =	vst v63  }
0x1cd: {  	_ =	swait.ge [sflag:s4], $0x4000  }
0x1ce: {  	[sflag:s4] =	ssyncset.done $0x0  }
0x1cf: {  	[sflag:s4] =	ssyncadd.s32 $0xFFFFC000  }
0x1d0: {  	[tilespmem:s6], [sflag:$0x2] =	stream.indirect.gather [hbm4b:s3+s10], $0x80, s18, s10, $0xb8;
	[tilespmem:$0x8C00] =	vst v63  }
0x1d1: {  	_ =	swait.ge [sflag:s11], $0x4000  }
0x1d2: {  	[sflag:s11] =	ssyncset.done $0x0  }
0x1d3: {  	s24 =	rddreg [dreg:$0x10];
	[sflag:s11] =	ssyncadd.s32 $0xFFFFC000  }
0x1d4: {  	[hbm4b:s24+s2] =	stream.linear.scatter [tilespmem:s9], [sflag:$0x3], $0x4000, $0x38;
	[tilespmem:$0x8C00] =	vst v63  }
0x1d5: {  	_ =	swait.ge [sflag:s4], $0x4000  }
0x1d6: {  	[sflag:s4] =	ssyncset.done $0x0  }
0x1d7: {  	[sflag:s4] =	ssyncadd.s32 $0xFFFFC000  }
0x1d8: {  	[tilespmem:s9], [sflag:$0x1] =	stream.indirect.gather [hbm4b:s3+s10], $0x80, s17, s10, $0xb8;
	[tilespmem:$0x8C00] =	vst v63  }
0x1d9: {  	_ =	swait.ge [sflag:s8], $0x4000  }
0x1da: {  	[sflag:s8] =	ssyncset.done $0x0  }
0x1db: {  	s25 =	rddreg [dreg:$0x11];
	[sflag:s8] =	ssyncadd.s32 $0xFFFFC000  }
0x1dc: {  	[hbm4b:s25+s2] =	stream.linear.scatter [tilespmem:s6], [sflag:$0x3], $0x4000, $0x38;
	[tilespmem:$0x8C00] =	vst v63  }
0x1dd: {  	_ =	swait.ge [sflag:s4], $0x4000  }
0x1de: {  	[sflag:s4] =	ssyncset.done $0x0  }
0x1df: {  	[sflag:s4] =	ssyncadd.s32 $0xFFFFC000  }
0x1e0: {  	[tilespmem:s6], [sflag:$0x2] =	stream.indirect.gather [hbm4b:s3+s10], $0x80, s16, s10, $0xb8;
	[tilespmem:$0x8C00] =	vst v63  }
0x1e1: {  	_ =	swait.ge [sflag:s11], $0x4000  }
0x1e2: {  	[sflag:s11] =	ssyncset.done $0x0  }
0x1e3: {  	s26 =	rddreg [dreg:$0x12];
	[sflag:s11] =	ssyncadd.s32 $0xFFFFC000  }
0x1e4: {  	[hbm4b:s26+s2] =	stream.linear.scatter [tilespmem:s9], [sflag:$0x3], $0x4000, $0x38;
	[tilespmem:$0x8C00] =	vst v63  }
0x1e5: {  	_ =	swait.ge [sflag:s4], $0x4000  }
0x1e6: {  	[sflag:s4] =	ssyncset.done $0x0  }
0x1e7: {  	[sflag:s4] =	ssyncadd.s32 $0xFFFFC000  }
0x1e8: {  	[tilespmem:s9], [sflag:$0x1] =	stream.indirect.gather [hbm4b:s3+s10], $0x80, s15, s10, $0xb8;
	[tilespmem:$0x8C00] =	vst v63  }
0x1e9: {  	_ =	swait.ge [sflag:s8], $0x4000  }
0x1ea: {  	[sflag:s8] =	ssyncset.done $0x0  }
0x1eb: {  	s28 =	rddreg [dreg:$0x13];
	[sflag:s8] =	ssyncadd.s32 $0xFFFFC000  }
0x1ec: {  	[hbm4b:s28+s2] =	stream.linear.scatter [tilespmem:s6], [sflag:$0x3], $0x4000, $0x38;
	[tilespmem:$0x8C00] =	vst v63  }
0x1ed: {  	_ =	swait.ge [sflag:s4], $0x4000  }
0x1ee: {  	[sflag:s4] =	ssyncset.done $0x0  }
0x1ef: {  	[sflag:s4] =	ssyncadd.s32 $0xFFFFC000  }
0x1f0: {  	[tilespmem:s6], [sflag:$0x2] =	stream.indirect.gather [hbm4b:s3+s10], $0x80, s14, s10, $0xb8;
	[tilespmem:$0x8C00] =	vst v63  }
0x1f1: {  	_ =	swait.ge [sflag:s11], $0x4000  }
0x1f2: {  	[sflag:s11] =	ssyncset.done $0x0  }
0x1f3: {  	s29 =	rddreg [dreg:$0x14];
	[sflag:s11] =	ssyncadd.s32 $0xFFFFC000  }
0x1f4: {  	[hbm4b:s29+s2] =	stream.linear.scatter [tilespmem:s9], [sflag:$0x3], $0x4000, $0x38;
	[tilespmem:$0x8C00] =	vst v63  }
0x1f5: {  	_ =	swait.ge [sflag:s4], $0x4000  }
0x1f6: {  	[sflag:s4] =	ssyncset.done $0x0  }
0x1f7: {  	[sflag:s4] =	ssyncadd.s32 $0xFFFFC000  }
0x1f8: {  	[tilespmem:s9], [sflag:$0x1] =	stream.indirect.gather [hbm4b:s3+s10], $0x80, s13, s10, $0xb8;
	[tilespmem:$0x8C00] =	vst v63  }
0x1f9: {  	_ =	swait.ge [sflag:s8], $0x4000  }
0x1fa: {  	[sflag:s8] =	ssyncset.done $0x0  }
0x1fb: {  	s30 =	rddreg [dreg:$0x15];
	[sflag:s8] =	ssyncadd.s32 $0xFFFFC000  }
0x1fc: {  	[hbm4b:s30+s2] =	stream.linear.scatter [tilespmem:s6], [sflag:$0x3], $0x4000, $0x38;
	[tilespmem:$0x8C00] =	vst v63  }
0x1fd: {  	_ =	swait.ge [sflag:s4], $0x4000  }
0x1fe: {  	[sflag:s4] =	ssyncset.done $0x0  }
0x1ff: {  	[sflag:s4] =	ssyncadd.s32 $0xFFFFC000  }
0x200: {  	[tilespmem:s6], [sflag:$0x2] =	stream.indirect.gather [hbm4b:s3+s10], $0x80, s12, s10, $0xb8;
	[tilespmem:$0x8C00] =	vst v63  }
0x201: {  	_ =	swait.ge [sflag:s11], $0x4000  }
0x202: {  	[sflag:s11] =	ssyncset.done $0x0  }
0x203: {  	[sflag:s11] =	ssyncadd.s32 $0xFFFFC000  }
0x204: {  	[hbm4b:s7+s2] =	stream.linear.scatter [tilespmem:s9], [sflag:$0x3], $0x4000, $0x38;
	[tilespmem:$0x8C00] =	vst v63  }
0x205: {  	_ =	swait.ge [sflag:s4], $0x4000  }
0x206: {  	[sflag:s4] =	ssyncset.done $0x0  }
0x207: {  	[sflag:s4] =	ssyncadd.s32 $0xFFFFC000  }
0x208: {  	_ =	swait.ge [sflag:s8], $0x4000  }
0x209: {  	[sflag:s8] =	ssyncset.done $0x0  }
0x20a: {  	[sflag:s8] =	ssyncadd.s32 $0xFFFFC000  }
0x20b: {  	[hbm4b:s5+s2] =	stream.linear.scatter [tilespmem:s6], [sflag:$0x3], $0x4000, $0x38;
	[tilespmem:$0x8C00] =	vst v63  }
0x20c: {  	_ =	swait.ge [sflag:s4], $0x4000  }
0x20d: {  	[sflag:s4] =	ssyncset.done $0x0  }
0x20e: {  	[sflag:s4] =	ssyncadd.s32 $0xFFFFC000  }
0x20f: {  	_ =	sfence.sel $0x180000  }
0x210: {  	[bflag:$0x0] =	sbarrier.arrive $0xFFFF  }
0x211: {  	_ =	strace $0x90000047  }
0x212: {  	s31 =	stileid.u32;
	[bflag:$0x2] =	sbarrier.arrive $0xFFFF  }
0x213: {  	p0 =	sne.s32 s31, $0x0;
	s0 =	rddreg [dreg:$0x3]  }
0x214: {  	s0 =	sadd.s32 @!p0 $0x100000, s0  }
0x215: {  	[sflag:s0] =	ssyncadd.tile.s32 @!p0 $0x1;
	_ =	shalt  }
.Lfunc_end2:
_tile_overlayer_lowered:
.L_overlay_start_2:
0x216: {  	(tag) =	ssettag $0x2  }
0x217: {  	s0 =	rddreg [dreg:$0x0];
	s2 =	stileid.u32  }
0x218: {  	s1 =	rddreg [dreg:$0x1];
	p0 =	sne.s32 s2, $0x0  }
0x219: {  	s3 =	rddreg [dreg:$0x2];
	[bflag:$0x3] =	sbarrier.arrive $0xFFFF;
	s2 =	simm.s32 @!p0 $0x1C03  }
0x21a: {  	[timem:s3], [sflag:s2] =	dma.local @!p0 [hbm:s0], s1  }
0x21b: {  	s0 =	simm.s32 @!p0 $0x3  }
0x21c: {  	_ =	swait.ge @!p0 [sflag:s0], s1  }
0x21d: {  	s1 =	ssub.s32 @!p0 $0x0, s1;
	[sflag:s0] =	ssyncset.done @!p0 $0x0  }
0x21e: {  	[sflag:s0] =	ssyncadd.s32 @!p0 s1  }
0x21f: {  	[bflag:$0x3] =	sbarrier.arrive $0xFFFF  }
0x220: {  	_ =	shalt  }

</sc_bundles>
